<compile_context>
chip_gen: v7x
topology: tpu7x:2x2x1
jax: 0.10.2.dev20260603
libtpu: 0.0.44.dev20260713+nightly
codegen_flags: <defaults>
</compile_context>

<pallas_src>
import functools

import jax
import jax.numpy as jnp
from jax import lax
from jax.experimental import pallas as pl
from jax.experimental.pallas import tpu as pltpu
from jax.experimental.pallas import tpu_sc as plsc

N, E, D = 10000, 320000, 128
G, GF = 64, 16
H, P = 256, 128

NC, NS = 2, 16
CHUNK = 125
DC = 64
N_CHUNKS = E // NS // CHUNK
ROWS_A = 624
ROWS_LAST = N - (NS - 1) * ROWS_A

_MESH = plsc.VectorSubcoreMesh(core_axis_name="c", subcore_axis_name="s")

NBUF = 5


def _edge_loop(table_hbm, src_v, dst_v, bufs, agg_sh, gsems, ssems):
    n_groups = N_CHUNKS // NBUF

    for k in range(NBUF):
        pltpu.async_copy(table_hbm.at[src_v.at[k]], bufs[k], gsems[k])

    def group(i, carry):
        base = i * NBUF
        for k in range(NBUF):
            j = base + k
            pltpu.make_async_copy(table_hbm.at[src_v.at[j]], bufs[k],
                                  gsems[k]).wait()
            pltpu.async_copy(bufs[k], agg_sh.at[dst_v.at[j]], ssems[k],
                             add=True)

        @pl.when(i < n_groups - 1)
        def _():
            for k in range(NBUF):
                j = base + k
                pltpu.make_async_copy(bufs[k], agg_sh.at[dst_v.at[j]],
                                      ssems[k]).wait()
                pltpu.async_copy(table_hbm.at[src_v.at[j + NBUF]], bufs[k],
                                 gsems[k])
        return carry

    lax.fori_loop(0, n_groups, group, 0)
    for k in range(NBUF):
        j = (n_groups - 1) * NBUF + k
        pltpu.make_async_copy(bufs[k], agg_sh.at[dst_v.at[j]], ssems[k]).wait()


def _zero_slice(zeros_hbm, agg_sh, s):
    @pl.when(s < NS - 1)
    def _():
        pltpu.sync_copy(zeros_hbm.at[pl.ds(0, ROWS_A)],
                        agg_sh.at[pl.ds(s * ROWS_A, ROWS_A)])

    @pl.when(s == NS - 1)
    def _():
        pltpu.sync_copy(zeros_hbm, agg_sh.at[pl.ds((NS - 1) * ROWS_A, ROWS_LAST)])


def _writeback_slice(agg_sh, out_hbm, c, s):
    @pl.when(s < NS - 1)
    def _():
        pltpu.sync_copy(agg_sh.at[pl.ds(s * ROWS_A, ROWS_A)],
                        out_hbm.at[c, pl.ds(s * ROWS_A, ROWS_A)])

    @pl.when(s == NS - 1)
    def _():
        pltpu.sync_copy(agg_sh.at[pl.ds((NS - 1) * ROWS_A, ROWS_LAST)],
                        out_hbm.at[c, pl.ds((NS - 1) * ROWS_A, ROWS_LAST)])



@functools.partial(
    pl.kernel,
    out_type=jax.ShapeDtypeStruct((NC, N, DC), jnp.float32),
    mesh=_MESH,
    compiler_params=pltpu.CompilerParams(use_tc_tiling_on_sc=False),
    scratch_types=[
        pltpu.VMEM((N_CHUNKS, CHUNK), jnp.int32),
        pltpu.VMEM((N_CHUNKS, CHUNK), jnp.int32),
        [pltpu.VMEM((CHUNK, DC), jnp.float32)] * NBUF,
        pltpu.VMEM_SHARED((N, DC), jnp.float32),
        [pltpu.SemaphoreType.DMA] * NBUF,
        [pltpu.SemaphoreType.DMA] * NBUF,
    ],
)
def _sc_agg(t_hbm, src_hbm, dst_hbm, zeros_hbm, out_hbm,
            src_v, dst_v, bufs, agg_sh, gsems, ssems):
    c = lax.axis_index("c")
    s = lax.axis_index("s")
    _zero_slice(zeros_hbm, agg_sh, s)
    pltpu.sync_copy(src_hbm.at[s], src_v)
    pltpu.sync_copy(dst_hbm.at[s], dst_v)
    plsc.subcore_barrier()
    view = t_hbm.at[pl.ds(c, NC * N - (NC - 1))]
    _edge_loop(view, src_v, dst_v, bufs, agg_sh, gsems, ssems)
    plsc.subcore_barrier()
    _writeback_slice(agg_sh, out_hbm, c, s)



@functools.partial(
    pl.kernel,
    out_type=jax.ShapeDtypeStruct((4, N, DC), jnp.float32),
    mesh=_MESH,
    compiler_params=pltpu.CompilerParams(use_tc_tiling_on_sc=False),
    scratch_types=[
        pltpu.VMEM((N_CHUNKS, CHUNK), jnp.int32),
        pltpu.VMEM((N_CHUNKS, CHUNK), jnp.int32),
        [pltpu.VMEM((CHUNK, DC), jnp.float32)] * NBUF,
        pltpu.VMEM_SHARED((N, DC), jnp.float32),
        [pltpu.SemaphoreType.DMA] * NBUF,
        [pltpu.SemaphoreType.DMA] * NBUF,
    ],
)
def _sc_agg2(t0_hbm, t1_hbm, t2_hbm, t3_hbm, src_hbm, dst_hbm, zeros_hbm,
             out_hbm, src_v, dst_v, bufs, agg_sh, gsems, ssems):
    c = lax.axis_index("c")
    s = lax.axis_index("s")
    _zero_slice(zeros_hbm, agg_sh, s)
    pltpu.sync_copy(src_hbm.at[s], src_v)
    pltpu.sync_copy(dst_hbm.at[s], dst_v)
    plsc.subcore_barrier()

    @pl.when(c == 0)
    def _():
        _edge_loop(t0_hbm, src_v, dst_v, bufs, agg_sh, gsems, ssems)

    @pl.when(c == 1)
    def _():
        _edge_loop(t1_hbm, src_v, dst_v, bufs, agg_sh, gsems, ssems)

    plsc.subcore_barrier()
    _writeback_slice(agg_sh, out_hbm, c, s)
    _zero_slice(zeros_hbm, agg_sh, s)
    plsc.subcore_barrier()

    @pl.when(c == 0)
    def _():
        _edge_loop(t2_hbm, src_v, dst_v, bufs, agg_sh, gsems, ssems)

    @pl.when(c == 1)
    def _():
        _edge_loop(t3_hbm, src_v, dst_v, bufs, agg_sh, gsems, ssems)

    plsc.subcore_barrier()
    _writeback_slice(agg_sh, out_hbm, c + 2, s)



BLK = 1000
NB = N // BLK

NEG = -3.4e38


def _layer_norm(h, g, b):
    m = jnp.mean(h, axis=-1, keepdims=True)
    v = jnp.mean((h - m) * (h - m), axis=-1, keepdims=True)
    return (h - m) * lax.rsqrt(v + 1e-5) * g + b


def _mlp0_body(x_ref, p_ref, w1_ref, b1_ref, w2_ref, b2_ref, g_ref, be_ref,
               h0_ref, h1_ref, h2_ref, h3_ref):
    hin = x_ref[...] + jnp.concatenate([p_ref[0], p_ref[1]], axis=1)
    a = jnp.maximum(
        jnp.dot(hin, w1_ref[...], preferred_element_type=jnp.float32) + b1_ref[...],
        0.0)
    h = jnp.dot(a, w2_ref[...], preferred_element_type=jnp.float32) + b2_ref[...]
    h = jnp.maximum(_layer_norm(h, g_ref[...], be_ref[...]), 0.0)
    h0_ref[...] = h[:, 0 * DC:1 * DC]
    h1_ref[...] = h[:, 1 * DC:2 * DC]
    h2_ref[...] = h[:, 2 * DC:3 * DC]
    h3_ref[...] = h[:, 3 * DC:4 * DC]


def _tc_mlp0(x, agg0, w1, b1, w2, b2, g, be):
    full = lambda shape: pl.BlockSpec(shape, lambda j: (0,) * len(shape))
    slab = pl.BlockSpec((BLK, DC), lambda j: (j, 0))
    return pl.pallas_call(
        _mlp0_body,
        grid=(NB,),
        in_specs=[
            pl.BlockSpec((BLK, D), lambda j: (j, 0)),
            pl.BlockSpec((NC, BLK, DC), lambda j: (0, j, 0)),
            full((D, H)), full((1, H)), full((H, H)), full((1, H)),
            full((1, H)), full((1, H)),
        ],
        out_specs=[slab, slab, slab, slab],
        out_shape=[jax.ShapeDtypeStruct((N, DC), jnp.float32)] * 4,
    )(x, agg0, w1, b1, w2, b2, g, be)


def _mlp1pool_body(h0_ref, h1_ref, h2_ref, h3_ref, p_ref, b_ref, gf_ref,
                   w3_ref, b3_ref, w4_ref, b4_ref, g_ref, be_ref,
                   wg1_ref, bg1_ref, wg2_ref, bg2_ref,
                   wc1_ref, bc1_ref, wc2_ref, bc2_ref,
                   out_ref, h2_s, gate_s, m_s, s_s, pooled_s):
    ph = pl.program_id(0)
    j = pl.program_id(1)
    b = b_ref[0, 0, :]
    iota = lax.broadcasted_iota(jnp.int32, (1, G), 1).astype(jnp.float32)
    onehot = (b[:, None] == iota).astype(jnp.float32)

    @pl.when((ph == 0) & (j == 0))
    def _():
        m_s[...] = jnp.full((1, G), NEG, jnp.float32)
        s_s[...] = jnp.zeros((1, G), jnp.float32)

    @pl.when(ph == 0)
    def _():
        hin = jnp.concatenate(
            [h0_ref[...] + p_ref[0], h1_ref[...] + p_ref[1],
             h2_ref[...] + p_ref[2], h3_ref[...] + p_ref[3]], axis=1)
        a = jnp.maximum(
            jnp.dot(hin, w3_ref[...], preferred_element_type=jnp.float32)
            + b3_ref[...], 0.0)
        h2 = jnp.dot(a, w4_ref[...], preferred_element_type=jnp.float32)
        h2 = h2 + b4_ref[...]
        h2 = jnp.maximum(_layer_norm(h2, g_ref[...], be_ref[...]), 0.0)
        h2_s[j] = h2
        ag = jnp.maximum(
            jnp.dot(h2, wg1_ref[...], preferred_element_type=jnp.float32)
            + bg1_ref[...], 0.0)
        gate = (jnp.dot(ag, wg2_ref[...], preferred_element_type=jnp.float32)
                + bg2_ref[...])
        gate_s[j] = gate
        bm = jnp.max(jnp.where(onehot > 0, gate, NEG), axis=0, keepdims=True)
        m_old = m_s[...]
        m_new = jnp.maximum(m_old, bm)
        gmax_node = jnp.sum(onehot * m_new, axis=1, keepdims=True)
        e = jnp.exp(gate - gmax_node)
        s_s[...] = (s_s[...] * jnp.exp(m_old - m_new)
                    + jnp.sum(onehot * e, axis=0, keepdims=True))
        m_s[...] = m_new

    @pl.when((ph == 1) & (j == 0))
    def _():
        pooled_s[...] = jnp.zeros((G, H), jnp.float32)

    @pl.when(ph == 1)
    def _():
        gate = gate_s[j]
        gmax_node = jnp.sum(onehot * m_s[...], axis=1, keepdims=True)
        e = jnp.exp(gate - gmax_node)
        s_node = jnp.sum(onehot * s_s[...], axis=1, keepdims=True)
        alpha = e / (s_node + 1e-16)
        pooled_s[...] += lax.dot_general(
            onehot, alpha * h2_s[j], (((0,), (0,)), ((), ())),
            preferred_element_type=jnp.float32)

    @pl.when((ph == 1) & (j == NB - 1))
    def _():
        z = (jnp.dot(pooled_s[...], wc1_ref[:H, :],
                     preferred_element_type=jnp.float32)
             + jnp.dot(gf_ref[...], wc1_ref[H:, :],
                       preferred_element_type=jnp.float32)
             + bc1_ref[...])
        z = jnp.maximum(z, 0.0)
        out_ref[...] = (
            jnp.dot(z, wc2_ref[...], preferred_element_type=jnp.float32)
            + bc2_ref[...])


def _tc_mlp1pool(h0, h1, h2, h3, agg1, batch3, gf, w3, b3, w4, b4, g, be,
                 wg1, bg1, wg2, bg2, wc1, bc1, wc2, bc2):
    full = lambda shape: pl.BlockSpec(shape, lambda ph, j: (0,) * len(shape))
    slab = pl.BlockSpec((BLK, DC), lambda ph, j: (j * (1 - ph), 0))
    agg_spec = pl.BlockSpec((4, BLK, DC), lambda ph, j: (0, j * (1 - ph), 0))
    return pl.pallas_call(
        _mlp1pool_body,
        grid=(2, NB),
        in_specs=[
            slab, slab, slab, slab, agg_spec,
            pl.BlockSpec((1, 1, BLK), lambda ph, j: (j, 0, 0)),
            full((G, GF)),
            full((H, H)), full((1, H)), full((H, H)), full((1, H)),
            full((1, H)), full((1, H)),
            full((H, P)), full((1, P)), full((P, 1)), full((1, 1)),
            full((H + GF, P)), full((1, P)), full((P, 2)), full((1, 2)),
        ],
        out_specs=pl.BlockSpec((G, 2), lambda ph, j: (0, 0)),
        out_shape=jax.ShapeDtypeStruct((G, 2), jnp.float32),
        scratch_shapes=[
            pltpu.VMEM((NB, BLK, H), jnp.float32),
            pltpu.VMEM((NB, BLK, 1), jnp.float32),
            pltpu.VMEM((1, G), jnp.float32),
            pltpu.VMEM((1, G), jnp.float32),
            pltpu.VMEM((G, H), jnp.float32),
        ],
    )(h0, h1, h2, h3, agg1, batch3, gf, w3, b3, w4, b4, g, be,
      wg1, bg1, wg2, bg2, wc1, bc1, wc2, bc2)


def kernel(x, edge_index, edge_attr, batch, global_features,
           W1, b1, W2, b2, W3, b3, W4, b4,
           ln0_g, ln0_b, ln1_g, ln1_b,
           Wg1, bg1, Wg2, bg2, Wc1, bc1, Wc2, bc2):
    src, dst = edge_index[0], edge_index[1]
    srcL0 = (src * 2).reshape(NS, N_CHUNKS, CHUNK)
    src3 = src.reshape(NS, N_CHUNKS, CHUNK)
    dst3 = dst.reshape(NS, N_CHUNKS, CHUNK)
    zeros = jnp.zeros((ROWS_LAST, DC), jnp.float32)

    x2 = x.reshape(NC * N, DC)
    agg0 = _sc_agg(x2, srcL0, dst3, zeros)
    h0, h1, h2s, h3 = _tc_mlp0(x, agg0, W1, b1.reshape(1, H), W2,
                               b2.reshape(1, H), ln0_g.reshape(1, H),
                               ln0_b.reshape(1, H))
    agg1 = _sc_agg2(h0, h1, h2s, h3, src3, dst3, zeros)
    batch3 = batch.astype(jnp.float32).reshape(NB, 1, BLK)
    return _tc_mlp1pool(h0, h1, h2s, h3, agg1, batch3, global_features,
                        W3, b3.reshape(1, H), W4, b4.reshape(1, H),
                        ln1_g.reshape(1, H), ln1_b.reshape(1, H),
                        Wg1, bg1.reshape(1, P), Wg2, bg2.reshape(1, 1),
                        Wc1, bc1.reshape(1, P), Wc2, bc2.reshape(1, 2))

# --- scband reference (transcript-rebuilt; emitter-appended) ---
"""Pipeline reference for scband-gincombinedv2-13262859010608 (READ-ONLY COPY).

The authoritative reference and input builder live on the scoring server;
editing this copy changes nothing except your own understanding.
"""

import jax, jax.numpy as jnp
import numpy as np

N, E, D = 10000, 320000, 128
G, GF = 64, 16
H, P = 256, 128

def _glorot(k, shape):
    lim = float(np.sqrt(6.0 / (shape[0] + shape[1])))
    return jax.random.uniform(k, shape, jnp.float32, -lim, lim)

def setup_inputs(seed: int = 0) -> dict:
    key = jax.random.key(seed)
    ks = jax.random.split(key, 32)
    inp = {}
    inp["x"] = jax.random.normal(ks[0], (N, D), jnp.float32)
    inp["edge_index"] = jax.random.randint(ks[1], (2, E), 0, N, dtype=jnp.int32)
    inp["edge_attr"] = jax.random.normal(ks[2], (E, GF), jnp.float32)
    inp["batch"] = jnp.sort(jax.random.randint(ks[3], (N,), 0, G, dtype=jnp.int32))
    inp["global_features"] = jax.random.normal(ks[4], (G, GF), jnp.float32)
    # GIN layer 0 MLP: Linear(D,H), Linear(H,H)
    inp["W1"] = _glorot(ks[5], (D, H)); inp["b1"] = jnp.zeros((H,), jnp.float32)
    inp["W2"] = _glorot(ks[6], (H, H)); inp["b2"] = jnp.zeros((H,), jnp.float32)
    # GIN layer 1 MLP: Linear(H,H), Linear(H,H)
    inp["W3"] = _glorot(ks[7], (H, H)); inp["b3"] = jnp.zeros((H,), jnp.float32)
    inp["W4"] = _glorot(ks[8], (H, H)); inp["b4"] = jnp.zeros((H,), jnp.float32)
    # LayerNorms
    inp["ln0_g"] = jnp.ones((H,), jnp.float32); inp["ln0_b"] = jnp.zeros((H,), jnp.float32)
    inp["ln1_g"] = jnp.ones((H,), jnp.float32); inp["ln1_b"] = jnp.zeros((H,), jnp.float32)
    # Attention pooling gate nn: Linear(H,P), Linear(P,1)
    inp["Wg1"] = _glorot(ks[9], (H, P)); inp["bg1"] = jnp.zeros((P,), jnp.float32)
    inp["Wg2"] = _glorot(ks[10], (P, 1)); inp["bg2"] = jnp.zeros((1,), jnp.float32)
    # Classifier: Linear(H+GF,P), Linear(P,2)
    inp["Wc1"] = _glorot(ks[11], (H + GF, P)); inp["bc1"] = jnp.zeros((P,), jnp.float32)
    inp["Wc2"] = _glorot(ks[12], (P, 2)); inp["bc2"] = jnp.zeros((2,), jnp.float32)
    return inp

def _layer_norm(h, g, b):
    m = jnp.mean(h, axis=-1, keepdims=True)
    v = jnp.var(h, axis=-1, keepdims=True)
    return (h - m) / jnp.sqrt(v + 1e-5) * g + b

def reference(x, edge_index, edge_attr, batch, global_features, W1, b1, W2, b2, W3, b3, W4, b4, ln0_g, ln0_b, ln1_g, ln1_b, Wg1, bg1, Wg2, bg2, Wc1, bc1, Wc2, bc2):
    num_graphs = global_features.shape[0]
    src, dst = edge_index[0], edge_index[1]
    # GIN layer 0: h = MLP((1+eps)*x + sum_{j in N(i)} x_j), eps=0 (dropout is eval no-op)
    agg = jnp.zeros_like(x).at[dst].add(x[src])
    h = x + agg
    h = jnp.maximum(h @ W1 + b1, 0.0) @ W2 + b2
    h = jnp.maximum(_layer_norm(h, ln0_g, ln0_b), 0.0)
    # GIN layer 1
    agg = jnp.zeros_like(h).at[dst].add(h[src])
    h2 = h + agg
    h2 = jnp.maximum(h2 @ W3 + b3, 0.0) @ W4 + b4
    h2 = jnp.maximum(_layer_norm(h2, ln1_g, ln1_b), 0.0)
    # Attentional aggregation: softmax(gate_nn(x)) per graph segment
    gate = jnp.maximum(h2 @ Wg1 + bg1, 0.0) @ Wg2 + bg2  # [N, 1]
    gmax = jax.ops.segment_max(gate, batch, num_segments=num_graphs)
    gmax = jnp.where(jnp.isfinite(gmax), gmax, 0.0)
    e = jnp.exp(gate - gmax[batch])
    s = jax.ops.segment_sum(e, batch, num_segments=num_graphs)
    alpha = e / (s[batch] + 1e-16)
    pooled = jax.ops.segment_sum(alpha * h2, batch, num_segments=num_graphs)  # [G, H]
    comb = jnp.concatenate([pooled, global_features], axis=1)
    out = jnp.maximum(comb @ Wc1 + bc1, 0.0) @ Wc2 + bc2
    return out

if __name__ == "__main__":
    import jax
    _d = setup_inputs()
    print(jax.jit(kernel)(*tuple(_d.values())))

</pallas_src>

<mosaic_0001>
#map = affine_map<(d0, d1) -> (0, 0)>
#map1 = affine_map<(d0, d1) -> (0, 0, 0)>
module attributes {stable_mosaic.version = 14 : i64} {
  func.func @_sc_agg2(%arg0: i32, %arg1: i32, %arg2: memref<10000x64xf32, #tpu.memory_space<hbm>>, %arg3: memref<10000x64xf32, #tpu.memory_space<hbm>>, %arg4: memref<10000x64xf32, #tpu.memory_space<hbm>>, %arg5: memref<10000x64xf32, #tpu.memory_space<hbm>>, %arg6: memref<16x160x125xi32, #tpu.memory_space<hbm>>, %arg7: memref<16x160x125xi32, #tpu.memory_space<hbm>>, %arg8: memref<640x64xf32, #tpu.memory_space<hbm>>, %arg9: memref<4x10000x64xf32, #tpu.memory_space<hbm>>, %arg10: memref<160x125xi32, #tpu.memory_space<vmem>>, %arg11: memref<160x125xi32, #tpu.memory_space<vmem>>, %arg12: memref<125x64xf32, #tpu.memory_space<vmem>>, %arg13: memref<125x64xf32, #tpu.memory_space<vmem>>, %arg14: memref<125x64xf32, #tpu.memory_space<vmem>>, %arg15: memref<125x64xf32, #tpu.memory_space<vmem>>, %arg16: memref<125x64xf32, #tpu.memory_space<vmem>>, %arg17: memref<10000x64xf32, #tpu.memory_space<vmem_shared>>, %arg18: memref<!tpu.dma_semaphore, #tpu.memory_space<semaphore_mem>>, %arg19: memref<!tpu.dma_semaphore, #tpu.memory_space<semaphore_mem>>, %arg20: memref<!tpu.dma_semaphore, #tpu.memory_space<semaphore_mem>>, %arg21: memref<!tpu.dma_semaphore, #tpu.memory_space<semaphore_mem>>, %arg22: memref<!tpu.dma_semaphore, #tpu.memory_space<semaphore_mem>>, %arg23: memref<!tpu.dma_semaphore, #tpu.memory_space<semaphore_mem>>, %arg24: memref<!tpu.dma_semaphore, #tpu.memory_space<semaphore_mem>>, %arg25: memref<!tpu.dma_semaphore, #tpu.memory_space<semaphore_mem>>, %arg26: memref<!tpu.dma_semaphore, #tpu.memory_space<semaphore_mem>>, %arg27: memref<!tpu.dma_semaphore, #tpu.memory_space<semaphore_mem>>) attributes {dimension_semantics = [#tpu.dimension_semantics<core_parallel>, #tpu.dimension_semantics<subcore_parallel>], iteration_bounds = array<i64: 2, 16>, scalar_prefetch = 0 : i64, scratch_operands = 18 : i64, tpu.core_type = #tpu.core_type<sc_vector_subcore>, window_params = [{transform_indices = #map}, {transform_indices = #map}, {transform_indices = #map}, {transform_indices = #map}, {transform_indices = #map1}, {transform_indices = #map1}, {transform_indices = #map}, {transform_indices = #map1}]} {
    %lt3A = arith.constant 15 : i32
    %lt3A_0 = arith.cmpi slt, %arg1, %lt3A : i32
    %convert_element_type3A = arith.extui %lt3A_0 : i1 to i32
    %cond3A = arith.constant 0 : i32
    %cond3A_1 = arith.cmpi ne, %convert_element_type3A, %cond3A : i32
    scf.if %cond3A_1 {
      %mul3A = arith.constant 624 : i32
      %mul3A_60 = arith.muli %arg1, %mul3A : i32
      "tpu.region"() ({
        %run_scoped3A = tpu.sem_alloc : memref<!tpu.dma_semaphore, #tpu.memory_space<semaphore_mem>>
        %dma_start3A = arith.constant 0 : i32
        %dma_start3A_61 = tpu.memref_slice %arg17[%mul3A_60, %dma_start3A] : memref<10000x64xf32, #tpu.memory_space<vmem_shared>> -> memref<624x64xf32, #tpu.memory_space<vmem_shared>>
        %dma_start3A_62 = arith.constant 0 : i32
        %dma_start3A_63 = arith.constant 0 : i32
        %dma_start3A_64 = tpu.memref_slice %arg8[%dma_start3A_62, %dma_start3A_63] : memref<640x64xf32, #tpu.memory_space<hbm>> -> memref<624x64xf32, #tpu.memory_space<hbm>>
        tpu.enqueue_dma source(%dma_start3A_64 : memref<624x64xf32, #tpu.memory_space<hbm>>) target(%dma_start3A_61 : memref<624x64xf32, #tpu.memory_space<vmem_shared>>) target_semaphore(%run_scoped3A : memref<!tpu.dma_semaphore, #tpu.memory_space<semaphore_mem>>)
        %dma_wait3A = arith.constant 0 : i32
        %dma_wait3A_65 = tpu.memref_slice %arg17[%mul3A_60, %dma_wait3A] : memref<10000x64xf32, #tpu.memory_space<vmem_shared>> -> memref<624x64xf32, #tpu.memory_space<vmem_shared>>
        %dma_wait3A_66 = arith.constant 0 : i32
        %dma_wait3A_67 = arith.constant 0 : i32
        %dma_wait3A_68 = tpu.memref_slice %arg8[%dma_wait3A_66, %dma_wait3A_67] : memref<640x64xf32, #tpu.memory_space<hbm>> -> memref<624x64xf32, #tpu.memory_space<hbm>>
        tpu.wait_dma2 semaphore(%run_scoped3A : memref<!tpu.dma_semaphore, #tpu.memory_space<semaphore_mem>>) src(%dma_wait3A_68 : memref<624x64xf32, #tpu.memory_space<hbm>>) dst(%dma_wait3A_65 : memref<624x64xf32, #tpu.memory_space<vmem_shared>>)
        tpu.yield
      }) : () -> ()
    } else {
    }
    %eq3A = arith.constant 15 : i32
    %eq3A_2 = arith.cmpi eq, %arg1, %eq3A : i32
    %convert_element_type3A_3 = arith.extui %eq3A_2 : i1 to i32
    %cond3A_4 = arith.constant 0 : i32
    %cond3A_5 = arith.cmpi ne, %convert_element_type3A_3, %cond3A_4 : i32
    scf.if %cond3A_5 {
      "tpu.region"() ({
        %run_scoped3A = tpu.sem_alloc : memref<!tpu.dma_semaphore, #tpu.memory_space<semaphore_mem>>
        %dma_start3A = arith.constant 9360 : i32
        %dma_start3A_60 = arith.constant 0 : i32
        %dma_start3A_61 = tpu.memref_slice %arg17[%dma_start3A, %dma_start3A_60] : memref<10000x64xf32, #tpu.memory_space<vmem_shared>> -> memref<640x64xf32, #tpu.memory_space<vmem_shared>>
        tpu.enqueue_dma source(%arg8 : memref<640x64xf32, #tpu.memory_space<hbm>>) target(%dma_start3A_61 : memref<640x64xf32, #tpu.memory_space<vmem_shared>>) target_semaphore(%run_scoped3A : memref<!tpu.dma_semaphore, #tpu.memory_space<semaphore_mem>>)
        %dma_wait3A = arith.constant 9360 : i32
        %dma_wait3A_62 = arith.constant 0 : i32
        %dma_wait3A_63 = tpu.memref_slice %arg17[%dma_wait3A, %dma_wait3A_62] : memref<10000x64xf32, #tpu.memory_space<vmem_shared>> -> memref<640x64xf32, #tpu.memory_space<vmem_shared>>
        tpu.wait_dma2 semaphore(%run_scoped3A : memref<!tpu.dma_semaphore, #tpu.memory_space<semaphore_mem>>) src(%arg8 : memref<640x64xf32, #tpu.memory_space<hbm>>) dst(%dma_wait3A_63 : memref<640x64xf32, #tpu.memory_space<vmem_shared>>)
        tpu.yield
      }) : () -> ()
    } else {
    }
    "tpu.region"() ({
      %run_scoped3A = tpu.sem_alloc : memref<!tpu.dma_semaphore, #tpu.memory_space<semaphore_mem>>
      %dma_start3A = arith.constant 0 : i32
      %dma_start3A_60 = arith.constant 0 : i32
      %dma_start3A_61 = tpu.memref_slice %arg6[%arg1, %dma_start3A, %dma_start3A_60] : memref<16x160x125xi32, #tpu.memory_space<hbm>> -> memref<1x160x125xi32, #tpu.memory_space<hbm>>
      %dma_start3A_62 = tpu.memref_squeeze %dma_start3A_61 : memref<1x160x125xi32, #tpu.memory_space<hbm>> -> memref<160x125xi32, #tpu.memory_space<hbm>>
      %dma_start3A_63 = arith.constant 0 : i32
      %dma_start3A_64 = arith.constant 0 : i32
      %dma_start3A_65 = tpu.memref_slice %arg6[%arg1, %dma_start3A_63, %dma_start3A_64] : memref<16x160x125xi32, #tpu.memory_space<hbm>> -> memref<1x160x125xi32, #tpu.memory_space<hbm>>
      %dma_start3A_66 = tpu.memref_squeeze %dma_start3A_65 : memref<1x160x125xi32, #tpu.memory_space<hbm>> -> memref<160x125xi32, #tpu.memory_space<hbm>>
      tpu.enqueue_dma source(%dma_start3A_66 : memref<160x125xi32, #tpu.memory_space<hbm>>) target(%arg10 : memref<160x125xi32, #tpu.memory_space<vmem>>) target_semaphore(%run_scoped3A : memref<!tpu.dma_semaphore, #tpu.memory_space<semaphore_mem>>)
      %dma_wait3A = arith.constant 0 : i32
      %dma_wait3A_67 = arith.constant 0 : i32
      %dma_wait3A_68 = tpu.memref_slice %arg6[%arg1, %dma_wait3A, %dma_wait3A_67] : memref<16x160x125xi32, #tpu.memory_space<hbm>> -> memref<1x160x125xi32, #tpu.memory_space<hbm>>
      %dma_wait3A_69 = tpu.memref_squeeze %dma_wait3A_68 : memref<1x160x125xi32, #tpu.memory_space<hbm>> -> memref<160x125xi32, #tpu.memory_space<hbm>>
      %dma_wait3A_70 = arith.constant 0 : i32
      %dma_wait3A_71 = arith.constant 0 : i32
      %dma_wait3A_72 = tpu.memref_slice %arg6[%arg1, %dma_wait3A_70, %dma_wait3A_71] : memref<16x160x125xi32, #tpu.memory_space<hbm>> -> memref<1x160x125xi32, #tpu.memory_space<hbm>>
      %dma_wait3A_73 = tpu.memref_squeeze %dma_wait3A_72 : memref<1x160x125xi32, #tpu.memory_space<hbm>> -> memref<160x125xi32, #tpu.memory_space<hbm>>
      tpu.wait_dma2 semaphore(%run_scoped3A : memref<!tpu.dma_semaphore, #tpu.memory_space<semaphore_mem>>) src(%dma_wait3A_73 : memref<160x125xi32, #tpu.memory_space<hbm>>) dst(%arg10 : memref<160x125xi32, #tpu.memory_space<vmem>>)
      tpu.yield
    }) : () -> ()
    "tpu.region"() ({
      %run_scoped3A = tpu.sem_alloc : memref<!tpu.dma_semaphore, #tpu.memory_space<semaphore_mem>>
      %dma_start3A = arith.constant 0 : i32
      %dma_start3A_60 = arith.constant 0 : i32
      %dma_start3A_61 = tpu.memref_slice %arg7[%arg1, %dma_start3A, %dma_start3A_60] : memref<16x160x125xi32, #tpu.memory_space<hbm>> -> memref<1x160x125xi32, #tpu.memory_space<hbm>>
      %dma_start3A_62 = tpu.memref_squeeze %dma_start3A_61 : memref<1x160x125xi32, #tpu.memory_space<hbm>> -> memref<160x125xi32, #tpu.memory_space<hbm>>
      %dma_start3A_63 = arith.constant 0 : i32
      %dma_start3A_64 = arith.constant 0 : i32
      %dma_start3A_65 = tpu.memref_slice %arg7[%arg1, %dma_start3A_63, %dma_start3A_64] : memref<16x160x125xi32, #tpu.memory_space<hbm>> -> memref<1x160x125xi32, #tpu.memory_space<hbm>>
      %dma_start3A_66 = tpu.memref_squeeze %dma_start3A_65 : memref<1x160x125xi32, #tpu.memory_space<hbm>> -> memref<160x125xi32, #tpu.memory_space<hbm>>
      tpu.enqueue_dma source(%dma_start3A_66 : memref<160x125xi32, #tpu.memory_space<hbm>>) target(%arg11 : memref<160x125xi32, #tpu.memory_space<vmem>>) target_semaphore(%run_scoped3A : memref<!tpu.dma_semaphore, #tpu.memory_space<semaphore_mem>>)
      %dma_wait3A = arith.constant 0 : i32
      %dma_wait3A_67 = arith.constant 0 : i32
      %dma_wait3A_68 = tpu.memref_slice %arg7[%arg1, %dma_wait3A, %dma_wait3A_67] : memref<16x160x125xi32, #tpu.memory_space<hbm>> -> memref<1x160x125xi32, #tpu.memory_space<hbm>>
      %dma_wait3A_69 = tpu.memref_squeeze %dma_wait3A_68 : memref<1x160x125xi32, #tpu.memory_space<hbm>> -> memref<160x125xi32, #tpu.memory_space<hbm>>
      %dma_wait3A_70 = arith.constant 0 : i32
      %dma_wait3A_71 = arith.constant 0 : i32
      %dma_wait3A_72 = tpu.memref_slice %arg7[%arg1, %dma_wait3A_70, %dma_wait3A_71] : memref<16x160x125xi32, #tpu.memory_space<hbm>> -> memref<1x160x125xi32, #tpu.memory_space<hbm>>
      %dma_wait3A_73 = tpu.memref_squeeze %dma_wait3A_72 : memref<1x160x125xi32, #tpu.memory_space<hbm>> -> memref<160x125xi32, #tpu.memory_space<hbm>>
      tpu.wait_dma2 semaphore(%run_scoped3A : memref<!tpu.dma_semaphore, #tpu.memory_space<semaphore_mem>>) src(%dma_wait3A_73 : memref<160x125xi32, #tpu.memory_space<hbm>>) dst(%arg11 : memref<160x125xi32, #tpu.memory_space<vmem>>)
      tpu.yield
    }) : () -> ()
    %barrier3A = arith.constant 0 : index
    tpu.barrier barrier_id(%barrier3A)
    %eq3A_6 = arith.constant 0 : i32
    %eq3A_7 = arith.cmpi eq, %arg0, %eq3A_6 : i32
    %convert_element_type3A_8 = arith.extui %eq3A_7 : i1 to i32
    %cond3A_9 = arith.constant 0 : i32
    %cond3A_10 = arith.cmpi ne, %convert_element_type3A_8, %cond3A_9 : i32
    scf.if %cond3A_10 {
      %dma_start3A = arith.constant 0 : i32
      %dma_start3A_60 = arith.constant 0 : i32
      %dma_start3A_61 = tpu.memref_slice %arg10[%dma_start3A, %dma_start3A_60] : memref<160x125xi32, #tpu.memory_space<vmem>> -> memref<1x125xi32, #tpu.memory_space<vmem>>
      %dma_start3A_62 = tpu.memref_squeeze %dma_start3A_61 : memref<1x125xi32, #tpu.memory_space<vmem>> -> memref<125xi32, #tpu.memory_space<vmem>>
      %dma_start3A_63 = arith.constant 0 : i32
      %dma_start3A_64 = arith.constant 0 : i32
      %dma_start3A_65 = tpu.memref_slice %arg2[%dma_start3A_63, %dma_start3A_64] : memref<10000x64xf32, #tpu.memory_space<hbm>> -> memref<10000x64xf32, #tpu.memory_space<hbm>>
      tpu.enqueue_indirect_dma source(%dma_start3A_65 : memref<10000x64xf32, #tpu.memory_space<hbm>>) target(%arg12 : memref<125x64xf32, #tpu.memory_space<vmem>>) offsets(%dma_start3A_62 : memref<125xi32, #tpu.memory_space<vmem>>) semaphore(%arg18 : memref<!tpu.dma_semaphore, #tpu.memory_space<semaphore_mem>>)
      %dma_start3A_66 = arith.constant 1 : i32
      %dma_start3A_67 = arith.constant 0 : i32
      %dma_start3A_68 = tpu.memref_slice %arg10[%dma_start3A_66, %dma_start3A_67] : memref<160x125xi32, #tpu.memory_space<vmem>> -> memref<1x125xi32, #tpu.memory_space<vmem>>
      %dma_start3A_69 = tpu.memref_squeeze %dma_start3A_68 : memref<1x125xi32, #tpu.memory_space<vmem>> -> memref<125xi32, #tpu.memory_space<vmem>>
      %dma_start3A_70 = arith.constant 0 : i32
      %dma_start3A_71 = arith.constant 0 : i32
      %dma_start3A_72 = tpu.memref_slice %arg2[%dma_start3A_70, %dma_start3A_71] : memref<10000x64xf32, #tpu.memory_space<hbm>> -> memref<10000x64xf32, #tpu.memory_space<hbm>>
      tpu.enqueue_indirect_dma source(%dma_start3A_72 : memref<10000x64xf32, #tpu.memory_space<hbm>>) target(%arg13 : memref<125x64xf32, #tpu.memory_space<vmem>>) offsets(%dma_start3A_69 : memref<125xi32, #tpu.memory_space<vmem>>) semaphore(%arg19 : memref<!tpu.dma_semaphore, #tpu.memory_space<semaphore_mem>>)
      %dma_start3A_73 = arith.constant 2 : i32
      %dma_start3A_74 = arith.constant 0 : i32
      %dma_start3A_75 = tpu.memref_slice %arg10[%dma_start3A_73, %dma_start3A_74] : memref<160x125xi32, #tpu.memory_space<vmem>> -> memref<1x125xi32, #tpu.memory_space<vmem>>
      %dma_start3A_76 = tpu.memref_squeeze %dma_start3A_75 : memref<1x125xi32, #tpu.memory_space<vmem>> -> memref<125xi32, #tpu.memory_space<vmem>>
      %dma_start3A_77 = arith.constant 0 : i32
      %dma_start3A_78 = arith.constant 0 : i32
      %dma_start3A_79 = tpu.memref_slice %arg2[%dma_start3A_77, %dma_start3A_78] : memref<10000x64xf32, #tpu.memory_space<hbm>> -> memref<10000x64xf32, #tpu.memory_space<hbm>>
      tpu.enqueue_indirect_dma source(%dma_start3A_79 : memref<10000x64xf32, #tpu.memory_space<hbm>>) target(%arg14 : memref<125x64xf32, #tpu.memory_space<vmem>>) offsets(%dma_start3A_76 : memref<125xi32, #tpu.memory_space<vmem>>) semaphore(%arg20 : memref<!tpu.dma_semaphore, #tpu.memory_space<semaphore_mem>>)
      %dma_start3A_80 = arith.constant 3 : i32
      %dma_start3A_81 = arith.constant 0 : i32
      %dma_start3A_82 = tpu.memref_slice %arg10[%dma_start3A_80, %dma_start3A_81] : memref<160x125xi32, #tpu.memory_space<vmem>> -> memref<1x125xi32, #tpu.memory_space<vmem>>
      %dma_start3A_83 = tpu.memref_squeeze %dma_start3A_82 : memref<1x125xi32, #tpu.memory_space<vmem>> -> memref<125xi32, #tpu.memory_space<vmem>>
      %dma_start3A_84 = arith.constant 0 : i32
      %dma_start3A_85 = arith.constant 0 : i32
      %dma_start3A_86 = tpu.memref_slice %arg2[%dma_start3A_84, %dma_start3A_85] : memref<10000x64xf32, #tpu.memory_space<hbm>> -> memref<10000x64xf32, #tpu.memory_space<hbm>>
      tpu.enqueue_indirect_dma source(%dma_start3A_86 : memref<10000x64xf32, #tpu.memory_space<hbm>>) target(%arg15 : memref<125x64xf32, #tpu.memory_space<vmem>>) offsets(%dma_start3A_83 : memref<125xi32, #tpu.memory_space<vmem>>) semaphore(%arg21 : memref<!tpu.dma_semaphore, #tpu.memory_space<semaphore_mem>>)
      %dma_start3A_87 = arith.constant 4 : i32
      %dma_start3A_88 = arith.constant 0 : i32
      %dma_start3A_89 = tpu.memref_slice %arg10[%dma_start3A_87, %dma_start3A_88] : memref<160x125xi32, #tpu.memory_space<vmem>> -> memref<1x125xi32, #tpu.memory_space<vmem>>
      %dma_start3A_90 = tpu.memref_squeeze %dma_start3A_89 : memref<1x125xi32, #tpu.memory_space<vmem>> -> memref<125xi32, #tpu.memory_space<vmem>>
      %dma_start3A_91 = arith.constant 0 : i32
      %dma_start3A_92 = arith.constant 0 : i32
      %dma_start3A_93 = tpu.memref_slice %arg2[%dma_start3A_91, %dma_start3A_92] : memref<10000x64xf32, #tpu.memory_space<hbm>> -> memref<10000x64xf32, #tpu.memory_space<hbm>>
      tpu.enqueue_indirect_dma source(%dma_start3A_93 : memref<10000x64xf32, #tpu.memory_space<hbm>>) target(%arg16 : memref<125x64xf32, #tpu.memory_space<vmem>>) offsets(%dma_start3A_90 : memref<125xi32, #tpu.memory_space<vmem>>) semaphore(%arg22 : memref<!tpu.dma_semaphore, #tpu.memory_space<semaphore_mem>>)
      %scan3A = arith.constant 0 : i32
      %scan3A_94 = arith.constant 0 : i32
      %scan3A_95 = arith.constant 32 : i32
      %scan3A_96 = arith.addi %scan3A_94, %scan3A_95 : i32
      %scan3A_97 = arith.constant 1 : i32
      scf.for %scan3A_133 = %scan3A_94 to %scan3A_96 step %scan3A_97  : i32 {
        %mul3A = arith.constant 5 : i32
        %mul3A_134 = arith.muli %scan3A_133, %mul3A : i32
        %add3A_135 = arith.constant 0 : i32
        %add3A_136 = arith.addi %mul3A_134, %add3A_135 : i32
        %dma_wait3A_137 = arith.constant 0 : i32
        %dma_wait3A_138 = tpu.memref_slice %arg10[%add3A_136, %dma_wait3A_137] : memref<160x125xi32, #tpu.memory_space<vmem>> -> memref<1x125xi32, #tpu.memory_space<vmem>>
        %dma_wait3A_139 = tpu.memref_squeeze %dma_wait3A_138 : memref<1x125xi32, #tpu.memory_space<vmem>> -> memref<125xi32, #tpu.memory_space<vmem>>
        %dma_wait3A_140 = arith.constant 0 : i32
        %dma_wait3A_141 = arith.constant 0 : i32
        %dma_wait3A_142 = tpu.memref_slice %arg2[%dma_wait3A_140, %dma_wait3A_141] : memref<10000x64xf32, #tpu.memory_space<hbm>> -> memref<10000x64xf32, #tpu.memory_space<hbm>>
        tpu.wait_indirect_dma semaphore(%arg18 : memref<!tpu.dma_semaphore, #tpu.memory_space<semaphore_mem>>) src(%dma_wait3A_142 : memref<10000x64xf32, #tpu.memory_space<hbm>>) dst(%arg12 : memref<125x64xf32, #tpu.memory_space<vmem>>)
        %dma_start3A_143 = arith.constant 0 : i32
        %dma_start3A_144 = tpu.memref_slice %arg11[%add3A_136, %dma_start3A_143] : memref<160x125xi32, #tpu.memory_space<vmem>> -> memref<1x125xi32, #tpu.memory_space<vmem>>
        %dma_start3A_145 = tpu.memref_squeeze %dma_start3A_144 : memref<1x125xi32, #tpu.memory_space<vmem>> -> memref<125xi32, #tpu.memory_space<vmem>>
        %dma_start3A_146 = arith.constant 0 : i32
        %dma_start3A_147 = arith.constant 0 : i32
        %dma_start3A_148 = tpu.memref_slice %arg17[%dma_start3A_146, %dma_start3A_147] : memref<10000x64xf32, #tpu.memory_space<vmem_shared>> -> memref<10000x64xf32, #tpu.memory_space<vmem_shared>>
        tpu.enqueue_indirect_dma source(%arg12 : memref<125x64xf32, #tpu.memory_space<vmem>>) target(%dma_start3A_148 : memref<10000x64xf32, #tpu.memory_space<vmem_shared>>) offsets(%dma_start3A_145 : memref<125xi32, #tpu.memory_space<vmem>>) semaphore(%arg23 : memref<!tpu.dma_semaphore, #tpu.memory_space<semaphore_mem>>) {add = true}
        %add3A_149 = arith.constant 1 : i32
        %add3A_150 = arith.addi %mul3A_134, %add3A_149 : i32
        %dma_wait3A_151 = arith.constant 0 : i32
        %dma_wait3A_152 = tpu.memref_slice %arg10[%add3A_150, %dma_wait3A_151] : memref<160x125xi32, #tpu.memory_space<vmem>> -> memref<1x125xi32, #tpu.memory_space<vmem>>
        %dma_wait3A_153 = tpu.memref_squeeze %dma_wait3A_152 : memref<1x125xi32, #tpu.memory_space<vmem>> -> memref<125xi32, #tpu.memory_space<vmem>>
        %dma_wait3A_154 = arith.constant 0 : i32
        %dma_wait3A_155 = arith.constant 0 : i32
        %dma_wait3A_156 = tpu.memref_slice %arg2[%dma_wait3A_154, %dma_wait3A_155] : memref<10000x64xf32, #tpu.memory_space<hbm>> -> memref<10000x64xf32, #tpu.memory_space<hbm>>
        tpu.wait_indirect_dma semaphore(%arg19 : memref<!tpu.dma_semaphore, #tpu.memory_space<semaphore_mem>>) src(%dma_wait3A_156 : memref<10000x64xf32, #tpu.memory_space<hbm>>) dst(%arg13 : memref<125x64xf32, #tpu.memory_space<vmem>>)
        %dma_start3A_157 = arith.constant 0 : i32
        %dma_start3A_158 = tpu.memref_slice %arg11[%add3A_150, %dma_start3A_157] : memref<160x125xi32, #tpu.memory_space<vmem>> -> memref<1x125xi32, #tpu.memory_space<vmem>>
        %dma_start3A_159 = tpu.memref_squeeze %dma_start3A_158 : memref<1x125xi32, #tpu.memory_space<vmem>> -> memref<125xi32, #tpu.memory_space<vmem>>
        %dma_start3A_160 = arith.constant 0 : i32
        %dma_start3A_161 = arith.constant 0 : i32
        %dma_start3A_162 = tpu.memref_slice %arg17[%dma_start3A_160, %dma_start3A_161] : memref<10000x64xf32, #tpu.memory_space<vmem_shared>> -> memref<10000x64xf32, #tpu.memory_space<vmem_shared>>
        tpu.enqueue_indirect_dma source(%arg13 : memref<125x64xf32, #tpu.memory_space<vmem>>) target(%dma_start3A_162 : memref<10000x64xf32, #tpu.memory_space<vmem_shared>>) offsets(%dma_start3A_159 : memref<125xi32, #tpu.memory_space<vmem>>) semaphore(%arg24 : memref<!tpu.dma_semaphore, #tpu.memory_space<semaphore_mem>>) {add = true}
        %add3A_163 = arith.constant 2 : i32
        %add3A_164 = arith.addi %mul3A_134, %add3A_163 : i32
        %dma_wait3A_165 = arith.constant 0 : i32
        %dma_wait3A_166 = tpu.memref_slice %arg10[%add3A_164, %dma_wait3A_165] : memref<160x125xi32, #tpu.memory_space<vmem>> -> memref<1x125xi32, #tpu.memory_space<vmem>>
        %dma_wait3A_167 = tpu.memref_squeeze %dma_wait3A_166 : memref<1x125xi32, #tpu.memory_space<vmem>> -> memref<125xi32, #tpu.memory_space<vmem>>
        %dma_wait3A_168 = arith.constant 0 : i32
        %dma_wait3A_169 = arith.constant 0 : i32
        %dma_wait3A_170 = tpu.memref_slice %arg2[%dma_wait3A_168, %dma_wait3A_169] : memref<10000x64xf32, #tpu.memory_space<hbm>> -> memref<10000x64xf32, #tpu.memory_space<hbm>>
        tpu.wait_indirect_dma semaphore(%arg20 : memref<!tpu.dma_semaphore, #tpu.memory_space<semaphore_mem>>) src(%dma_wait3A_170 : memref<10000x64xf32, #tpu.memory_space<hbm>>) dst(%arg14 : memref<125x64xf32, #tpu.memory_space<vmem>>)
        %dma_start3A_171 = arith.constant 0 : i32
        %dma_start3A_172 = tpu.memref_slice %arg11[%add3A_164, %dma_start3A_171] : memref<160x125xi32, #tpu.memory_space<vmem>> -> memref<1x125xi32, #tpu.memory_space<vmem>>
        %dma_start3A_173 = tpu.memref_squeeze %dma_start3A_172 : memref<1x125xi32, #tpu.memory_space<vmem>> -> memref<125xi32, #tpu.memory_space<vmem>>
        %dma_start3A_174 = arith.constant 0 : i32
        %dma_start3A_175 = arith.constant 0 : i32
        %dma_start3A_176 = tpu.memref_slice %arg17[%dma_start3A_174, %dma_start3A_175] : memref<10000x64xf32, #tpu.memory_space<vmem_shared>> -> memref<10000x64xf32, #tpu.memory_space<vmem_shared>>
        tpu.enqueue_indirect_dma source(%arg14 : memref<125x64xf32, #tpu.memory_space<vmem>>) target(%dma_start3A_176 : memref<10000x64xf32, #tpu.memory_space<vmem_shared>>) offsets(%dma_start3A_173 : memref<125xi32, #tpu.memory_space<vmem>>) semaphore(%arg25 : memref<!tpu.dma_semaphore, #tpu.memory_space<semaphore_mem>>) {add = true}
        %add3A_177 = arith.constant 3 : i32
        %add3A_178 = arith.addi %mul3A_134, %add3A_177 : i32
        %dma_wait3A_179 = arith.constant 0 : i32
        %dma_wait3A_180 = tpu.memref_slice %arg10[%add3A_178, %dma_wait3A_179] : memref<160x125xi32, #tpu.memory_space<vmem>> -> memref<1x125xi32, #tpu.memory_space<vmem>>
        %dma_wait3A_181 = tpu.memref_squeeze %dma_wait3A_180 : memref<1x125xi32, #tpu.memory_space<vmem>> -> memref<125xi32, #tpu.memory_space<vmem>>
        %dma_wait3A_182 = arith.constant 0 : i32
        %dma_wait3A_183 = arith.constant 0 : i32
        %dma_wait3A_184 = tpu.memref_slice %arg2[%dma_wait3A_182, %dma_wait3A_183] : memref<10000x64xf32, #tpu.memory_space<hbm>> -> memref<10000x64xf32, #tpu.memory_space<hbm>>
        tpu.wait_indirect_dma semaphore(%arg21 : memref<!tpu.dma_semaphore, #tpu.memory_space<semaphore_mem>>) src(%dma_wait3A_184 : memref<10000x64xf32, #tpu.memory_space<hbm>>) dst(%arg15 : memref<125x64xf32, #tpu.memory_space<vmem>>)
        %dma_start3A_185 = arith.constant 0 : i32
        %dma_start3A_186 = tpu.memref_slice %arg11[%add3A_178, %dma_start3A_185] : memref<160x125xi32, #tpu.memory_space<vmem>> -> memref<1x125xi32, #tpu.memory_space<vmem>>
        %dma_start3A_187 = tpu.memref_squeeze %dma_start3A_186 : memref<1x125xi32, #tpu.memory_space<vmem>> -> memref<125xi32, #tpu.memory_space<vmem>>
        %dma_start3A_188 = arith.constant 0 : i32
        %dma_start3A_189 = arith.constant 0 : i32
        %dma_start3A_190 = tpu.memref_slice %arg17[%dma_start3A_188, %dma_start3A_189] : memref<10000x64xf32, #tpu.memory_space<vmem_shared>> -> memref<10000x64xf32, #tpu.memory_space<vmem_shared>>
        tpu.enqueue_indirect_dma source(%arg15 : memref<125x64xf32, #tpu.memory_space<vmem>>) target(%dma_start3A_190 : memref<10000x64xf32, #tpu.memory_space<vmem_shared>>) offsets(%dma_start3A_187 : memref<125xi32, #tpu.memory_space<vmem>>) semaphore(%arg26 : memref<!tpu.dma_semaphore, #tpu.memory_space<semaphore_mem>>) {add = true}
        %add3A_191 = arith.constant 4 : i32
        %add3A_192 = arith.addi %mul3A_134, %add3A_191 : i32
        %dma_wait3A_193 = arith.constant 0 : i32
        %dma_wait3A_194 = tpu.memref_slice %arg10[%add3A_192, %dma_wait3A_193] : memref<160x125xi32, #tpu.memory_space<vmem>> -> memref<1x125xi32, #tpu.memory_space<vmem>>
        %dma_wait3A_195 = tpu.memref_squeeze %dma_wait3A_194 : memref<1x125xi32, #tpu.memory_space<vmem>> -> memref<125xi32, #tpu.memory_space<vmem>>
        %dma_wait3A_196 = arith.constant 0 : i32
        %dma_wait3A_197 = arith.constant 0 : i32
        %dma_wait3A_198 = tpu.memref_slice %arg2[%dma_wait3A_196, %dma_wait3A_197] : memref<10000x64xf32, #tpu.memory_space<hbm>> -> memref<10000x64xf32, #tpu.memory_space<hbm>>
        tpu.wait_indirect_dma semaphore(%arg22 : memref<!tpu.dma_semaphore, #tpu.memory_space<semaphore_mem>>) src(%dma_wait3A_198 : memref<10000x64xf32, #tpu.memory_space<hbm>>) dst(%arg16 : memref<125x64xf32, #tpu.memory_space<vmem>>)
        %dma_start3A_199 = arith.constant 0 : i32
        %dma_start3A_200 = tpu.memref_slice %arg11[%add3A_192, %dma_start3A_199] : memref<160x125xi32, #tpu.memory_space<vmem>> -> memref<1x125xi32, #tpu.memory_space<vmem>>
        %dma_start3A_201 = tpu.memref_squeeze %dma_start3A_200 : memref<1x125xi32, #tpu.memory_space<vmem>> -> memref<125xi32, #tpu.memory_space<vmem>>
        %dma_start3A_202 = arith.constant 0 : i32
        %dma_start3A_203 = arith.constant 0 : i32
        %dma_start3A_204 = tpu.memref_slice %arg17[%dma_start3A_202, %dma_start3A_203] : memref<10000x64xf32, #tpu.memory_space<vmem_shared>> -> memref<10000x64xf32, #tpu.memory_space<vmem_shared>>
        tpu.enqueue_indirect_dma source(%arg16 : memref<125x64xf32, #tpu.memory_space<vmem>>) target(%dma_start3A_204 : memref<10000x64xf32, #tpu.memory_space<vmem_shared>>) offsets(%dma_start3A_201 : memref<125xi32, #tpu.memory_space<vmem>>) semaphore(%arg27 : memref<!tpu.dma_semaphore, #tpu.memory_space<semaphore_mem>>) {add = true}
        %lt3A_205 = arith.constant 31 : i32
        %lt3A_206 = arith.cmpi slt, %scan3A_133, %lt3A_205 : i32
        %convert_element_type3A_207 = arith.extui %lt3A_206 : i1 to i32
        %cond3A_208 = arith.constant 0 : i32
        %cond3A_209 = arith.cmpi ne, %convert_element_type3A_207, %cond3A_208 : i32
        scf.if %cond3A_209 {
          %add3A_210 = arith.constant 0 : i32
          %add3A_211 = arith.addi %mul3A_134, %add3A_210 : i32
          %dma_wait3A_212 = arith.constant 0 : i32
          %dma_wait3A_213 = tpu.memref_slice %arg11[%add3A_211, %dma_wait3A_212] : memref<160x125xi32, #tpu.memory_space<vmem>> -> memref<1x125xi32, #tpu.memory_space<vmem>>
          %dma_wait3A_214 = tpu.memref_squeeze %dma_wait3A_213 : memref<1x125xi32, #tpu.memory_space<vmem>> -> memref<125xi32, #tpu.memory_space<vmem>>
          %dma_wait3A_215 = arith.constant 0 : i32
          %dma_wait3A_216 = arith.constant 0 : i32
          %dma_wait3A_217 = tpu.memref_slice %arg17[%dma_wait3A_215, %dma_wait3A_216] : memref<10000x64xf32, #tpu.memory_space<vmem_shared>> -> memref<10000x64xf32, #tpu.memory_space<vmem_shared>>
          tpu.wait_indirect_dma semaphore(%arg23 : memref<!tpu.dma_semaphore, #tpu.memory_space<semaphore_mem>>) src(%arg12 : memref<125x64xf32, #tpu.memory_space<vmem>>) dst(%dma_wait3A_217 : memref<10000x64xf32, #tpu.memory_space<vmem_shared>>)
          %add3A_218 = arith.constant 5 : i32
          %add3A_219 = arith.addi %add3A_211, %add3A_218 : i32
          %dma_start3A_220 = arith.constant 0 : i32
          %dma_start3A_221 = tpu.memref_slice %arg10[%add3A_219, %dma_start3A_220] : memref<160x125xi32, #tpu.memory_space<vmem>> -> memref<1x125xi32, #tpu.memory_space<vmem>>
          %dma_start3A_222 = tpu.memref_squeeze %dma_start3A_221 : memref<1x125xi32, #tpu.memory_space<vmem>> -> memref<125xi32, #tpu.memory_space<vmem>>
          %dma_start3A_223 = arith.constant 0 : i32
          %dma_start3A_224 = arith.constant 0 : i32
          %dma_start3A_225 = tpu.memref_slice %arg2[%dma_start3A_223, %dma_start3A_224] : memref<10000x64xf32, #tpu.memory_space<hbm>> -> memref<10000x64xf32, #tpu.memory_space<hbm>>
          tpu.enqueue_indirect_dma source(%dma_start3A_225 : memref<10000x64xf32, #tpu.memory_space<hbm>>) target(%arg12 : memref<125x64xf32, #tpu.memory_space<vmem>>) offsets(%dma_start3A_222 : memref<125xi32, #tpu.memory_space<vmem>>) semaphore(%arg18 : memref<!tpu.dma_semaphore, #tpu.memory_space<semaphore_mem>>)
          %add3A_226 = arith.constant 1 : i32
          %add3A_227 = arith.addi %mul3A_134, %add3A_226 : i32
          %dma_wait3A_228 = arith.constant 0 : i32
          %dma_wait3A_229 = tpu.memref_slice %arg11[%add3A_227, %dma_wait3A_228] : memref<160x125xi32, #tpu.memory_space<vmem>> -> memref<1x125xi32, #tpu.memory_space<vmem>>
          %dma_wait3A_230 = tpu.memref_squeeze %dma_wait3A_229 : memref<1x125xi32, #tpu.memory_space<vmem>> -> memref<125xi32, #tpu.memory_space<vmem>>
          %dma_wait3A_231 = arith.constant 0 : i32
          %dma_wait3A_232 = arith.constant 0 : i32
          %dma_wait3A_233 = tpu.memref_slice %arg17[%dma_wait3A_231, %dma_wait3A_232] : memref<10000x64xf32, #tpu.memory_space<vmem_shared>> -> memref<10000x64xf32, #tpu.memory_space<vmem_shared>>
          tpu.wait_indirect_dma semaphore(%arg24 : memref<!tpu.dma_semaphore, #tpu.memory_space<semaphore_mem>>) src(%arg13 : memref<125x64xf32, #tpu.memory_space<vmem>>) dst(%dma_wait3A_233 : memref<10000x64xf32, #tpu.memory_space<vmem_shared>>)
          %add3A_234 = arith.constant 5 : i32
          %add3A_235 = arith.addi %add3A_227, %add3A_234 : i32
          %dma_start3A_236 = arith.constant 0 : i32
          %dma_start3A_237 = tpu.memref_slice %arg10[%add3A_235, %dma_start3A_236] : memref<160x125xi32, #tpu.memory_space<vmem>> -> memref<1x125xi32, #tpu.memory_space<vmem>>
          %dma_start3A_238 = tpu.memref_squeeze %dma_start3A_237 : memref<1x125xi32, #tpu.memory_space<vmem>> -> memref<125xi32, #tpu.memory_space<vmem>>
          %dma_start3A_239 = arith.constant 0 : i32
          %dma_start3A_240 = arith.constant 0 : i32
          %dma_start3A_241 = tpu.memref_slice %arg2[%dma_start3A_239, %dma_start3A_240] : memref<10000x64xf32, #tpu.memory_space<hbm>> -> memref<10000x64xf32, #tpu.memory_space<hbm>>
          tpu.enqueue_indirect_dma source(%dma_start3A_241 : memref<10000x64xf32, #tpu.memory_space<hbm>>) target(%arg13 : memref<125x64xf32, #tpu.memory_space<vmem>>) offsets(%dma_start3A_238 : memref<125xi32, #tpu.memory_space<vmem>>) semaphore(%arg19 : memref<!tpu.dma_semaphore, #tpu.memory_space<semaphore_mem>>)
          %add3A_242 = arith.constant 2 : i32
          %add3A_243 = arith.addi %mul3A_134, %add3A_242 : i32
          %dma_wait3A_244 = arith.constant 0 : i32
          %dma_wait3A_245 = tpu.memref_slice %arg11[%add3A_243, %dma_wait3A_244] : memref<160x125xi32, #tpu.memory_space<vmem>> -> memref<1x125xi32, #tpu.memory_space<vmem>>
          %dma_wait3A_246 = tpu.memref_squeeze %dma_wait3A_245 : memref<1x125xi32, #tpu.memory_space<vmem>> -> memref<125xi32, #tpu.memory_space<vmem>>
          %dma_wait3A_247 = arith.constant 0 : i32
          %dma_wait3A_248 = arith.constant 0 : i32
          %dma_wait3A_249 = tpu.memref_slice %arg17[%dma_wait3A_247, %dma_wait3A_248] : memref<10000x64xf32, #tpu.memory_space<vmem_shared>> -> memref<10000x64xf32, #tpu.memory_space<vmem_shared>>
          tpu.wait_indirect_dma semaphore(%arg25 : memref<!tpu.dma_semaphore, #tpu.memory_space<semaphore_mem>>) src(%arg14 : memref<125x64xf32, #tpu.memory_space<vmem>>) dst(%dma_wait3A_249 : memref<10000x64xf32, #tpu.memory_space<vmem_shared>>)
          %add3A_250 = arith.constant 5 : i32
          %add3A_251 = arith.addi %add3A_243, %add3A_250 : i32
          %dma_start3A_252 = arith.constant 0 : i32
          %dma_start3A_253 = tpu.memref_slice %arg10[%add3A_251, %dma_start3A_252] : memref<160x125xi32, #tpu.memory_space<vmem>> -> memref<1x125xi32, #tpu.memory_space<vmem>>
          %dma_start3A_254 = tpu.memref_squeeze %dma_start3A_253 : memref<1x125xi32, #tpu.memory_space<vmem>> -> memref<125xi32, #tpu.memory_space<vmem>>
          %dma_start3A_255 = arith.constant 0 : i32
          %dma_start3A_256 = arith.constant 0 : i32
          %dma_start3A_257 = tpu.memref_slice %arg2[%dma_start3A_255, %dma_start3A_256] : memref<10000x64xf32, #tpu.memory_space<hbm>> -> memref<10000x64xf32, #tpu.memory_space<hbm>>
          tpu.enqueue_indirect_dma source(%dma_start3A_257 : memref<10000x64xf32, #tpu.memory_space<hbm>>) target(%arg14 : memref<125x64xf32, #tpu.memory_space<vmem>>) offsets(%dma_start3A_254 : memref<125xi32, #tpu.memory_space<vmem>>) semaphore(%arg20 : memref<!tpu.dma_semaphore, #tpu.memory_space<semaphore_mem>>)
          %add3A_258 = arith.constant 3 : i32
          %add3A_259 = arith.addi %mul3A_134, %add3A_258 : i32
          %dma_wait3A_260 = arith.constant 0 : i32
          %dma_wait3A_261 = tpu.memref_slice %arg11[%add3A_259, %dma_wait3A_260] : memref<160x125xi32, #tpu.memory_space<vmem>> -> memref<1x125xi32, #tpu.memory_space<vmem>>
          %dma_wait3A_262 = tpu.memref_squeeze %dma_wait3A_261 : memref<1x125xi32, #tpu.memory_space<vmem>> -> memref<125xi32, #tpu.memory_space<vmem>>
          %dma_wait3A_263 = arith.constant 0 : i32
          %dma_wait3A_264 = arith.constant 0 : i32
          %dma_wait3A_265 = tpu.memref_slice %arg17[%dma_wait3A_263, %dma_wait3A_264] : memref<10000x64xf32, #tpu.memory_space<vmem_shared>> -> memref<10000x64xf32, #tpu.memory_space<vmem_shared>>
          tpu.wait_indirect_dma semaphore(%arg26 : memref<!tpu.dma_semaphore, #tpu.memory_space<semaphore_mem>>) src(%arg15 : memref<125x64xf32, #tpu.memory_space<vmem>>) dst(%dma_wait3A_265 : memref<10000x64xf32, #tpu.memory_space<vmem_shared>>)
          %add3A_266 = arith.constant 5 : i32
          %add3A_267 = arith.addi %add3A_259, %add3A_266 : i32
          %dma_start3A_268 = arith.constant 0 : i32
          %dma_start3A_269 = tpu.memref_slice %arg10[%add3A_267, %dma_start3A_268] : memref<160x125xi32, #tpu.memory_space<vmem>> -> memref<1x125xi32, #tpu.memory_space<vmem>>
          %dma_start3A_270 = tpu.memref_squeeze %dma_start3A_269 : memref<1x125xi32, #tpu.memory_space<vmem>> -> memref<125xi32, #tpu.memory_space<vmem>>
          %dma_start3A_271 = arith.constant 0 : i32
          %dma_start3A_272 = arith.constant 0 : i32
          %dma_start3A_273 = tpu.memref_slice %arg2[%dma_start3A_271, %dma_start3A_272] : memref<10000x64xf32, #tpu.memory_space<hbm>> -> memref<10000x64xf32, #tpu.memory_space<hbm>>
          tpu.enqueue_indirect_dma source(%dma_start3A_273 : memref<10000x64xf32, #tpu.memory_space<hbm>>) target(%arg15 : memref<125x64xf32, #tpu.memory_space<vmem>>) offsets(%dma_start3A_270 : memref<125xi32, #tpu.memory_space<vmem>>) semaphore(%arg21 : memref<!tpu.dma_semaphore, #tpu.memory_space<semaphore_mem>>)
          %add3A_274 = arith.constant 4 : i32
          %add3A_275 = arith.addi %mul3A_134, %add3A_274 : i32
          %dma_wait3A_276 = arith.constant 0 : i32
          %dma_wait3A_277 = tpu.memref_slice %arg11[%add3A_275, %dma_wait3A_276] : memref<160x125xi32, #tpu.memory_space<vmem>> -> memref<1x125xi32, #tpu.memory_space<vmem>>
          %dma_wait3A_278 = tpu.memref_squeeze %dma_wait3A_277 : memref<1x125xi32, #tpu.memory_space<vmem>> -> memref<125xi32, #tpu.memory_space<vmem>>
          %dma_wait3A_279 = arith.constant 0 : i32
          %dma_wait3A_280 = arith.constant 0 : i32
          %dma_wait3A_281 = tpu.memref_slice %arg17[%dma_wait3A_279, %dma_wait3A_280] : memref<10000x64xf32, #tpu.memory_space<vmem_shared>> -> memref<10000x64xf32, #tpu.memory_space<vmem_shared>>
          tpu.wait_indirect_dma semaphore(%arg27 : memref<!tpu.dma_semaphore, #tpu.memory_space<semaphore_mem>>) src(%arg16 : memref<125x64xf32, #tpu.memory_space<vmem>>) dst(%dma_wait3A_281 : memref<10000x64xf32, #tpu.memory_space<vmem_shared>>)
          %add3A_282 = arith.constant 5 : i32
          %add3A_283 = arith.addi %add3A_275, %add3A_282 : i32
          %dma_start3A_284 = arith.constant 0 : i32
          %dma_start3A_285 = tpu.memref_slice %arg10[%add3A_283, %dma_start3A_284] : memref<160x125xi32, #tpu.memory_space<vmem>> -> memref<1x125xi32, #tpu.memory_space<vmem>>
          %dma_start3A_286 = tpu.memref_squeeze %dma_start3A_285 : memref<1x125xi32, #tpu.memory_space<vmem>> -> memref<125xi32, #tpu.memory_space<vmem>>
          %dma_start3A_287 = arith.constant 0 : i32
          %dma_start3A_288 = arith.constant 0 : i32
          %dma_start3A_289 = tpu.memref_slice %arg2[%dma_start3A_287, %dma_start3A_288] : memref<10000x64xf32, #tpu.memory_space<hbm>> -> memref<10000x64xf32, #tpu.memory_space<hbm>>
          tpu.enqueue_indirect_dma source(%dma_start3A_289 : memref<10000x64xf32, #tpu.memory_space<hbm>>) target(%arg16 : memref<125x64xf32, #tpu.memory_space<vmem>>) offsets(%dma_start3A_286 : memref<125xi32, #tpu.memory_space<vmem>>) semaphore(%arg22 : memref<!tpu.dma_semaphore, #tpu.memory_space<semaphore_mem>>)
        } else {
        }
      }
      %scan3A_98 = arith.constant 32 : i32
      %dma_wait3A = arith.constant 155 : i32
      %dma_wait3A_99 = arith.constant 0 : i32
      %dma_wait3A_100 = tpu.memref_slice %arg11[%dma_wait3A, %dma_wait3A_99] : memref<160x125xi32, #tpu.memory_space<vmem>> -> memref<1x125xi32, #tpu.memory_space<vmem>>
      %dma_wait3A_101 = tpu.memref_squeeze %dma_wait3A_100 : memref<1x125xi32, #tpu.memory_space<vmem>> -> memref<125xi32, #tpu.memory_space<vmem>>
      %dma_wait3A_102 = arith.constant 0 : i32
      %dma_wait3A_103 = arith.constant 0 : i32
      %dma_wait3A_104 = tpu.memref_slice %arg17[%dma_wait3A_102, %dma_wait3A_103] : memref<10000x64xf32, #tpu.memory_space<vmem_shared>> -> memref<10000x64xf32, #tpu.memory_space<vmem_shared>>
      tpu.wait_indirect_dma semaphore(%arg23 : memref<!tpu.dma_semaphore, #tpu.memory_space<semaphore_mem>>) src(%arg12 : memref<125x64xf32, #tpu.memory_space<vmem>>) dst(%dma_wait3A_104 : memref<10000x64xf32, #tpu.memory_space<vmem_shared>>)
      %dma_wait3A_105 = arith.constant 156 : i32
      %dma_wait3A_106 = arith.constant 0 : i32
      %dma_wait3A_107 = tpu.memref_slice %arg11[%dma_wait3A_105, %dma_wait3A_106] : memref<160x125xi32, #tpu.memory_space<vmem>> -> memref<1x125xi32, #tpu.memory_space<vmem>>
      %dma_wait3A_108 = tpu.memref_squeeze %dma_wait3A_107 : memref<1x125xi32, #tpu.memory_space<vmem>> -> memref<125xi32, #tpu.memory_space<vmem>>
      %dma_wait3A_109 = arith.constant 0 : i32
      %dma_wait3A_110 = arith.constant 0 : i32
      %dma_wait3A_111 = tpu.memref_slice %arg17[%dma_wait3A_109, %dma_wait3A_110] : memref<10000x64xf32, #tpu.memory_space<vmem_shared>> -> memref<10000x64xf32, #tpu.memory_space<vmem_shared>>
      tpu.wait_indirect_dma semaphore(%arg24 : memref<!tpu.dma_semaphore, #tpu.memory_space<semaphore_mem>>) src(%arg13 : memref<125x64xf32, #tpu.memory_space<vmem>>) dst(%dma_wait3A_111 : memref<10000x64xf32, #tpu.memory_space<vmem_shared>>)
      %dma_wait3A_112 = arith.constant 157 : i32
      %dma_wait3A_113 = arith.constant 0 : i32
      %dma_wait3A_114 = tpu.memref_slice %arg11[%dma_wait3A_112, %dma_wait3A_113] : memref<160x125xi32, #tpu.memory_space<vmem>> -> memref<1x125xi32, #tpu.memory_space<vmem>>
      %dma_wait3A_115 = tpu.memref_squeeze %dma_wait3A_114 : memref<1x125xi32, #tpu.memory_space<vmem>> -> memref<125xi32, #tpu.memory_space<vmem>>
      %dma_wait3A_116 = arith.constant 0 : i32
      %dma_wait3A_117 = arith.constant 0 : i32
      %dma_wait3A_118 = tpu.memref_slice %arg17[%dma_wait3A_116, %dma_wait3A_117] : memref<10000x64xf32, #tpu.memory_space<vmem_shared>> -> memref<10000x64xf32, #tpu.memory_space<vmem_shared>>
      tpu.wait_indirect_dma semaphore(%arg25 : memref<!tpu.dma_semaphore, #tpu.memory_space<semaphore_mem>>) src(%arg14 : memref<125x64xf32, #tpu.memory_space<vmem>>) dst(%dma_wait3A_118 : memref<10000x64xf32, #tpu.memory_space<vmem_shared>>)
      %dma_wait3A_119 = arith.constant 158 : i32
      %dma_wait3A_120 = arith.constant 0 : i32
      %dma_wait3A_121 = tpu.memref_slice %arg11[%dma_wait3A_119, %dma_wait3A_120] : memref<160x125xi32, #tpu.memory_space<vmem>> -> memref<1x125xi32, #tpu.memory_space<vmem>>
      %dma_wait3A_122 = tpu.memref_squeeze %dma_wait3A_121 : memref<1x125xi32, #tpu.memory_space<vmem>> -> memref<125xi32, #tpu.memory_space<vmem>>
      %dma_wait3A_123 = arith.constant 0 : i32
      %dma_wait3A_124 = arith.constant 0 : i32
      %dma_wait3A_125 = tpu.memref_slice %arg17[%dma_wait3A_123, %dma_wait3A_124] : memref<10000x64xf32, #tpu.memory_space<vmem_shared>> -> memref<10000x64xf32, #tpu.memory_space<vmem_shared>>
      tpu.wait_indirect_dma semaphore(%arg26 : memref<!tpu.dma_semaphore, #tpu.memory_space<semaphore_mem>>) src(%arg15 : memref<125x64xf32, #tpu.memory_space<vmem>>) dst(%dma_wait3A_125 : memref<10000x64xf32, #tpu.memory_space<vmem_shared>>)
      %dma_wait3A_126 = arith.constant 159 : i32
      %dma_wait3A_127 = arith.constant 0 : i32
      %dma_wait3A_128 = tpu.memref_slice %arg11[%dma_wait3A_126, %dma_wait3A_127] : memref<160x125xi32, #tpu.memory_space<vmem>> -> memref<1x125xi32, #tpu.memory_space<vmem>>
      %dma_wait3A_129 = tpu.memref_squeeze %dma_wait3A_128 : memref<1x125xi32, #tpu.memory_space<vmem>> -> memref<125xi32, #tpu.memory_space<vmem>>
      %dma_wait3A_130 = arith.constant 0 : i32
      %dma_wait3A_131 = arith.constant 0 : i32
      %dma_wait3A_132 = tpu.memref_slice %arg17[%dma_wait3A_130, %dma_wait3A_131] : memref<10000x64xf32, #tpu.memory_space<vmem_shared>> -> memref<10000x64xf32, #tpu.memory_space<vmem_shared>>
      tpu.wait_indirect_dma semaphore(%arg27 : memref<!tpu.dma_semaphore, #tpu.memory_space<semaphore_mem>>) src(%arg16 : memref<125x64xf32, #tpu.memory_space<vmem>>) dst(%dma_wait3A_132 : memref<10000x64xf32, #tpu.memory_space<vmem_shared>>)
    } else {
    }
    %eq3A_11 = arith.constant 1 : i32
    %eq3A_12 = arith.cmpi eq, %arg0, %eq3A_11 : i32
    %convert_element_type3A_13 = arith.extui %eq3A_12 : i1 to i32
    %cond3A_14 = arith.constant 0 : i32
    %cond3A_15 = arith.cmpi ne, %convert_element_type3A_13, %cond3A_14 : i32
    scf.if %cond3A_15 {
      %dma_start3A = arith.constant 0 : i32
      %dma_start3A_60 = arith.constant 0 : i32
      %dma_start3A_61 = tpu.memref_slice %arg10[%dma_start3A, %dma_start3A_60] : memref<160x125xi32, #tpu.memory_space<vmem>> -> memref<1x125xi32, #tpu.memory_space<vmem>>
      %dma_start3A_62 = tpu.memref_squeeze %dma_start3A_61 : memref<1x125xi32, #tpu.memory_space<vmem>> -> memref<125xi32, #tpu.memory_space<vmem>>
      %dma_start3A_63 = arith.constant 0 : i32
      %dma_start3A_64 = arith.constant 0 : i32
      %dma_start3A_65 = tpu.memref_slice %arg3[%dma_start3A_63, %dma_start3A_64] : memref<10000x64xf32, #tpu.memory_space<hbm>> -> memref<10000x64xf32, #tpu.memory_space<hbm>>
      tpu.enqueue_indirect_dma source(%dma_start3A_65 : memref<10000x64xf32, #tpu.memory_space<hbm>>) target(%arg12 : memref<125x64xf32, #tpu.memory_space<vmem>>) offsets(%dma_start3A_62 : memref<125xi32, #tpu.memory_space<vmem>>) semaphore(%arg18 : memref<!tpu.dma_semaphore, #tpu.memory_space<semaphore_mem>>)
      %dma_start3A_66 = arith.constant 1 : i32
      %dma_start3A_67 = arith.constant 0 : i32
      %dma_start3A_68 = tpu.memref_slice %arg10[%dma_start3A_66, %dma_start3A_67] : memref<160x125xi32, #tpu.memory_space<vmem>> -> memref<1x125xi32, #tpu.memory_space<vmem>>
      %dma_start3A_69 = tpu.memref_squeeze %dma_start3A_68 : memref<1x125xi32, #tpu.memory_space<vmem>> -> memref<125xi32, #tpu.memory_space<vmem>>
      %dma_start3A_70 = arith.constant 0 : i32
      %dma_start3A_71 = arith.constant 0 : i32
      %dma_start3A_72 = tpu.memref_slice %arg3[%dma_start3A_70, %dma_start3A_71] : memref<10000x64xf32, #tpu.memory_space<hbm>> -> memref<10000x64xf32, #tpu.memory_space<hbm>>
      tpu.enqueue_indirect_dma source(%dma_start3A_72 : memref<10000x64xf32, #tpu.memory_space<hbm>>) target(%arg13 : memref<125x64xf32, #tpu.memory_space<vmem>>) offsets(%dma_start3A_69 : memref<125xi32, #tpu.memory_space<vmem>>) semaphore(%arg19 : memref<!tpu.dma_semaphore, #tpu.memory_space<semaphore_mem>>)
      %dma_start3A_73 = arith.constant 2 : i32
      %dma_start3A_74 = arith.constant 0 : i32
      %dma_start3A_75 = tpu.memref_slice %arg10[%dma_start3A_73, %dma_start3A_74] : memref<160x125xi32, #tpu.memory_space<vmem>> -> memref<1x125xi32, #tpu.memory_space<vmem>>
      %dma_start3A_76 = tpu.memref_squeeze %dma_start3A_75 : memref<1x125xi32, #tpu.memory_space<vmem>> -> memref<125xi32, #tpu.memory_space<vmem>>
      %dma_start3A_77 = arith.constant 0 : i32
      %dma_start3A_78 = arith.constant 0 : i32
      %dma_start3A_79 = tpu.memref_slice %arg3[%dma_start3A_77, %dma_start3A_78] : memref<10000x64xf32, #tpu.memory_space<hbm>> -> memref<10000x64xf32, #tpu.memory_space<hbm>>
      tpu.enqueue_indirect_dma source(%dma_start3A_79 : memref<10000x64xf32, #tpu.memory_space<hbm>>) target(%arg14 : memref<125x64xf32, #tpu.memory_space<vmem>>) offsets(%dma_start3A_76 : memref<125xi32, #tpu.memory_space<vmem>>) semaphore(%arg20 : memref<!tpu.dma_semaphore, #tpu.memory_space<semaphore_mem>>)
      %dma_start3A_80 = arith.constant 3 : i32
      %dma_start3A_81 = arith.constant 0 : i32
      %dma_start3A_82 = tpu.memref_slice %arg10[%dma_start3A_80, %dma_start3A_81] : memref<160x125xi32, #tpu.memory_space<vmem>> -> memref<1x125xi32, #tpu.memory_space<vmem>>
      %dma_start3A_83 = tpu.memref_squeeze %dma_start3A_82 : memref<1x125xi32, #tpu.memory_space<vmem>> -> memref<125xi32, #tpu.memory_space<vmem>>
      %dma_start3A_84 = arith.constant 0 : i32
      %dma_start3A_85 = arith.constant 0 : i32
      %dma_start3A_86 = tpu.memref_slice %arg3[%dma_start3A_84, %dma_start3A_85] : memref<10000x64xf32, #tpu.memory_space<hbm>> -> memref<10000x64xf32, #tpu.memory_space<hbm>>
      tpu.enqueue_indirect_dma source(%dma_start3A_86 : memref<10000x64xf32, #tpu.memory_space<hbm>>) target(%arg15 : memref<125x64xf32, #tpu.memory_space<vmem>>) offsets(%dma_start3A_83 : memref<125xi32, #tpu.memory_space<vmem>>) semaphore(%arg21 : memref<!tpu.dma_semaphore, #tpu.memory_space<semaphore_mem>>)
      %dma_start3A_87 = arith.constant 4 : i32
      %dma_start3A_88 = arith.constant 0 : i32
      %dma_start3A_89 = tpu.memref_slice %arg10[%dma_start3A_87, %dma_start3A_88] : memref<160x125xi32, #tpu.memory_space<vmem>> -> memref<1x125xi32, #tpu.memory_space<vmem>>
      %dma_start3A_90 = tpu.memref_squeeze %dma_start3A_89 : memref<1x125xi32, #tpu.memory_space<vmem>> -> memref<125xi32, #tpu.memory_space<vmem>>
      %dma_start3A_91 = arith.constant 0 : i32
      %dma_start3A_92 = arith.constant 0 : i32
      %dma_start3A_93 = tpu.memref_slice %arg3[%dma_start3A_91, %dma_start3A_92] : memref<10000x64xf32, #tpu.memory_space<hbm>> -> memref<10000x64xf32, #tpu.memory_space<hbm>>
      tpu.enqueue_indirect_dma source(%dma_start3A_93 : memref<10000x64xf32, #tpu.memory_space<hbm>>) target(%arg16 : memref<125x64xf32, #tpu.memory_space<vmem>>) offsets(%dma_start3A_90 : memref<125xi32, #tpu.memory_space<vmem>>) semaphore(%arg22 : memref<!tpu.dma_semaphore, #tpu.memory_space<semaphore_mem>>)
      %scan3A = arith.constant 0 : i32
      %scan3A_94 = arith.constant 0 : i32
      %scan3A_95 = arith.constant 32 : i32
      %scan3A_96 = arith.addi %scan3A_94, %scan3A_95 : i32
      %scan3A_97 = arith.constant 1 : i32
      scf.for %scan3A_133 = %scan3A_94 to %scan3A_96 step %scan3A_97  : i32 {
        %mul3A = arith.constant 5 : i32
        %mul3A_134 = arith.muli %scan3A_133, %mul3A : i32
        %add3A_135 = arith.constant 0 : i32
        %add3A_136 = arith.addi %mul3A_134, %add3A_135 : i32
        %dma_wait3A_137 = arith.constant 0 : i32
        %dma_wait3A_138 = tpu.memref_slice %arg10[%add3A_136, %dma_wait3A_137] : memref<160x125xi32, #tpu.memory_space<vmem>> -> memref<1x125xi32, #tpu.memory_space<vmem>>
        %dma_wait3A_139 = tpu.memref_squeeze %dma_wait3A_138 : memref<1x125xi32, #tpu.memory_space<vmem>> -> memref<125xi32, #tpu.memory_space<vmem>>
        %dma_wait3A_140 = arith.constant 0 : i32
        %dma_wait3A_141 = arith.constant 0 : i32
        %dma_wait3A_142 = tpu.memref_slice %arg3[%dma_wait3A_140, %dma_wait3A_141] : memref<10000x64xf32, #tpu.memory_space<hbm>> -> memref<10000x64xf32, #tpu.memory_space<hbm>>
        tpu.wait_indirect_dma semaphore(%arg18 : memref<!tpu.dma_semaphore, #tpu.memory_space<semaphore_mem>>) src(%dma_wait3A_142 : memref<10000x64xf32, #tpu.memory_space<hbm>>) dst(%arg12 : memref<125x64xf32, #tpu.memory_space<vmem>>)
        %dma_start3A_143 = arith.constant 0 : i32
        %dma_start3A_144 = tpu.memref_slice %arg11[%add3A_136, %dma_start3A_143] : memref<160x125xi32, #tpu.memory_space<vmem>> -> memref<1x125xi32, #tpu.memory_space<vmem>>
        %dma_start3A_145 = tpu.memref_squeeze %dma_start3A_144 : memref<1x125xi32, #tpu.memory_space<vmem>> -> memref<125xi32, #tpu.memory_space<vmem>>
        %dma_start3A_146 = arith.constant 0 : i32
        %dma_start3A_147 = arith.constant 0 : i32
        %dma_start3A_148 = tpu.memref_slice %arg17[%dma_start3A_146, %dma_start3A_147] : memref<10000x64xf32, #tpu.memory_space<vmem_shared>> -> memref<10000x64xf32, #tpu.memory_space<vmem_shared>>
        tpu.enqueue_indirect_dma source(%arg12 : memref<125x64xf32, #tpu.memory_space<vmem>>) target(%dma_start3A_148 : memref<10000x64xf32, #tpu.memory_space<vmem_shared>>) offsets(%dma_start3A_145 : memref<125xi32, #tpu.memory_space<vmem>>) semaphore(%arg23 : memref<!tpu.dma_semaphore, #tpu.memory_space<semaphore_mem>>) {add = true}
        %add3A_149 = arith.constant 1 : i32
        %add3A_150 = arith.addi %mul3A_134, %add3A_149 : i32
        %dma_wait3A_151 = arith.constant 0 : i32
        %dma_wait3A_152 = tpu.memref_slice %arg10[%add3A_150, %dma_wait3A_151] : memref<160x125xi32, #tpu.memory_space<vmem>> -> memref<1x125xi32, #tpu.memory_space<vmem>>
        %dma_wait3A_153 = tpu.memref_squeeze %dma_wait3A_152 : memref<1x125xi32, #tpu.memory_space<vmem>> -> memref<125xi32, #tpu.memory_space<vmem>>
        %dma_wait3A_154 = arith.constant 0 : i32
        %dma_wait3A_155 = arith.constant 0 : i32
        %dma_wait3A_156 = tpu.memref_slice %arg3[%dma_wait3A_154, %dma_wait3A_155] : memref<10000x64xf32, #tpu.memory_space<hbm>> -> memref<10000x64xf32, #tpu.memory_space<hbm>>
        tpu.wait_indirect_dma semaphore(%arg19 : memref<!tpu.dma_semaphore, #tpu.memory_space<semaphore_mem>>) src(%dma_wait3A_156 : memref<10000x64xf32, #tpu.memory_space<hbm>>) dst(%arg13 : memref<125x64xf32, #tpu.memory_space<vmem>>)
        %dma_start3A_157 = arith.constant 0 : i32
        %dma_start3A_158 = tpu.memref_slice %arg11[%add3A_150, %dma_start3A_157] : memref<160x125xi32, #tpu.memory_space<vmem>> -> memref<1x125xi32, #tpu.memory_space<vmem>>
        %dma_start3A_159 = tpu.memref_squeeze %dma_start3A_158 : memref<1x125xi32, #tpu.memory_space<vmem>> -> memref<125xi32, #tpu.memory_space<vmem>>
        %dma_start3A_160 = arith.constant 0 : i32
        %dma_start3A_161 = arith.constant 0 : i32
        %dma_start3A_162 = tpu.memref_slice %arg17[%dma_start3A_160, %dma_start3A_161] : memref<10000x64xf32, #tpu.memory_space<vmem_shared>> -> memref<10000x64xf32, #tpu.memory_space<vmem_shared>>
        tpu.enqueue_indirect_dma source(%arg13 : memref<125x64xf32, #tpu.memory_space<vmem>>) target(%dma_start3A_162 : memref<10000x64xf32, #tpu.memory_space<vmem_shared>>) offsets(%dma_start3A_159 : memref<125xi32, #tpu.memory_space<vmem>>) semaphore(%arg24 : memref<!tpu.dma_semaphore, #tpu.memory_space<semaphore_mem>>) {add = true}
        %add3A_163 = arith.constant 2 : i32
        %add3A_164 = arith.addi %mul3A_134, %add3A_163 : i32
        %dma_wait3A_165 = arith.constant 0 : i32
        %dma_wait3A_166 = tpu.memref_slice %arg10[%add3A_164, %dma_wait3A_165] : memref<160x125xi32, #tpu.memory_space<vmem>> -> memref<1x125xi32, #tpu.memory_space<vmem>>
        %dma_wait3A_167 = tpu.memref_squeeze %dma_wait3A_166 : memref<1x125xi32, #tpu.memory_space<vmem>> -> memref<125xi32, #tpu.memory_space<vmem>>
        %dma_wait3A_168 = arith.constant 0 : i32
        %dma_wait3A_169 = arith.constant 0 : i32
        %dma_wait3A_170 = tpu.memref_slice %arg3[%dma_wait3A_168, %dma_wait3A_169] : memref<10000x64xf32, #tpu.memory_space<hbm>> -> memref<10000x64xf32, #tpu.memory_space<hbm>>
        tpu.wait_indirect_dma semaphore(%arg20 : memref<!tpu.dma_semaphore, #tpu.memory_space<semaphore_mem>>) src(%dma_wait3A_170 : memref<10000x64xf32, #tpu.memory_space<hbm>>) dst(%arg14 : memref<125x64xf32, #tpu.memory_space<vmem>>)
        %dma_start3A_171 = arith.constant 0 : i32
        %dma_start3A_172 = tpu.memref_slice %arg11[%add3A_164, %dma_start3A_171] : memref<160x125xi32, #tpu.memory_space<vmem>> -> memref<1x125xi32, #tpu.memory_space<vmem>>
        %dma_start3A_173 = tpu.memref_squeeze %dma_start3A_172 : memref<1x125xi32, #tpu.memory_space<vmem>> -> memref<125xi32, #tpu.memory_space<vmem>>
        %dma_start3A_174 = arith.constant 0 : i32
        %dma_start3A_175 = arith.constant 0 : i32
        %dma_start3A_176 = tpu.memref_slice %arg17[%dma_start3A_174, %dma_start3A_175] : memref<10000x64xf32, #tpu.memory_space<vmem_shared>> -> memref<10000x64xf32, #tpu.memory_space<vmem_shared>>
        tpu.enqueue_indirect_dma source(%arg14 : memref<125x64xf32, #tpu.memory_space<vmem>>) target(%dma_start3A_176 : memref<10000x64xf32, #tpu.memory_space<vmem_shared>>) offsets(%dma_start3A_173 : memref<125xi32, #tpu.memory_space<vmem>>) semaphore(%arg25 : memref<!tpu.dma_semaphore, #tpu.memory_space<semaphore_mem>>) {add = true}
        %add3A_177 = arith.constant 3 : i32
        %add3A_178 = arith.addi %mul3A_134, %add3A_177 : i32
        %dma_wait3A_179 = arith.constant 0 : i32
        %dma_wait3A_180 = tpu.memref_slice %arg10[%add3A_178, %dma_wait3A_179] : memref<160x125xi32, #tpu.memory_space<vmem>> -> memref<1x125xi32, #tpu.memory_space<vmem>>
        %dma_wait3A_181 = tpu.memref_squeeze %dma_wait3A_180 : memref<1x125xi32, #tpu.memory_space<vmem>> -> memref<125xi32, #tpu.memory_space<vmem>>
        %dma_wait3A_182 = arith.constant 0 : i32
        %dma_wait3A_183 = arith.constant 0 : i32
        %dma_wait3A_184 = tpu.memref_slice %arg3[%dma_wait3A_182, %dma_wait3A_183] : memref<10000x64xf32, #tpu.memory_space<hbm>> -> memref<10000x64xf32, #tpu.memory_space<hbm>>
        tpu.wait_indirect_dma semaphore(%arg21 : memref<!tpu.dma_semaphore, #tpu.memory_space<semaphore_mem>>) src(%dma_wait3A_184 : memref<10000x64xf32, #tpu.memory_space<hbm>>) dst(%arg15 : memref<125x64xf32, #tpu.memory_space<vmem>>)
        %dma_start3A_185 = arith.constant 0 : i32
        %dma_start3A_186 = tpu.memref_slice %arg11[%add3A_178, %dma_start3A_185] : memref<160x125xi32, #tpu.memory_space<vmem>> -> memref<1x125xi32, #tpu.memory_space<vmem>>
        %dma_start3A_187 = tpu.memref_squeeze %dma_start3A_186 : memref<1x125xi32, #tpu.memory_space<vmem>> -> memref<125xi32, #tpu.memory_space<vmem>>
        %dma_start3A_188 = arith.constant 0 : i32
        %dma_start3A_189 = arith.constant 0 : i32
        %dma_start3A_190 = tpu.memref_slice %arg17[%dma_start3A_188, %dma_start3A_189] : memref<10000x64xf32, #tpu.memory_space<vmem_shared>> -> memref<10000x64xf32, #tpu.memory_space<vmem_shared>>
        tpu.enqueue_indirect_dma source(%arg15 : memref<125x64xf32, #tpu.memory_space<vmem>>) target(%dma_start3A_190 : memref<10000x64xf32, #tpu.memory_space<vmem_shared>>) offsets(%dma_start3A_187 : memref<125xi32, #tpu.memory_space<vmem>>) semaphore(%arg26 : memref<!tpu.dma_semaphore, #tpu.memory_space<semaphore_mem>>) {add = true}
        %add3A_191 = arith.constant 4 : i32
        %add3A_192 = arith.addi %mul3A_134, %add3A_191 : i32
        %dma_wait3A_193 = arith.constant 0 : i32
        %dma_wait3A_194 = tpu.memref_slice %arg10[%add3A_192, %dma_wait3A_193] : memref<160x125xi32, #tpu.memory_space<vmem>> -> memref<1x125xi32, #tpu.memory_space<vmem>>
        %dma_wait3A_195 = tpu.memref_squeeze %dma_wait3A_194 : memref<1x125xi32, #tpu.memory_space<vmem>> -> memref<125xi32, #tpu.memory_space<vmem>>
        %dma_wait3A_196 = arith.constant 0 : i32
        %dma_wait3A_197 = arith.constant 0 : i32
        %dma_wait3A_198 = tpu.memref_slice %arg3[%dma_wait3A_196, %dma_wait3A_197] : memref<10000x64xf32, #tpu.memory_space<hbm>> -> memref<10000x64xf32, #tpu.memory_space<hbm>>
        tpu.wait_indirect_dma semaphore(%arg22 : memref<!tpu.dma_semaphore, #tpu.memory_space<semaphore_mem>>) src(%dma_wait3A_198 : memref<10000x64xf32, #tpu.memory_space<hbm>>) dst(%arg16 : memref<125x64xf32, #tpu.memory_space<vmem>>)
        %dma_start3A_199 = arith.constant 0 : i32
        %dma_start3A_200 = tpu.memref_slice %arg11[%add3A_192, %dma_start3A_199] : memref<160x125xi32, #tpu.memory_space<vmem>> -> memref<1x125xi32, #tpu.memory_space<vmem>>
        %dma_start3A_201 = tpu.memref_squeeze %dma_start3A_200 : memref<1x125xi32, #tpu.memory_space<vmem>> -> memref<125xi32, #tpu.memory_space<vmem>>
        %dma_start3A_202 = arith.constant 0 : i32
        %dma_start3A_203 = arith.constant 0 : i32
        %dma_start3A_204 = tpu.memref_slice %arg17[%dma_start3A_202, %dma_start3A_203] : memref<10000x64xf32, #tpu.memory_space<vmem_shared>> -> memref<10000x64xf32, #tpu.memory_space<vmem_shared>>
        tpu.enqueue_indirect_dma source(%arg16 : memref<125x64xf32, #tpu.memory_space<vmem>>) target(%dma_start3A_204 : memref<10000x64xf32, #tpu.memory_space<vmem_shared>>) offsets(%dma_start3A_201 : memref<125xi32, #tpu.memory_space<vmem>>) semaphore(%arg27 : memref<!tpu.dma_semaphore, #tpu.memory_space<semaphore_mem>>) {add = true}
        %lt3A_205 = arith.constant 31 : i32
        %lt3A_206 = arith.cmpi slt, %scan3A_133, %lt3A_205 : i32
        %convert_element_type3A_207 = arith.extui %lt3A_206 : i1 to i32
        %cond3A_208 = arith.constant 0 : i32
        %cond3A_209 = arith.cmpi ne, %convert_element_type3A_207, %cond3A_208 : i32
        scf.if %cond3A_209 {
          %add3A_210 = arith.constant 0 : i32
          %add3A_211 = arith.addi %mul3A_134, %add3A_210 : i32
          %dma_wait3A_212 = arith.constant 0 : i32
          %dma_wait3A_213 = tpu.memref_slice %arg11[%add3A_211, %dma_wait3A_212] : memref<160x125xi32, #tpu.memory_space<vmem>> -> memref<1x125xi32, #tpu.memory_space<vmem>>
          %dma_wait3A_214 = tpu.memref_squeeze %dma_wait3A_213 : memref<1x125xi32, #tpu.memory_space<vmem>> -> memref<125xi32, #tpu.memory_space<vmem>>
          %dma_wait3A_215 = arith.constant 0 : i32
          %dma_wait3A_216 = arith.constant 0 : i32
          %dma_wait3A_217 = tpu.memref_slice %arg17[%dma_wait3A_215, %dma_wait3A_216] : memref<10000x64xf32, #tpu.memory_space<vmem_shared>> -> memref<10000x64xf32, #tpu.memory_space<vmem_shared>>
          tpu.wait_indirect_dma semaphore(%arg23 : memref<!tpu.dma_semaphore, #tpu.memory_space<semaphore_mem>>) src(%arg12 : memref<125x64xf32, #tpu.memory_space<vmem>>) dst(%dma_wait3A_217 : memref<10000x64xf32, #tpu.memory_space<vmem_shared>>)
          %add3A_218 = arith.constant 5 : i32
          %add3A_219 = arith.addi %add3A_211, %add3A_218 : i32
          %dma_start3A_220 = arith.constant 0 : i32
          %dma_start3A_221 = tpu.memref_slice %arg10[%add3A_219, %dma_start3A_220] : memref<160x125xi32, #tpu.memory_space<vmem>> -> memref<1x125xi32, #tpu.memory_space<vmem>>
          %dma_start3A_222 = tpu.memref_squeeze %dma_start3A_221 : memref<1x125xi32, #tpu.memory_space<vmem>> -> memref<125xi32, #tpu.memory_space<vmem>>
          %dma_start3A_223 = arith.constant 0 : i32
          %dma_start3A_224 = arith.constant 0 : i32
          %dma_start3A_225 = tpu.memref_slice %arg3[%dma_start3A_223, %dma_start3A_224] : memref<10000x64xf32, #tpu.memory_space<hbm>> -> memref<10000x64xf32, #tpu.memory_space<hbm>>
          tpu.enqueue_indirect_dma source(%dma_start3A_225 : memref<10000x64xf32, #tpu.memory_space<hbm>>) target(%arg12 : memref<125x64xf32, #tpu.memory_space<vmem>>) offsets(%dma_start3A_222 : memref<125xi32, #tpu.memory_space<vmem>>) semaphore(%arg18 : memref<!tpu.dma_semaphore, #tpu.memory_space<semaphore_mem>>)
          %add3A_226 = arith.constant 1 : i32
          %add3A_227 = arith.addi %mul3A_134, %add3A_226 : i32
          %dma_wait3A_228 = arith.constant 0 : i32
          %dma_wait3A_229 = tpu.memref_slice %arg11[%add3A_227, %dma_wait3A_228] : memref<160x125xi32, #tpu.memory_space<vmem>> -> memref<1x125xi32, #tpu.memory_space<vmem>>
          %dma_wait3A_230 = tpu.memref_squeeze %dma_wait3A_229 : memref<1x125xi32, #tpu.memory_space<vmem>> -> memref<125xi32, #tpu.memory_space<vmem>>
          %dma_wait3A_231 = arith.constant 0 : i32
          %dma_wait3A_232 = arith.constant 0 : i32
          %dma_wait3A_233 = tpu.memref_slice %arg17[%dma_wait3A_231, %dma_wait3A_232] : memref<10000x64xf32, #tpu.memory_space<vmem_shared>> -> memref<10000x64xf32, #tpu.memory_space<vmem_shared>>
          tpu.wait_indirect_dma semaphore(%arg24 : memref<!tpu.dma_semaphore, #tpu.memory_space<semaphore_mem>>) src(%arg13 : memref<125x64xf32, #tpu.memory_space<vmem>>) dst(%dma_wait3A_233 : memref<10000x64xf32, #tpu.memory_space<vmem_shared>>)
          %add3A_234 = arith.constant 5 : i32
          %add3A_235 = arith.addi %add3A_227, %add3A_234 : i32
          %dma_start3A_236 = arith.constant 0 : i32
          %dma_start3A_237 = tpu.memref_slice %arg10[%add3A_235, %dma_start3A_236] : memref<160x125xi32, #tpu.memory_space<vmem>> -> memref<1x125xi32, #tpu.memory_space<vmem>>
          %dma_start3A_238 = tpu.memref_squeeze %dma_start3A_237 : memref<1x125xi32, #tpu.memory_space<vmem>> -> memref<125xi32, #tpu.memory_space<vmem>>
          %dma_start3A_239 = arith.constant 0 : i32
          %dma_start3A_240 = arith.constant 0 : i32
          %dma_start3A_241 = tpu.memref_slice %arg3[%dma_start3A_239, %dma_start3A_240] : memref<10000x64xf32, #tpu.memory_space<hbm>> -> memref<10000x64xf32, #tpu.memory_space<hbm>>
          tpu.enqueue_indirect_dma source(%dma_start3A_241 : memref<10000x64xf32, #tpu.memory_space<hbm>>) target(%arg13 : memref<125x64xf32, #tpu.memory_space<vmem>>) offsets(%dma_start3A_238 : memref<125xi32, #tpu.memory_space<vmem>>) semaphore(%arg19 : memref<!tpu.dma_semaphore, #tpu.memory_space<semaphore_mem>>)
          %add3A_242 = arith.constant 2 : i32
          %add3A_243 = arith.addi %mul3A_134, %add3A_242 : i32
          %dma_wait3A_244 = arith.constant 0 : i32
          %dma_wait3A_245 = tpu.memref_slice %arg11[%add3A_243, %dma_wait3A_244] : memref<160x125xi32, #tpu.memory_space<vmem>> -> memref<1x125xi32, #tpu.memory_space<vmem>>
          %dma_wait3A_246 = tpu.memref_squeeze %dma_wait3A_245 : memref<1x125xi32, #tpu.memory_space<vmem>> -> memref<125xi32, #tpu.memory_space<vmem>>
          %dma_wait3A_247 = arith.constant 0 : i32
          %dma_wait3A_248 = arith.constant 0 : i32
          %dma_wait3A_249 = tpu.memref_slice %arg17[%dma_wait3A_247, %dma_wait3A_248] : memref<10000x64xf32, #tpu.memory_space<vmem_shared>> -> memref<10000x64xf32, #tpu.memory_space<vmem_shared>>
          tpu.wait_indirect_dma semaphore(%arg25 : memref<!tpu.dma_semaphore, #tpu.memory_space<semaphore_mem>>) src(%arg14 : memref<125x64xf32, #tpu.memory_space<vmem>>) dst(%dma_wait3A_249 : memref<10000x64xf32, #tpu.memory_space<vmem_shared>>)
          %add3A_250 = arith.constant 5 : i32
          %add3A_251 = arith.addi %add3A_243, %add3A_250 : i32
          %dma_start3A_252 = arith.constant 0 : i32
          %dma_start3A_253 = tpu.memref_slice %arg10[%add3A_251, %dma_start3A_252] : memref<160x125xi32, #tpu.memory_space<vmem>> -> memref<1x125xi32, #tpu.memory_space<vmem>>
          %dma_start3A_254 = tpu.memref_squeeze %dma_start3A_253 : memref<1x125xi32, #tpu.memory_space<vmem>> -> memref<125xi32, #tpu.memory_space<vmem>>
          %dma_start3A_255 = arith.constant 0 : i32
          %dma_start3A_256 = arith.constant 0 : i32
          %dma_start3A_257 = tpu.memref_slice %arg3[%dma_start3A_255, %dma_start3A_256] : memref<10000x64xf32, #tpu.memory_space<hbm>> -> memref<10000x64xf32, #tpu.memory_space<hbm>>
          tpu.enqueue_indirect_dma source(%dma_start3A_257 : memref<10000x64xf32, #tpu.memory_space<hbm>>) target(%arg14 : memref<125x64xf32, #tpu.memory_space<vmem>>) offsets(%dma_start3A_254 : memref<125xi32, #tpu.memory_space<vmem>>) semaphore(%arg20 : memref<!tpu.dma_semaphore, #tpu.memory_space<semaphore_mem>>)
          %add3A_258 = arith.constant 3 : i32
          %add3A_259 = arith.addi %mul3A_134, %add3A_258 : i32
          %dma_wait3A_260 = arith.constant 0 : i32
          %dma_wait3A_261 = tpu.memref_slice %arg11[%add3A_259, %dma_wait3A_260] : memref<160x125xi32, #tpu.memory_space<vmem>> -> memref<1x125xi32, #tpu.memory_space<vmem>>
          %dma_wait3A_262 = tpu.memref_squeeze %dma_wait3A_261 : memref<1x125xi32, #tpu.memory_space<vmem>> -> memref<125xi32, #tpu.memory_space<vmem>>
          %dma_wait3A_263 = arith.constant 0 : i32
          %dma_wait3A_264 = arith.constant 0 : i32
          %dma_wait3A_265 = tpu.memref_slice %arg17[%dma_wait3A_263, %dma_wait3A_264] : memref<10000x64xf32, #tpu.memory_space<vmem_shared>> -> memref<10000x64xf32, #tpu.memory_space<vmem_shared>>
          tpu.wait_indirect_dma semaphore(%arg26 : memref<!tpu.dma_semaphore, #tpu.memory_space<semaphore_mem>>) src(%arg15 : memref<125x64xf32, #tpu.memory_space<vmem>>) dst(%dma_wait3A_265 : memref<10000x64xf32, #tpu.memory_space<vmem_shared>>)
          %add3A_266 = arith.constant 5 : i32
          %add3A_267 = arith.addi %add3A_259, %add3A_266 : i32
          %dma_start3A_268 = arith.constant 0 : i32
          %dma_start3A_269 = tpu.memref_slice %arg10[%add3A_267, %dma_start3A_268] : memref<160x125xi32, #tpu.memory_space<vmem>> -> memref<1x125xi32, #tpu.memory_space<vmem>>
          %dma_start3A_270 = tpu.memref_squeeze %dma_start3A_269 : memref<1x125xi32, #tpu.memory_space<vmem>> -> memref<125xi32, #tpu.memory_space<vmem>>
          %dma_start3A_271 = arith.constant 0 : i32
          %dma_start3A_272 = arith.constant 0 : i32
          %dma_start3A_273 = tpu.memref_slice %arg3[%dma_start3A_271, %dma_start3A_272] : memref<10000x64xf32, #tpu.memory_space<hbm>> -> memref<10000x64xf32, #tpu.memory_space<hbm>>
          tpu.enqueue_indirect_dma source(%dma_start3A_273 : memref<10000x64xf32, #tpu.memory_space<hbm>>) target(%arg15 : memref<125x64xf32, #tpu.memory_space<vmem>>) offsets(%dma_start3A_270 : memref<125xi32, #tpu.memory_space<vmem>>) semaphore(%arg21 : memref<!tpu.dma_semaphore, #tpu.memory_space<semaphore_mem>>)
          %add3A_274 = arith.constant 4 : i32
          %add3A_275 = arith.addi %mul3A_134, %add3A_274 : i32
          %dma_wait3A_276 = arith.constant 0 : i32
          %dma_wait3A_277 = tpu.memref_slice %arg11[%add3A_275, %dma_wait3A_276] : memref<160x125xi32, #tpu.memory_space<vmem>> -> memref<1x125xi32, #tpu.memory_space<vmem>>
          %dma_wait3A_278 = tpu.memref_squeeze %dma_wait3A_277 : memref<1x125xi32, #tpu.memory_space<vmem>> -> memref<125xi32, #tpu.memory_space<vmem>>
          %dma_wait3A_279 = arith.constant 0 : i32
          %dma_wait3A_280 = arith.constant 0 : i32
          %dma_wait3A_281 = tpu.memref_slice %arg17[%dma_wait3A_279, %dma_wait3A_280] : memref<10000x64xf32, #tpu.memory_space<vmem_shared>> -> memref<10000x64xf32, #tpu.memory_space<vmem_shared>>
          tpu.wait_indirect_dma semaphore(%arg27 : memref<!tpu.dma_semaphore, #tpu.memory_space<semaphore_mem>>) src(%arg16 : memref<125x64xf32, #tpu.memory_space<vmem>>) dst(%dma_wait3A_281 : memref<10000x64xf32, #tpu.memory_space<vmem_shared>>)
          %add3A_282 = arith.constant 5 : i32
          %add3A_283 = arith.addi %add3A_275, %add3A_282 : i32
          %dma_start3A_284 = arith.constant 0 : i32
          %dma_start3A_285 = tpu.memref_slice %arg10[%add3A_283, %dma_start3A_284] : memref<160x125xi32, #tpu.memory_space<vmem>> -> memref<1x125xi32, #tpu.memory_space<vmem>>
          %dma_start3A_286 = tpu.memref_squeeze %dma_start3A_285 : memref<1x125xi32, #tpu.memory_space<vmem>> -> memref<125xi32, #tpu.memory_space<vmem>>
          %dma_start3A_287 = arith.constant 0 : i32
          %dma_start3A_288 = arith.constant 0 : i32
          %dma_start3A_289 = tpu.memref_slice %arg3[%dma_start3A_287, %dma_start3A_288] : memref<10000x64xf32, #tpu.memory_space<hbm>> -> memref<10000x64xf32, #tpu.memory_space<hbm>>
          tpu.enqueue_indirect_dma source(%dma_start3A_289 : memref<10000x64xf32, #tpu.memory_space<hbm>>) target(%arg16 : memref<125x64xf32, #tpu.memory_space<vmem>>) offsets(%dma_start3A_286 : memref<125xi32, #tpu.memory_space<vmem>>) semaphore(%arg22 : memref<!tpu.dma_semaphore, #tpu.memory_space<semaphore_mem>>)
        } else {
        }
      }
      %scan3A_98 = arith.constant 32 : i32
      %dma_wait3A = arith.constant 155 : i32
      %dma_wait3A_99 = arith.constant 0 : i32
      %dma_wait3A_100 = tpu.memref_slice %arg11[%dma_wait3A, %dma_wait3A_99] : memref<160x125xi32, #tpu.memory_space<vmem>> -> memref<1x125xi32, #tpu.memory_space<vmem>>
      %dma_wait3A_101 = tpu.memref_squeeze %dma_wait3A_100 : memref<1x125xi32, #tpu.memory_space<vmem>> -> memref<125xi32, #tpu.memory_space<vmem>>
      %dma_wait3A_102 = arith.constant 0 : i32
      %dma_wait3A_103 = arith.constant 0 : i32
      %dma_wait3A_104 = tpu.memref_slice %arg17[%dma_wait3A_102, %dma_wait3A_103] : memref<10000x64xf32, #tpu.memory_space<vmem_shared>> -> memref<10000x64xf32, #tpu.memory_space<vmem_shared>>
      tpu.wait_indirect_dma semaphore(%arg23 : memref<!tpu.dma_semaphore, #tpu.memory_space<semaphore_mem>>) src(%arg12 : memref<125x64xf32, #tpu.memory_space<vmem>>) dst(%dma_wait3A_104 : memref<10000x64xf32, #tpu.memory_space<vmem_shared>>)
      %dma_wait3A_105 = arith.constant 156 : i32
      %dma_wait3A_106 = arith.constant 0 : i32
      %dma_wait3A_107 = tpu.memref_slice %arg11[%dma_wait3A_105, %dma_wait3A_106] : memref<160x125xi32, #tpu.memory_space<vmem>> -> memref<1x125xi32, #tpu.memory_space<vmem>>
      %dma_wait3A_108 = tpu.memref_squeeze %dma_wait3A_107 : memref<1x125xi32, #tpu.memory_space<vmem>> -> memref<125xi32, #tpu.memory_space<vmem>>
      %dma_wait3A_109 = arith.constant 0 : i32
      %dma_wait3A_110 = arith.constant 0 : i32
      %dma_wait3A_111 = tpu.memref_slice %arg17[%dma_wait3A_109, %dma_wait3A_110] : memref<10000x64xf32, #tpu.memory_space<vmem_shared>> -> memref<10000x64xf32, #tpu.memory_space<vmem_shared>>
      tpu.wait_indirect_dma semaphore(%arg24 : memref<!tpu.dma_semaphore, #tpu.memory_space<semaphore_mem>>) src(%arg13 : memref<125x64xf32, #tpu.memory_space<vmem>>) dst(%dma_wait3A_111 : memref<10000x64xf32, #tpu.memory_space<vmem_shared>>)
      %dma_wait3A_112 = arith.constant 157 : i32
      %dma_wait3A_113 = arith.constant 0 : i32
      %dma_wait3A_114 = tpu.memref_slice %arg11[%dma_wait3A_112, %dma_wait3A_113] : memref<160x125xi32, #tpu.memory_space<vmem>> -> memref<1x125xi32, #tpu.memory_space<vmem>>
      %dma_wait3A_115 = tpu.memref_squeeze %dma_wait3A_114 : memref<1x125xi32, #tpu.memory_space<vmem>> -> memref<125xi32, #tpu.memory_space<vmem>>
      %dma_wait3A_116 = arith.constant 0 : i32
      %dma_wait3A_117 = arith.constant 0 : i32
      %dma_wait3A_118 = tpu.memref_slice %arg17[%dma_wait3A_116, %dma_wait3A_117] : memref<10000x64xf32, #tpu.memory_space<vmem_shared>> -> memref<10000x64xf32, #tpu.memory_space<vmem_shared>>
      tpu.wait_indirect_dma semaphore(%arg25 : memref<!tpu.dma_semaphore, #tpu.memory_space<semaphore_mem>>) src(%arg14 : memref<125x64xf32, #tpu.memory_space<vmem>>) dst(%dma_wait3A_118 : memref<10000x64xf32, #tpu.memory_space<vmem_shared>>)
      %dma_wait3A_119 = arith.constant 158 : i32
      %dma_wait3A_120 = arith.constant 0 : i32
      %dma_wait3A_121 = tpu.memref_slice %arg11[%dma_wait3A_119, %dma_wait3A_120] : memref<160x125xi32, #tpu.memory_space<vmem>> -> memref<1x125xi32, #tpu.memory_space<vmem>>
      %dma_wait3A_122 = tpu.memref_squeeze %dma_wait3A_121 : memref<1x125xi32, #tpu.memory_space<vmem>> -> memref<125xi32, #tpu.memory_space<vmem>>
      %dma_wait3A_123 = arith.constant 0 : i32
      %dma_wait3A_124 = arith.constant 0 : i32
      %dma_wait3A_125 = tpu.memref_slice %arg17[%dma_wait3A_123, %dma_wait3A_124] : memref<10000x64xf32, #tpu.memory_space<vmem_shared>> -> memref<10000x64xf32, #tpu.memory_space<vmem_shared>>
      tpu.wait_indirect_dma semaphore(%arg26 : memref<!tpu.dma_semaphore, #tpu.memory_space<semaphore_mem>>) src(%arg15 : memref<125x64xf32, #tpu.memory_space<vmem>>) dst(%dma_wait3A_125 : memref<10000x64xf32, #tpu.memory_space<vmem_shared>>)
      %dma_wait3A_126 = arith.constant 159 : i32
      %dma_wait3A_127 = arith.constant 0 : i32
      %dma_wait3A_128 = tpu.memref_slice %arg11[%dma_wait3A_126, %dma_wait3A_127] : memref<160x125xi32, #tpu.memory_space<vmem>> -> memref<1x125xi32, #tpu.memory_space<vmem>>
      %dma_wait3A_129 = tpu.memref_squeeze %dma_wait3A_128 : memref<1x125xi32, #tpu.memory_space<vmem>> -> memref<125xi32, #tpu.memory_space<vmem>>
      %dma_wait3A_130 = arith.constant 0 : i32
      %dma_wait3A_131 = arith.constant 0 : i32
      %dma_wait3A_132 = tpu.memref_slice %arg17[%dma_wait3A_130, %dma_wait3A_131] : memref<10000x64xf32, #tpu.memory_space<vmem_shared>> -> memref<10000x64xf32, #tpu.memory_space<vmem_shared>>
      tpu.wait_indirect_dma semaphore(%arg27 : memref<!tpu.dma_semaphore, #tpu.memory_space<semaphore_mem>>) src(%arg16 : memref<125x64xf32, #tpu.memory_space<vmem>>) dst(%dma_wait3A_132 : memref<10000x64xf32, #tpu.memory_space<vmem_shared>>)
    } else {
    }
    %barrier3A_16 = arith.constant 0 : index
    tpu.barrier barrier_id(%barrier3A_16)
    %lt3A_17 = arith.constant 15 : i32
    %lt3A_18 = arith.cmpi slt, %arg1, %lt3A_17 : i32
    %convert_element_type3A_19 = arith.extui %lt3A_18 : i1 to i32
    %cond3A_20 = arith.constant 0 : i32
    %cond3A_21 = arith.cmpi ne, %convert_element_type3A_19, %cond3A_20 : i32
    scf.if %cond3A_21 {
      %mul3A = arith.constant 624 : i32
      %mul3A_60 = arith.muli %arg1, %mul3A : i32
      %mul3A_61 = arith.constant 624 : i32
      %mul3A_62 = arith.muli %arg1, %mul3A_61 : i32
      "tpu.region"() ({
        %run_scoped3A = tpu.sem_alloc : memref<!tpu.dma_semaphore, #tpu.memory_space<semaphore_mem>>
        %dma_start3A = arith.constant 0 : i32
        %dma_start3A_63 = tpu.memref_slice %arg9[%arg0, %mul3A_62, %dma_start3A] : memref<4x10000x64xf32, #tpu.memory_space<hbm>> -> memref<1x624x64xf32, #tpu.memory_space<hbm>>
        %dma_start3A_64 = tpu.memref_squeeze %dma_start3A_63 : memref<1x624x64xf32, #tpu.memory_space<hbm>> -> memref<624x64xf32, #tpu.memory_space<hbm>>
        %dma_start3A_65 = arith.constant 0 : i32
        %dma_start3A_66 = tpu.memref_slice %arg17[%mul3A_60, %dma_start3A_65] : memref<10000x64xf32, #tpu.memory_space<vmem_shared>> -> memref<624x64xf32, #tpu.memory_space<vmem_shared>>
        tpu.enqueue_dma source(%dma_start3A_66 : memref<624x64xf32, #tpu.memory_space<vmem_shared>>) target(%dma_start3A_64 : memref<624x64xf32, #tpu.memory_space<hbm>>) target_semaphore(%run_scoped3A : memref<!tpu.dma_semaphore, #tpu.memory_space<semaphore_mem>>)
        %dma_wait3A = arith.constant 0 : i32
        %dma_wait3A_67 = tpu.memref_slice %arg9[%arg0, %mul3A_62, %dma_wait3A] : memref<4x10000x64xf32, #tpu.memory_space<hbm>> -> memref<1x624x64xf32, #tpu.memory_space<hbm>>
        %dma_wait3A_68 = tpu.memref_squeeze %dma_wait3A_67 : memref<1x624x64xf32, #tpu.memory_space<hbm>> -> memref<624x64xf32, #tpu.memory_space<hbm>>
        %dma_wait3A_69 = arith.constant 0 : i32
        %dma_wait3A_70 = tpu.memref_slice %arg17[%mul3A_60, %dma_wait3A_69] : memref<10000x64xf32, #tpu.memory_space<vmem_shared>> -> memref<624x64xf32, #tpu.memory_space<vmem_shared>>
        tpu.wait_dma2 semaphore(%run_scoped3A : memref<!tpu.dma_semaphore, #tpu.memory_space<semaphore_mem>>) src(%dma_wait3A_70 : memref<624x64xf32, #tpu.memory_space<vmem_shared>>) dst(%dma_wait3A_68 : memref<624x64xf32, #tpu.memory_space<hbm>>)
        tpu.yield
      }) : () -> ()
    } else {
    }
    %eq3A_22 = arith.constant 15 : i32
    %eq3A_23 = arith.cmpi eq, %arg1, %eq3A_22 : i32
    %convert_element_type3A_24 = arith.extui %eq3A_23 : i1 to i32
    %cond3A_25 = arith.constant 0 : i32
    %cond3A_26 = arith.cmpi ne, %convert_element_type3A_24, %cond3A_25 : i32
    scf.if %cond3A_26 {
      "tpu.region"() ({
        %run_scoped3A = tpu.sem_alloc : memref<!tpu.dma_semaphore, #tpu.memory_space<semaphore_mem>>
        %dma_start3A = arith.constant 9360 : i32
        %dma_start3A_60 = arith.constant 0 : i32
        %dma_start3A_61 = tpu.memref_slice %arg9[%arg0, %dma_start3A, %dma_start3A_60] : memref<4x10000x64xf32, #tpu.memory_space<hbm>> -> memref<1x640x64xf32, #tpu.memory_space<hbm>>
        %dma_start3A_62 = tpu.memref_squeeze %dma_start3A_61 : memref<1x640x64xf32, #tpu.memory_space<hbm>> -> memref<640x64xf32, #tpu.memory_space<hbm>>
        %dma_start3A_63 = arith.constant 9360 : i32
        %dma_start3A_64 = arith.constant 0 : i32
        %dma_start3A_65 = tpu.memref_slice %arg17[%dma_start3A_63, %dma_start3A_64] : memref<10000x64xf32, #tpu.memory_space<vmem_shared>> -> memref<640x64xf32, #tpu.memory_space<vmem_shared>>
        tpu.enqueue_dma source(%dma_start3A_65 : memref<640x64xf32, #tpu.memory_space<vmem_shared>>) target(%dma_start3A_62 : memref<640x64xf32, #tpu.memory_space<hbm>>) target_semaphore(%run_scoped3A : memref<!tpu.dma_semaphore, #tpu.memory_space<semaphore_mem>>)
        %dma_wait3A = arith.constant 9360 : i32
        %dma_wait3A_66 = arith.constant 0 : i32
        %dma_wait3A_67 = tpu.memref_slice %arg9[%arg0, %dma_wait3A, %dma_wait3A_66] : memref<4x10000x64xf32, #tpu.memory_space<hbm>> -> memref<1x640x64xf32, #tpu.memory_space<hbm>>
        %dma_wait3A_68 = tpu.memref_squeeze %dma_wait3A_67 : memref<1x640x64xf32, #tpu.memory_space<hbm>> -> memref<640x64xf32, #tpu.memory_space<hbm>>
        %dma_wait3A_69 = arith.constant 9360 : i32
        %dma_wait3A_70 = arith.constant 0 : i32
        %dma_wait3A_71 = tpu.memref_slice %arg17[%dma_wait3A_69, %dma_wait3A_70] : memref<10000x64xf32, #tpu.memory_space<vmem_shared>> -> memref<640x64xf32, #tpu.memory_space<vmem_shared>>
        tpu.wait_dma2 semaphore(%run_scoped3A : memref<!tpu.dma_semaphore, #tpu.memory_space<semaphore_mem>>) src(%dma_wait3A_71 : memref<640x64xf32, #tpu.memory_space<vmem_shared>>) dst(%dma_wait3A_68 : memref<640x64xf32, #tpu.memory_space<hbm>>)
        tpu.yield
      }) : () -> ()
    } else {
    }
    %lt3A_27 = arith.constant 15 : i32
    %lt3A_28 = arith.cmpi slt, %arg1, %lt3A_27 : i32
    %convert_element_type3A_29 = arith.extui %lt3A_28 : i1 to i32
    %cond3A_30 = arith.constant 0 : i32
    %cond3A_31 = arith.cmpi ne, %convert_element_type3A_29, %cond3A_30 : i32
    scf.if %cond3A_31 {
      %mul3A = arith.constant 624 : i32
      %mul3A_60 = arith.muli %arg1, %mul3A : i32
      "tpu.region"() ({
        %run_scoped3A = tpu.sem_alloc : memref<!tpu.dma_semaphore, #tpu.memory_space<semaphore_mem>>
        %dma_start3A = arith.constant 0 : i32
        %dma_start3A_61 = tpu.memref_slice %arg17[%mul3A_60, %dma_start3A] : memref<10000x64xf32, #tpu.memory_space<vmem_shared>> -> memref<624x64xf32, #tpu.memory_space<vmem_shared>>
        %dma_start3A_62 = arith.constant 0 : i32
        %dma_start3A_63 = arith.constant 0 : i32
        %dma_start3A_64 = tpu.memref_slice %arg8[%dma_start3A_62, %dma_start3A_63] : memref<640x64xf32, #tpu.memory_space<hbm>> -> memref<624x64xf32, #tpu.memory_space<hbm>>
        tpu.enqueue_dma source(%dma_start3A_64 : memref<624x64xf32, #tpu.memory_space<hbm>>) target(%dma_start3A_61 : memref<624x64xf32, #tpu.memory_space<vmem_shared>>) target_semaphore(%run_scoped3A : memref<!tpu.dma_semaphore, #tpu.memory_space<semaphore_mem>>)
        %dma_wait3A = arith.constant 0 : i32
        %dma_wait3A_65 = tpu.memref_slice %arg17[%mul3A_60, %dma_wait3A] : memref<10000x64xf32, #tpu.memory_space<vmem_shared>> -> memref<624x64xf32, #tpu.memory_space<vmem_shared>>
        %dma_wait3A_66 = arith.constant 0 : i32
        %dma_wait3A_67 = arith.constant 0 : i32
        %dma_wait3A_68 = tpu.memref_slice %arg8[%dma_wait3A_66, %dma_wait3A_67] : memref<640x64xf32, #tpu.memory_space<hbm>> -> memref<624x64xf32, #tpu.memory_space<hbm>>
        tpu.wait_dma2 semaphore(%run_scoped3A : memref<!tpu.dma_semaphore, #tpu.memory_space<semaphore_mem>>) src(%dma_wait3A_68 : memref<624x64xf32, #tpu.memory_space<hbm>>) dst(%dma_wait3A_65 : memref<624x64xf32, #tpu.memory_space<vmem_shared>>)
        tpu.yield
      }) : () -> ()
    } else {
    }
    %eq3A_32 = arith.constant 15 : i32
    %eq3A_33 = arith.cmpi eq, %arg1, %eq3A_32 : i32
    %convert_element_type3A_34 = arith.extui %eq3A_33 : i1 to i32
    %cond3A_35 = arith.constant 0 : i32
    %cond3A_36 = arith.cmpi ne, %convert_element_type3A_34, %cond3A_35 : i32
    scf.if %cond3A_36 {
      "tpu.region"() ({
        %run_scoped3A = tpu.sem_alloc : memref<!tpu.dma_semaphore, #tpu.memory_space<semaphore_mem>>
        %dma_start3A = arith.constant 9360 : i32
        %dma_start3A_60 = arith.constant 0 : i32
        %dma_start3A_61 = tpu.memref_slice %arg17[%dma_start3A, %dma_start3A_60] : memref<10000x64xf32, #tpu.memory_space<vmem_shared>> -> memref<640x64xf32, #tpu.memory_space<vmem_shared>>
        tpu.enqueue_dma source(%arg8 : memref<640x64xf32, #tpu.memory_space<hbm>>) target(%dma_start3A_61 : memref<640x64xf32, #tpu.memory_space<vmem_shared>>) target_semaphore(%run_scoped3A : memref<!tpu.dma_semaphore, #tpu.memory_space<semaphore_mem>>)
        %dma_wait3A = arith.constant 9360 : i32
        %dma_wait3A_62 = arith.constant 0 : i32
        %dma_wait3A_63 = tpu.memref_slice %arg17[%dma_wait3A, %dma_wait3A_62] : memref<10000x64xf32, #tpu.memory_space<vmem_shared>> -> memref<640x64xf32, #tpu.memory_space<vmem_shared>>
        tpu.wait_dma2 semaphore(%run_scoped3A : memref<!tpu.dma_semaphore, #tpu.memory_space<semaphore_mem>>) src(%arg8 : memref<640x64xf32, #tpu.memory_space<hbm>>) dst(%dma_wait3A_63 : memref<640x64xf32, #tpu.memory_space<vmem_shared>>)
        tpu.yield
      }) : () -> ()
    } else {
    }
    %barrier3A_37 = arith.constant 0 : index
    tpu.barrier barrier_id(%barrier3A_37)
    %eq3A_38 = arith.constant 0 : i32
    %eq3A_39 = arith.cmpi eq, %arg0, %eq3A_38 : i32
    %convert_element_type3A_40 = arith.extui %eq3A_39 : i1 to i32
    %cond3A_41 = arith.constant 0 : i32
    %cond3A_42 = arith.cmpi ne, %convert_element_type3A_40, %cond3A_41 : i32
    scf.if %cond3A_42 {
      %dma_start3A = arith.constant 0 : i32
      %dma_start3A_60 = arith.constant 0 : i32
      %dma_start3A_61 = tpu.memref_slice %arg10[%dma_start3A, %dma_start3A_60] : memref<160x125xi32, #tpu.memory_space<vmem>> -> memref<1x125xi32, #tpu.memory_space<vmem>>
      %dma_start3A_62 = tpu.memref_squeeze %dma_start3A_61 : memref<1x125xi32, #tpu.memory_space<vmem>> -> memref<125xi32, #tpu.memory_space<vmem>>
      %dma_start3A_63 = arith.constant 0 : i32
      %dma_start3A_64 = arith.constant 0 : i32
      %dma_start3A_65 = tpu.memref_slice %arg4[%dma_start3A_63, %dma_start3A_64] : memref<10000x64xf32, #tpu.memory_space<hbm>> -> memref<10000x64xf32, #tpu.memory_space<hbm>>
      tpu.enqueue_indirect_dma source(%dma_start3A_65 : memref<10000x64xf32, #tpu.memory_space<hbm>>) target(%arg12 : memref<125x64xf32, #tpu.memory_space<vmem>>) offsets(%dma_start3A_62 : memref<125xi32, #tpu.memory_space<vmem>>) semaphore(%arg18 : memref<!tpu.dma_semaphore, #tpu.memory_space<semaphore_mem>>)
      %dma_start3A_66 = arith.constant 1 : i32
      %dma_start3A_67 = arith.constant 0 : i32
      %dma_start3A_68 = tpu.memref_slice %arg10[%dma_start3A_66, %dma_start3A_67] : memref<160x125xi32, #tpu.memory_space<vmem>> -> memref<1x125xi32, #tpu.memory_space<vmem>>
      %dma_start3A_69 = tpu.memref_squeeze %dma_start3A_68 : memref<1x125xi32, #tpu.memory_space<vmem>> -> memref<125xi32, #tpu.memory_space<vmem>>
      %dma_start3A_70 = arith.constant 0 : i32
      %dma_start3A_71 = arith.constant 0 : i32
      %dma_start3A_72 = tpu.memref_slice %arg4[%dma_start3A_70, %dma_start3A_71] : memref<10000x64xf32, #tpu.memory_space<hbm>> -> memref<10000x64xf32, #tpu.memory_space<hbm>>
      tpu.enqueue_indirect_dma source(%dma_start3A_72 : memref<10000x64xf32, #tpu.memory_space<hbm>>) target(%arg13 : memref<125x64xf32, #tpu.memory_space<vmem>>) offsets(%dma_start3A_69 : memref<125xi32, #tpu.memory_space<vmem>>) semaphore(%arg19 : memref<!tpu.dma_semaphore, #tpu.memory_space<semaphore_mem>>)
      %dma_start3A_73 = arith.constant 2 : i32
      %dma_start3A_74 = arith.constant 0 : i32
      %dma_start3A_75 = tpu.memref_slice %arg10[%dma_start3A_73, %dma_start3A_74] : memref<160x125xi32, #tpu.memory_space<vmem>> -> memref<1x125xi32, #tpu.memory_space<vmem>>
      %dma_start3A_76 = tpu.memref_squeeze %dma_start3A_75 : memref<1x125xi32, #tpu.memory_space<vmem>> -> memref<125xi32, #tpu.memory_space<vmem>>
      %dma_start3A_77 = arith.constant 0 : i32
      %dma_start3A_78 = arith.constant 0 : i32
      %dma_start3A_79 = tpu.memref_slice %arg4[%dma_start3A_77, %dma_start3A_78] : memref<10000x64xf32, #tpu.memory_space<hbm>> -> memref<10000x64xf32, #tpu.memory_space<hbm>>
      tpu.enqueue_indirect_dma source(%dma_start3A_79 : memref<10000x64xf32, #tpu.memory_space<hbm>>) target(%arg14 : memref<125x64xf32, #tpu.memory_space<vmem>>) offsets(%dma_start3A_76 : memref<125xi32, #tpu.memory_space<vmem>>) semaphore(%arg20 : memref<!tpu.dma_semaphore, #tpu.memory_space<semaphore_mem>>)
      %dma_start3A_80 = arith.constant 3 : i32
      %dma_start3A_81 = arith.constant 0 : i32
      %dma_start3A_82 = tpu.memref_slice %arg10[%dma_start3A_80, %dma_start3A_81] : memref<160x125xi32, #tpu.memory_space<vmem>> -> memref<1x125xi32, #tpu.memory_space<vmem>>
      %dma_start3A_83 = tpu.memref_squeeze %dma_start3A_82 : memref<1x125xi32, #tpu.memory_space<vmem>> -> memref<125xi32, #tpu.memory_space<vmem>>
      %dma_start3A_84 = arith.constant 0 : i32
      %dma_start3A_85 = arith.constant 0 : i32
      %dma_start3A_86 = tpu.memref_slice %arg4[%dma_start3A_84, %dma_start3A_85] : memref<10000x64xf32, #tpu.memory_space<hbm>> -> memref<10000x64xf32, #tpu.memory_space<hbm>>
      tpu.enqueue_indirect_dma source(%dma_start3A_86 : memref<10000x64xf32, #tpu.memory_space<hbm>>) target(%arg15 : memref<125x64xf32, #tpu.memory_space<vmem>>) offsets(%dma_start3A_83 : memref<125xi32, #tpu.memory_space<vmem>>) semaphore(%arg21 : memref<!tpu.dma_semaphore, #tpu.memory_space<semaphore_mem>>)
      %dma_start3A_87 = arith.constant 4 : i32
      %dma_start3A_88 = arith.constant 0 : i32
      %dma_start3A_89 = tpu.memref_slice %arg10[%dma_start3A_87, %dma_start3A_88] : memref<160x125xi32, #tpu.memory_space<vmem>> -> memref<1x125xi32, #tpu.memory_space<vmem>>
      %dma_start3A_90 = tpu.memref_squeeze %dma_start3A_89 : memref<1x125xi32, #tpu.memory_space<vmem>> -> memref<125xi32, #tpu.memory_space<vmem>>
      %dma_start3A_91 = arith.constant 0 : i32
      %dma_start3A_92 = arith.constant 0 : i32
      %dma_start3A_93 = tpu.memref_slice %arg4[%dma_start3A_91, %dma_start3A_92] : memref<10000x64xf32, #tpu.memory_space<hbm>> -> memref<10000x64xf32, #tpu.memory_space<hbm>>
      tpu.enqueue_indirect_dma source(%dma_start3A_93 : memref<10000x64xf32, #tpu.memory_space<hbm>>) target(%arg16 : memref<125x64xf32, #tpu.memory_space<vmem>>) offsets(%dma_start3A_90 : memref<125xi32, #tpu.memory_space<vmem>>) semaphore(%arg22 : memref<!tpu.dma_semaphore, #tpu.memory_space<semaphore_mem>>)
      %scan3A = arith.constant 0 : i32
      %scan3A_94 = arith.constant 0 : i32
      %scan3A_95 = arith.constant 32 : i32
      %scan3A_96 = arith.addi %scan3A_94, %scan3A_95 : i32
      %scan3A_97 = arith.constant 1 : i32
      scf.for %scan3A_133 = %scan3A_94 to %scan3A_96 step %scan3A_97  : i32 {
        %mul3A = arith.constant 5 : i32
        %mul3A_134 = arith.muli %scan3A_133, %mul3A : i32
        %add3A_135 = arith.constant 0 : i32
        %add3A_136 = arith.addi %mul3A_134, %add3A_135 : i32
        %dma_wait3A_137 = arith.constant 0 : i32
        %dma_wait3A_138 = tpu.memref_slice %arg10[%add3A_136, %dma_wait3A_137] : memref<160x125xi32, #tpu.memory_space<vmem>> -> memref<1x125xi32, #tpu.memory_space<vmem>>
        %dma_wait3A_139 = tpu.memref_squeeze %dma_wait3A_138 : memref<1x125xi32, #tpu.memory_space<vmem>> -> memref<125xi32, #tpu.memory_space<vmem>>
        %dma_wait3A_140 = arith.constant 0 : i32
        %dma_wait3A_141 = arith.constant 0 : i32
        %dma_wait3A_142 = tpu.memref_slice %arg4[%dma_wait3A_140, %dma_wait3A_141] : memref<10000x64xf32, #tpu.memory_space<hbm>> -> memref<10000x64xf32, #tpu.memory_space<hbm>>
        tpu.wait_indirect_dma semaphore(%arg18 : memref<!tpu.dma_semaphore, #tpu.memory_space<semaphore_mem>>) src(%dma_wait3A_142 : memref<10000x64xf32, #tpu.memory_space<hbm>>) dst(%arg12 : memref<125x64xf32, #tpu.memory_space<vmem>>)
        %dma_start3A_143 = arith.constant 0 : i32
        %dma_start3A_144 = tpu.memref_slice %arg11[%add3A_136, %dma_start3A_143] : memref<160x125xi32, #tpu.memory_space<vmem>> -> memref<1x125xi32, #tpu.memory_space<vmem>>
        %dma_start3A_145 = tpu.memref_squeeze %dma_start3A_144 : memref<1x125xi32, #tpu.memory_space<vmem>> -> memref<125xi32, #tpu.memory_space<vmem>>
        %dma_start3A_146 = arith.constant 0 : i32
        %dma_start3A_147 = arith.constant 0 : i32
        %dma_start3A_148 = tpu.memref_slice %arg17[%dma_start3A_146, %dma_start3A_147] : memref<10000x64xf32, #tpu.memory_space<vmem_shared>> -> memref<10000x64xf32, #tpu.memory_space<vmem_shared>>
        tpu.enqueue_indirect_dma source(%arg12 : memref<125x64xf32, #tpu.memory_space<vmem>>) target(%dma_start3A_148 : memref<10000x64xf32, #tpu.memory_space<vmem_shared>>) offsets(%dma_start3A_145 : memref<125xi32, #tpu.memory_space<vmem>>) semaphore(%arg23 : memref<!tpu.dma_semaphore, #tpu.memory_space<semaphore_mem>>) {add = true}
        %add3A_149 = arith.constant 1 : i32
        %add3A_150 = arith.addi %mul3A_134, %add3A_149 : i32
        %dma_wait3A_151 = arith.constant 0 : i32
        %dma_wait3A_152 = tpu.memref_slice %arg10[%add3A_150, %dma_wait3A_151] : memref<160x125xi32, #tpu.memory_space<vmem>> -> memref<1x125xi32, #tpu.memory_space<vmem>>
        %dma_wait3A_153 = tpu.memref_squeeze %dma_wait3A_152 : memref<1x125xi32, #tpu.memory_space<vmem>> -> memref<125xi32, #tpu.memory_space<vmem>>
        %dma_wait3A_154 = arith.constant 0 : i32
        %dma_wait3A_155 = arith.constant 0 : i32
        %dma_wait3A_156 = tpu.memref_slice %arg4[%dma_wait3A_154, %dma_wait3A_155] : memref<10000x64xf32, #tpu.memory_space<hbm>> -> memref<10000x64xf32, #tpu.memory_space<hbm>>
        tpu.wait_indirect_dma semaphore(%arg19 : memref<!tpu.dma_semaphore, #tpu.memory_space<semaphore_mem>>) src(%dma_wait3A_156 : memref<10000x64xf32, #tpu.memory_space<hbm>>) dst(%arg13 : memref<125x64xf32, #tpu.memory_space<vmem>>)
        %dma_start3A_157 = arith.constant 0 : i32
        %dma_start3A_158 = tpu.memref_slice %arg11[%add3A_150, %dma_start3A_157] : memref<160x125xi32, #tpu.memory_space<vmem>> -> memref<1x125xi32, #tpu.memory_space<vmem>>
        %dma_start3A_159 = tpu.memref_squeeze %dma_start3A_158 : memref<1x125xi32, #tpu.memory_space<vmem>> -> memref<125xi32, #tpu.memory_space<vmem>>
        %dma_start3A_160 = arith.constant 0 : i32
        %dma_start3A_161 = arith.constant 0 : i32
        %dma_start3A_162 = tpu.memref_slice %arg17[%dma_start3A_160, %dma_start3A_161] : memref<10000x64xf32, #tpu.memory_space<vmem_shared>> -> memref<10000x64xf32, #tpu.memory_space<vmem_shared>>
        tpu.enqueue_indirect_dma source(%arg13 : memref<125x64xf32, #tpu.memory_space<vmem>>) target(%dma_start3A_162 : memref<10000x64xf32, #tpu.memory_space<vmem_shared>>) offsets(%dma_start3A_159 : memref<125xi32, #tpu.memory_space<vmem>>) semaphore(%arg24 : memref<!tpu.dma_semaphore, #tpu.memory_space<semaphore_mem>>) {add = true}
        %add3A_163 = arith.constant 2 : i32
        %add3A_164 = arith.addi %mul3A_134, %add3A_163 : i32
        %dma_wait3A_165 = arith.constant 0 : i32
        %dma_wait3A_166 = tpu.memref_slice %arg10[%add3A_164, %dma_wait3A_165] : memref<160x125xi32, #tpu.memory_space<vmem>> -> memref<1x125xi32, #tpu.memory_space<vmem>>
        %dma_wait3A_167 = tpu.memref_squeeze %dma_wait3A_166 : memref<1x125xi32, #tpu.memory_space<vmem>> -> memref<125xi32, #tpu.memory_space<vmem>>
        %dma_wait3A_168 = arith.constant 0 : i32
        %dma_wait3A_169 = arith.constant 0 : i32
        %dma_wait3A_170 = tpu.memref_slice %arg4[%dma_wait3A_168, %dma_wait3A_169] : memref<10000x64xf32, #tpu.memory_space<hbm>> -> memref<10000x64xf32, #tpu.memory_space<hbm>>
        tpu.wait_indirect_dma semaphore(%arg20 : memref<!tpu.dma_semaphore, #tpu.memory_space<semaphore_mem>>) src(%dma_wait3A_170 : memref<10000x64xf32, #tpu.memory_space<hbm>>) dst(%arg14 : memref<125x64xf32, #tpu.memory_space<vmem>>)
        %dma_start3A_171 = arith.constant 0 : i32
        %dma_start3A_172 = tpu.memref_slice %arg11[%add3A_164, %dma_start3A_171] : memref<160x125xi32, #tpu.memory_space<vmem>> -> memref<1x125xi32, #tpu.memory_space<vmem>>
        %dma_start3A_173 = tpu.memref_squeeze %dma_start3A_172 : memref<1x125xi32, #tpu.memory_space<vmem>> -> memref<125xi32, #tpu.memory_space<vmem>>
        %dma_start3A_174 = arith.constant 0 : i32
        %dma_start3A_175 = arith.constant 0 : i32
        %dma_start3A_176 = tpu.memref_slice %arg17[%dma_start3A_174, %dma_start3A_175] : memref<10000x64xf32, #tpu.memory_space<vmem_shared>> -> memref<10000x64xf32, #tpu.memory_space<vmem_shared>>
        tpu.enqueue_indirect_dma source(%arg14 : memref<125x64xf32, #tpu.memory_space<vmem>>) target(%dma_start3A_176 : memref<10000x64xf32, #tpu.memory_space<vmem_shared>>) offsets(%dma_start3A_173 : memref<125xi32, #tpu.memory_space<vmem>>) semaphore(%arg25 : memref<!tpu.dma_semaphore, #tpu.memory_space<semaphore_mem>>) {add = true}
        %add3A_177 = arith.constant 3 : i32
        %add3A_178 = arith.addi %mul3A_134, %add3A_177 : i32
        %dma_wait3A_179 = arith.constant 0 : i32
        %dma_wait3A_180 = tpu.memref_slice %arg10[%add3A_178, %dma_wait3A_179] : memref<160x125xi32, #tpu.memory_space<vmem>> -> memref<1x125xi32, #tpu.memory_space<vmem>>
        %dma_wait3A_181 = tpu.memref_squeeze %dma_wait3A_180 : memref<1x125xi32, #tpu.memory_space<vmem>> -> memref<125xi32, #tpu.memory_space<vmem>>
        %dma_wait3A_182 = arith.constant 0 : i32
        %dma_wait3A_183 = arith.constant 0 : i32
        %dma_wait3A_184 = tpu.memref_slice %arg4[%dma_wait3A_182, %dma_wait3A_183] : memref<10000x64xf32, #tpu.memory_space<hbm>> -> memref<10000x64xf32, #tpu.memory_space<hbm>>
        tpu.wait_indirect_dma semaphore(%arg21 : memref<!tpu.dma_semaphore, #tpu.memory_space<semaphore_mem>>) src(%dma_wait3A_184 : memref<10000x64xf32, #tpu.memory_space<hbm>>) dst(%arg15 : memref<125x64xf32, #tpu.memory_space<vmem>>)
        %dma_start3A_185 = arith.constant 0 : i32
        %dma_start3A_186 = tpu.memref_slice %arg11[%add3A_178, %dma_start3A_185] : memref<160x125xi32, #tpu.memory_space<vmem>> -> memref<1x125xi32, #tpu.memory_space<vmem>>
        %dma_start3A_187 = tpu.memref_squeeze %dma_start3A_186 : memref<1x125xi32, #tpu.memory_space<vmem>> -> memref<125xi32, #tpu.memory_space<vmem>>
        %dma_start3A_188 = arith.constant 0 : i32
        %dma_start3A_189 = arith.constant 0 : i32
        %dma_start3A_190 = tpu.memref_slice %arg17[%dma_start3A_188, %dma_start3A_189] : memref<10000x64xf32, #tpu.memory_space<vmem_shared>> -> memref<10000x64xf32, #tpu.memory_space<vmem_shared>>
        tpu.enqueue_indirect_dma source(%arg15 : memref<125x64xf32, #tpu.memory_space<vmem>>) target(%dma_start3A_190 : memref<10000x64xf32, #tpu.memory_space<vmem_shared>>) offsets(%dma_start3A_187 : memref<125xi32, #tpu.memory_space<vmem>>) semaphore(%arg26 : memref<!tpu.dma_semaphore, #tpu.memory_space<semaphore_mem>>) {add = true}
        %add3A_191 = arith.constant 4 : i32
        %add3A_192 = arith.addi %mul3A_134, %add3A_191 : i32
        %dma_wait3A_193 = arith.constant 0 : i32
        %dma_wait3A_194 = tpu.memref_slice %arg10[%add3A_192, %dma_wait3A_193] : memref<160x125xi32, #tpu.memory_space<vmem>> -> memref<1x125xi32, #tpu.memory_space<vmem>>
        %dma_wait3A_195 = tpu.memref_squeeze %dma_wait3A_194 : memref<1x125xi32, #tpu.memory_space<vmem>> -> memref<125xi32, #tpu.memory_space<vmem>>
        %dma_wait3A_196 = arith.constant 0 : i32
        %dma_wait3A_197 = arith.constant 0 : i32
        %dma_wait3A_198 = tpu.memref_slice %arg4[%dma_wait3A_196, %dma_wait3A_197] : memref<10000x64xf32, #tpu.memory_space<hbm>> -> memref<10000x64xf32, #tpu.memory_space<hbm>>
        tpu.wait_indirect_dma semaphore(%arg22 : memref<!tpu.dma_semaphore, #tpu.memory_space<semaphore_mem>>) src(%dma_wait3A_198 : memref<10000x64xf32, #tpu.memory_space<hbm>>) dst(%arg16 : memref<125x64xf32, #tpu.memory_space<vmem>>)
        %dma_start3A_199 = arith.constant 0 : i32
        %dma_start3A_200 = tpu.memref_slice %arg11[%add3A_192, %dma_start3A_199] : memref<160x125xi32, #tpu.memory_space<vmem>> -> memref<1x125xi32, #tpu.memory_space<vmem>>
        %dma_start3A_201 = tpu.memref_squeeze %dma_start3A_200 : memref<1x125xi32, #tpu.memory_space<vmem>> -> memref<125xi32, #tpu.memory_space<vmem>>
        %dma_start3A_202 = arith.constant 0 : i32
        %dma_start3A_203 = arith.constant 0 : i32
        %dma_start3A_204 = tpu.memref_slice %arg17[%dma_start3A_202, %dma_start3A_203] : memref<10000x64xf32, #tpu.memory_space<vmem_shared>> -> memref<10000x64xf32, #tpu.memory_space<vmem_shared>>
        tpu.enqueue_indirect_dma source(%arg16 : memref<125x64xf32, #tpu.memory_space<vmem>>) target(%dma_start3A_204 : memref<10000x64xf32, #tpu.memory_space<vmem_shared>>) offsets(%dma_start3A_201 : memref<125xi32, #tpu.memory_space<vmem>>) semaphore(%arg27 : memref<!tpu.dma_semaphore, #tpu.memory_space<semaphore_mem>>) {add = true}
        %lt3A_205 = arith.constant 31 : i32
        %lt3A_206 = arith.cmpi slt, %scan3A_133, %lt3A_205 : i32
        %convert_element_type3A_207 = arith.extui %lt3A_206 : i1 to i32
        %cond3A_208 = arith.constant 0 : i32
        %cond3A_209 = arith.cmpi ne, %convert_element_type3A_207, %cond3A_208 : i32
        scf.if %cond3A_209 {
          %add3A_210 = arith.constant 0 : i32
          %add3A_211 = arith.addi %mul3A_134, %add3A_210 : i32
          %dma_wait3A_212 = arith.constant 0 : i32
          %dma_wait3A_213 = tpu.memref_slice %arg11[%add3A_211, %dma_wait3A_212] : memref<160x125xi32, #tpu.memory_space<vmem>> -> memref<1x125xi32, #tpu.memory_space<vmem>>
          %dma_wait3A_214 = tpu.memref_squeeze %dma_wait3A_213 : memref<1x125xi32, #tpu.memory_space<vmem>> -> memref<125xi32, #tpu.memory_space<vmem>>
          %dma_wait3A_215 = arith.constant 0 : i32
          %dma_wait3A_216 = arith.constant 0 : i32
          %dma_wait3A_217 = tpu.memref_slice %arg17[%dma_wait3A_215, %dma_wait3A_216] : memref<10000x64xf32, #tpu.memory_space<vmem_shared>> -> memref<10000x64xf32, #tpu.memory_space<vmem_shared>>
          tpu.wait_indirect_dma semaphore(%arg23 : memref<!tpu.dma_semaphore, #tpu.memory_space<semaphore_mem>>) src(%arg12 : memref<125x64xf32, #tpu.memory_space<vmem>>) dst(%dma_wait3A_217 : memref<10000x64xf32, #tpu.memory_space<vmem_shared>>)
          %add3A_218 = arith.constant 5 : i32
          %add3A_219 = arith.addi %add3A_211, %add3A_218 : i32
          %dma_start3A_220 = arith.constant 0 : i32
          %dma_start3A_221 = tpu.memref_slice %arg10[%add3A_219, %dma_start3A_220] : memref<160x125xi32, #tpu.memory_space<vmem>> -> memref<1x125xi32, #tpu.memory_space<vmem>>
          %dma_start3A_222 = tpu.memref_squeeze %dma_start3A_221 : memref<1x125xi32, #tpu.memory_space<vmem>> -> memref<125xi32, #tpu.memory_space<vmem>>
          %dma_start3A_223 = arith.constant 0 : i32
          %dma_start3A_224 = arith.constant 0 : i32
          %dma_start3A_225 = tpu.memref_slice %arg4[%dma_start3A_223, %dma_start3A_224] : memref<10000x64xf32, #tpu.memory_space<hbm>> -> memref<10000x64xf32, #tpu.memory_space<hbm>>
          tpu.enqueue_indirect_dma source(%dma_start3A_225 : memref<10000x64xf32, #tpu.memory_space<hbm>>) target(%arg12 : memref<125x64xf32, #tpu.memory_space<vmem>>) offsets(%dma_start3A_222 : memref<125xi32, #tpu.memory_space<vmem>>) semaphore(%arg18 : memref<!tpu.dma_semaphore, #tpu.memory_space<semaphore_mem>>)
          %add3A_226 = arith.constant 1 : i32
          %add3A_227 = arith.addi %mul3A_134, %add3A_226 : i32
          %dma_wait3A_228 = arith.constant 0 : i32
          %dma_wait3A_229 = tpu.memref_slice %arg11[%add3A_227, %dma_wait3A_228] : memref<160x125xi32, #tpu.memory_space<vmem>> -> memref<1x125xi32, #tpu.memory_space<vmem>>
          %dma_wait3A_230 = tpu.memref_squeeze %dma_wait3A_229 : memref<1x125xi32, #tpu.memory_space<vmem>> -> memref<125xi32, #tpu.memory_space<vmem>>
          %dma_wait3A_231 = arith.constant 0 : i32
          %dma_wait3A_232 = arith.constant 0 : i32
          %dma_wait3A_233 = tpu.memref_slice %arg17[%dma_wait3A_231, %dma_wait3A_232] : memref<10000x64xf32, #tpu.memory_space<vmem_shared>> -> memref<10000x64xf32, #tpu.memory_space<vmem_shared>>
          tpu.wait_indirect_dma semaphore(%arg24 : memref<!tpu.dma_semaphore, #tpu.memory_space<semaphore_mem>>) src(%arg13 : memref<125x64xf32, #tpu.memory_space<vmem>>) dst(%dma_wait3A_233 : memref<10000x64xf32, #tpu.memory_space<vmem_shared>>)
          %add3A_234 = arith.constant 5 : i32
          %add3A_235 = arith.addi %add3A_227, %add3A_234 : i32
          %dma_start3A_236 = arith.constant 0 : i32
          %dma_start3A_237 = tpu.memref_slice %arg10[%add3A_235, %dma_start3A_236] : memref<160x125xi32, #tpu.memory_space<vmem>> -> memref<1x125xi32, #tpu.memory_space<vmem>>
          %dma_start3A_238 = tpu.memref_squeeze %dma_start3A_237 : memref<1x125xi32, #tpu.memory_space<vmem>> -> memref<125xi32, #tpu.memory_space<vmem>>
          %dma_start3A_239 = arith.constant 0 : i32
          %dma_start3A_240 = arith.constant 0 : i32
          %dma_start3A_241 = tpu.memref_slice %arg4[%dma_start3A_239, %dma_start3A_240] : memref<10000x64xf32, #tpu.memory_space<hbm>> -> memref<10000x64xf32, #tpu.memory_space<hbm>>
          tpu.enqueue_indirect_dma source(%dma_start3A_241 : memref<10000x64xf32, #tpu.memory_space<hbm>>) target(%arg13 : memref<125x64xf32, #tpu.memory_space<vmem>>) offsets(%dma_start3A_238 : memref<125xi32, #tpu.memory_space<vmem>>) semaphore(%arg19 : memref<!tpu.dma_semaphore, #tpu.memory_space<semaphore_mem>>)
          %add3A_242 = arith.constant 2 : i32
          %add3A_243 = arith.addi %mul3A_134, %add3A_242 : i32
          %dma_wait3A_244 = arith.constant 0 : i32
          %dma_wait3A_245 = tpu.memref_slice %arg11[%add3A_243, %dma_wait3A_244] : memref<160x125xi32, #tpu.memory_space<vmem>> -> memref<1x125xi32, #tpu.memory_space<vmem>>
          %dma_wait3A_246 = tpu.memref_squeeze %dma_wait3A_245 : memref<1x125xi32, #tpu.memory_space<vmem>> -> memref<125xi32, #tpu.memory_space<vmem>>
          %dma_wait3A_247 = arith.constant 0 : i32
          %dma_wait3A_248 = arith.constant 0 : i32
          %dma_wait3A_249 = tpu.memref_slice %arg17[%dma_wait3A_247, %dma_wait3A_248] : memref<10000x64xf32, #tpu.memory_space<vmem_shared>> -> memref<10000x64xf32, #tpu.memory_space<vmem_shared>>
          tpu.wait_indirect_dma semaphore(%arg25 : memref<!tpu.dma_semaphore, #tpu.memory_space<semaphore_mem>>) src(%arg14 : memref<125x64xf32, #tpu.memory_space<vmem>>) dst(%dma_wait3A_249 : memref<10000x64xf32, #tpu.memory_space<vmem_shared>>)
          %add3A_250 = arith.constant 5 : i32
          %add3A_251 = arith.addi %add3A_243, %add3A_250 : i32
          %dma_start3A_252 = arith.constant 0 : i32
          %dma_start3A_253 = tpu.memref_slice %arg10[%add3A_251, %dma_start3A_252] : memref<160x125xi32, #tpu.memory_space<vmem>> -> memref<1x125xi32, #tpu.memory_space<vmem>>
          %dma_start3A_254 = tpu.memref_squeeze %dma_start3A_253 : memref<1x125xi32, #tpu.memory_space<vmem>> -> memref<125xi32, #tpu.memory_space<vmem>>
          %dma_start3A_255 = arith.constant 0 : i32
          %dma_start3A_256 = arith.constant 0 : i32
          %dma_start3A_257 = tpu.memref_slice %arg4[%dma_start3A_255, %dma_start3A_256] : memref<10000x64xf32, #tpu.memory_space<hbm>> -> memref<10000x64xf32, #tpu.memory_space<hbm>>
          tpu.enqueue_indirect_dma source(%dma_start3A_257 : memref<10000x64xf32, #tpu.memory_space<hbm>>) target(%arg14 : memref<125x64xf32, #tpu.memory_space<vmem>>) offsets(%dma_start3A_254 : memref<125xi32, #tpu.memory_space<vmem>>) semaphore(%arg20 : memref<!tpu.dma_semaphore, #tpu.memory_space<semaphore_mem>>)
          %add3A_258 = arith.constant 3 : i32
          %add3A_259 = arith.addi %mul3A_134, %add3A_258 : i32
          %dma_wait3A_260 = arith.constant 0 : i32
          %dma_wait3A_261 = tpu.memref_slice %arg11[%add3A_259, %dma_wait3A_260] : memref<160x125xi32, #tpu.memory_space<vmem>> -> memref<1x125xi32, #tpu.memory_space<vmem>>
          %dma_wait3A_262 = tpu.memref_squeeze %dma_wait3A_261 : memref<1x125xi32, #tpu.memory_space<vmem>> -> memref<125xi32, #tpu.memory_space<vmem>>
          %dma_wait3A_263 = arith.constant 0 : i32
          %dma_wait3A_264 = arith.constant 0 : i32
          %dma_wait3A_265 = tpu.memref_slice %arg17[%dma_wait3A_263, %dma_wait3A_264] : memref<10000x64xf32, #tpu.memory_space<vmem_shared>> -> memref<10000x64xf32, #tpu.memory_space<vmem_shared>>
          tpu.wait_indirect_dma semaphore(%arg26 : memref<!tpu.dma_semaphore, #tpu.memory_space<semaphore_mem>>) src(%arg15 : memref<125x64xf32, #tpu.memory_space<vmem>>) dst(%dma_wait3A_265 : memref<10000x64xf32, #tpu.memory_space<vmem_shared>>)
          %add3A_266 = arith.constant 5 : i32
          %add3A_267 = arith.addi %add3A_259, %add3A_266 : i32
          %dma_start3A_268 = arith.constant 0 : i32
          %dma_start3A_269 = tpu.memref_slice %arg10[%add3A_267, %dma_start3A_268] : memref<160x125xi32, #tpu.memory_space<vmem>> -> memref<1x125xi32, #tpu.memory_space<vmem>>
          %dma_start3A_270 = tpu.memref_squeeze %dma_start3A_269 : memref<1x125xi32, #tpu.memory_space<vmem>> -> memref<125xi32, #tpu.memory_space<vmem>>
          %dma_start3A_271 = arith.constant 0 : i32
          %dma_start3A_272 = arith.constant 0 : i32
          %dma_start3A_273 = tpu.memref_slice %arg4[%dma_start3A_271, %dma_start3A_272] : memref<10000x64xf32, #tpu.memory_space<hbm>> -> memref<10000x64xf32, #tpu.memory_space<hbm>>
          tpu.enqueue_indirect_dma source(%dma_start3A_273 : memref<10000x64xf32, #tpu.memory_space<hbm>>) target(%arg15 : memref<125x64xf32, #tpu.memory_space<vmem>>) offsets(%dma_start3A_270 : memref<125xi32, #tpu.memory_space<vmem>>) semaphore(%arg21 : memref<!tpu.dma_semaphore, #tpu.memory_space<semaphore_mem>>)
          %add3A_274 = arith.constant 4 : i32
          %add3A_275 = arith.addi %mul3A_134, %add3A_274 : i32
          %dma_wait3A_276 = arith.constant 0 : i32
          %dma_wait3A_277 = tpu.memref_slice %arg11[%add3A_275, %dma_wait3A_276] : memref<160x125xi32, #tpu.memory_space<vmem>> -> memref<1x125xi32, #tpu.memory_space<vmem>>
          %dma_wait3A_278 = tpu.memref_squeeze %dma_wait3A_277 : memref<1x125xi32, #tpu.memory_space<vmem>> -> memref<125xi32, #tpu.memory_space<vmem>>
          %dma_wait3A_279 = arith.constant 0 : i32
          %dma_wait3A_280 = arith.constant 0 : i32
          %dma_wait3A_281 = tpu.memref_slice %arg17[%dma_wait3A_279, %dma_wait3A_280] : memref<10000x64xf32, #tpu.memory_space<vmem_shared>> -> memref<10000x64xf32, #tpu.memory_space<vmem_shared>>
          tpu.wait_indirect_dma semaphore(%arg27 : memref<!tpu.dma_semaphore, #tpu.memory_space<semaphore_mem>>) src(%arg16 : memref<125x64xf32, #tpu.memory_space<vmem>>) dst(%dma_wait3A_281 : memref<10000x64xf32, #tpu.memory_space<vmem_shared>>)
          %add3A_282 = arith.constant 5 : i32
          %add3A_283 = arith.addi %add3A_275, %add3A_282 : i32
          %dma_start3A_284 = arith.constant 0 : i32
          %dma_start3A_285 = tpu.memref_slice %arg10[%add3A_283, %dma_start3A_284] : memref<160x125xi32, #tpu.memory_space<vmem>> -> memref<1x125xi32, #tpu.memory_space<vmem>>
          %dma_start3A_286 = tpu.memref_squeeze %dma_start3A_285 : memref<1x125xi32, #tpu.memory_space<vmem>> -> memref<125xi32, #tpu.memory_space<vmem>>
          %dma_start3A_287 = arith.constant 0 : i32
          %dma_start3A_288 = arith.constant 0 : i32
          %dma_start3A_289 = tpu.memref_slice %arg4[%dma_start3A_287, %dma_start3A_288] : memref<10000x64xf32, #tpu.memory_space<hbm>> -> memref<10000x64xf32, #tpu.memory_space<hbm>>
          tpu.enqueue_indirect_dma source(%dma_start3A_289 : memref<10000x64xf32, #tpu.memory_space<hbm>>) target(%arg16 : memref<125x64xf32, #tpu.memory_space<vmem>>) offsets(%dma_start3A_286 : memref<125xi32, #tpu.memory_space<vmem>>) semaphore(%arg22 : memref<!tpu.dma_semaphore, #tpu.memory_space<semaphore_mem>>)
        } else {
        }
      }
      %scan3A_98 = arith.constant 32 : i32
      %dma_wait3A = arith.constant 155 : i32
      %dma_wait3A_99 = arith.constant 0 : i32
      %dma_wait3A_100 = tpu.memref_slice %arg11[%dma_wait3A, %dma_wait3A_99] : memref<160x125xi32, #tpu.memory_space<vmem>> -> memref<1x125xi32, #tpu.memory_space<vmem>>
      %dma_wait3A_101 = tpu.memref_squeeze %dma_wait3A_100 : memref<1x125xi32, #tpu.memory_space<vmem>> -> memref<125xi32, #tpu.memory_space<vmem>>
      %dma_wait3A_102 = arith.constant 0 : i32
      %dma_wait3A_103 = arith.constant 0 : i32
      %dma_wait3A_104 = tpu.memref_slice %arg17[%dma_wait3A_102, %dma_wait3A_103] : memref<10000x64xf32, #tpu.memory_space<vmem_shared>> -> memref<10000x64xf32, #tpu.memory_space<vmem_shared>>
      tpu.wait_indirect_dma semaphore(%arg23 : memref<!tpu.dma_semaphore, #tpu.memory_space<semaphore_mem>>) src(%arg12 : memref<125x64xf32, #tpu.memory_space<vmem>>) dst(%dma_wait3A_104 : memref<10000x64xf32, #tpu.memory_space<vmem_shared>>)
      %dma_wait3A_105 = arith.constant 156 : i32
      %dma_wait3A_106 = arith.constant 0 : i32
      %dma_wait3A_107 = tpu.memref_slice %arg11[%dma_wait3A_105, %dma_wait3A_106] : memref<160x125xi32, #tpu.memory_space<vmem>> -> memref<1x125xi32, #tpu.memory_space<vmem>>
      %dma_wait3A_108 = tpu.memref_squeeze %dma_wait3A_107 : memref<1x125xi32, #tpu.memory_space<vmem>> -> memref<125xi32, #tpu.memory_space<vmem>>
      %dma_wait3A_109 = arith.constant 0 : i32
      %dma_wait3A_110 = arith.constant 0 : i32
      %dma_wait3A_111 = tpu.memref_slice %arg17[%dma_wait3A_109, %dma_wait3A_110] : memref<10000x64xf32, #tpu.memory_space<vmem_shared>> -> memref<10000x64xf32, #tpu.memory_space<vmem_shared>>
      tpu.wait_indirect_dma semaphore(%arg24 : memref<!tpu.dma_semaphore, #tpu.memory_space<semaphore_mem>>) src(%arg13 : memref<125x64xf32, #tpu.memory_space<vmem>>) dst(%dma_wait3A_111 : memref<10000x64xf32, #tpu.memory_space<vmem_shared>>)
      %dma_wait3A_112 = arith.constant 157 : i32
      %dma_wait3A_113 = arith.constant 0 : i32
      %dma_wait3A_114 = tpu.memref_slice %arg11[%dma_wait3A_112, %dma_wait3A_113] : memref<160x125xi32, #tpu.memory_space<vmem>> -> memref<1x125xi32, #tpu.memory_space<vmem>>
      %dma_wait3A_115 = tpu.memref_squeeze %dma_wait3A_114 : memref<1x125xi32, #tpu.memory_space<vmem>> -> memref<125xi32, #tpu.memory_space<vmem>>
      %dma_wait3A_116 = arith.constant 0 : i32
      %dma_wait3A_117 = arith.constant 0 : i32
      %dma_wait3A_118 = tpu.memref_slice %arg17[%dma_wait3A_116, %dma_wait3A_117] : memref<10000x64xf32, #tpu.memory_space<vmem_shared>> -> memref<10000x64xf32, #tpu.memory_space<vmem_shared>>
      tpu.wait_indirect_dma semaphore(%arg25 : memref<!tpu.dma_semaphore, #tpu.memory_space<semaphore_mem>>) src(%arg14 : memref<125x64xf32, #tpu.memory_space<vmem>>) dst(%dma_wait3A_118 : memref<10000x64xf32, #tpu.memory_space<vmem_shared>>)
      %dma_wait3A_119 = arith.constant 158 : i32
      %dma_wait3A_120 = arith.constant 0 : i32
      %dma_wait3A_121 = tpu.memref_slice %arg11[%dma_wait3A_119, %dma_wait3A_120] : memref<160x125xi32, #tpu.memory_space<vmem>> -> memref<1x125xi32, #tpu.memory_space<vmem>>
      %dma_wait3A_122 = tpu.memref_squeeze %dma_wait3A_121 : memref<1x125xi32, #tpu.memory_space<vmem>> -> memref<125xi32, #tpu.memory_space<vmem>>
      %dma_wait3A_123 = arith.constant 0 : i32
      %dma_wait3A_124 = arith.constant 0 : i32
      %dma_wait3A_125 = tpu.memref_slice %arg17[%dma_wait3A_123, %dma_wait3A_124] : memref<10000x64xf32, #tpu.memory_space<vmem_shared>> -> memref<10000x64xf32, #tpu.memory_space<vmem_shared>>
      tpu.wait_indirect_dma semaphore(%arg26 : memref<!tpu.dma_semaphore, #tpu.memory_space<semaphore_mem>>) src(%arg15 : memref<125x64xf32, #tpu.memory_space<vmem>>) dst(%dma_wait3A_125 : memref<10000x64xf32, #tpu.memory_space<vmem_shared>>)
      %dma_wait3A_126 = arith.constant 159 : i32
      %dma_wait3A_127 = arith.constant 0 : i32
      %dma_wait3A_128 = tpu.memref_slice %arg11[%dma_wait3A_126, %dma_wait3A_127] : memref<160x125xi32, #tpu.memory_space<vmem>> -> memref<1x125xi32, #tpu.memory_space<vmem>>
      %dma_wait3A_129 = tpu.memref_squeeze %dma_wait3A_128 : memref<1x125xi32, #tpu.memory_space<vmem>> -> memref<125xi32, #tpu.memory_space<vmem>>
      %dma_wait3A_130 = arith.constant 0 : i32
      %dma_wait3A_131 = arith.constant 0 : i32
      %dma_wait3A_132 = tpu.memref_slice %arg17[%dma_wait3A_130, %dma_wait3A_131] : memref<10000x64xf32, #tpu.memory_space<vmem_shared>> -> memref<10000x64xf32, #tpu.memory_space<vmem_shared>>
      tpu.wait_indirect_dma semaphore(%arg27 : memref<!tpu.dma_semaphore, #tpu.memory_space<semaphore_mem>>) src(%arg16 : memref<125x64xf32, #tpu.memory_space<vmem>>) dst(%dma_wait3A_132 : memref<10000x64xf32, #tpu.memory_space<vmem_shared>>)
    } else {
    }
    %eq3A_43 = arith.constant 1 : i32
    %eq3A_44 = arith.cmpi eq, %arg0, %eq3A_43 : i32
    %convert_element_type3A_45 = arith.extui %eq3A_44 : i1 to i32
    %cond3A_46 = arith.constant 0 : i32
    %cond3A_47 = arith.cmpi ne, %convert_element_type3A_45, %cond3A_46 : i32
    scf.if %cond3A_47 {
      %dma_start3A = arith.constant 0 : i32
      %dma_start3A_60 = arith.constant 0 : i32
      %dma_start3A_61 = tpu.memref_slice %arg10[%dma_start3A, %dma_start3A_60] : memref<160x125xi32, #tpu.memory_space<vmem>> -> memref<1x125xi32, #tpu.memory_space<vmem>>
      %dma_start3A_62 = tpu.memref_squeeze %dma_start3A_61 : memref<1x125xi32, #tpu.memory_space<vmem>> -> memref<125xi32, #tpu.memory_space<vmem>>
      %dma_start3A_63 = arith.constant 0 : i32
      %dma_start3A_64 = arith.constant 0 : i32
      %dma_start3A_65 = tpu.memref_slice %arg5[%dma_start3A_63, %dma_start3A_64] : memref<10000x64xf32, #tpu.memory_space<hbm>> -> memref<10000x64xf32, #tpu.memory_space<hbm>>
      tpu.enqueue_indirect_dma source(%dma_start3A_65 : memref<10000x64xf32, #tpu.memory_space<hbm>>) target(%arg12 : memref<125x64xf32, #tpu.memory_space<vmem>>) offsets(%dma_start3A_62 : memref<125xi32, #tpu.memory_space<vmem>>) semaphore(%arg18 : memref<!tpu.dma_semaphore, #tpu.memory_space<semaphore_mem>>)
      %dma_start3A_66 = arith.constant 1 : i32
      %dma_start3A_67 = arith.constant 0 : i32
      %dma_start3A_68 = tpu.memref_slice %arg10[%dma_start3A_66, %dma_start3A_67] : memref<160x125xi32, #tpu.memory_space<vmem>> -> memref<1x125xi32, #tpu.memory_space<vmem>>
      %dma_start3A_69 = tpu.memref_squeeze %dma_start3A_68 : memref<1x125xi32, #tpu.memory_space<vmem>> -> memref<125xi32, #tpu.memory_space<vmem>>
      %dma_start3A_70 = arith.constant 0 : i32
      %dma_start3A_71 = arith.constant 0 : i32
      %dma_start3A_72 = tpu.memref_slice %arg5[%dma_start3A_70, %dma_start3A_71] : memref<10000x64xf32, #tpu.memory_space<hbm>> -> memref<10000x64xf32, #tpu.memory_space<hbm>>
      tpu.enqueue_indirect_dma source(%dma_start3A_72 : memref<10000x64xf32, #tpu.memory_space<hbm>>) target(%arg13 : memref<125x64xf32, #tpu.memory_space<vmem>>) offsets(%dma_start3A_69 : memref<125xi32, #tpu.memory_space<vmem>>) semaphore(%arg19 : memref<!tpu.dma_semaphore, #tpu.memory_space<semaphore_mem>>)
      %dma_start3A_73 = arith.constant 2 : i32
      %dma_start3A_74 = arith.constant 0 : i32
      %dma_start3A_75 = tpu.memref_slice %arg10[%dma_start3A_73, %dma_start3A_74] : memref<160x125xi32, #tpu.memory_space<vmem>> -> memref<1x125xi32, #tpu.memory_space<vmem>>
      %dma_start3A_76 = tpu.memref_squeeze %dma_start3A_75 : memref<1x125xi32, #tpu.memory_space<vmem>> -> memref<125xi32, #tpu.memory_space<vmem>>
      %dma_start3A_77 = arith.constant 0 : i32
      %dma_start3A_78 = arith.constant 0 : i32
      %dma_start3A_79 = tpu.memref_slice %arg5[%dma_start3A_77, %dma_start3A_78] : memref<10000x64xf32, #tpu.memory_space<hbm>> -> memref<10000x64xf32, #tpu.memory_space<hbm>>
      tpu.enqueue_indirect_dma source(%dma_start3A_79 : memref<10000x64xf32, #tpu.memory_space<hbm>>) target(%arg14 : memref<125x64xf32, #tpu.memory_space<vmem>>) offsets(%dma_start3A_76 : memref<125xi32, #tpu.memory_space<vmem>>) semaphore(%arg20 : memref<!tpu.dma_semaphore, #tpu.memory_space<semaphore_mem>>)
      %dma_start3A_80 = arith.constant 3 : i32
      %dma_start3A_81 = arith.constant 0 : i32
      %dma_start3A_82 = tpu.memref_slice %arg10[%dma_start3A_80, %dma_start3A_81] : memref<160x125xi32, #tpu.memory_space<vmem>> -> memref<1x125xi32, #tpu.memory_space<vmem>>
      %dma_start3A_83 = tpu.memref_squeeze %dma_start3A_82 : memref<1x125xi32, #tpu.memory_space<vmem>> -> memref<125xi32, #tpu.memory_space<vmem>>
      %dma_start3A_84 = arith.constant 0 : i32
      %dma_start3A_85 = arith.constant 0 : i32
      %dma_start3A_86 = tpu.memref_slice %arg5[%dma_start3A_84, %dma_start3A_85] : memref<10000x64xf32, #tpu.memory_space<hbm>> -> memref<10000x64xf32, #tpu.memory_space<hbm>>
      tpu.enqueue_indirect_dma source(%dma_start3A_86 : memref<10000x64xf32, #tpu.memory_space<hbm>>) target(%arg15 : memref<125x64xf32, #tpu.memory_space<vmem>>) offsets(%dma_start3A_83 : memref<125xi32, #tpu.memory_space<vmem>>) semaphore(%arg21 : memref<!tpu.dma_semaphore, #tpu.memory_space<semaphore_mem>>)
      %dma_start3A_87 = arith.constant 4 : i32
      %dma_start3A_88 = arith.constant 0 : i32
      %dma_start3A_89 = tpu.memref_slice %arg10[%dma_start3A_87, %dma_start3A_88] : memref<160x125xi32, #tpu.memory_space<vmem>> -> memref<1x125xi32, #tpu.memory_space<vmem>>
      %dma_start3A_90 = tpu.memref_squeeze %dma_start3A_89 : memref<1x125xi32, #tpu.memory_space<vmem>> -> memref<125xi32, #tpu.memory_space<vmem>>
      %dma_start3A_91 = arith.constant 0 : i32
      %dma_start3A_92 = arith.constant 0 : i32
      %dma_start3A_93 = tpu.memref_slice %arg5[%dma_start3A_91, %dma_start3A_92] : memref<10000x64xf32, #tpu.memory_space<hbm>> -> memref<10000x64xf32, #tpu.memory_space<hbm>>
      tpu.enqueue_indirect_dma source(%dma_start3A_93 : memref<10000x64xf32, #tpu.memory_space<hbm>>) target(%arg16 : memref<125x64xf32, #tpu.memory_space<vmem>>) offsets(%dma_start3A_90 : memref<125xi32, #tpu.memory_space<vmem>>) semaphore(%arg22 : memref<!tpu.dma_semaphore, #tpu.memory_space<semaphore_mem>>)
      %scan3A = arith.constant 0 : i32
      %scan3A_94 = arith.constant 0 : i32
      %scan3A_95 = arith.constant 32 : i32
      %scan3A_96 = arith.addi %scan3A_94, %scan3A_95 : i32
      %scan3A_97 = arith.constant 1 : i32
      scf.for %scan3A_133 = %scan3A_94 to %scan3A_96 step %scan3A_97  : i32 {
        %mul3A = arith.constant 5 : i32
        %mul3A_134 = arith.muli %scan3A_133, %mul3A : i32
        %add3A_135 = arith.constant 0 : i32
        %add3A_136 = arith.addi %mul3A_134, %add3A_135 : i32
        %dma_wait3A_137 = arith.constant 0 : i32
        %dma_wait3A_138 = tpu.memref_slice %arg10[%add3A_136, %dma_wait3A_137] : memref<160x125xi32, #tpu.memory_space<vmem>> -> memref<1x125xi32, #tpu.memory_space<vmem>>
        %dma_wait3A_139 = tpu.memref_squeeze %dma_wait3A_138 : memref<1x125xi32, #tpu.memory_space<vmem>> -> memref<125xi32, #tpu.memory_space<vmem>>
        %dma_wait3A_140 = arith.constant 0 : i32
        %dma_wait3A_141 = arith.constant 0 : i32
        %dma_wait3A_142 = tpu.memref_slice %arg5[%dma_wait3A_140, %dma_wait3A_141] : memref<10000x64xf32, #tpu.memory_space<hbm>> -> memref<10000x64xf32, #tpu.memory_space<hbm>>
        tpu.wait_indirect_dma semaphore(%arg18 : memref<!tpu.dma_semaphore, #tpu.memory_space<semaphore_mem>>) src(%dma_wait3A_142 : memref<10000x64xf32, #tpu.memory_space<hbm>>) dst(%arg12 : memref<125x64xf32, #tpu.memory_space<vmem>>)
        %dma_start3A_143 = arith.constant 0 : i32
        %dma_start3A_144 = tpu.memref_slice %arg11[%add3A_136, %dma_start3A_143] : memref<160x125xi32, #tpu.memory_space<vmem>> -> memref<1x125xi32, #tpu.memory_space<vmem>>
        %dma_start3A_145 = tpu.memref_squeeze %dma_start3A_144 : memref<1x125xi32, #tpu.memory_space<vmem>> -> memref<125xi32, #tpu.memory_space<vmem>>
        %dma_start3A_146 = arith.constant 0 : i32
        %dma_start3A_147 = arith.constant 0 : i32
        %dma_start3A_148 = tpu.memref_slice %arg17[%dma_start3A_146, %dma_start3A_147] : memref<10000x64xf32, #tpu.memory_space<vmem_shared>> -> memref<10000x64xf32, #tpu.memory_space<vmem_shared>>
        tpu.enqueue_indirect_dma source(%arg12 : memref<125x64xf32, #tpu.memory_space<vmem>>) target(%dma_start3A_148 : memref<10000x64xf32, #tpu.memory_space<vmem_shared>>) offsets(%dma_start3A_145 : memref<125xi32, #tpu.memory_space<vmem>>) semaphore(%arg23 : memref<!tpu.dma_semaphore, #tpu.memory_space<semaphore_mem>>) {add = true}
        %add3A_149 = arith.constant 1 : i32
        %add3A_150 = arith.addi %mul3A_134, %add3A_149 : i32
        %dma_wait3A_151 = arith.constant 0 : i32
        %dma_wait3A_152 = tpu.memref_slice %arg10[%add3A_150, %dma_wait3A_151] : memref<160x125xi32, #tpu.memory_space<vmem>> -> memref<1x125xi32, #tpu.memory_space<vmem>>
        %dma_wait3A_153 = tpu.memref_squeeze %dma_wait3A_152 : memref<1x125xi32, #tpu.memory_space<vmem>> -> memref<125xi32, #tpu.memory_space<vmem>>
        %dma_wait3A_154 = arith.constant 0 : i32
        %dma_wait3A_155 = arith.constant 0 : i32
        %dma_wait3A_156 = tpu.memref_slice %arg5[%dma_wait3A_154, %dma_wait3A_155] : memref<10000x64xf32, #tpu.memory_space<hbm>> -> memref<10000x64xf32, #tpu.memory_space<hbm>>
        tpu.wait_indirect_dma semaphore(%arg19 : memref<!tpu.dma_semaphore, #tpu.memory_space<semaphore_mem>>) src(%dma_wait3A_156 : memref<10000x64xf32, #tpu.memory_space<hbm>>) dst(%arg13 : memref<125x64xf32, #tpu.memory_space<vmem>>)
        %dma_start3A_157 = arith.constant 0 : i32
        %dma_start3A_158 = tpu.memref_slice %arg11[%add3A_150, %dma_start3A_157] : memref<160x125xi32, #tpu.memory_space<vmem>> -> memref<1x125xi32, #tpu.memory_space<vmem>>
        %dma_start3A_159 = tpu.memref_squeeze %dma_start3A_158 : memref<1x125xi32, #tpu.memory_space<vmem>> -> memref<125xi32, #tpu.memory_space<vmem>>
        %dma_start3A_160 = arith.constant 0 : i32
        %dma_start3A_161 = arith.constant 0 : i32
        %dma_start3A_162 = tpu.memref_slice %arg17[%dma_start3A_160, %dma_start3A_161] : memref<10000x64xf32, #tpu.memory_space<vmem_shared>> -> memref<10000x64xf32, #tpu.memory_space<vmem_shared>>
        tpu.enqueue_indirect_dma source(%arg13 : memref<125x64xf32, #tpu.memory_space<vmem>>) target(%dma_start3A_162 : memref<10000x64xf32, #tpu.memory_space<vmem_shared>>) offsets(%dma_start3A_159 : memref<125xi32, #tpu.memory_space<vmem>>) semaphore(%arg24 : memref<!tpu.dma_semaphore, #tpu.memory_space<semaphore_mem>>) {add = true}
        %add3A_163 = arith.constant 2 : i32
        %add3A_164 = arith.addi %mul3A_134, %add3A_163 : i32
        %dma_wait3A_165 = arith.constant 0 : i32
        %dma_wait3A_166 = tpu.memref_slice %arg10[%add3A_164, %dma_wait3A_165] : memref<160x125xi32, #tpu.memory_space<vmem>> -> memref<1x125xi32, #tpu.memory_space<vmem>>
        %dma_wait3A_167 = tpu.memref_squeeze %dma_wait3A_166 : memref<1x125xi32, #tpu.memory_space<vmem>> -> memref<125xi32, #tpu.memory_space<vmem>>
        %dma_wait3A_168 = arith.constant 0 : i32
        %dma_wait3A_169 = arith.constant 0 : i32
        %dma_wait3A_170 = tpu.memref_slice %arg5[%dma_wait3A_168, %dma_wait3A_169] : memref<10000x64xf32, #tpu.memory_space<hbm>> -> memref<10000x64xf32, #tpu.memory_space<hbm>>
        tpu.wait_indirect_dma semaphore(%arg20 : memref<!tpu.dma_semaphore, #tpu.memory_space<semaphore_mem>>) src(%dma_wait3A_170 : memref<10000x64xf32, #tpu.memory_space<hbm>>) dst(%arg14 : memref<125x64xf32, #tpu.memory_space<vmem>>)
        %dma_start3A_171 = arith.constant 0 : i32
        %dma_start3A_172 = tpu.memref_slice %arg11[%add3A_164, %dma_start3A_171] : memref<160x125xi32, #tpu.memory_space<vmem>> -> memref<1x125xi32, #tpu.memory_space<vmem>>
        %dma_start3A_173 = tpu.memref_squeeze %dma_start3A_172 : memref<1x125xi32, #tpu.memory_space<vmem>> -> memref<125xi32, #tpu.memory_space<vmem>>
        %dma_start3A_174 = arith.constant 0 : i32
        %dma_start3A_175 = arith.constant 0 : i32
        %dma_start3A_176 = tpu.memref_slice %arg17[%dma_start3A_174, %dma_start3A_175] : memref<10000x64xf32, #tpu.memory_space<vmem_shared>> -> memref<10000x64xf32, #tpu.memory_space<vmem_shared>>
        tpu.enqueue_indirect_dma source(%arg14 : memref<125x64xf32, #tpu.memory_space<vmem>>) target(%dma_start3A_176 : memref<10000x64xf32, #tpu.memory_space<vmem_shared>>) offsets(%dma_start3A_173 : memref<125xi32, #tpu.memory_space<vmem>>) semaphore(%arg25 : memref<!tpu.dma_semaphore, #tpu.memory_space<semaphore_mem>>) {add = true}
        %add3A_177 = arith.constant 3 : i32
        %add3A_178 = arith.addi %mul3A_134, %add3A_177 : i32
        %dma_wait3A_179 = arith.constant 0 : i32
        %dma_wait3A_180 = tpu.memref_slice %arg10[%add3A_178, %dma_wait3A_179] : memref<160x125xi32, #tpu.memory_space<vmem>> -> memref<1x125xi32, #tpu.memory_space<vmem>>
        %dma_wait3A_181 = tpu.memref_squeeze %dma_wait3A_180 : memref<1x125xi32, #tpu.memory_space<vmem>> -> memref<125xi32, #tpu.memory_space<vmem>>
        %dma_wait3A_182 = arith.constant 0 : i32
        %dma_wait3A_183 = arith.constant 0 : i32
        %dma_wait3A_184 = tpu.memref_slice %arg5[%dma_wait3A_182, %dma_wait3A_183] : memref<10000x64xf32, #tpu.memory_space<hbm>> -> memref<10000x64xf32, #tpu.memory_space<hbm>>
        tpu.wait_indirect_dma semaphore(%arg21 : memref<!tpu.dma_semaphore, #tpu.memory_space<semaphore_mem>>) src(%dma_wait3A_184 : memref<10000x64xf32, #tpu.memory_space<hbm>>) dst(%arg15 : memref<125x64xf32, #tpu.memory_space<vmem>>)
        %dma_start3A_185 = arith.constant 0 : i32
        %dma_start3A_186 = tpu.memref_slice %arg11[%add3A_178, %dma_start3A_185] : memref<160x125xi32, #tpu.memory_space<vmem>> -> memref<1x125xi32, #tpu.memory_space<vmem>>
        %dma_start3A_187 = tpu.memref_squeeze %dma_start3A_186 : memref<1x125xi32, #tpu.memory_space<vmem>> -> memref<125xi32, #tpu.memory_space<vmem>>
        %dma_start3A_188 = arith.constant 0 : i32
        %dma_start3A_189 = arith.constant 0 : i32
        %dma_start3A_190 = tpu.memref_slice %arg17[%dma_start3A_188, %dma_start3A_189] : memref<10000x64xf32, #tpu.memory_space<vmem_shared>> -> memref<10000x64xf32, #tpu.memory_space<vmem_shared>>
        tpu.enqueue_indirect_dma source(%arg15 : memref<125x64xf32, #tpu.memory_space<vmem>>) target(%dma_start3A_190 : memref<10000x64xf32, #tpu.memory_space<vmem_shared>>) offsets(%dma_start3A_187 : memref<125xi32, #tpu.memory_space<vmem>>) semaphore(%arg26 : memref<!tpu.dma_semaphore, #tpu.memory_space<semaphore_mem>>) {add = true}
        %add3A_191 = arith.constant 4 : i32
        %add3A_192 = arith.addi %mul3A_134, %add3A_191 : i32
        %dma_wait3A_193 = arith.constant 0 : i32
        %dma_wait3A_194 = tpu.memref_slice %arg10[%add3A_192, %dma_wait3A_193] : memref<160x125xi32, #tpu.memory_space<vmem>> -> memref<1x125xi32, #tpu.memory_space<vmem>>
        %dma_wait3A_195 = tpu.memref_squeeze %dma_wait3A_194 : memref<1x125xi32, #tpu.memory_space<vmem>> -> memref<125xi32, #tpu.memory_space<vmem>>
        %dma_wait3A_196 = arith.constant 0 : i32
        %dma_wait3A_197 = arith.constant 0 : i32
        %dma_wait3A_198 = tpu.memref_slice %arg5[%dma_wait3A_196, %dma_wait3A_197] : memref<10000x64xf32, #tpu.memory_space<hbm>> -> memref<10000x64xf32, #tpu.memory_space<hbm>>
        tpu.wait_indirect_dma semaphore(%arg22 : memref<!tpu.dma_semaphore, #tpu.memory_space<semaphore_mem>>) src(%dma_wait3A_198 : memref<10000x64xf32, #tpu.memory_space<hbm>>) dst(%arg16 : memref<125x64xf32, #tpu.memory_space<vmem>>)
        %dma_start3A_199 = arith.constant 0 : i32
        %dma_start3A_200 = tpu.memref_slice %arg11[%add3A_192, %dma_start3A_199] : memref<160x125xi32, #tpu.memory_space<vmem>> -> memref<1x125xi32, #tpu.memory_space<vmem>>
        %dma_start3A_201 = tpu.memref_squeeze %dma_start3A_200 : memref<1x125xi32, #tpu.memory_space<vmem>> -> memref<125xi32, #tpu.memory_space<vmem>>
        %dma_start3A_202 = arith.constant 0 : i32
        %dma_start3A_203 = arith.constant 0 : i32
        %dma_start3A_204 = tpu.memref_slice %arg17[%dma_start3A_202, %dma_start3A_203] : memref<10000x64xf32, #tpu.memory_space<vmem_shared>> -> memref<10000x64xf32, #tpu.memory_space<vmem_shared>>
        tpu.enqueue_indirect_dma source(%arg16 : memref<125x64xf32, #tpu.memory_space<vmem>>) target(%dma_start3A_204 : memref<10000x64xf32, #tpu.memory_space<vmem_shared>>) offsets(%dma_start3A_201 : memref<125xi32, #tpu.memory_space<vmem>>) semaphore(%arg27 : memref<!tpu.dma_semaphore, #tpu.memory_space<semaphore_mem>>) {add = true}
        %lt3A_205 = arith.constant 31 : i32
        %lt3A_206 = arith.cmpi slt, %scan3A_133, %lt3A_205 : i32
        %convert_element_type3A_207 = arith.extui %lt3A_206 : i1 to i32
        %cond3A_208 = arith.constant 0 : i32
        %cond3A_209 = arith.cmpi ne, %convert_element_type3A_207, %cond3A_208 : i32
        scf.if %cond3A_209 {
          %add3A_210 = arith.constant 0 : i32
          %add3A_211 = arith.addi %mul3A_134, %add3A_210 : i32
          %dma_wait3A_212 = arith.constant 0 : i32
          %dma_wait3A_213 = tpu.memref_slice %arg11[%add3A_211, %dma_wait3A_212] : memref<160x125xi32, #tpu.memory_space<vmem>> -> memref<1x125xi32, #tpu.memory_space<vmem>>
          %dma_wait3A_214 = tpu.memref_squeeze %dma_wait3A_213 : memref<1x125xi32, #tpu.memory_space<vmem>> -> memref<125xi32, #tpu.memory_space<vmem>>
          %dma_wait3A_215 = arith.constant 0 : i32
          %dma_wait3A_216 = arith.constant 0 : i32
          %dma_wait3A_217 = tpu.memref_slice %arg17[%dma_wait3A_215, %dma_wait3A_216] : memref<10000x64xf32, #tpu.memory_space<vmem_shared>> -> memref<10000x64xf32, #tpu.memory_space<vmem_shared>>
          tpu.wait_indirect_dma semaphore(%arg23 : memref<!tpu.dma_semaphore, #tpu.memory_space<semaphore_mem>>) src(%arg12 : memref<125x64xf32, #tpu.memory_space<vmem>>) dst(%dma_wait3A_217 : memref<10000x64xf32, #tpu.memory_space<vmem_shared>>)
          %add3A_218 = arith.constant 5 : i32
          %add3A_219 = arith.addi %add3A_211, %add3A_218 : i32
          %dma_start3A_220 = arith.constant 0 : i32
          %dma_start3A_221 = tpu.memref_slice %arg10[%add3A_219, %dma_start3A_220] : memref<160x125xi32, #tpu.memory_space<vmem>> -> memref<1x125xi32, #tpu.memory_space<vmem>>
          %dma_start3A_222 = tpu.memref_squeeze %dma_start3A_221 : memref<1x125xi32, #tpu.memory_space<vmem>> -> memref<125xi32, #tpu.memory_space<vmem>>
          %dma_start3A_223 = arith.constant 0 : i32
          %dma_start3A_224 = arith.constant 0 : i32
          %dma_start3A_225 = tpu.memref_slice %arg5[%dma_start3A_223, %dma_start3A_224] : memref<10000x64xf32, #tpu.memory_space<hbm>> -> memref<10000x64xf32, #tpu.memory_space<hbm>>
          tpu.enqueue_indirect_dma source(%dma_start3A_225 : memref<10000x64xf32, #tpu.memory_space<hbm>>) target(%arg12 : memref<125x64xf32, #tpu.memory_space<vmem>>) offsets(%dma_start3A_222 : memref<125xi32, #tpu.memory_space<vmem>>) semaphore(%arg18 : memref<!tpu.dma_semaphore, #tpu.memory_space<semaphore_mem>>)
          %add3A_226 = arith.constant 1 : i32
          %add3A_227 = arith.addi %mul3A_134, %add3A_226 : i32
          %dma_wait3A_228 = arith.constant 0 : i32
          %dma_wait3A_229 = tpu.memref_slice %arg11[%add3A_227, %dma_wait3A_228] : memref<160x125xi32, #tpu.memory_space<vmem>> -> memref<1x125xi32, #tpu.memory_space<vmem>>
          %dma_wait3A_230 = tpu.memref_squeeze %dma_wait3A_229 : memref<1x125xi32, #tpu.memory_space<vmem>> -> memref<125xi32, #tpu.memory_space<vmem>>
          %dma_wait3A_231 = arith.constant 0 : i32
          %dma_wait3A_232 = arith.constant 0 : i32
          %dma_wait3A_233 = tpu.memref_slice %arg17[%dma_wait3A_231, %dma_wait3A_232] : memref<10000x64xf32, #tpu.memory_space<vmem_shared>> -> memref<10000x64xf32, #tpu.memory_space<vmem_shared>>
          tpu.wait_indirect_dma semaphore(%arg24 : memref<!tpu.dma_semaphore, #tpu.memory_space<semaphore_mem>>) src(%arg13 : memref<125x64xf32, #tpu.memory_space<vmem>>) dst(%dma_wait3A_233 : memref<10000x64xf32, #tpu.memory_space<vmem_shared>>)
          %add3A_234 = arith.constant 5 : i32
          %add3A_235 = arith.addi %add3A_227, %add3A_234 : i32
          %dma_start3A_236 = arith.constant 0 : i32
          %dma_start3A_237 = tpu.memref_slice %arg10[%add3A_235, %dma_start3A_236] : memref<160x125xi32, #tpu.memory_space<vmem>> -> memref<1x125xi32, #tpu.memory_space<vmem>>
          %dma_start3A_238 = tpu.memref_squeeze %dma_start3A_237 : memref<1x125xi32, #tpu.memory_space<vmem>> -> memref<125xi32, #tpu.memory_space<vmem>>
          %dma_start3A_239 = arith.constant 0 : i32
          %dma_start3A_240 = arith.constant 0 : i32
          %dma_start3A_241 = tpu.memref_slice %arg5[%dma_start3A_239, %dma_start3A_240] : memref<10000x64xf32, #tpu.memory_space<hbm>> -> memref<10000x64xf32, #tpu.memory_space<hbm>>
          tpu.enqueue_indirect_dma source(%dma_start3A_241 : memref<10000x64xf32, #tpu.memory_space<hbm>>) target(%arg13 : memref<125x64xf32, #tpu.memory_space<vmem>>) offsets(%dma_start3A_238 : memref<125xi32, #tpu.memory_space<vmem>>) semaphore(%arg19 : memref<!tpu.dma_semaphore, #tpu.memory_space<semaphore_mem>>)
          %add3A_242 = arith.constant 2 : i32
          %add3A_243 = arith.addi %mul3A_134, %add3A_242 : i32
          %dma_wait3A_244 = arith.constant 0 : i32
          %dma_wait3A_245 = tpu.memref_slice %arg11[%add3A_243, %dma_wait3A_244] : memref<160x125xi32, #tpu.memory_space<vmem>> -> memref<1x125xi32, #tpu.memory_space<vmem>>
          %dma_wait3A_246 = tpu.memref_squeeze %dma_wait3A_245 : memref<1x125xi32, #tpu.memory_space<vmem>> -> memref<125xi32, #tpu.memory_space<vmem>>
          %dma_wait3A_247 = arith.constant 0 : i32
          %dma_wait3A_248 = arith.constant 0 : i32
          %dma_wait3A_249 = tpu.memref_slice %arg17[%dma_wait3A_247, %dma_wait3A_248] : memref<10000x64xf32, #tpu.memory_space<vmem_shared>> -> memref<10000x64xf32, #tpu.memory_space<vmem_shared>>
          tpu.wait_indirect_dma semaphore(%arg25 : memref<!tpu.dma_semaphore, #tpu.memory_space<semaphore_mem>>) src(%arg14 : memref<125x64xf32, #tpu.memory_space<vmem>>) dst(%dma_wait3A_249 : memref<10000x64xf32, #tpu.memory_space<vmem_shared>>)
          %add3A_250 = arith.constant 5 : i32
          %add3A_251 = arith.addi %add3A_243, %add3A_250 : i32
          %dma_start3A_252 = arith.constant 0 : i32
          %dma_start3A_253 = tpu.memref_slice %arg10[%add3A_251, %dma_start3A_252] : memref<160x125xi32, #tpu.memory_space<vmem>> -> memref<1x125xi32, #tpu.memory_space<vmem>>
          %dma_start3A_254 = tpu.memref_squeeze %dma_start3A_253 : memref<1x125xi32, #tpu.memory_space<vmem>> -> memref<125xi32, #tpu.memory_space<vmem>>
          %dma_start3A_255 = arith.constant 0 : i32
          %dma_start3A_256 = arith.constant 0 : i32
          %dma_start3A_257 = tpu.memref_slice %arg5[%dma_start3A_255, %dma_start3A_256] : memref<10000x64xf32, #tpu.memory_space<hbm>> -> memref<10000x64xf32, #tpu.memory_space<hbm>>
          tpu.enqueue_indirect_dma source(%dma_start3A_257 : memref<10000x64xf32, #tpu.memory_space<hbm>>) target(%arg14 : memref<125x64xf32, #tpu.memory_space<vmem>>) offsets(%dma_start3A_254 : memref<125xi32, #tpu.memory_space<vmem>>) semaphore(%arg20 : memref<!tpu.dma_semaphore, #tpu.memory_space<semaphore_mem>>)
          %add3A_258 = arith.constant 3 : i32
          %add3A_259 = arith.addi %mul3A_134, %add3A_258 : i32
          %dma_wait3A_260 = arith.constant 0 : i32
          %dma_wait3A_261 = tpu.memref_slice %arg11[%add3A_259, %dma_wait3A_260] : memref<160x125xi32, #tpu.memory_space<vmem>> -> memref<1x125xi32, #tpu.memory_space<vmem>>
          %dma_wait3A_262 = tpu.memref_squeeze %dma_wait3A_261 : memref<1x125xi32, #tpu.memory_space<vmem>> -> memref<125xi32, #tpu.memory_space<vmem>>
          %dma_wait3A_263 = arith.constant 0 : i32
          %dma_wait3A_264 = arith.constant 0 : i32
          %dma_wait3A_265 = tpu.memref_slice %arg17[%dma_wait3A_263, %dma_wait3A_264] : memref<10000x64xf32, #tpu.memory_space<vmem_shared>> -> memref<10000x64xf32, #tpu.memory_space<vmem_shared>>
          tpu.wait_indirect_dma semaphore(%arg26 : memref<!tpu.dma_semaphore, #tpu.memory_space<semaphore_mem>>) src(%arg15 : memref<125x64xf32, #tpu.memory_space<vmem>>) dst(%dma_wait3A_265 : memref<10000x64xf32, #tpu.memory_space<vmem_shared>>)
          %add3A_266 = arith.constant 5 : i32
          %add3A_267 = arith.addi %add3A_259, %add3A_266 : i32
          %dma_start3A_268 = arith.constant 0 : i32
          %dma_start3A_269 = tpu.memref_slice %arg10[%add3A_267, %dma_start3A_268] : memref<160x125xi32, #tpu.memory_space<vmem>> -> memref<1x125xi32, #tpu.memory_space<vmem>>
          %dma_start3A_270 = tpu.memref_squeeze %dma_start3A_269 : memref<1x125xi32, #tpu.memory_space<vmem>> -> memref<125xi32, #tpu.memory_space<vmem>>
          %dma_start3A_271 = arith.constant 0 : i32
          %dma_start3A_272 = arith.constant 0 : i32
          %dma_start3A_273 = tpu.memref_slice %arg5[%dma_start3A_271, %dma_start3A_272] : memref<10000x64xf32, #tpu.memory_space<hbm>> -> memref<10000x64xf32, #tpu.memory_space<hbm>>
          tpu.enqueue_indirect_dma source(%dma_start3A_273 : memref<10000x64xf32, #tpu.memory_space<hbm>>) target(%arg15 : memref<125x64xf32, #tpu.memory_space<vmem>>) offsets(%dma_start3A_270 : memref<125xi32, #tpu.memory_space<vmem>>) semaphore(%arg21 : memref<!tpu.dma_semaphore, #tpu.memory_space<semaphore_mem>>)
          %add3A_274 = arith.constant 4 : i32
          %add3A_275 = arith.addi %mul3A_134, %add3A_274 : i32
          %dma_wait3A_276 = arith.constant 0 : i32
          %dma_wait3A_277 = tpu.memref_slice %arg11[%add3A_275, %dma_wait3A_276] : memref<160x125xi32, #tpu.memory_space<vmem>> -> memref<1x125xi32, #tpu.memory_space<vmem>>
          %dma_wait3A_278 = tpu.memref_squeeze %dma_wait3A_277 : memref<1x125xi32, #tpu.memory_space<vmem>> -> memref<125xi32, #tpu.memory_space<vmem>>
          %dma_wait3A_279 = arith.constant 0 : i32
          %dma_wait3A_280 = arith.constant 0 : i32
          %dma_wait3A_281 = tpu.memref_slice %arg17[%dma_wait3A_279, %dma_wait3A_280] : memref<10000x64xf32, #tpu.memory_space<vmem_shared>> -> memref<10000x64xf32, #tpu.memory_space<vmem_shared>>
          tpu.wait_indirect_dma semaphore(%arg27 : memref<!tpu.dma_semaphore, #tpu.memory_space<semaphore_mem>>) src(%arg16 : memref<125x64xf32, #tpu.memory_space<vmem>>) dst(%dma_wait3A_281 : memref<10000x64xf32, #tpu.memory_space<vmem_shared>>)
          %add3A_282 = arith.constant 5 : i32
          %add3A_283 = arith.addi %add3A_275, %add3A_282 : i32
          %dma_start3A_284 = arith.constant 0 : i32
          %dma_start3A_285 = tpu.memref_slice %arg10[%add3A_283, %dma_start3A_284] : memref<160x125xi32, #tpu.memory_space<vmem>> -> memref<1x125xi32, #tpu.memory_space<vmem>>
          %dma_start3A_286 = tpu.memref_squeeze %dma_start3A_285 : memref<1x125xi32, #tpu.memory_space<vmem>> -> memref<125xi32, #tpu.memory_space<vmem>>
          %dma_start3A_287 = arith.constant 0 : i32
          %dma_start3A_288 = arith.constant 0 : i32
          %dma_start3A_289 = tpu.memref_slice %arg5[%dma_start3A_287, %dma_start3A_288] : memref<10000x64xf32, #tpu.memory_space<hbm>> -> memref<10000x64xf32, #tpu.memory_space<hbm>>
          tpu.enqueue_indirect_dma source(%dma_start3A_289 : memref<10000x64xf32, #tpu.memory_space<hbm>>) target(%arg16 : memref<125x64xf32, #tpu.memory_space<vmem>>) offsets(%dma_start3A_286 : memref<125xi32, #tpu.memory_space<vmem>>) semaphore(%arg22 : memref<!tpu.dma_semaphore, #tpu.memory_space<semaphore_mem>>)
        } else {
        }
      }
      %scan3A_98 = arith.constant 32 : i32
      %dma_wait3A = arith.constant 155 : i32
      %dma_wait3A_99 = arith.constant 0 : i32
      %dma_wait3A_100 = tpu.memref_slice %arg11[%dma_wait3A, %dma_wait3A_99] : memref<160x125xi32, #tpu.memory_space<vmem>> -> memref<1x125xi32, #tpu.memory_space<vmem>>
      %dma_wait3A_101 = tpu.memref_squeeze %dma_wait3A_100 : memref<1x125xi32, #tpu.memory_space<vmem>> -> memref<125xi32, #tpu.memory_space<vmem>>
      %dma_wait3A_102 = arith.constant 0 : i32
      %dma_wait3A_103 = arith.constant 0 : i32
      %dma_wait3A_104 = tpu.memref_slice %arg17[%dma_wait3A_102, %dma_wait3A_103] : memref<10000x64xf32, #tpu.memory_space<vmem_shared>> -> memref<10000x64xf32, #tpu.memory_space<vmem_shared>>
      tpu.wait_indirect_dma semaphore(%arg23 : memref<!tpu.dma_semaphore, #tpu.memory_space<semaphore_mem>>) src(%arg12 : memref<125x64xf32, #tpu.memory_space<vmem>>) dst(%dma_wait3A_104 : memref<10000x64xf32, #tpu.memory_space<vmem_shared>>)
      %dma_wait3A_105 = arith.constant 156 : i32
      %dma_wait3A_106 = arith.constant 0 : i32
      %dma_wait3A_107 = tpu.memref_slice %arg11[%dma_wait3A_105, %dma_wait3A_106] : memref<160x125xi32, #tpu.memory_space<vmem>> -> memref<1x125xi32, #tpu.memory_space<vmem>>
      %dma_wait3A_108 = tpu.memref_squeeze %dma_wait3A_107 : memref<1x125xi32, #tpu.memory_space<vmem>> -> memref<125xi32, #tpu.memory_space<vmem>>
      %dma_wait3A_109 = arith.constant 0 : i32
      %dma_wait3A_110 = arith.constant 0 : i32
      %dma_wait3A_111 = tpu.memref_slice %arg17[%dma_wait3A_109, %dma_wait3A_110] : memref<10000x64xf32, #tpu.memory_space<vmem_shared>> -> memref<10000x64xf32, #tpu.memory_space<vmem_shared>>
      tpu.wait_indirect_dma semaphore(%arg24 : memref<!tpu.dma_semaphore, #tpu.memory_space<semaphore_mem>>) src(%arg13 : memref<125x64xf32, #tpu.memory_space<vmem>>) dst(%dma_wait3A_111 : memref<10000x64xf32, #tpu.memory_space<vmem_shared>>)
      %dma_wait3A_112 = arith.constant 157 : i32
      %dma_wait3A_113 = arith.constant 0 : i32
      %dma_wait3A_114 = tpu.memref_slice %arg11[%dma_wait3A_112, %dma_wait3A_113] : memref<160x125xi32, #tpu.memory_space<vmem>> -> memref<1x125xi32, #tpu.memory_space<vmem>>
      %dma_wait3A_115 = tpu.memref_squeeze %dma_wait3A_114 : memref<1x125xi32, #tpu.memory_space<vmem>> -> memref<125xi32, #tpu.memory_space<vmem>>
      %dma_wait3A_116 = arith.constant 0 : i32
      %dma_wait3A_117 = arith.constant 0 : i32
      %dma_wait3A_118 = tpu.memref_slice %arg17[%dma_wait3A_116, %dma_wait3A_117] : memref<10000x64xf32, #tpu.memory_space<vmem_shared>> -> memref<10000x64xf32, #tpu.memory_space<vmem_shared>>
      tpu.wait_indirect_dma semaphore(%arg25 : memref<!tpu.dma_semaphore, #tpu.memory_space<semaphore_mem>>) src(%arg14 : memref<125x64xf32, #tpu.memory_space<vmem>>) dst(%dma_wait3A_118 : memref<10000x64xf32, #tpu.memory_space<vmem_shared>>)
      %dma_wait3A_119 = arith.constant 158 : i32
      %dma_wait3A_120 = arith.constant 0 : i32
      %dma_wait3A_121 = tpu.memref_slice %arg11[%dma_wait3A_119, %dma_wait3A_120] : memref<160x125xi32, #tpu.memory_space<vmem>> -> memref<1x125xi32, #tpu.memory_space<vmem>>
      %dma_wait3A_122 = tpu.memref_squeeze %dma_wait3A_121 : memref<1x125xi32, #tpu.memory_space<vmem>> -> memref<125xi32, #tpu.memory_space<vmem>>
      %dma_wait3A_123 = arith.constant 0 : i32
      %dma_wait3A_124 = arith.constant 0 : i32
      %dma_wait3A_125 = tpu.memref_slice %arg17[%dma_wait3A_123, %dma_wait3A_124] : memref<10000x64xf32, #tpu.memory_space<vmem_shared>> -> memref<10000x64xf32, #tpu.memory_space<vmem_shared>>
      tpu.wait_indirect_dma semaphore(%arg26 : memref<!tpu.dma_semaphore, #tpu.memory_space<semaphore_mem>>) src(%arg15 : memref<125x64xf32, #tpu.memory_space<vmem>>) dst(%dma_wait3A_125 : memref<10000x64xf32, #tpu.memory_space<vmem_shared>>)
      %dma_wait3A_126 = arith.constant 159 : i32
      %dma_wait3A_127 = arith.constant 0 : i32
      %dma_wait3A_128 = tpu.memref_slice %arg11[%dma_wait3A_126, %dma_wait3A_127] : memref<160x125xi32, #tpu.memory_space<vmem>> -> memref<1x125xi32, #tpu.memory_space<vmem>>
      %dma_wait3A_129 = tpu.memref_squeeze %dma_wait3A_128 : memref<1x125xi32, #tpu.memory_space<vmem>> -> memref<125xi32, #tpu.memory_space<vmem>>
      %dma_wait3A_130 = arith.constant 0 : i32
      %dma_wait3A_131 = arith.constant 0 : i32
      %dma_wait3A_132 = tpu.memref_slice %arg17[%dma_wait3A_130, %dma_wait3A_131] : memref<10000x64xf32, #tpu.memory_space<vmem_shared>> -> memref<10000x64xf32, #tpu.memory_space<vmem_shared>>
      tpu.wait_indirect_dma semaphore(%arg27 : memref<!tpu.dma_semaphore, #tpu.memory_space<semaphore_mem>>) src(%arg16 : memref<125x64xf32, #tpu.memory_space<vmem>>) dst(%dma_wait3A_132 : memref<10000x64xf32, #tpu.memory_space<vmem_shared>>)
    } else {
    }
    %barrier3A_48 = arith.constant 0 : index
    tpu.barrier barrier_id(%barrier3A_48)
    %add3A = arith.constant 2 : i32
    %add3A_49 = arith.addi %arg0, %add3A : i32
    %lt3A_50 = arith.constant 15 : i32
    %lt3A_51 = arith.cmpi slt, %arg1, %lt3A_50 : i32
    %convert_element_type3A_52 = arith.extui %lt3A_51 : i1 to i32
    %cond3A_53 = arith.constant 0 : i32
    %cond3A_54 = arith.cmpi ne, %convert_element_type3A_52, %cond3A_53 : i32
    scf.if %cond3A_54 {
      %mul3A = arith.constant 624 : i32
      %mul3A_60 = arith.muli %arg1, %mul3A : i32
      %mul3A_61 = arith.constant 624 : i32
      %mul3A_62 = arith.muli %arg1, %mul3A_61 : i32
      "tpu.region"() ({
        %run_scoped3A = tpu.sem_alloc : memref<!tpu.dma_semaphore, #tpu.memory_space<semaphore_mem>>
        %dma_start3A = arith.constant 0 : i32
        %dma_start3A_63 = tpu.memref_slice %arg9[%add3A_49, %mul3A_62, %dma_start3A] : memref<4x10000x64xf32, #tpu.memory_space<hbm>> -> memref<1x624x64xf32, #tpu.memory_space<hbm>>
        %dma_start3A_64 = tpu.memref_squeeze %dma_start3A_63 : memref<1x624x64xf32, #tpu.memory_space<hbm>> -> memref<624x64xf32, #tpu.memory_space<hbm>>
        %dma_start3A_65 = arith.constant 0 : i32
        %dma_start3A_66 = tpu.memref_slice %arg17[%mul3A_60, %dma_start3A_65] : memref<10000x64xf32, #tpu.memory_space<vmem_shared>> -> memref<624x64xf32, #tpu.memory_space<vmem_shared>>
        tpu.enqueue_dma source(%dma_start3A_66 : memref<624x64xf32, #tpu.memory_space<vmem_shared>>) target(%dma_start3A_64 : memref<624x64xf32, #tpu.memory_space<hbm>>) target_semaphore(%run_scoped3A : memref<!tpu.dma_semaphore, #tpu.memory_space<semaphore_mem>>)
        %dma_wait3A = arith.constant 0 : i32
        %dma_wait3A_67 = tpu.memref_slice %arg9[%add3A_49, %mul3A_62, %dma_wait3A] : memref<4x10000x64xf32, #tpu.memory_space<hbm>> -> memref<1x624x64xf32, #tpu.memory_space<hbm>>
        %dma_wait3A_68 = tpu.memref_squeeze %dma_wait3A_67 : memref<1x624x64xf32, #tpu.memory_space<hbm>> -> memref<624x64xf32, #tpu.memory_space<hbm>>
        %dma_wait3A_69 = arith.constant 0 : i32
        %dma_wait3A_70 = tpu.memref_slice %arg17[%mul3A_60, %dma_wait3A_69] : memref<10000x64xf32, #tpu.memory_space<vmem_shared>> -> memref<624x64xf32, #tpu.memory_space<vmem_shared>>
        tpu.wait_dma2 semaphore(%run_scoped3A : memref<!tpu.dma_semaphore, #tpu.memory_space<semaphore_mem>>) src(%dma_wait3A_70 : memref<624x64xf32, #tpu.memory_space<vmem_shared>>) dst(%dma_wait3A_68 : memref<624x64xf32, #tpu.memory_space<hbm>>)
        tpu.yield
      }) : () -> ()
    } else {
    }
    %eq3A_55 = arith.constant 15 : i32
    %eq3A_56 = arith.cmpi eq, %arg1, %eq3A_55 : i32
    %convert_element_type3A_57 = arith.extui %eq3A_56 : i1 to i32
    %cond3A_58 = arith.constant 0 : i32
    %cond3A_59 = arith.cmpi ne, %convert_element_type3A_57, %cond3A_58 : i32
    scf.if %cond3A_59 {
      "tpu.region"() ({
        %run_scoped3A = tpu.sem_alloc : memref<!tpu.dma_semaphore, #tpu.memory_space<semaphore_mem>>
        %dma_start3A = arith.constant 9360 : i32
        %dma_start3A_60 = arith.constant 0 : i32
        %dma_start3A_61 = tpu.memref_slice %arg9[%add3A_49, %dma_start3A, %dma_start3A_60] : memref<4x10000x64xf32, #tpu.memory_space<hbm>> -> memref<1x640x64xf32, #tpu.memory_space<hbm>>
        %dma_start3A_62 = tpu.memref_squeeze %dma_start3A_61 : memref<1x640x64xf32, #tpu.memory_space<hbm>> -> memref<640x64xf32, #tpu.memory_space<hbm>>
        %dma_start3A_63 = arith.constant 9360 : i32
        %dma_start3A_64 = arith.constant 0 : i32
        %dma_start3A_65 = tpu.memref_slice %arg17[%dma_start3A_63, %dma_start3A_64] : memref<10000x64xf32, #tpu.memory_space<vmem_shared>> -> memref<640x64xf32, #tpu.memory_space<vmem_shared>>
        tpu.enqueue_dma source(%dma_start3A_65 : memref<640x64xf32, #tpu.memory_space<vmem_shared>>) target(%dma_start3A_62 : memref<640x64xf32, #tpu.memory_space<hbm>>) target_semaphore(%run_scoped3A : memref<!tpu.dma_semaphore, #tpu.memory_space<semaphore_mem>>)
        %dma_wait3A = arith.constant 9360 : i32
        %dma_wait3A_66 = arith.constant 0 : i32
        %dma_wait3A_67 = tpu.memref_slice %arg9[%add3A_49, %dma_wait3A, %dma_wait3A_66] : memref<4x10000x64xf32, #tpu.memory_space<hbm>> -> memref<1x640x64xf32, #tpu.memory_space<hbm>>
        %dma_wait3A_68 = tpu.memref_squeeze %dma_wait3A_67 : memref<1x640x64xf32, #tpu.memory_space<hbm>> -> memref<640x64xf32, #tpu.memory_space<hbm>>
        %dma_wait3A_69 = arith.constant 9360 : i32
        %dma_wait3A_70 = arith.constant 0 : i32
        %dma_wait3A_71 = tpu.memref_slice %arg17[%dma_wait3A_69, %dma_wait3A_70] : memref<10000x64xf32, #tpu.memory_space<vmem_shared>> -> memref<640x64xf32, #tpu.memory_space<vmem_shared>>
        tpu.wait_dma2 semaphore(%run_scoped3A : memref<!tpu.dma_semaphore, #tpu.memory_space<semaphore_mem>>) src(%dma_wait3A_71 : memref<640x64xf32, #tpu.memory_space<vmem_shared>>) dst(%dma_wait3A_68 : memref<640x64xf32, #tpu.memory_space<hbm>>)
        tpu.yield
      }) : () -> ()
    } else {
    }
    return
  }
}

#map = affine_map<(d0, d1) -> (0, 0)>
#map1 = affine_map<(d0, d1) -> (0, 0, 0)>
module attributes {stable_mosaic.version = 14 : i64} {
  func.func @_sc_agg(%arg0: i32, %arg1: i32, %arg2: memref<20000x64xf32, #tpu.memory_space<hbm>>, %arg3: memref<16x160x125xi32, #tpu.memory_space<hbm>>, %arg4: memref<16x160x125xi32, #tpu.memory_space<hbm>>, %arg5: memref<640x64xf32, #tpu.memory_space<hbm>>, %arg6: memref<2x10000x64xf32, #tpu.memory_space<hbm>>, %arg7: memref<160x125xi32, #tpu.memory_space<vmem>>, %arg8: memref<160x125xi32, #tpu.memory_space<vmem>>, %arg9: memref<125x64xf32, #tpu.memory_space<vmem>>, %arg10: memref<125x64xf32, #tpu.memory_space<vmem>>, %arg11: memref<125x64xf32, #tpu.memory_space<vmem>>, %arg12: memref<125x64xf32, #tpu.memory_space<vmem>>, %arg13: memref<125x64xf32, #tpu.memory_space<vmem>>, %arg14: memref<10000x64xf32, #tpu.memory_space<vmem_shared>>, %arg15: memref<!tpu.dma_semaphore, #tpu.memory_space<semaphore_mem>>, %arg16: memref<!tpu.dma_semaphore, #tpu.memory_space<semaphore_mem>>, %arg17: memref<!tpu.dma_semaphore, #tpu.memory_space<semaphore_mem>>, %arg18: memref<!tpu.dma_semaphore, #tpu.memory_space<semaphore_mem>>, %arg19: memref<!tpu.dma_semaphore, #tpu.memory_space<semaphore_mem>>, %arg20: memref<!tpu.dma_semaphore, #tpu.memory_space<semaphore_mem>>, %arg21: memref<!tpu.dma_semaphore, #tpu.memory_space<semaphore_mem>>, %arg22: memref<!tpu.dma_semaphore, #tpu.memory_space<semaphore_mem>>, %arg23: memref<!tpu.dma_semaphore, #tpu.memory_space<semaphore_mem>>, %arg24: memref<!tpu.dma_semaphore, #tpu.memory_space<semaphore_mem>>) attributes {dimension_semantics = [#tpu.dimension_semantics<core_parallel>, #tpu.dimension_semantics<subcore_parallel>], iteration_bounds = array<i64: 2, 16>, scalar_prefetch = 0 : i64, scratch_operands = 18 : i64, tpu.core_type = #tpu.core_type<sc_vector_subcore>, window_params = [{transform_indices = #map}, {transform_indices = #map1}, {transform_indices = #map1}, {transform_indices = #map}, {transform_indices = #map1}]} {
    %lt3A = arith.constant 15 : i32
    %lt3A_0 = arith.cmpi slt, %arg1, %lt3A : i32
    %convert_element_type3A = arith.extui %lt3A_0 : i1 to i32
    %cond3A = arith.constant 0 : i32
    %cond3A_1 = arith.cmpi ne, %convert_element_type3A, %cond3A : i32
    scf.if %cond3A_1 {
      %mul3A = arith.constant 624 : i32
      %mul3A_100 = arith.muli %arg1, %mul3A : i32
      "tpu.region"() ({
        %run_scoped3A = tpu.sem_alloc : memref<!tpu.dma_semaphore, #tpu.memory_space<semaphore_mem>>
        %dma_start3A_101 = arith.constant 0 : i32
        %dma_start3A_102 = tpu.memref_slice %arg14[%mul3A_100, %dma_start3A_101] : memref<10000x64xf32, #tpu.memory_space<vmem_shared>> -> memref<624x64xf32, #tpu.memory_space<vmem_shared>>
        %dma_start3A_103 = arith.constant 0 : i32
        %dma_start3A_104 = arith.constant 0 : i32
        %dma_start3A_105 = tpu.memref_slice %arg5[%dma_start3A_103, %dma_start3A_104] : memref<640x64xf32, #tpu.memory_space<hbm>> -> memref<624x64xf32, #tpu.memory_space<hbm>>
        tpu.enqueue_dma source(%dma_start3A_105 : memref<624x64xf32, #tpu.memory_space<hbm>>) target(%dma_start3A_102 : memref<624x64xf32, #tpu.memory_space<vmem_shared>>) target_semaphore(%run_scoped3A : memref<!tpu.dma_semaphore, #tpu.memory_space<semaphore_mem>>)
        %dma_wait3A_106 = arith.constant 0 : i32
        %dma_wait3A_107 = tpu.memref_slice %arg14[%mul3A_100, %dma_wait3A_106] : memref<10000x64xf32, #tpu.memory_space<vmem_shared>> -> memref<624x64xf32, #tpu.memory_space<vmem_shared>>
        %dma_wait3A_108 = arith.constant 0 : i32
        %dma_wait3A_109 = arith.constant 0 : i32
        %dma_wait3A_110 = tpu.memref_slice %arg5[%dma_wait3A_108, %dma_wait3A_109] : memref<640x64xf32, #tpu.memory_space<hbm>> -> memref<624x64xf32, #tpu.memory_space<hbm>>
        tpu.wait_dma2 semaphore(%run_scoped3A : memref<!tpu.dma_semaphore, #tpu.memory_space<semaphore_mem>>) src(%dma_wait3A_110 : memref<624x64xf32, #tpu.memory_space<hbm>>) dst(%dma_wait3A_107 : memref<624x64xf32, #tpu.memory_space<vmem_shared>>)
        tpu.yield
      }) : () -> ()
    } else {
    }
    %eq3A = arith.constant 15 : i32
    %eq3A_2 = arith.cmpi eq, %arg1, %eq3A : i32
    %convert_element_type3A_3 = arith.extui %eq3A_2 : i1 to i32
    %cond3A_4 = arith.constant 0 : i32
    %cond3A_5 = arith.cmpi ne, %convert_element_type3A_3, %cond3A_4 : i32
    scf.if %cond3A_5 {
      "tpu.region"() ({
        %run_scoped3A = tpu.sem_alloc : memref<!tpu.dma_semaphore, #tpu.memory_space<semaphore_mem>>
        %dma_start3A_100 = arith.constant 9360 : i32
        %dma_start3A_101 = arith.constant 0 : i32
        %dma_start3A_102 = tpu.memref_slice %arg14[%dma_start3A_100, %dma_start3A_101] : memref<10000x64xf32, #tpu.memory_space<vmem_shared>> -> memref<640x64xf32, #tpu.memory_space<vmem_shared>>
        tpu.enqueue_dma source(%arg5 : memref<640x64xf32, #tpu.memory_space<hbm>>) target(%dma_start3A_102 : memref<640x64xf32, #tpu.memory_space<vmem_shared>>) target_semaphore(%run_scoped3A : memref<!tpu.dma_semaphore, #tpu.memory_space<semaphore_mem>>)
        %dma_wait3A_103 = arith.constant 9360 : i32
        %dma_wait3A_104 = arith.constant 0 : i32
        %dma_wait3A_105 = tpu.memref_slice %arg14[%dma_wait3A_103, %dma_wait3A_104] : memref<10000x64xf32, #tpu.memory_space<vmem_shared>> -> memref<640x64xf32, #tpu.memory_space<vmem_shared>>
        tpu.wait_dma2 semaphore(%run_scoped3A : memref<!tpu.dma_semaphore, #tpu.memory_space<semaphore_mem>>) src(%arg5 : memref<640x64xf32, #tpu.memory_space<hbm>>) dst(%dma_wait3A_105 : memref<640x64xf32, #tpu.memory_space<vmem_shared>>)
        tpu.yield
      }) : () -> ()
    } else {
    }
    "tpu.region"() ({
      %run_scoped3A = tpu.sem_alloc : memref<!tpu.dma_semaphore, #tpu.memory_space<semaphore_mem>>
      %dma_start3A_100 = arith.constant 0 : i32
      %dma_start3A_101 = arith.constant 0 : i32
      %dma_start3A_102 = tpu.memref_slice %arg3[%arg1, %dma_start3A_100, %dma_start3A_101] : memref<16x160x125xi32, #tpu.memory_space<hbm>> -> memref<1x160x125xi32, #tpu.memory_space<hbm>>
      %dma_start3A_103 = tpu.memref_squeeze %dma_start3A_102 : memref<1x160x125xi32, #tpu.memory_space<hbm>> -> memref<160x125xi32, #tpu.memory_space<hbm>>
      %dma_start3A_104 = arith.constant 0 : i32
      %dma_start3A_105 = arith.constant 0 : i32
      %dma_start3A_106 = tpu.memref_slice %arg3[%arg1, %dma_start3A_104, %dma_start3A_105] : memref<16x160x125xi32, #tpu.memory_space<hbm>> -> memref<1x160x125xi32, #tpu.memory_space<hbm>>
      %dma_start3A_107 = tpu.memref_squeeze %dma_start3A_106 : memref<1x160x125xi32, #tpu.memory_space<hbm>> -> memref<160x125xi32, #tpu.memory_space<hbm>>
      tpu.enqueue_dma source(%dma_start3A_107 : memref<160x125xi32, #tpu.memory_space<hbm>>) target(%arg7 : memref<160x125xi32, #tpu.memory_space<vmem>>) target_semaphore(%run_scoped3A : memref<!tpu.dma_semaphore, #tpu.memory_space<semaphore_mem>>)
      %dma_wait3A_108 = arith.constant 0 : i32
      %dma_wait3A_109 = arith.constant 0 : i32
      %dma_wait3A_110 = tpu.memref_slice %arg3[%arg1, %dma_wait3A_108, %dma_wait3A_109] : memref<16x160x125xi32, #tpu.memory_space<hbm>> -> memref<1x160x125xi32, #tpu.memory_space<hbm>>
      %dma_wait3A_111 = tpu.memref_squeeze %dma_wait3A_110 : memref<1x160x125xi32, #tpu.memory_space<hbm>> -> memref<160x125xi32, #tpu.memory_space<hbm>>
      %dma_wait3A_112 = arith.constant 0 : i32
      %dma_wait3A_113 = arith.constant 0 : i32
      %dma_wait3A_114 = tpu.memref_slice %arg3[%arg1, %dma_wait3A_112, %dma_wait3A_113] : memref<16x160x125xi32, #tpu.memory_space<hbm>> -> memref<1x160x125xi32, #tpu.memory_space<hbm>>
      %dma_wait3A_115 = tpu.memref_squeeze %dma_wait3A_114 : memref<1x160x125xi32, #tpu.memory_space<hbm>> -> memref<160x125xi32, #tpu.memory_space<hbm>>
      tpu.wait_dma2 semaphore(%run_scoped3A : memref<!tpu.dma_semaphore, #tpu.memory_space<semaphore_mem>>) src(%dma_wait3A_115 : memref<160x125xi32, #tpu.memory_space<hbm>>) dst(%arg7 : memref<160x125xi32, #tpu.memory_space<vmem>>)
      tpu.yield
    }) : () -> ()
    "tpu.region"() ({
      %run_scoped3A = tpu.sem_alloc : memref<!tpu.dma_semaphore, #tpu.memory_space<semaphore_mem>>
      %dma_start3A_100 = arith.constant 0 : i32
      %dma_start3A_101 = arith.constant 0 : i32
      %dma_start3A_102 = tpu.memref_slice %arg4[%arg1, %dma_start3A_100, %dma_start3A_101] : memref<16x160x125xi32, #tpu.memory_space<hbm>> -> memref<1x160x125xi32, #tpu.memory_space<hbm>>
      %dma_start3A_103 = tpu.memref_squeeze %dma_start3A_102 : memref<1x160x125xi32, #tpu.memory_space<hbm>> -> memref<160x125xi32, #tpu.memory_space<hbm>>
      %dma_start3A_104 = arith.constant 0 : i32
      %dma_start3A_105 = arith.constant 0 : i32
      %dma_start3A_106 = tpu.memref_slice %arg4[%arg1, %dma_start3A_104, %dma_start3A_105] : memref<16x160x125xi32, #tpu.memory_space<hbm>> -> memref<1x160x125xi32, #tpu.memory_space<hbm>>
      %dma_start3A_107 = tpu.memref_squeeze %dma_start3A_106 : memref<1x160x125xi32, #tpu.memory_space<hbm>> -> memref<160x125xi32, #tpu.memory_space<hbm>>
      tpu.enqueue_dma source(%dma_start3A_107 : memref<160x125xi32, #tpu.memory_space<hbm>>) target(%arg8 : memref<160x125xi32, #tpu.memory_space<vmem>>) target_semaphore(%run_scoped3A : memref<!tpu.dma_semaphore, #tpu.memory_space<semaphore_mem>>)
      %dma_wait3A_108 = arith.constant 0 : i32
      %dma_wait3A_109 = arith.constant 0 : i32
      %dma_wait3A_110 = tpu.memref_slice %arg4[%arg1, %dma_wait3A_108, %dma_wait3A_109] : memref<16x160x125xi32, #tpu.memory_space<hbm>> -> memref<1x160x125xi32, #tpu.memory_space<hbm>>
      %dma_wait3A_111 = tpu.memref_squeeze %dma_wait3A_110 : memref<1x160x125xi32, #tpu.memory_space<hbm>> -> memref<160x125xi32, #tpu.memory_space<hbm>>
      %dma_wait3A_112 = arith.constant 0 : i32
      %dma_wait3A_113 = arith.constant 0 : i32
      %dma_wait3A_114 = tpu.memref_slice %arg4[%arg1, %dma_wait3A_112, %dma_wait3A_113] : memref<16x160x125xi32, #tpu.memory_space<hbm>> -> memref<1x160x125xi32, #tpu.memory_space<hbm>>
      %dma_wait3A_115 = tpu.memref_squeeze %dma_wait3A_114 : memref<1x160x125xi32, #tpu.memory_space<hbm>> -> memref<160x125xi32, #tpu.memory_space<hbm>>
      tpu.wait_dma2 semaphore(%run_scoped3A : memref<!tpu.dma_semaphore, #tpu.memory_space<semaphore_mem>>) src(%dma_wait3A_115 : memref<160x125xi32, #tpu.memory_space<hbm>>) dst(%arg8 : memref<160x125xi32, #tpu.memory_space<vmem>>)
      tpu.yield
    }) : () -> ()
    %barrier3A = arith.constant 0 : index
    tpu.barrier barrier_id(%barrier3A)
    %dma_start3A = arith.constant 0 : i32
    %dma_start3A_6 = arith.constant 0 : i32
    %dma_start3A_7 = tpu.memref_slice %arg7[%dma_start3A, %dma_start3A_6] : memref<160x125xi32, #tpu.memory_space<vmem>> -> memref<1x125xi32, #tpu.memory_space<vmem>>
    %dma_start3A_8 = tpu.memref_squeeze %dma_start3A_7 : memref<1x125xi32, #tpu.memory_space<vmem>> -> memref<125xi32, #tpu.memory_space<vmem>>
    %dma_start3A_9 = arith.constant 0 : i32
    %dma_start3A_10 = tpu.memref_slice %arg2[%arg0, %dma_start3A_9] : memref<20000x64xf32, #tpu.memory_space<hbm>> -> memref<19999x64xf32, #tpu.memory_space<hbm>>
    %dma_start3A_11 = arith.constant 0 : i32
    %dma_start3A_12 = arith.constant 0 : i32
    %dma_start3A_13 = tpu.memref_slice %dma_start3A_10[%dma_start3A_11, %dma_start3A_12] : memref<19999x64xf32, #tpu.memory_space<hbm>> -> memref<19999x64xf32, #tpu.memory_space<hbm>>
    tpu.enqueue_indirect_dma source(%dma_start3A_13 : memref<19999x64xf32, #tpu.memory_space<hbm>>) target(%arg9 : memref<125x64xf32, #tpu.memory_space<vmem>>) offsets(%dma_start3A_8 : memref<125xi32, #tpu.memory_space<vmem>>) semaphore(%arg15 : memref<!tpu.dma_semaphore, #tpu.memory_space<semaphore_mem>>)
    %dma_start3A_14 = arith.constant 1 : i32
    %dma_start3A_15 = arith.constant 0 : i32
    %dma_start3A_16 = tpu.memref_slice %arg7[%dma_start3A_14, %dma_start3A_15] : memref<160x125xi32, #tpu.memory_space<vmem>> -> memref<1x125xi32, #tpu.memory_space<vmem>>
    %dma_start3A_17 = tpu.memref_squeeze %dma_start3A_16 : memref<1x125xi32, #tpu.memory_space<vmem>> -> memref<125xi32, #tpu.memory_space<vmem>>
    %dma_start3A_18 = arith.constant 0 : i32
    %dma_start3A_19 = tpu.memref_slice %arg2[%arg0, %dma_start3A_18] : memref<20000x64xf32, #tpu.memory_space<hbm>> -> memref<19999x64xf32, #tpu.memory_space<hbm>>
    %dma_start3A_20 = arith.constant 0 : i32
    %dma_start3A_21 = arith.constant 0 : i32
    %dma_start3A_22 = tpu.memref_slice %dma_start3A_19[%dma_start3A_20, %dma_start3A_21] : memref<19999x64xf32, #tpu.memory_space<hbm>> -> memref<19999x64xf32, #tpu.memory_space<hbm>>
    tpu.enqueue_indirect_dma source(%dma_start3A_22 : memref<19999x64xf32, #tpu.memory_space<hbm>>) target(%arg10 : memref<125x64xf32, #tpu.memory_space<vmem>>) offsets(%dma_start3A_17 : memref<125xi32, #tpu.memory_space<vmem>>) semaphore(%arg16 : memref<!tpu.dma_semaphore, #tpu.memory_space<semaphore_mem>>)
    %dma_start3A_23 = arith.constant 2 : i32
    %dma_start3A_24 = arith.constant 0 : i32
    %dma_start3A_25 = tpu.memref_slice %arg7[%dma_start3A_23, %dma_start3A_24] : memref<160x125xi32, #tpu.memory_space<vmem>> -> memref<1x125xi32, #tpu.memory_space<vmem>>
    %dma_start3A_26 = tpu.memref_squeeze %dma_start3A_25 : memref<1x125xi32, #tpu.memory_space<vmem>> -> memref<125xi32, #tpu.memory_space<vmem>>
    %dma_start3A_27 = arith.constant 0 : i32
    %dma_start3A_28 = tpu.memref_slice %arg2[%arg0, %dma_start3A_27] : memref<20000x64xf32, #tpu.memory_space<hbm>> -> memref<19999x64xf32, #tpu.memory_space<hbm>>
    %dma_start3A_29 = arith.constant 0 : i32
    %dma_start3A_30 = arith.constant 0 : i32
    %dma_start3A_31 = tpu.memref_slice %dma_start3A_28[%dma_start3A_29, %dma_start3A_30] : memref<19999x64xf32, #tpu.memory_space<hbm>> -> memref<19999x64xf32, #tpu.memory_space<hbm>>
    tpu.enqueue_indirect_dma source(%dma_start3A_31 : memref<19999x64xf32, #tpu.memory_space<hbm>>) target(%arg11 : memref<125x64xf32, #tpu.memory_space<vmem>>) offsets(%dma_start3A_26 : memref<125xi32, #tpu.memory_space<vmem>>) semaphore(%arg17 : memref<!tpu.dma_semaphore, #tpu.memory_space<semaphore_mem>>)
    %dma_start3A_32 = arith.constant 3 : i32
    %dma_start3A_33 = arith.constant 0 : i32
    %dma_start3A_34 = tpu.memref_slice %arg7[%dma_start3A_32, %dma_start3A_33] : memref<160x125xi32, #tpu.memory_space<vmem>> -> memref<1x125xi32, #tpu.memory_space<vmem>>
    %dma_start3A_35 = tpu.memref_squeeze %dma_start3A_34 : memref<1x125xi32, #tpu.memory_space<vmem>> -> memref<125xi32, #tpu.memory_space<vmem>>
    %dma_start3A_36 = arith.constant 0 : i32
    %dma_start3A_37 = tpu.memref_slice %arg2[%arg0, %dma_start3A_36] : memref<20000x64xf32, #tpu.memory_space<hbm>> -> memref<19999x64xf32, #tpu.memory_space<hbm>>
    %dma_start3A_38 = arith.constant 0 : i32
    %dma_start3A_39 = arith.constant 0 : i32
    %dma_start3A_40 = tpu.memref_slice %dma_start3A_37[%dma_start3A_38, %dma_start3A_39] : memref<19999x64xf32, #tpu.memory_space<hbm>> -> memref<19999x64xf32, #tpu.memory_space<hbm>>
    tpu.enqueue_indirect_dma source(%dma_start3A_40 : memref<19999x64xf32, #tpu.memory_space<hbm>>) target(%arg12 : memref<125x64xf32, #tpu.memory_space<vmem>>) offsets(%dma_start3A_35 : memref<125xi32, #tpu.memory_space<vmem>>) semaphore(%arg18 : memref<!tpu.dma_semaphore, #tpu.memory_space<semaphore_mem>>)
    %dma_start3A_41 = arith.constant 4 : i32
    %dma_start3A_42 = arith.constant 0 : i32
    %dma_start3A_43 = tpu.memref_slice %arg7[%dma_start3A_41, %dma_start3A_42] : memref<160x125xi32, #tpu.memory_space<vmem>> -> memref<1x125xi32, #tpu.memory_space<vmem>>
    %dma_start3A_44 = tpu.memref_squeeze %dma_start3A_43 : memref<1x125xi32, #tpu.memory_space<vmem>> -> memref<125xi32, #tpu.memory_space<vmem>>
    %dma_start3A_45 = arith.constant 0 : i32
    %dma_start3A_46 = tpu.memref_slice %arg2[%arg0, %dma_start3A_45] : memref<20000x64xf32, #tpu.memory_space<hbm>> -> memref<19999x64xf32, #tpu.memory_space<hbm>>
    %dma_start3A_47 = arith.constant 0 : i32
    %dma_start3A_48 = arith.constant 0 : i32
    %dma_start3A_49 = tpu.memref_slice %dma_start3A_46[%dma_start3A_47, %dma_start3A_48] : memref<19999x64xf32, #tpu.memory_space<hbm>> -> memref<19999x64xf32, #tpu.memory_space<hbm>>
    tpu.enqueue_indirect_dma source(%dma_start3A_49 : memref<19999x64xf32, #tpu.memory_space<hbm>>) target(%arg13 : memref<125x64xf32, #tpu.memory_space<vmem>>) offsets(%dma_start3A_44 : memref<125xi32, #tpu.memory_space<vmem>>) semaphore(%arg19 : memref<!tpu.dma_semaphore, #tpu.memory_space<semaphore_mem>>)
    %scan3A = arith.constant 0 : i32
    %scan3A_50 = arith.constant 0 : i32
    %scan3A_51 = arith.constant 32 : i32
    %scan3A_52 = arith.addi %scan3A_50, %scan3A_51 : i32
    %scan3A_53 = arith.constant 1 : i32
    scf.for %scan3A_100 = %scan3A_50 to %scan3A_52 step %scan3A_53  : i32 {
      %mul3A = arith.constant 5 : i32
      %mul3A_101 = arith.muli %scan3A_100, %mul3A : i32
      %add3A = arith.constant 0 : i32
      %add3A_102 = arith.addi %mul3A_101, %add3A : i32
      %dma_wait3A_103 = arith.constant 0 : i32
      %dma_wait3A_104 = tpu.memref_slice %arg7[%add3A_102, %dma_wait3A_103] : memref<160x125xi32, #tpu.memory_space<vmem>> -> memref<1x125xi32, #tpu.memory_space<vmem>>
      %dma_wait3A_105 = tpu.memref_squeeze %dma_wait3A_104 : memref<1x125xi32, #tpu.memory_space<vmem>> -> memref<125xi32, #tpu.memory_space<vmem>>
      %dma_wait3A_106 = arith.constant 0 : i32
      %dma_wait3A_107 = tpu.memref_slice %arg2[%arg0, %dma_wait3A_106] : memref<20000x64xf32, #tpu.memory_space<hbm>> -> memref<19999x64xf32, #tpu.memory_space<hbm>>
      %dma_wait3A_108 = arith.constant 0 : i32
      %dma_wait3A_109 = arith.constant 0 : i32
      %dma_wait3A_110 = tpu.memref_slice %dma_wait3A_107[%dma_wait3A_108, %dma_wait3A_109] : memref<19999x64xf32, #tpu.memory_space<hbm>> -> memref<19999x64xf32, #tpu.memory_space<hbm>>
      tpu.wait_indirect_dma semaphore(%arg15 : memref<!tpu.dma_semaphore, #tpu.memory_space<semaphore_mem>>) src(%dma_wait3A_110 : memref<19999x64xf32, #tpu.memory_space<hbm>>) dst(%arg9 : memref<125x64xf32, #tpu.memory_space<vmem>>)
      %dma_start3A_111 = arith.constant 0 : i32
      %dma_start3A_112 = tpu.memref_slice %arg8[%add3A_102, %dma_start3A_111] : memref<160x125xi32, #tpu.memory_space<vmem>> -> memref<1x125xi32, #tpu.memory_space<vmem>>
      %dma_start3A_113 = tpu.memref_squeeze %dma_start3A_112 : memref<1x125xi32, #tpu.memory_space<vmem>> -> memref<125xi32, #tpu.memory_space<vmem>>
      %dma_start3A_114 = arith.constant 0 : i32
      %dma_start3A_115 = arith.constant 0 : i32
      %dma_start3A_116 = tpu.memref_slice %arg14[%dma_start3A_114, %dma_start3A_115] : memref<10000x64xf32, #tpu.memory_space<vmem_shared>> -> memref<10000x64xf32, #tpu.memory_space<vmem_shared>>
      tpu.enqueue_indirect_dma source(%arg9 : memref<125x64xf32, #tpu.memory_space<vmem>>) target(%dma_start3A_116 : memref<10000x64xf32, #tpu.memory_space<vmem_shared>>) offsets(%dma_start3A_113 : memref<125xi32, #tpu.memory_space<vmem>>) semaphore(%arg20 : memref<!tpu.dma_semaphore, #tpu.memory_space<semaphore_mem>>) {add = true}
      %add3A_117 = arith.constant 1 : i32
      %add3A_118 = arith.addi %mul3A_101, %add3A_117 : i32
      %dma_wait3A_119 = arith.constant 0 : i32
      %dma_wait3A_120 = tpu.memref_slice %arg7[%add3A_118, %dma_wait3A_119] : memref<160x125xi32, #tpu.memory_space<vmem>> -> memref<1x125xi32, #tpu.memory_space<vmem>>
      %dma_wait3A_121 = tpu.memref_squeeze %dma_wait3A_120 : memref<1x125xi32, #tpu.memory_space<vmem>> -> memref<125xi32, #tpu.memory_space<vmem>>
      %dma_wait3A_122 = arith.constant 0 : i32
      %dma_wait3A_123 = tpu.memref_slice %arg2[%arg0, %dma_wait3A_122] : memref<20000x64xf32, #tpu.memory_space<hbm>> -> memref<19999x64xf32, #tpu.memory_space<hbm>>
      %dma_wait3A_124 = arith.constant 0 : i32
      %dma_wait3A_125 = arith.constant 0 : i32
      %dma_wait3A_126 = tpu.memref_slice %dma_wait3A_123[%dma_wait3A_124, %dma_wait3A_125] : memref<19999x64xf32, #tpu.memory_space<hbm>> -> memref<19999x64xf32, #tpu.memory_space<hbm>>
      tpu.wait_indirect_dma semaphore(%arg16 : memref<!tpu.dma_semaphore, #tpu.memory_space<semaphore_mem>>) src(%dma_wait3A_126 : memref<19999x64xf32, #tpu.memory_space<hbm>>) dst(%arg10 : memref<125x64xf32, #tpu.memory_space<vmem>>)
      %dma_start3A_127 = arith.constant 0 : i32
      %dma_start3A_128 = tpu.memref_slice %arg8[%add3A_118, %dma_start3A_127] : memref<160x125xi32, #tpu.memory_space<vmem>> -> memref<1x125xi32, #tpu.memory_space<vmem>>
      %dma_start3A_129 = tpu.memref_squeeze %dma_start3A_128 : memref<1x125xi32, #tpu.memory_space<vmem>> -> memref<125xi32, #tpu.memory_space<vmem>>
      %dma_start3A_130 = arith.constant 0 : i32
      %dma_start3A_131 = arith.constant 0 : i32
      %dma_start3A_132 = tpu.memref_slice %arg14[%dma_start3A_130, %dma_start3A_131] : memref<10000x64xf32, #tpu.memory_space<vmem_shared>> -> memref<10000x64xf32, #tpu.memory_space<vmem_shared>>
      tpu.enqueue_indirect_dma source(%arg10 : memref<125x64xf32, #tpu.memory_space<vmem>>) target(%dma_start3A_132 : memref<10000x64xf32, #tpu.memory_space<vmem_shared>>) offsets(%dma_start3A_129 : memref<125xi32, #tpu.memory_space<vmem>>) semaphore(%arg21 : memref<!tpu.dma_semaphore, #tpu.memory_space<semaphore_mem>>) {add = true}
      %add3A_133 = arith.constant 2 : i32
      %add3A_134 = arith.addi %mul3A_101, %add3A_133 : i32
      %dma_wait3A_135 = arith.constant 0 : i32
      %dma_wait3A_136 = tpu.memref_slice %arg7[%add3A_134, %dma_wait3A_135] : memref<160x125xi32, #tpu.memory_space<vmem>> -> memref<1x125xi32, #tpu.memory_space<vmem>>
      %dma_wait3A_137 = tpu.memref_squeeze %dma_wait3A_136 : memref<1x125xi32, #tpu.memory_space<vmem>> -> memref<125xi32, #tpu.memory_space<vmem>>
      %dma_wait3A_138 = arith.constant 0 : i32
      %dma_wait3A_139 = tpu.memref_slice %arg2[%arg0, %dma_wait3A_138] : memref<20000x64xf32, #tpu.memory_space<hbm>> -> memref<19999x64xf32, #tpu.memory_space<hbm>>
      %dma_wait3A_140 = arith.constant 0 : i32
      %dma_wait3A_141 = arith.constant 0 : i32
      %dma_wait3A_142 = tpu.memref_slice %dma_wait3A_139[%dma_wait3A_140, %dma_wait3A_141] : memref<19999x64xf32, #tpu.memory_space<hbm>> -> memref<19999x64xf32, #tpu.memory_space<hbm>>
      tpu.wait_indirect_dma semaphore(%arg17 : memref<!tpu.dma_semaphore, #tpu.memory_space<semaphore_mem>>) src(%dma_wait3A_142 : memref<19999x64xf32, #tpu.memory_space<hbm>>) dst(%arg11 : memref<125x64xf32, #tpu.memory_space<vmem>>)
      %dma_start3A_143 = arith.constant 0 : i32
      %dma_start3A_144 = tpu.memref_slice %arg8[%add3A_134, %dma_start3A_143] : memref<160x125xi32, #tpu.memory_space<vmem>> -> memref<1x125xi32, #tpu.memory_space<vmem>>
      %dma_start3A_145 = tpu.memref_squeeze %dma_start3A_144 : memref<1x125xi32, #tpu.memory_space<vmem>> -> memref<125xi32, #tpu.memory_space<vmem>>
      %dma_start3A_146 = arith.constant 0 : i32
      %dma_start3A_147 = arith.constant 0 : i32
      %dma_start3A_148 = tpu.memref_slice %arg14[%dma_start3A_146, %dma_start3A_147] : memref<10000x64xf32, #tpu.memory_space<vmem_shared>> -> memref<10000x64xf32, #tpu.memory_space<vmem_shared>>
      tpu.enqueue_indirect_dma source(%arg11 : memref<125x64xf32, #tpu.memory_space<vmem>>) target(%dma_start3A_148 : memref<10000x64xf32, #tpu.memory_space<vmem_shared>>) offsets(%dma_start3A_145 : memref<125xi32, #tpu.memory_space<vmem>>) semaphore(%arg22 : memref<!tpu.dma_semaphore, #tpu.memory_space<semaphore_mem>>) {add = true}
      %add3A_149 = arith.constant 3 : i32
      %add3A_150 = arith.addi %mul3A_101, %add3A_149 : i32
      %dma_wait3A_151 = arith.constant 0 : i32
      %dma_wait3A_152 = tpu.memref_slice %arg7[%add3A_150, %dma_wait3A_151] : memref<160x125xi32, #tpu.memory_space<vmem>> -> memref<1x125xi32, #tpu.memory_space<vmem>>
      %dma_wait3A_153 = tpu.memref_squeeze %dma_wait3A_152 : memref<1x125xi32, #tpu.memory_space<vmem>> -> memref<125xi32, #tpu.memory_space<vmem>>
      %dma_wait3A_154 = arith.constant 0 : i32
      %dma_wait3A_155 = tpu.memref_slice %arg2[%arg0, %dma_wait3A_154] : memref<20000x64xf32, #tpu.memory_space<hbm>> -> memref<19999x64xf32, #tpu.memory_space<hbm>>
      %dma_wait3A_156 = arith.constant 0 : i32
      %dma_wait3A_157 = arith.constant 0 : i32
      %dma_wait3A_158 = tpu.memref_slice %dma_wait3A_155[%dma_wait3A_156, %dma_wait3A_157] : memref<19999x64xf32, #tpu.memory_space<hbm>> -> memref<19999x64xf32, #tpu.memory_space<hbm>>
      tpu.wait_indirect_dma semaphore(%arg18 : memref<!tpu.dma_semaphore, #tpu.memory_space<semaphore_mem>>) src(%dma_wait3A_158 : memref<19999x64xf32, #tpu.memory_space<hbm>>) dst(%arg12 : memref<125x64xf32, #tpu.memory_space<vmem>>)
      %dma_start3A_159 = arith.constant 0 : i32
      %dma_start3A_160 = tpu.memref_slice %arg8[%add3A_150, %dma_start3A_159] : memref<160x125xi32, #tpu.memory_space<vmem>> -> memref<1x125xi32, #tpu.memory_space<vmem>>
      %dma_start3A_161 = tpu.memref_squeeze %dma_start3A_160 : memref<1x125xi32, #tpu.memory_space<vmem>> -> memref<125xi32, #tpu.memory_space<vmem>>
      %dma_start3A_162 = arith.constant 0 : i32
      %dma_start3A_163 = arith.constant 0 : i32
      %dma_start3A_164 = tpu.memref_slice %arg14[%dma_start3A_162, %dma_start3A_163] : memref<10000x64xf32, #tpu.memory_space<vmem_shared>> -> memref<10000x64xf32, #tpu.memory_space<vmem_shared>>
      tpu.enqueue_indirect_dma source(%arg12 : memref<125x64xf32, #tpu.memory_space<vmem>>) target(%dma_start3A_164 : memref<10000x64xf32, #tpu.memory_space<vmem_shared>>) offsets(%dma_start3A_161 : memref<125xi32, #tpu.memory_space<vmem>>) semaphore(%arg23 : memref<!tpu.dma_semaphore, #tpu.memory_space<semaphore_mem>>) {add = true}
      %add3A_165 = arith.constant 4 : i32
      %add3A_166 = arith.addi %mul3A_101, %add3A_165 : i32
      %dma_wait3A_167 = arith.constant 0 : i32
      %dma_wait3A_168 = tpu.memref_slice %arg7[%add3A_166, %dma_wait3A_167] : memref<160x125xi32, #tpu.memory_space<vmem>> -> memref<1x125xi32, #tpu.memory_space<vmem>>
      %dma_wait3A_169 = tpu.memref_squeeze %dma_wait3A_168 : memref<1x125xi32, #tpu.memory_space<vmem>> -> memref<125xi32, #tpu.memory_space<vmem>>
      %dma_wait3A_170 = arith.constant 0 : i32
      %dma_wait3A_171 = tpu.memref_slice %arg2[%arg0, %dma_wait3A_170] : memref<20000x64xf32, #tpu.memory_space<hbm>> -> memref<19999x64xf32, #tpu.memory_space<hbm>>
      %dma_wait3A_172 = arith.constant 0 : i32
      %dma_wait3A_173 = arith.constant 0 : i32
      %dma_wait3A_174 = tpu.memref_slice %dma_wait3A_171[%dma_wait3A_172, %dma_wait3A_173] : memref<19999x64xf32, #tpu.memory_space<hbm>> -> memref<19999x64xf32, #tpu.memory_space<hbm>>
      tpu.wait_indirect_dma semaphore(%arg19 : memref<!tpu.dma_semaphore, #tpu.memory_space<semaphore_mem>>) src(%dma_wait3A_174 : memref<19999x64xf32, #tpu.memory_space<hbm>>) dst(%arg13 : memref<125x64xf32, #tpu.memory_space<vmem>>)
      %dma_start3A_175 = arith.constant 0 : i32
      %dma_start3A_176 = tpu.memref_slice %arg8[%add3A_166, %dma_start3A_175] : memref<160x125xi32, #tpu.memory_space<vmem>> -> memref<1x125xi32, #tpu.memory_space<vmem>>
      %dma_start3A_177 = tpu.memref_squeeze %dma_start3A_176 : memref<1x125xi32, #tpu.memory_space<vmem>> -> memref<125xi32, #tpu.memory_space<vmem>>
      %dma_start3A_178 = arith.constant 0 : i32
      %dma_start3A_179 = arith.constant 0 : i32
      %dma_start3A_180 = tpu.memref_slice %arg14[%dma_start3A_178, %dma_start3A_179] : memref<10000x64xf32, #tpu.memory_space<vmem_shared>> -> memref<10000x64xf32, #tpu.memory_space<vmem_shared>>
      tpu.enqueue_indirect_dma source(%arg13 : memref<125x64xf32, #tpu.memory_space<vmem>>) target(%dma_start3A_180 : memref<10000x64xf32, #tpu.memory_space<vmem_shared>>) offsets(%dma_start3A_177 : memref<125xi32, #tpu.memory_space<vmem>>) semaphore(%arg24 : memref<!tpu.dma_semaphore, #tpu.memory_space<semaphore_mem>>) {add = true}
      %lt3A_181 = arith.constant 31 : i32
      %lt3A_182 = arith.cmpi slt, %scan3A_100, %lt3A_181 : i32
      %convert_element_type3A_183 = arith.extui %lt3A_182 : i1 to i32
      %cond3A_184 = arith.constant 0 : i32
      %cond3A_185 = arith.cmpi ne, %convert_element_type3A_183, %cond3A_184 : i32
      scf.if %cond3A_185 {
        %add3A_186 = arith.constant 0 : i32
        %add3A_187 = arith.addi %mul3A_101, %add3A_186 : i32
        %dma_wait3A_188 = arith.constant 0 : i32
        %dma_wait3A_189 = tpu.memref_slice %arg8[%add3A_187, %dma_wait3A_188] : memref<160x125xi32, #tpu.memory_space<vmem>> -> memref<1x125xi32, #tpu.memory_space<vmem>>
        %dma_wait3A_190 = tpu.memref_squeeze %dma_wait3A_189 : memref<1x125xi32, #tpu.memory_space<vmem>> -> memref<125xi32, #tpu.memory_space<vmem>>
        %dma_wait3A_191 = arith.constant 0 : i32
        %dma_wait3A_192 = arith.constant 0 : i32
        %dma_wait3A_193 = tpu.memref_slice %arg14[%dma_wait3A_191, %dma_wait3A_192] : memref<10000x64xf32, #tpu.memory_space<vmem_shared>> -> memref<10000x64xf32, #tpu.memory_space<vmem_shared>>
        tpu.wait_indirect_dma semaphore(%arg20 : memref<!tpu.dma_semaphore, #tpu.memory_space<semaphore_mem>>) src(%arg9 : memref<125x64xf32, #tpu.memory_space<vmem>>) dst(%dma_wait3A_193 : memref<10000x64xf32, #tpu.memory_space<vmem_shared>>)
        %add3A_194 = arith.constant 5 : i32
        %add3A_195 = arith.addi %add3A_187, %add3A_194 : i32
        %dma_start3A_196 = arith.constant 0 : i32
        %dma_start3A_197 = tpu.memref_slice %arg7[%add3A_195, %dma_start3A_196] : memref<160x125xi32, #tpu.memory_space<vmem>> -> memref<1x125xi32, #tpu.memory_space<vmem>>
        %dma_start3A_198 = tpu.memref_squeeze %dma_start3A_197 : memref<1x125xi32, #tpu.memory_space<vmem>> -> memref<125xi32, #tpu.memory_space<vmem>>
        %dma_start3A_199 = arith.constant 0 : i32
        %dma_start3A_200 = tpu.memref_slice %arg2[%arg0, %dma_start3A_199] : memref<20000x64xf32, #tpu.memory_space<hbm>> -> memref<19999x64xf32, #tpu.memory_space<hbm>>
        %dma_start3A_201 = arith.constant 0 : i32
        %dma_start3A_202 = arith.constant 0 : i32
        %dma_start3A_203 = tpu.memref_slice %dma_start3A_200[%dma_start3A_201, %dma_start3A_202] : memref<19999x64xf32, #tpu.memory_space<hbm>> -> memref<19999x64xf32, #tpu.memory_space<hbm>>
        tpu.enqueue_indirect_dma source(%dma_start3A_203 : memref<19999x64xf32, #tpu.memory_space<hbm>>) target(%arg9 : memref<125x64xf32, #tpu.memory_space<vmem>>) offsets(%dma_start3A_198 : memref<125xi32, #tpu.memory_space<vmem>>) semaphore(%arg15 : memref<!tpu.dma_semaphore, #tpu.memory_space<semaphore_mem>>)
        %add3A_204 = arith.constant 1 : i32
        %add3A_205 = arith.addi %mul3A_101, %add3A_204 : i32
        %dma_wait3A_206 = arith.constant 0 : i32
        %dma_wait3A_207 = tpu.memref_slice %arg8[%add3A_205, %dma_wait3A_206] : memref<160x125xi32, #tpu.memory_space<vmem>> -> memref<1x125xi32, #tpu.memory_space<vmem>>
        %dma_wait3A_208 = tpu.memref_squeeze %dma_wait3A_207 : memref<1x125xi32, #tpu.memory_space<vmem>> -> memref<125xi32, #tpu.memory_space<vmem>>
        %dma_wait3A_209 = arith.constant 0 : i32
        %dma_wait3A_210 = arith.constant 0 : i32
        %dma_wait3A_211 = tpu.memref_slice %arg14[%dma_wait3A_209, %dma_wait3A_210] : memref<10000x64xf32, #tpu.memory_space<vmem_shared>> -> memref<10000x64xf32, #tpu.memory_space<vmem_shared>>
        tpu.wait_indirect_dma semaphore(%arg21 : memref<!tpu.dma_semaphore, #tpu.memory_space<semaphore_mem>>) src(%arg10 : memref<125x64xf32, #tpu.memory_space<vmem>>) dst(%dma_wait3A_211 : memref<10000x64xf32, #tpu.memory_space<vmem_shared>>)
        %add3A_212 = arith.constant 5 : i32
        %add3A_213 = arith.addi %add3A_205, %add3A_212 : i32
        %dma_start3A_214 = arith.constant 0 : i32
        %dma_start3A_215 = tpu.memref_slice %arg7[%add3A_213, %dma_start3A_214] : memref<160x125xi32, #tpu.memory_space<vmem>> -> memref<1x125xi32, #tpu.memory_space<vmem>>
        %dma_start3A_216 = tpu.memref_squeeze %dma_start3A_215 : memref<1x125xi32, #tpu.memory_space<vmem>> -> memref<125xi32, #tpu.memory_space<vmem>>
        %dma_start3A_217 = arith.constant 0 : i32
        %dma_start3A_218 = tpu.memref_slice %arg2[%arg0, %dma_start3A_217] : memref<20000x64xf32, #tpu.memory_space<hbm>> -> memref<19999x64xf32, #tpu.memory_space<hbm>>
        %dma_start3A_219 = arith.constant 0 : i32
        %dma_start3A_220 = arith.constant 0 : i32
        %dma_start3A_221 = tpu.memref_slice %dma_start3A_218[%dma_start3A_219, %dma_start3A_220] : memref<19999x64xf32, #tpu.memory_space<hbm>> -> memref<19999x64xf32, #tpu.memory_space<hbm>>
        tpu.enqueue_indirect_dma source(%dma_start3A_221 : memref<19999x64xf32, #tpu.memory_space<hbm>>) target(%arg10 : memref<125x64xf32, #tpu.memory_space<vmem>>) offsets(%dma_start3A_216 : memref<125xi32, #tpu.memory_space<vmem>>) semaphore(%arg16 : memref<!tpu.dma_semaphore, #tpu.memory_space<semaphore_mem>>)
        %add3A_222 = arith.constant 2 : i32
        %add3A_223 = arith.addi %mul3A_101, %add3A_222 : i32
        %dma_wait3A_224 = arith.constant 0 : i32
        %dma_wait3A_225 = tpu.memref_slice %arg8[%add3A_223, %dma_wait3A_224] : memref<160x125xi32, #tpu.memory_space<vmem>> -> memref<1x125xi32, #tpu.memory_space<vmem>>
        %dma_wait3A_226 = tpu.memref_squeeze %dma_wait3A_225 : memref<1x125xi32, #tpu.memory_space<vmem>> -> memref<125xi32, #tpu.memory_space<vmem>>
        %dma_wait3A_227 = arith.constant 0 : i32
        %dma_wait3A_228 = arith.constant 0 : i32
        %dma_wait3A_229 = tpu.memref_slice %arg14[%dma_wait3A_227, %dma_wait3A_228] : memref<10000x64xf32, #tpu.memory_space<vmem_shared>> -> memref<10000x64xf32, #tpu.memory_space<vmem_shared>>
        tpu.wait_indirect_dma semaphore(%arg22 : memref<!tpu.dma_semaphore, #tpu.memory_space<semaphore_mem>>) src(%arg11 : memref<125x64xf32, #tpu.memory_space<vmem>>) dst(%dma_wait3A_229 : memref<10000x64xf32, #tpu.memory_space<vmem_shared>>)
        %add3A_230 = arith.constant 5 : i32
        %add3A_231 = arith.addi %add3A_223, %add3A_230 : i32
        %dma_start3A_232 = arith.constant 0 : i32
        %dma_start3A_233 = tpu.memref_slice %arg7[%add3A_231, %dma_start3A_232] : memref<160x125xi32, #tpu.memory_space<vmem>> -> memref<1x125xi32, #tpu.memory_space<vmem>>
        %dma_start3A_234 = tpu.memref_squeeze %dma_start3A_233 : memref<1x125xi32, #tpu.memory_space<vmem>> -> memref<125xi32, #tpu.memory_space<vmem>>
        %dma_start3A_235 = arith.constant 0 : i32
        %dma_start3A_236 = tpu.memref_slice %arg2[%arg0, %dma_start3A_235] : memref<20000x64xf32, #tpu.memory_space<hbm>> -> memref<19999x64xf32, #tpu.memory_space<hbm>>
        %dma_start3A_237 = arith.constant 0 : i32
        %dma_start3A_238 = arith.constant 0 : i32
        %dma_start3A_239 = tpu.memref_slice %dma_start3A_236[%dma_start3A_237, %dma_start3A_238] : memref<19999x64xf32, #tpu.memory_space<hbm>> -> memref<19999x64xf32, #tpu.memory_space<hbm>>
        tpu.enqueue_indirect_dma source(%dma_start3A_239 : memref<19999x64xf32, #tpu.memory_space<hbm>>) target(%arg11 : memref<125x64xf32, #tpu.memory_space<vmem>>) offsets(%dma_start3A_234 : memref<125xi32, #tpu.memory_space<vmem>>) semaphore(%arg17 : memref<!tpu.dma_semaphore, #tpu.memory_space<semaphore_mem>>)
        %add3A_240 = arith.constant 3 : i32
        %add3A_241 = arith.addi %mul3A_101, %add3A_240 : i32
        %dma_wait3A_242 = arith.constant 0 : i32
        %dma_wait3A_243 = tpu.memref_slice %arg8[%add3A_241, %dma_wait3A_242] : memref<160x125xi32, #tpu.memory_space<vmem>> -> memref<1x125xi32, #tpu.memory_space<vmem>>
        %dma_wait3A_244 = tpu.memref_squeeze %dma_wait3A_243 : memref<1x125xi32, #tpu.memory_space<vmem>> -> memref<125xi32, #tpu.memory_space<vmem>>
        %dma_wait3A_245 = arith.constant 0 : i32
        %dma_wait3A_246 = arith.constant 0 : i32
        %dma_wait3A_247 = tpu.memref_slice %arg14[%dma_wait3A_245, %dma_wait3A_246] : memref<10000x64xf32, #tpu.memory_space<vmem_shared>> -> memref<10000x64xf32, #tpu.memory_space<vmem_shared>>
        tpu.wait_indirect_dma semaphore(%arg23 : memref<!tpu.dma_semaphore, #tpu.memory_space<semaphore_mem>>) src(%arg12 : memref<125x64xf32, #tpu.memory_space<vmem>>) dst(%dma_wait3A_247 : memref<10000x64xf32, #tpu.memory_space<vmem_shared>>)
        %add3A_248 = arith.constant 5 : i32
        %add3A_249 = arith.addi %add3A_241, %add3A_248 : i32
        %dma_start3A_250 = arith.constant 0 : i32
        %dma_start3A_251 = tpu.memref_slice %arg7[%add3A_249, %dma_start3A_250] : memref<160x125xi32, #tpu.memory_space<vmem>> -> memref<1x125xi32, #tpu.memory_space<vmem>>
        %dma_start3A_252 = tpu.memref_squeeze %dma_start3A_251 : memref<1x125xi32, #tpu.memory_space<vmem>> -> memref<125xi32, #tpu.memory_space<vmem>>
        %dma_start3A_253 = arith.constant 0 : i32
        %dma_start3A_254 = tpu.memref_slice %arg2[%arg0, %dma_start3A_253] : memref<20000x64xf32, #tpu.memory_space<hbm>> -> memref<19999x64xf32, #tpu.memory_space<hbm>>
        %dma_start3A_255 = arith.constant 0 : i32
        %dma_start3A_256 = arith.constant 0 : i32
        %dma_start3A_257 = tpu.memref_slice %dma_start3A_254[%dma_start3A_255, %dma_start3A_256] : memref<19999x64xf32, #tpu.memory_space<hbm>> -> memref<19999x64xf32, #tpu.memory_space<hbm>>
        tpu.enqueue_indirect_dma source(%dma_start3A_257 : memref<19999x64xf32, #tpu.memory_space<hbm>>) target(%arg12 : memref<125x64xf32, #tpu.memory_space<vmem>>) offsets(%dma_start3A_252 : memref<125xi32, #tpu.memory_space<vmem>>) semaphore(%arg18 : memref<!tpu.dma_semaphore, #tpu.memory_space<semaphore_mem>>)
        %add3A_258 = arith.constant 4 : i32
        %add3A_259 = arith.addi %mul3A_101, %add3A_258 : i32
        %dma_wait3A_260 = arith.constant 0 : i32
        %dma_wait3A_261 = tpu.memref_slice %arg8[%add3A_259, %dma_wait3A_260] : memref<160x125xi32, #tpu.memory_space<vmem>> -> memref<1x125xi32, #tpu.memory_space<vmem>>
        %dma_wait3A_262 = tpu.memref_squeeze %dma_wait3A_261 : memref<1x125xi32, #tpu.memory_space<vmem>> -> memref<125xi32, #tpu.memory_space<vmem>>
        %dma_wait3A_263 = arith.constant 0 : i32
        %dma_wait3A_264 = arith.constant 0 : i32
        %dma_wait3A_265 = tpu.memref_slice %arg14[%dma_wait3A_263, %dma_wait3A_264] : memref<10000x64xf32, #tpu.memory_space<vmem_shared>> -> memref<10000x64xf32, #tpu.memory_space<vmem_shared>>
        tpu.wait_indirect_dma semaphore(%arg24 : memref<!tpu.dma_semaphore, #tpu.memory_space<semaphore_mem>>) src(%arg13 : memref<125x64xf32, #tpu.memory_space<vmem>>) dst(%dma_wait3A_265 : memref<10000x64xf32, #tpu.memory_space<vmem_shared>>)
        %add3A_266 = arith.constant 5 : i32
        %add3A_267 = arith.addi %add3A_259, %add3A_266 : i32
        %dma_start3A_268 = arith.constant 0 : i32
        %dma_start3A_269 = tpu.memref_slice %arg7[%add3A_267, %dma_start3A_268] : memref<160x125xi32, #tpu.memory_space<vmem>> -> memref<1x125xi32, #tpu.memory_space<vmem>>
        %dma_start3A_270 = tpu.memref_squeeze %dma_start3A_269 : memref<1x125xi32, #tpu.memory_space<vmem>> -> memref<125xi32, #tpu.memory_space<vmem>>
        %dma_start3A_271 = arith.constant 0 : i32
        %dma_start3A_272 = tpu.memref_slice %arg2[%arg0, %dma_start3A_271] : memref<20000x64xf32, #tpu.memory_space<hbm>> -> memref<19999x64xf32, #tpu.memory_space<hbm>>
        %dma_start3A_273 = arith.constant 0 : i32
        %dma_start3A_274 = arith.constant 0 : i32
        %dma_start3A_275 = tpu.memref_slice %dma_start3A_272[%dma_start3A_273, %dma_start3A_274] : memref<19999x64xf32, #tpu.memory_space<hbm>> -> memref<19999x64xf32, #tpu.memory_space<hbm>>
        tpu.enqueue_indirect_dma source(%dma_start3A_275 : memref<19999x64xf32, #tpu.memory_space<hbm>>) target(%arg13 : memref<125x64xf32, #tpu.memory_space<vmem>>) offsets(%dma_start3A_270 : memref<125xi32, #tpu.memory_space<vmem>>) semaphore(%arg19 : memref<!tpu.dma_semaphore, #tpu.memory_space<semaphore_mem>>)
      } else {
      }
    }
    %scan3A_54 = arith.constant 32 : i32
    %dma_wait3A = arith.constant 155 : i32
    %dma_wait3A_55 = arith.constant 0 : i32
    %dma_wait3A_56 = tpu.memref_slice %arg8[%dma_wait3A, %dma_wait3A_55] : memref<160x125xi32, #tpu.memory_space<vmem>> -> memref<1x125xi32, #tpu.memory_space<vmem>>
    %dma_wait3A_57 = tpu.memref_squeeze %dma_wait3A_56 : memref<1x125xi32, #tpu.memory_space<vmem>> -> memref<125xi32, #tpu.memory_space<vmem>>
    %dma_wait3A_58 = arith.constant 0 : i32
    %dma_wait3A_59 = arith.constant 0 : i32
    %dma_wait3A_60 = tpu.memref_slice %arg14[%dma_wait3A_58, %dma_wait3A_59] : memref<10000x64xf32, #tpu.memory_space<vmem_shared>> -> memref<10000x64xf32, #tpu.memory_space<vmem_shared>>
    tpu.wait_indirect_dma semaphore(%arg20 : memref<!tpu.dma_semaphore, #tpu.memory_space<semaphore_mem>>) src(%arg9 : memref<125x64xf32, #tpu.memory_space<vmem>>) dst(%dma_wait3A_60 : memref<10000x64xf32, #tpu.memory_space<vmem_shared>>)
    %dma_wait3A_61 = arith.constant 156 : i32
    %dma_wait3A_62 = arith.constant 0 : i32
    %dma_wait3A_63 = tpu.memref_slice %arg8[%dma_wait3A_61, %dma_wait3A_62] : memref<160x125xi32, #tpu.memory_space<vmem>> -> memref<1x125xi32, #tpu.memory_space<vmem>>
    %dma_wait3A_64 = tpu.memref_squeeze %dma_wait3A_63 : memref<1x125xi32, #tpu.memory_space<vmem>> -> memref<125xi32, #tpu.memory_space<vmem>>
    %dma_wait3A_65 = arith.constant 0 : i32
    %dma_wait3A_66 = arith.constant 0 : i32
    %dma_wait3A_67 = tpu.memref_slice %arg14[%dma_wait3A_65, %dma_wait3A_66] : memref<10000x64xf32, #tpu.memory_space<vmem_shared>> -> memref<10000x64xf32, #tpu.memory_space<vmem_shared>>
    tpu.wait_indirect_dma semaphore(%arg21 : memref<!tpu.dma_semaphore, #tpu.memory_space<semaphore_mem>>) src(%arg10 : memref<125x64xf32, #tpu.memory_space<vmem>>) dst(%dma_wait3A_67 : memref<10000x64xf32, #tpu.memory_space<vmem_shared>>)
    %dma_wait3A_68 = arith.constant 157 : i32
    %dma_wait3A_69 = arith.constant 0 : i32
    %dma_wait3A_70 = tpu.memref_slice %arg8[%dma_wait3A_68, %dma_wait3A_69] : memref<160x125xi32, #tpu.memory_space<vmem>> -> memref<1x125xi32, #tpu.memory_space<vmem>>
    %dma_wait3A_71 = tpu.memref_squeeze %dma_wait3A_70 : memref<1x125xi32, #tpu.memory_space<vmem>> -> memref<125xi32, #tpu.memory_space<vmem>>
    %dma_wait3A_72 = arith.constant 0 : i32
    %dma_wait3A_73 = arith.constant 0 : i32
    %dma_wait3A_74 = tpu.memref_slice %arg14[%dma_wait3A_72, %dma_wait3A_73] : memref<10000x64xf32, #tpu.memory_space<vmem_shared>> -> memref<10000x64xf32, #tpu.memory_space<vmem_shared>>
    tpu.wait_indirect_dma semaphore(%arg22 : memref<!tpu.dma_semaphore, #tpu.memory_space<semaphore_mem>>) src(%arg11 : memref<125x64xf32, #tpu.memory_space<vmem>>) dst(%dma_wait3A_74 : memref<10000x64xf32, #tpu.memory_space<vmem_shared>>)
    %dma_wait3A_75 = arith.constant 158 : i32
    %dma_wait3A_76 = arith.constant 0 : i32
    %dma_wait3A_77 = tpu.memref_slice %arg8[%dma_wait3A_75, %dma_wait3A_76] : memref<160x125xi32, #tpu.memory_space<vmem>> -> memref<1x125xi32, #tpu.memory_space<vmem>>
    %dma_wait3A_78 = tpu.memref_squeeze %dma_wait3A_77 : memref<1x125xi32, #tpu.memory_space<vmem>> -> memref<125xi32, #tpu.memory_space<vmem>>
    %dma_wait3A_79 = arith.constant 0 : i32
    %dma_wait3A_80 = arith.constant 0 : i32
    %dma_wait3A_81 = tpu.memref_slice %arg14[%dma_wait3A_79, %dma_wait3A_80] : memref<10000x64xf32, #tpu.memory_space<vmem_shared>> -> memref<10000x64xf32, #tpu.memory_space<vmem_shared>>
    tpu.wait_indirect_dma semaphore(%arg23 : memref<!tpu.dma_semaphore, #tpu.memory_space<semaphore_mem>>) src(%arg12 : memref<125x64xf32, #tpu.memory_space<vmem>>) dst(%dma_wait3A_81 : memref<10000x64xf32, #tpu.memory_space<vmem_shared>>)
    %dma_wait3A_82 = arith.constant 159 : i32
    %dma_wait3A_83 = arith.constant 0 : i32
    %dma_wait3A_84 = tpu.memref_slice %arg8[%dma_wait3A_82, %dma_wait3A_83] : memref<160x125xi32, #tpu.memory_space<vmem>> -> memref<1x125xi32, #tpu.memory_space<vmem>>
    %dma_wait3A_85 = tpu.memref_squeeze %dma_wait3A_84 : memref<1x125xi32, #tpu.memory_space<vmem>> -> memref<125xi32, #tpu.memory_space<vmem>>
    %dma_wait3A_86 = arith.constant 0 : i32
    %dma_wait3A_87 = arith.constant 0 : i32
    %dma_wait3A_88 = tpu.memref_slice %arg14[%dma_wait3A_86, %dma_wait3A_87] : memref<10000x64xf32, #tpu.memory_space<vmem_shared>> -> memref<10000x64xf32, #tpu.memory_space<vmem_shared>>
    tpu.wait_indirect_dma semaphore(%arg24 : memref<!tpu.dma_semaphore, #tpu.memory_space<semaphore_mem>>) src(%arg13 : memref<125x64xf32, #tpu.memory_space<vmem>>) dst(%dma_wait3A_88 : memref<10000x64xf32, #tpu.memory_space<vmem_shared>>)
    %barrier3A_89 = arith.constant 0 : index
    tpu.barrier barrier_id(%barrier3A_89)
    %lt3A_90 = arith.constant 15 : i32
    %lt3A_91 = arith.cmpi slt, %arg1, %lt3A_90 : i32
    %convert_element_type3A_92 = arith.extui %lt3A_91 : i1 to i32
    %cond3A_93 = arith.constant 0 : i32
    %cond3A_94 = arith.cmpi ne, %convert_element_type3A_92, %cond3A_93 : i32
    scf.if %cond3A_94 {
      %mul3A = arith.constant 624 : i32
      %mul3A_100 = arith.muli %arg1, %mul3A : i32
      %mul3A_101 = arith.constant 624 : i32
      %mul3A_102 = arith.muli %arg1, %mul3A_101 : i32
      "tpu.region"() ({
        %run_scoped3A = tpu.sem_alloc : memref<!tpu.dma_semaphore, #tpu.memory_space<semaphore_mem>>
        %dma_start3A_103 = arith.constant 0 : i32
        %dma_start3A_104 = tpu.memref_slice %arg6[%arg0, %mul3A_102, %dma_start3A_103] : memref<2x10000x64xf32, #tpu.memory_space<hbm>> -> memref<1x624x64xf32, #tpu.memory_space<hbm>>
        %dma_start3A_105 = tpu.memref_squeeze %dma_start3A_104 : memref<1x624x64xf32, #tpu.memory_space<hbm>> -> memref<624x64xf32, #tpu.memory_space<hbm>>
        %dma_start3A_106 = arith.constant 0 : i32
        %dma_start3A_107 = tpu.memref_slice %arg14[%mul3A_100, %dma_start3A_106] : memref<10000x64xf32, #tpu.memory_space<vmem_shared>> -> memref<624x64xf32, #tpu.memory_space<vmem_shared>>
        tpu.enqueue_dma source(%dma_start3A_107 : memref<624x64xf32, #tpu.memory_space<vmem_shared>>) target(%dma_start3A_105 : memref<624x64xf32, #tpu.memory_space<hbm>>) target_semaphore(%run_scoped3A : memref<!tpu.dma_semaphore, #tpu.memory_space<semaphore_mem>>)
        %dma_wait3A_108 = arith.constant 0 : i32
        %dma_wait3A_109 = tpu.memref_slice %arg6[%arg0, %mul3A_102, %dma_wait3A_108] : memref<2x10000x64xf32, #tpu.memory_space<hbm>> -> memref<1x624x64xf32, #tpu.memory_space<hbm>>
        %dma_wait3A_110 = tpu.memref_squeeze %dma_wait3A_109 : memref<1x624x64xf32, #tpu.memory_space<hbm>> -> memref<624x64xf32, #tpu.memory_space<hbm>>
        %dma_wait3A_111 = arith.constant 0 : i32
        %dma_wait3A_112 = tpu.memref_slice %arg14[%mul3A_100, %dma_wait3A_111] : memref<10000x64xf32, #tpu.memory_space<vmem_shared>> -> memref<624x64xf32, #tpu.memory_space<vmem_shared>>
        tpu.wait_dma2 semaphore(%run_scoped3A : memref<!tpu.dma_semaphore, #tpu.memory_space<semaphore_mem>>) src(%dma_wait3A_112 : memref<624x64xf32, #tpu.memory_space<vmem_shared>>) dst(%dma_wait3A_110 : memref<624x64xf32, #tpu.memory_space<hbm>>)
        tpu.yield
      }) : () -> ()
    } else {
    }
    %eq3A_95 = arith.constant 15 : i32
    %eq3A_96 = arith.cmpi eq, %arg1, %eq3A_95 : i32
    %convert_element_type3A_97 = arith.extui %eq3A_96 : i1 to i32
    %cond3A_98 = arith.constant 0 : i32
    %cond3A_99 = arith.cmpi ne, %convert_element_type3A_97, %cond3A_98 : i32
    scf.if %cond3A_99 {
      "tpu.region"() ({
        %run_scoped3A = tpu.sem_alloc : memref<!tpu.dma_semaphore, #tpu.memory_space<semaphore_mem>>
        %dma_start3A_100 = arith.constant 9360 : i32
        %dma_start3A_101 = arith.constant 0 : i32
        %dma_start3A_102 = tpu.memref_slice %arg6[%arg0, %dma_start3A_100, %dma_start3A_101] : memref<2x10000x64xf32, #tpu.memory_space<hbm>> -> memref<1x640x64xf32, #tpu.memory_space<hbm>>
        %dma_start3A_103 = tpu.memref_squeeze %dma_start3A_102 : memref<1x640x64xf32, #tpu.memory_space<hbm>> -> memref<640x64xf32, #tpu.memory_space<hbm>>
        %dma_start3A_104 = arith.constant 9360 : i32
        %dma_start3A_105 = arith.constant 0 : i32
        %dma_start3A_106 = tpu.memref_slice %arg14[%dma_start3A_104, %dma_start3A_105] : memref<10000x64xf32, #tpu.memory_space<vmem_shared>> -> memref<640x64xf32, #tpu.memory_space<vmem_shared>>
        tpu.enqueue_dma source(%dma_start3A_106 : memref<640x64xf32, #tpu.memory_space<vmem_shared>>) target(%dma_start3A_103 : memref<640x64xf32, #tpu.memory_space<hbm>>) target_semaphore(%run_scoped3A : memref<!tpu.dma_semaphore, #tpu.memory_space<semaphore_mem>>)
        %dma_wait3A_107 = arith.constant 9360 : i32
        %dma_wait3A_108 = arith.constant 0 : i32
        %dma_wait3A_109 = tpu.memref_slice %arg6[%arg0, %dma_wait3A_107, %dma_wait3A_108] : memref<2x10000x64xf32, #tpu.memory_space<hbm>> -> memref<1x640x64xf32, #tpu.memory_space<hbm>>
        %dma_wait3A_110 = tpu.memref_squeeze %dma_wait3A_109 : memref<1x640x64xf32, #tpu.memory_space<hbm>> -> memref<640x64xf32, #tpu.memory_space<hbm>>
        %dma_wait3A_111 = arith.constant 9360 : i32
        %dma_wait3A_112 = arith.constant 0 : i32
        %dma_wait3A_113 = tpu.memref_slice %arg14[%dma_wait3A_111, %dma_wait3A_112] : memref<10000x64xf32, #tpu.memory_space<vmem_shared>> -> memref<640x64xf32, #tpu.memory_space<vmem_shared>>
        tpu.wait_dma2 semaphore(%run_scoped3A : memref<!tpu.dma_semaphore, #tpu.memory_space<semaphore_mem>>) src(%dma_wait3A_113 : memref<640x64xf32, #tpu.memory_space<vmem_shared>>) dst(%dma_wait3A_110 : memref<640x64xf32, #tpu.memory_space<hbm>>)
        tpu.yield
      }) : () -> ()
    } else {
    }
    return
  }
}

module attributes {stable_mosaic.version = 14 : i64} {
  func.func @_mlp0_body(%arg0: i32, %arg1: memref<1000x128xf32, #tpu.memory_space<vmem>>, %arg2: memref<2x1000x64xf32, #tpu.memory_space<vmem>>, %arg3: memref<128x256xf32, #tpu.memory_space<vmem>>, %arg4: memref<1x256xf32, #tpu.memory_space<vmem>>, %arg5: memref<256x256xf32, #tpu.memory_space<vmem>>, %arg6: memref<1x256xf32, #tpu.memory_space<vmem>>, %arg7: memref<1x256xf32, #tpu.memory_space<vmem>>, %arg8: memref<1x256xf32, #tpu.memory_space<vmem>>, %arg9: memref<1000x64xf32, #tpu.memory_space<vmem>>, %arg10: memref<1000x64xf32, #tpu.memory_space<vmem>>, %arg11: memref<1000x64xf32, #tpu.memory_space<vmem>>, %arg12: memref<1000x64xf32, #tpu.memory_space<vmem>>) attributes {dimension_semantics = [#tpu.dimension_semantics<arbitrary>], iteration_bounds = array<i64: 10>, scalar_prefetch = 0 : i64, scratch_operands = 0 : i64, tpu.core_type = #tpu.core_type<tc>, window_params = [{transform_indices = @transform_0, window_bounds = array<i64: 1000, 128>}, {transform_indices = @transform_1, window_bounds = array<i64: 2, 1000, 64>}, {pipeline_mode = #tpu.pipeline_mode<synchronous>, transform_indices = @transform_2, window_bounds = array<i64: 128, 256>}, {pipeline_mode = #tpu.pipeline_mode<synchronous>, transform_indices = @transform_3, window_bounds = array<i64: 1, 256>}, {pipeline_mode = #tpu.pipeline_mode<synchronous>, transform_indices = @transform_4, window_bounds = array<i64: 256, 256>}, {pipeline_mode = #tpu.pipeline_mode<synchronous>, transform_indices = @transform_5, window_bounds = array<i64: 1, 256>}, {pipeline_mode = #tpu.pipeline_mode<synchronous>, transform_indices = @transform_6, window_bounds = array<i64: 1, 256>}, {pipeline_mode = #tpu.pipeline_mode<synchronous>, transform_indices = @transform_7, window_bounds = array<i64: 1, 256>}, {transform_indices = @transform_8, window_bounds = array<i64: 1000, 64>}, {transform_indices = @transform_9, window_bounds = array<i64: 1000, 64>}, {transform_indices = @transform_10, window_bounds = array<i64: 1000, 64>}, {transform_indices = @transform_11, window_bounds = array<i64: 1000, 64>}]} {
    %get3A = arith.constant 0 : index
    %get3A_0 = arith.constant 0 : index
    %get3A_1 = vector.load %arg1[%get3A, %get3A_0] : memref<1000x128xf32, #tpu.memory_space<vmem>>, vector<1000x128xf32>
    %get3A_2 = arith.constant 0 : index
    %get3A_3 = arith.constant 0 : index
    %get3A_4 = arith.constant 0 : index
    %get3A_5 = vector.load %arg2[%get3A_2, %get3A_3, %get3A_4] : memref<2x1000x64xf32, #tpu.memory_space<vmem>>, vector<1x1000x64xf32>
    %get3A_6 = vector.shape_cast %get3A_5 : vector<1x1000x64xf32> to vector<1000x64xf32>
    %get3A_7 = arith.constant 1 : index
    %get3A_8 = arith.constant 0 : index
    %get3A_9 = arith.constant 0 : index
    %get3A_10 = vector.load %arg2[%get3A_7, %get3A_8, %get3A_9] : memref<2x1000x64xf32, #tpu.memory_space<vmem>>, vector<1x1000x64xf32>
    %get3A_11 = vector.shape_cast %get3A_10 : vector<1x1000x64xf32> to vector<1000x64xf32>
    %concatenate3A = tpu.concatenate %get3A_6, %get3A_11 in 1 : vector<1000x64xf32>, vector<1000x64xf32> -> vector<1000x128xf32>
    %add3A = arith.addf %get3A_1, %concatenate3A : vector<1000x128xf32>
    %get3A_12 = arith.constant 0 : index
    %get3A_13 = arith.constant 0 : index
    %get3A_14 = vector.load %arg3[%get3A_12, %get3A_13] : memref<128x256xf32, #tpu.memory_space<vmem>>, vector<128x256xf32>
    %dot_general3A = arith.constant dense<0.000000e+00> : vector<1000x256xf32>
    %dot_general3A_15 = tpu.matmul %add3A, %get3A_14, %dot_general3A {dimension_numbers = #tpu.dot_dimension_numbers<[1], [0], [0], [1], [0, 0, 1, 1], [], []>, transpose_lhs_hint = false} : vector<1000x128xf32>, vector<128x256xf32>, vector<1000x256xf32> -> vector<1000x256xf32>
    %get3A_16 = arith.constant 0 : index
    %get3A_17 = arith.constant 0 : index
    %get3A_18 = vector.load %arg4[%get3A_16, %get3A_17] : memref<1x256xf32, #tpu.memory_space<vmem>>, vector<1x256xf32>
    %add3A_19 = vector.broadcast %get3A_18 : vector<1x256xf32> to vector<1000x256xf32>
    %add3A_20 = arith.addf %dot_general3A_15, %add3A_19 : vector<1000x256xf32>
    %max3A = arith.constant 0.000000e+00 : f32
    %max3A_21 = vector.broadcast %max3A : f32 to vector<1000x256xf32>
    %max3A_22 = arith.maximumf %add3A_20, %max3A_21 : vector<1000x256xf32>
    %get3A_23 = arith.constant 0 : index
    %get3A_24 = arith.constant 0 : index
    %get3A_25 = vector.load %arg5[%get3A_23, %get3A_24] : memref<256x256xf32, #tpu.memory_space<vmem>>, vector<256x256xf32>
    %dot_general3A_26 = arith.constant dense<0.000000e+00> : vector<1000x256xf32>
    %dot_general3A_27 = tpu.matmul %max3A_22, %get3A_25, %dot_general3A_26 {dimension_numbers = #tpu.dot_dimension_numbers<[1], [0], [0], [1], [0, 0, 1, 1], [], []>, transpose_lhs_hint = false} : vector<1000x256xf32>, vector<256x256xf32>, vector<1000x256xf32> -> vector<1000x256xf32>
    %get3A_28 = arith.constant 0 : index
    %get3A_29 = arith.constant 0 : index
    %get3A_30 = vector.load %arg6[%get3A_28, %get3A_29] : memref<1x256xf32, #tpu.memory_space<vmem>>, vector<1x256xf32>
    %add3A_31 = vector.broadcast %get3A_30 : vector<1x256xf32> to vector<1000x256xf32>
    %add3A_32 = arith.addf %dot_general3A_27, %add3A_31 : vector<1000x256xf32>
    %get3A_33 = arith.constant 0 : index
    %get3A_34 = arith.constant 0 : index
    %get3A_35 = vector.load %arg7[%get3A_33, %get3A_34] : memref<1x256xf32, #tpu.memory_space<vmem>>, vector<1x256xf32>
    %get3A_36 = arith.constant 0 : index
    %get3A_37 = arith.constant 0 : index
    %get3A_38 = vector.load %arg8[%get3A_36, %get3A_37] : memref<1x256xf32, #tpu.memory_space<vmem>>, vector<1x256xf32>
    %reduce_sum3A = arith.constant dense<0.000000e+00> : vector<1000xf32>
    %reduce_sum3A_39 = vector.multi_reduction <add>, %add3A_32, %reduce_sum3A [1] : vector<1000x256xf32> to vector<1000xf32>
    %broadcast_in_dim3A = vector.shape_cast %reduce_sum3A_39 : vector<1000xf32> to vector<1000x1xf32>
    %div3A = arith.constant 2.560000e+02 : f32
    %div3A_40 = vector.broadcast %div3A : f32 to vector<1000x1xf32>
    %div3A_41 = arith.divf %broadcast_in_dim3A, %div3A_40 : vector<1000x1xf32>
    %jit3A = arith.constant 0 : i32
    %reduce_sum3A_42 = arith.constant dense<0.000000e+00> : vector<1000xf32>
    %reduce_sum3A_43 = vector.multi_reduction <add>, %add3A_32, %reduce_sum3A_42 [1] : vector<1000x256xf32> to vector<1000xf32>
    %broadcast_in_dim3A_44 = vector.shape_cast %reduce_sum3A_43 : vector<1000xf32> to vector<1000x1xf32>
    %div3A_45 = arith.constant 2.560000e+02 : f32
    %div3A_46 = vector.broadcast %div3A_45 : f32 to vector<1000x1xf32>
    %div3A_47 = arith.divf %broadcast_in_dim3A_44, %div3A_46 : vector<1000x1xf32>
    %sub3A = vector.broadcast %div3A_47 : vector<1000x1xf32> to vector<1000x256xf32>
    %sub3A_48 = arith.subf %add3A_32, %sub3A : vector<1000x256xf32>
    %square3A = arith.mulf %sub3A_48, %sub3A_48 : vector<1000x256xf32>
    %convert_element_type3A = arith.sitofp %jit3A : i32 to f32
    %sub3A_49 = arith.constant 2.560000e+02 : f32
    %sub3A_50 = arith.subf %sub3A_49, %convert_element_type3A : f32
    %reduce_sum3A_51 = arith.constant dense<0.000000e+00> : vector<1000xf32>
    %reduce_sum3A_52 = vector.multi_reduction <add>, %square3A, %reduce_sum3A_51 [1] : vector<1000x256xf32> to vector<1000xf32>
    %broadcast_in_dim3A_53 = vector.shape_cast %reduce_sum3A_52 : vector<1000xf32> to vector<1000x1xf32>
    %div3A_54 = vector.broadcast %sub3A_50 : f32 to vector<1000x1xf32>
    %div3A_55 = arith.divf %broadcast_in_dim3A_53, %div3A_54 : vector<1000x1xf32>
    %gt3A = arith.constant 0.000000e+00 : f32
    %gt3A_56 = arith.cmpf ogt, %sub3A_50, %gt3A : f32
    %jit3A_57 = arith.constant 0x7FC00000 : f32
    %broadcast_in_dim3A_58 = vector.broadcast %jit3A_57 : f32 to vector<1000x1xf32>
    %select_n3A = arith.select %gt3A_56, %div3A_55, %broadcast_in_dim3A_58 : vector<1000x1xf32>
    %sub3A_59 = vector.broadcast %div3A_41 : vector<1000x1xf32> to vector<1000x256xf32>
    %sub3A_60 = arith.subf %add3A_32, %sub3A_59 : vector<1000x256xf32>
    %add3A_61 = arith.constant 9.99999974E-6 : f32
    %add3A_62 = vector.broadcast %add3A_61 : f32 to vector<1000x1xf32>
    %add3A_63 = arith.addf %select_n3A, %add3A_62 : vector<1000x1xf32>
    %sqrt3A = math.sqrt %add3A_63 : vector<1000x1xf32>
    %div3A_64 = vector.broadcast %sqrt3A : vector<1000x1xf32> to vector<1000x256xf32>
    %div3A_65 = arith.divf %sub3A_60, %div3A_64 : vector<1000x256xf32>
    %mul3A = vector.broadcast %get3A_35 : vector<1x256xf32> to vector<1000x256xf32>
    %mul3A_66 = arith.mulf %div3A_65, %mul3A : vector<1000x256xf32>
    %add3A_67 = vector.broadcast %get3A_38 : vector<1x256xf32> to vector<1000x256xf32>
    %add3A_68 = arith.addf %mul3A_66, %add3A_67 : vector<1000x256xf32>
    %max3A_69 = arith.constant 0.000000e+00 : f32
    %max3A_70 = vector.broadcast %max3A_69 : f32 to vector<1000x256xf32>
    %max3A_71 = arith.maximumf %add3A_68, %max3A_70 : vector<1000x256xf32>
    %slice3A = vector.extract_strided_slice %max3A_71 {offsets = [0, 0], sizes = [1000, 64], strides = [1, 1]} : vector<1000x256xf32> to vector<1000x64xf32>
    %swap3A = arith.constant 0 : index
    %swap3A_72 = arith.constant 0 : index
    %swap3A_73 = vector.load %arg9[%swap3A, %swap3A_72] : memref<1000x64xf32, #tpu.memory_space<vmem>>, vector<1000x64xf32>
    tpu.vector_store %arg9[%swap3A, %swap3A_72], %slice3A {strides = array<i32>} : memref<1000x64xf32, #tpu.memory_space<vmem>>, vector<1000x64xf32>,
    %slice3A_74 = vector.extract_strided_slice %max3A_71 {offsets = [0, 64], sizes = [1000, 64], strides = [1, 1]} : vector<1000x256xf32> to vector<1000x64xf32>
    %swap3A_75 = arith.constant 0 : index
    %swap3A_76 = arith.constant 0 : index
    %swap3A_77 = vector.load %arg10[%swap3A_75, %swap3A_76] : memref<1000x64xf32, #tpu.memory_space<vmem>>, vector<1000x64xf32>
    tpu.vector_store %arg10[%swap3A_75, %swap3A_76], %slice3A_74 {strides = array<i32>} : memref<1000x64xf32, #tpu.memory_space<vmem>>, vector<1000x64xf32>,
    %slice3A_78 = vector.extract_strided_slice %max3A_71 {offsets = [0, 128], sizes = [1000, 64], strides = [1, 1]} : vector<1000x256xf32> to vector<1000x64xf32>
    %swap3A_79 = arith.constant 0 : index
    %swap3A_80 = arith.constant 0 : index
    %swap3A_81 = vector.load %arg11[%swap3A_79, %swap3A_80] : memref<1000x64xf32, #tpu.memory_space<vmem>>, vector<1000x64xf32>
    tpu.vector_store %arg11[%swap3A_79, %swap3A_80], %slice3A_78 {strides = array<i32>} : memref<1000x64xf32, #tpu.memory_space<vmem>>, vector<1000x64xf32>,
    %slice3A_82 = vector.extract_strided_slice %max3A_71 {offsets = [0, 192], sizes = [1000, 64], strides = [1, 1]} : vector<1000x256xf32> to vector<1000x64xf32>
    %swap3A_83 = arith.constant 0 : index
    %swap3A_84 = arith.constant 0 : index
    %swap3A_85 = vector.load %arg12[%swap3A_83, %swap3A_84] : memref<1000x64xf32, #tpu.memory_space<vmem>>, vector<1000x64xf32>
    tpu.vector_store %arg12[%swap3A_83, %swap3A_84], %slice3A_82 {strides = array<i32>} : memref<1000x64xf32, #tpu.memory_space<vmem>>, vector<1000x64xf32>,
    return
  }
  func.func @transform_0(%arg0: i32) -> (i32, i32) {
    %c0_i32 = arith.constant 0 : i32
    %c0_i32_0 = arith.constant 0 : i32
    return %arg0, %c0_i32 : i32, i32
  }
  func.func @transform_1(%arg0: i32) -> (i32, i32, i32) {
    %c0_i32 = arith.constant 0 : i32
    %c0_i32_0 = arith.constant 0 : i32
    %c0_i32_1 = arith.constant 0 : i32
    return %c0_i32, %arg0, %c0_i32_0 : i32, i32, i32
  }
  func.func @transform_2(%arg0: i32) -> (i32, i32) {
    %c0_i32 = arith.constant 0 : i32
    %c0_i32_0 = arith.constant 0 : i32
    %c0_i32_1 = arith.constant 0 : i32
    return %c0_i32, %c0_i32_0 : i32, i32
  }
  func.func @transform_3(%arg0: i32) -> (i32, i32) {
    %c0_i32 = arith.constant 0 : i32
    %c0_i32_0 = arith.constant 0 : i32
    %c0_i32_1 = arith.constant 0 : i32
    return %c0_i32, %c0_i32_0 : i32, i32
  }
  func.func @transform_4(%arg0: i32) -> (i32, i32) {
    %c0_i32 = arith.constant 0 : i32
    %c0_i32_0 = arith.constant 0 : i32
    %c0_i32_1 = arith.constant 0 : i32
    return %c0_i32, %c0_i32_0 : i32, i32
  }
  func.func @transform_5(%arg0: i32) -> (i32, i32) {
    %c0_i32 = arith.constant 0 : i32
    %c0_i32_0 = arith.constant 0 : i32
    %c0_i32_1 = arith.constant 0 : i32
    return %c0_i32, %c0_i32_0 : i32, i32
  }
  func.func @transform_6(%arg0: i32) -> (i32, i32) {
    %c0_i32 = arith.constant 0 : i32
    %c0_i32_0 = arith.constant 0 : i32
    %c0_i32_1 = arith.constant 0 : i32
    return %c0_i32, %c0_i32_0 : i32, i32
  }
  func.func @transform_7(%arg0: i32) -> (i32, i32) {
    %c0_i32 = arith.constant 0 : i32
    %c0_i32_0 = arith.constant 0 : i32
    %c0_i32_1 = arith.constant 0 : i32
    return %c0_i32, %c0_i32_0 : i32, i32
  }
  func.func @transform_8(%arg0: i32) -> (i32, i32) {
    %c0_i32 = arith.constant 0 : i32
    %c0_i32_0 = arith.constant 0 : i32
    return %arg0, %c0_i32 : i32, i32
  }
  func.func @transform_9(%arg0: i32) -> (i32, i32) {
    %c0_i32 = arith.constant 0 : i32
    %c0_i32_0 = arith.constant 0 : i32
    return %arg0, %c0_i32 : i32, i32
  }
  func.func @transform_10(%arg0: i32) -> (i32, i32) {
    %c0_i32 = arith.constant 0 : i32
    %c0_i32_0 = arith.constant 0 : i32
    return %arg0, %c0_i32 : i32, i32
  }
  func.func @transform_11(%arg0: i32) -> (i32, i32) {
    %c0_i32 = arith.constant 0 : i32
    %c0_i32_0 = arith.constant 0 : i32
    return %arg0, %c0_i32 : i32, i32
  }
}

module attributes {stable_mosaic.version = 14 : i64} {
  func.func @_mlp1pool_body(%arg0: i32, %arg1: i32, %arg2: memref<1000x64xf32, #tpu.memory_space<vmem>>, %arg3: memref<1000x64xf32, #tpu.memory_space<vmem>>, %arg4: memref<1000x64xf32, #tpu.memory_space<vmem>>, %arg5: memref<1000x64xf32, #tpu.memory_space<vmem>>, %arg6: memref<4x1000x64xf32, #tpu.memory_space<vmem>>, %arg7: memref<1x1x1000xf32, #tpu.memory_space<vmem>>, %arg8: memref<64x16xf32, #tpu.memory_space<vmem>>, %arg9: memref<256x256xf32, #tpu.memory_space<vmem>>, %arg10: memref<1x256xf32, #tpu.memory_space<vmem>>, %arg11: memref<256x256xf32, #tpu.memory_space<vmem>>, %arg12: memref<1x256xf32, #tpu.memory_space<vmem>>, %arg13: memref<1x256xf32, #tpu.memory_space<vmem>>, %arg14: memref<1x256xf32, #tpu.memory_space<vmem>>, %arg15: memref<256x128xf32, #tpu.memory_space<vmem>>, %arg16: memref<1x128xf32, #tpu.memory_space<vmem>>, %arg17: memref<128x1xf32, #tpu.memory_space<vmem>>, %arg18: memref<1x1xf32, #tpu.memory_space<vmem>>, %arg19: memref<272x128xf32, #tpu.memory_space<vmem>>, %arg20: memref<1x128xf32, #tpu.memory_space<vmem>>, %arg21: memref<128x2xf32, #tpu.memory_space<vmem>>, %arg22: memref<1x2xf32, #tpu.memory_space<vmem>>, %arg23: memref<64x2xf32, #tpu.memory_space<vmem>>, %arg24: memref<10x1000x256xf32, #tpu.memory_space<vmem>>, %arg25: memref<10x1000x1xf32, #tpu.memory_space<vmem>>, %arg26: memref<1x64xf32, #tpu.memory_space<vmem>>, %arg27: memref<1x64xf32, #tpu.memory_space<vmem>>, %arg28: memref<64x256xf32, #tpu.memory_space<vmem>>) attributes {dimension_semantics = [#tpu.dimension_semantics<arbitrary>, #tpu.dimension_semantics<arbitrary>], iteration_bounds = array<i64: 2, 10>, scalar_prefetch = 0 : i64, scratch_operands = 5 : i64, tpu.core_type = #tpu.core_type<tc>, window_params = [{transform_indices = @transform_0, window_bounds = array<i64: 1000, 64>}, {transform_indices = @transform_1, window_bounds = array<i64: 1000, 64>}, {transform_indices = @transform_2, window_bounds = array<i64: 1000, 64>}, {transform_indices = @transform_3, window_bounds = array<i64: 1000, 64>}, {transform_indices = @transform_4, window_bounds = array<i64: 4, 1000, 64>}, {transform_indices = @transform_5, window_bounds = array<i64: 1, 1, 1000>}, {pipeline_mode = #tpu.pipeline_mode<synchronous>, transform_indices = @transform_6, window_bounds = array<i64: 64, 16>}, {pipeline_mode = #tpu.pipeline_mode<synchronous>, transform_indices = @transform_7, window_bounds = array<i64: 256, 256>}, {pipeline_mode = #tpu.pipeline_mode<synchronous>, transform_indices = @transform_8, window_bounds = array<i64: 1, 256>}, {pipeline_mode = #tpu.pipeline_mode<synchronous>, transform_indices = @transform_9, window_bounds = array<i64: 256, 256>}, {pipeline_mode = #tpu.pipeline_mode<synchronous>, transform_indices = @transform_10, window_bounds = array<i64: 1, 256>}, {pipeline_mode = #tpu.pipeline_mode<synchronous>, transform_indices = @transform_11, window_bounds = array<i64: 1, 256>}, {pipeline_mode = #tpu.pipeline_mode<synchronous>, transform_indices = @transform_12, window_bounds = array<i64: 1, 256>}, {pipeline_mode = #tpu.pipeline_mode<synchronous>, transform_indices = @transform_13, window_bounds = array<i64: 256, 128>}, {pipeline_mode = #tpu.pipeline_mode<synchronous>, transform_indices = @transform_14, window_bounds = array<i64: 1, 128>}, {pipeline_mode = #tpu.pipeline_mode<synchronous>, transform_indices = @transform_15, window_bounds = array<i64: 128, 1>}, {pipeline_mode = #tpu.pipeline_mode<synchronous>, transform_indices = @transform_16, window_bounds = array<i64: 1, 1>}, {pipeline_mode = #tpu.pipeline_mode<synchronous>, transform_indices = @transform_17, window_bounds = array<i64: 272, 128>}, {pipeline_mode = #tpu.pipeline_mode<synchronous>, transform_indices = @transform_18, window_bounds = array<i64: 1, 128>}, {pipeline_mode = #tpu.pipeline_mode<synchronous>, transform_indices = @transform_19, window_bounds = array<i64: 128, 2>}, {pipeline_mode = #tpu.pipeline_mode<synchronous>, transform_indices = @transform_20, window_bounds = array<i64: 1, 2>}, {pipeline_mode = #tpu.pipeline_mode<synchronous>, transform_indices = @transform_21, window_bounds = array<i64: 64, 2>}]} {
    %get3A = arith.constant 0 : index
    %get3A_0 = arith.constant 0 : index
    %get3A_1 = arith.constant 0 : index
    %get3A_2 = vector.load %arg7[%get3A, %get3A_0, %get3A_1] : memref<1x1x1000xf32, #tpu.memory_space<vmem>>, vector<1x1x1000xf32>
    %get3A_3 = vector.shape_cast %get3A_2 : vector<1x1x1000xf32> to vector<1000xf32>
    %iota3A = tpu.iota {dimensions = array<i32: 1>} : vector<1x64xi32>
    %convert_element_type3A = arith.sitofp %iota3A : vector<1x64xi32> to vector<1x64xf32>
    %broadcast_in_dim3A = vector.shape_cast %get3A_3 : vector<1000xf32> to vector<1000x1xf32>
    %eq3A = vector.broadcast %broadcast_in_dim3A : vector<1000x1xf32> to vector<1000x64xf32>
    %eq3A_4 = vector.broadcast %convert_element_type3A : vector<1x64xf32> to vector<1000x64xf32>
    %eq3A_5 = arith.cmpf oeq, %eq3A, %eq3A_4 : vector<1000x64xf32>
    %convert_element_type3A_6 = arith.extui %eq3A_5 : vector<1000x64xi1> to vector<1000x64xi32>
    %convert_element_type3A_7 = arith.sitofp %convert_element_type3A_6 : vector<1000x64xi32> to vector<1000x64xf32>
    %eq3A_8 = arith.constant 0 : i32
    %eq3A_9 = arith.cmpi eq, %arg0, %eq3A_8 : i32
    %eq3A_10 = arith.constant 0 : i32
    %eq3A_11 = arith.cmpi eq, %arg1, %eq3A_10 : i32
    %and3A = arith.andi %eq3A_9, %eq3A_11 : i1
    %convert_element_type3A_12 = arith.extui %and3A : i1 to i32
    %cond3A = arith.constant 0 : i32
    %cond3A_13 = arith.cmpi ne, %convert_element_type3A_12, %cond3A : i32
    scf.if %cond3A_13 {
      %broadcast_in_dim3A_40 = arith.constant -3.400000e+38 : f32
      %broadcast_in_dim3A_41 = vector.broadcast %broadcast_in_dim3A_40 : f32 to vector<1x64xf32>
      %swap3A = arith.constant 0 : index
      %swap3A_42 = arith.constant 0 : index
      %swap3A_43 = vector.load %arg26[%swap3A, %swap3A_42] : memref<1x64xf32, #tpu.memory_space<vmem>>, vector<1x64xf32>
      tpu.vector_store %arg26[%swap3A, %swap3A_42], %broadcast_in_dim3A_41 {strides = array<i32>} : memref<1x64xf32, #tpu.memory_space<vmem>>, vector<1x64xf32>,
      %broadcast_in_dim3A_44 = arith.constant 0.000000e+00 : f32
      %broadcast_in_dim3A_45 = vector.broadcast %broadcast_in_dim3A_44 : f32 to vector<1x64xf32>
      %swap3A_46 = arith.constant 0 : index
      %swap3A_47 = arith.constant 0 : index
      %swap3A_48 = vector.load %arg27[%swap3A_46, %swap3A_47] : memref<1x64xf32, #tpu.memory_space<vmem>>, vector<1x64xf32>
      tpu.vector_store %arg27[%swap3A_46, %swap3A_47], %broadcast_in_dim3A_45 {strides = array<i32>} : memref<1x64xf32, #tpu.memory_space<vmem>>, vector<1x64xf32>,
    } else {
    }
    %eq3A_14 = arith.constant 0 : i32
    %eq3A_15 = arith.cmpi eq, %arg0, %eq3A_14 : i32
    %convert_element_type3A_16 = arith.extui %eq3A_15 : i1 to i32
    %cond3A_17 = arith.constant 0 : i32
    %cond3A_18 = arith.cmpi ne, %convert_element_type3A_16, %cond3A_17 : i32
    scf.if %cond3A_18 {
      %get3A_40 = arith.constant 0 : index
      %get3A_41 = arith.constant 0 : index
      %get3A_42 = vector.load %arg2[%get3A_40, %get3A_41] : memref<1000x64xf32, #tpu.memory_space<vmem>>, vector<1000x64xf32>
      %get3A_43 = arith.constant 0 : index
      %get3A_44 = arith.constant 0 : index
      %get3A_45 = arith.constant 0 : index
      %get3A_46 = vector.load %arg6[%get3A_43, %get3A_44, %get3A_45] : memref<4x1000x64xf32, #tpu.memory_space<vmem>>, vector<1x1000x64xf32>
      %get3A_47 = vector.shape_cast %get3A_46 : vector<1x1000x64xf32> to vector<1000x64xf32>
      %add3A = arith.addf %get3A_42, %get3A_47 : vector<1000x64xf32>
      %get3A_48 = arith.constant 0 : index
      %get3A_49 = arith.constant 0 : index
      %get3A_50 = vector.load %arg3[%get3A_48, %get3A_49] : memref<1000x64xf32, #tpu.memory_space<vmem>>, vector<1000x64xf32>
      %get3A_51 = arith.constant 1 : index
      %get3A_52 = arith.constant 0 : index
      %get3A_53 = arith.constant 0 : index
      %get3A_54 = vector.load %arg6[%get3A_51, %get3A_52, %get3A_53] : memref<4x1000x64xf32, #tpu.memory_space<vmem>>, vector<1x1000x64xf32>
      %get3A_55 = vector.shape_cast %get3A_54 : vector<1x1000x64xf32> to vector<1000x64xf32>
      %add3A_56 = arith.addf %get3A_50, %get3A_55 : vector<1000x64xf32>
      %get3A_57 = arith.constant 0 : index
      %get3A_58 = arith.constant 0 : index
      %get3A_59 = vector.load %arg4[%get3A_57, %get3A_58] : memref<1000x64xf32, #tpu.memory_space<vmem>>, vector<1000x64xf32>
      %get3A_60 = arith.constant 2 : index
      %get3A_61 = arith.constant 0 : index
      %get3A_62 = arith.constant 0 : index
      %get3A_63 = vector.load %arg6[%get3A_60, %get3A_61, %get3A_62] : memref<4x1000x64xf32, #tpu.memory_space<vmem>>, vector<1x1000x64xf32>
      %get3A_64 = vector.shape_cast %get3A_63 : vector<1x1000x64xf32> to vector<1000x64xf32>
      %add3A_65 = arith.addf %get3A_59, %get3A_64 : vector<1000x64xf32>
      %get3A_66 = arith.constant 0 : index
      %get3A_67 = arith.constant 0 : index
      %get3A_68 = vector.load %arg5[%get3A_66, %get3A_67] : memref<1000x64xf32, #tpu.memory_space<vmem>>, vector<1000x64xf32>
      %get3A_69 = arith.constant 3 : index
      %get3A_70 = arith.constant 0 : index
      %get3A_71 = arith.constant 0 : index
      %get3A_72 = vector.load %arg6[%get3A_69, %get3A_70, %get3A_71] : memref<4x1000x64xf32, #tpu.memory_space<vmem>>, vector<1x1000x64xf32>
      %get3A_73 = vector.shape_cast %get3A_72 : vector<1x1000x64xf32> to vector<1000x64xf32>
      %add3A_74 = arith.addf %get3A_68, %get3A_73 : vector<1000x64xf32>
      %concatenate3A = tpu.concatenate %add3A, %add3A_56, %add3A_65, %add3A_74 in 1 : vector<1000x64xf32>, vector<1000x64xf32>, vector<1000x64xf32>, vector<1000x64xf32> -> vector<1000x256xf32>
      %get3A_75 = arith.constant 0 : index
      %get3A_76 = arith.constant 0 : index
      %get3A_77 = vector.load %arg9[%get3A_75, %get3A_76] : memref<256x256xf32, #tpu.memory_space<vmem>>, vector<256x256xf32>
      %dot_general3A = arith.constant dense<0.000000e+00> : vector<1000x256xf32>
      %dot_general3A_78 = tpu.matmul %concatenate3A, %get3A_77, %dot_general3A {dimension_numbers = #tpu.dot_dimension_numbers<[1], [0], [0], [1], [0, 0, 1, 1], [], []>, transpose_lhs_hint = false} : vector<1000x256xf32>, vector<256x256xf32>, vector<1000x256xf32> -> vector<1000x256xf32>
      %get3A_79 = arith.constant 0 : index
      %get3A_80 = arith.constant 0 : index
      %get3A_81 = vector.load %arg10[%get3A_79, %get3A_80] : memref<1x256xf32, #tpu.memory_space<vmem>>, vector<1x256xf32>
      %add3A_82 = vector.broadcast %get3A_81 : vector<1x256xf32> to vector<1000x256xf32>
      %add3A_83 = arith.addf %dot_general3A_78, %add3A_82 : vector<1000x256xf32>
      %max3A = arith.constant 0.000000e+00 : f32
      %max3A_84 = vector.broadcast %max3A : f32 to vector<1000x256xf32>
      %max3A_85 = arith.maximumf %add3A_83, %max3A_84 : vector<1000x256xf32>
      %get3A_86 = arith.constant 0 : index
      %get3A_87 = arith.constant 0 : index
      %get3A_88 = vector.load %arg11[%get3A_86, %get3A_87] : memref<256x256xf32, #tpu.memory_space<vmem>>, vector<256x256xf32>
      %dot_general3A_89 = arith.constant dense<0.000000e+00> : vector<1000x256xf32>
      %dot_general3A_90 = tpu.matmul %max3A_85, %get3A_88, %dot_general3A_89 {dimension_numbers = #tpu.dot_dimension_numbers<[1], [0], [0], [1], [0, 0, 1, 1], [], []>, transpose_lhs_hint = false} : vector<1000x256xf32>, vector<256x256xf32>, vector<1000x256xf32> -> vector<1000x256xf32>
      %get3A_91 = arith.constant 0 : index
      %get3A_92 = arith.constant 0 : index
      %get3A_93 = vector.load %arg12[%get3A_91, %get3A_92] : memref<1x256xf32, #tpu.memory_space<vmem>>, vector<1x256xf32>
      %add3A_94 = vector.broadcast %get3A_93 : vector<1x256xf32> to vector<1000x256xf32>
      %add3A_95 = arith.addf %dot_general3A_90, %add3A_94 : vector<1000x256xf32>
      %get3A_96 = arith.constant 0 : index
      %get3A_97 = arith.constant 0 : index
      %get3A_98 = vector.load %arg13[%get3A_96, %get3A_97] : memref<1x256xf32, #tpu.memory_space<vmem>>, vector<1x256xf32>
      %get3A_99 = arith.constant 0 : index
      %get3A_100 = arith.constant 0 : index
      %get3A_101 = vector.load %arg14[%get3A_99, %get3A_100] : memref<1x256xf32, #tpu.memory_space<vmem>>, vector<1x256xf32>
      %reduce_sum3A = arith.constant dense<0.000000e+00> : vector<1000xf32>
      %reduce_sum3A_102 = vector.multi_reduction <add>, %add3A_95, %reduce_sum3A [1] : vector<1000x256xf32> to vector<1000xf32>
      %broadcast_in_dim3A_103 = vector.shape_cast %reduce_sum3A_102 : vector<1000xf32> to vector<1000x1xf32>
      %div3A = arith.constant 2.560000e+02 : f32
      %div3A_104 = vector.broadcast %div3A : f32 to vector<1000x1xf32>
      %div3A_105 = arith.divf %broadcast_in_dim3A_103, %div3A_104 : vector<1000x1xf32>
      %jit3A = arith.constant 0 : i32
      %reduce_sum3A_106 = arith.constant dense<0.000000e+00> : vector<1000xf32>
      %reduce_sum3A_107 = vector.multi_reduction <add>, %add3A_95, %reduce_sum3A_106 [1] : vector<1000x256xf32> to vector<1000xf32>
      %broadcast_in_dim3A_108 = vector.shape_cast %reduce_sum3A_107 : vector<1000xf32> to vector<1000x1xf32>
      %div3A_109 = arith.constant 2.560000e+02 : f32
      %div3A_110 = vector.broadcast %div3A_109 : f32 to vector<1000x1xf32>
      %div3A_111 = arith.divf %broadcast_in_dim3A_108, %div3A_110 : vector<1000x1xf32>
      %sub3A = vector.broadcast %div3A_111 : vector<1000x1xf32> to vector<1000x256xf32>
      %sub3A_112 = arith.subf %add3A_95, %sub3A : vector<1000x256xf32>
      %square3A = arith.mulf %sub3A_112, %sub3A_112 : vector<1000x256xf32>
      %convert_element_type3A_113 = arith.sitofp %jit3A : i32 to f32
      %sub3A_114 = arith.constant 2.560000e+02 : f32
      %sub3A_115 = arith.subf %sub3A_114, %convert_element_type3A_113 : f32
      %reduce_sum3A_116 = arith.constant dense<0.000000e+00> : vector<1000xf32>
      %reduce_sum3A_117 = vector.multi_reduction <add>, %square3A, %reduce_sum3A_116 [1] : vector<1000x256xf32> to vector<1000xf32>
      %broadcast_in_dim3A_118 = vector.shape_cast %reduce_sum3A_117 : vector<1000xf32> to vector<1000x1xf32>
      %div3A_119 = vector.broadcast %sub3A_115 : f32 to vector<1000x1xf32>
      %div3A_120 = arith.divf %broadcast_in_dim3A_118, %div3A_119 : vector<1000x1xf32>
      %gt3A = arith.constant 0.000000e+00 : f32
      %gt3A_121 = arith.cmpf ogt, %sub3A_115, %gt3A : f32
      %jit3A_122 = arith.constant 0x7FC00000 : f32
      %broadcast_in_dim3A_123 = vector.broadcast %jit3A_122 : f32 to vector<1000x1xf32>
      %select_n3A = arith.select %gt3A_121, %div3A_120, %broadcast_in_dim3A_123 : vector<1000x1xf32>
      %sub3A_124 = vector.broadcast %div3A_105 : vector<1000x1xf32> to vector<1000x256xf32>
      %sub3A_125 = arith.subf %add3A_95, %sub3A_124 : vector<1000x256xf32>
      %add3A_126 = arith.constant 9.99999974E-6 : f32
      %add3A_127 = vector.broadcast %add3A_126 : f32 to vector<1000x1xf32>
      %add3A_128 = arith.addf %select_n3A, %add3A_127 : vector<1000x1xf32>
      %sqrt3A = math.sqrt %add3A_128 : vector<1000x1xf32>
      %div3A_129 = vector.broadcast %sqrt3A : vector<1000x1xf32> to vector<1000x256xf32>
      %div3A_130 = arith.divf %sub3A_125, %div3A_129 : vector<1000x256xf32>
      %mul3A = vector.broadcast %get3A_98 : vector<1x256xf32> to vector<1000x256xf32>
      %mul3A_131 = arith.mulf %div3A_130, %mul3A : vector<1000x256xf32>
      %add3A_132 = vector.broadcast %get3A_101 : vector<1x256xf32> to vector<1000x256xf32>
      %add3A_133 = arith.addf %mul3A_131, %add3A_132 : vector<1000x256xf32>
      %max3A_134 = arith.constant 0.000000e+00 : f32
      %max3A_135 = vector.broadcast %max3A_134 : f32 to vector<1000x256xf32>
      %max3A_136 = arith.maximumf %add3A_133, %max3A_135 : vector<1000x256xf32>
      %swap3A = arith.index_cast %arg1 : i32 to index
      %swap3A_137 = arith.constant 0 : index
      %swap3A_138 = arith.constant 0 : index
      %swap3A_139 = vector.load %arg24[%swap3A, %swap3A_137, %swap3A_138] : memref<10x1000x256xf32, #tpu.memory_space<vmem>>, vector<1x1000x256xf32>
      %swap3A_140 = vector.shape_cast %swap3A_139 : vector<1x1000x256xf32> to vector<1000x256xf32>
      %swap3A_141 = vector.shape_cast %max3A_136 : vector<1000x256xf32> to vector<1x1000x256xf32>
      tpu.vector_store %arg24[%swap3A, %swap3A_137, %swap3A_138], %swap3A_141 {strides = array<i32>} : memref<10x1000x256xf32, #tpu.memory_space<vmem>>, vector<1x1000x256xf32>,
      %get3A_142 = arith.constant 0 : index
      %get3A_143 = arith.constant 0 : index
      %get3A_144 = vector.load %arg15[%get3A_142, %get3A_143] : memref<256x128xf32, #tpu.memory_space<vmem>>, vector<256x128xf32>
      %dot_general3A_145 = arith.constant dense<0.000000e+00> : vector<1000x128xf32>
      %dot_general3A_146 = tpu.matmul %max3A_136, %get3A_144, %dot_general3A_145 {dimension_numbers = #tpu.dot_dimension_numbers<[1], [0], [0], [1], [0, 0, 1, 1], [], []>, transpose_lhs_hint = false} : vector<1000x256xf32>, vector<256x128xf32>, vector<1000x128xf32> -> vector<1000x128xf32>
      %get3A_147 = arith.constant 0 : index
      %get3A_148 = arith.constant 0 : index
      %get3A_149 = vector.load %arg16[%get3A_147, %get3A_148] : memref<1x128xf32, #tpu.memory_space<vmem>>, vector<1x128xf32>
      %add3A_150 = vector.broadcast %get3A_149 : vector<1x128xf32> to vector<1000x128xf32>
      %add3A_151 = arith.addf %dot_general3A_146, %add3A_150 : vector<1000x128xf32>
      %max3A_152 = arith.constant 0.000000e+00 : f32
      %max3A_153 = vector.broadcast %max3A_152 : f32 to vector<1000x128xf32>
      %max3A_154 = arith.maximumf %add3A_151, %max3A_153 : vector<1000x128xf32>
      %get3A_155 = arith.constant 0 : index
      %get3A_156 = arith.constant 0 : index
      %get3A_157 = vector.load %arg17[%get3A_155, %get3A_156] : memref<128x1xf32, #tpu.memory_space<vmem>>, vector<128x1xf32>
      %dot_general3A_158 = arith.constant dense<0.000000e+00> : vector<1000x1xf32>
      %dot_general3A_159 = tpu.matmul %max3A_154, %get3A_157, %dot_general3A_158 {dimension_numbers = #tpu.dot_dimension_numbers<[1], [0], [0], [1], [0, 0, 1, 1], [], []>, transpose_lhs_hint = false} : vector<1000x128xf32>, vector<128x1xf32>, vector<1000x1xf32> -> vector<1000x1xf32>
      %get3A_160 = arith.constant 0 : index
      %get3A_161 = arith.constant 0 : index
      %get3A_162 = vector.load %arg18[%get3A_160, %get3A_161] : memref<1x1xf32, #tpu.memory_space<vmem>>, vector<1x1xf32>
      %add3A_163 = vector.broadcast %get3A_162 : vector<1x1xf32> to vector<1000x1xf32>
      %add3A_164 = arith.addf %dot_general3A_159, %add3A_163 : vector<1000x1xf32>
      %swap3A_165 = arith.index_cast %arg1 : i32 to index
      %swap3A_166 = arith.constant 0 : index
      %swap3A_167 = arith.constant 0 : index
      %swap3A_168 = vector.load %arg25[%swap3A_165, %swap3A_166, %swap3A_167] : memref<10x1000x1xf32, #tpu.memory_space<vmem>>, vector<1x1000x1xf32>
      %swap3A_169 = vector.shape_cast %swap3A_168 : vector<1x1000x1xf32> to vector<1000x1xf32>
      %swap3A_170 = vector.shape_cast %add3A_164 : vector<1000x1xf32> to vector<1x1000x1xf32>
      tpu.vector_store %arg25[%swap3A_165, %swap3A_166, %swap3A_167], %swap3A_170 {strides = array<i32>} : memref<10x1000x1xf32, #tpu.memory_space<vmem>>, vector<1x1000x1xf32>,
      %gt3A_171 = arith.constant 0.000000e+00 : f32
      %gt3A_172 = vector.broadcast %gt3A_171 : f32 to vector<1000x64xf32>
      %gt3A_173 = arith.cmpf ogt, %convert_element_type3A_7, %gt3A_172 : vector<1000x64xf32>
      %jit3A_174 = arith.constant -3.400000e+38 : f32
      %broadcast_in_dim3A_175 = vector.shape_cast %add3A_164 : vector<1000x1xf32> to vector<1000x1xf32>
      %broadcast_in_dim3A_176 = vector.broadcast %broadcast_in_dim3A_175 : vector<1000x1xf32> to vector<1000x64xf32>
      %broadcast_in_dim3A_177 = vector.broadcast %jit3A_174 : f32 to vector<1000x64xf32>
      %select_n3A_178 = arith.select %gt3A_173, %broadcast_in_dim3A_176, %broadcast_in_dim3A_177 : vector<1000x64xi1>, vector<1000x64xf32>
      %reduce_max3A = arith.constant dense<0xFF800000> : vector<64xf32>
      %reduce_max3A_179 = vector.multi_reduction <maximumf>, %select_n3A_178, %reduce_max3A [0] : vector<1000x64xf32> to vector<64xf32>
      %broadcast_in_dim3A_180 = vector.shape_cast %reduce_max3A_179 : vector<64xf32> to vector<1x64xf32>
      %get3A_181 = arith.constant 0 : index
      %get3A_182 = arith.constant 0 : index
      %get3A_183 = vector.load %arg26[%get3A_181, %get3A_182] : memref<1x64xf32, #tpu.memory_space<vmem>>, vector<1x64xf32>
      %max3A_184 = arith.maximumf %get3A_183, %broadcast_in_dim3A_180 : vector<1x64xf32>
      %mul3A_185 = vector.broadcast %max3A_184 : vector<1x64xf32> to vector<1000x64xf32>
      %mul3A_186 = arith.mulf %convert_element_type3A_7, %mul3A_185 : vector<1000x64xf32>
      %reduce_sum3A_187 = arith.constant dense<0.000000e+00> : vector<1000xf32>
      %reduce_sum3A_188 = vector.multi_reduction <add>, %mul3A_186, %reduce_sum3A_187 [1] : vector<1000x64xf32> to vector<1000xf32>
      %broadcast_in_dim3A_189 = vector.shape_cast %reduce_sum3A_188 : vector<1000xf32> to vector<1000x1xf32>
      %sub3A_190 = arith.subf %add3A_164, %broadcast_in_dim3A_189 : vector<1000x1xf32>
      %exp3A = math.exp %sub3A_190 : vector<1000x1xf32>
      %get3A_191 = arith.constant 0 : index
      %get3A_192 = arith.constant 0 : index
      %get3A_193 = vector.load %arg27[%get3A_191, %get3A_192] : memref<1x64xf32, #tpu.memory_space<vmem>>, vector<1x64xf32>
      %sub3A_194 = arith.subf %get3A_183, %max3A_184 : vector<1x64xf32>
      %exp3A_195 = math.exp %sub3A_194 : vector<1x64xf32>
      %mul3A_196 = arith.mulf %get3A_193, %exp3A_195 : vector<1x64xf32>
      %mul3A_197 = vector.broadcast %exp3A : vector<1000x1xf32> to vector<1000x64xf32>
      %mul3A_198 = arith.mulf %convert_element_type3A_7, %mul3A_197 : vector<1000x64xf32>
      %reduce_sum3A_199 = arith.constant dense<0.000000e+00> : vector<64xf32>
      %reduce_sum3A_200 = vector.multi_reduction <add>, %mul3A_198, %reduce_sum3A_199 [0] : vector<1000x64xf32> to vector<64xf32>
      %broadcast_in_dim3A_201 = vector.shape_cast %reduce_sum3A_200 : vector<64xf32> to vector<1x64xf32>
      %add3A_202 = arith.addf %mul3A_196, %broadcast_in_dim3A_201 : vector<1x64xf32>
      %swap3A_203 = arith.constant 0 : index
      %swap3A_204 = arith.constant 0 : index
      %swap3A_205 = vector.load %arg27[%swap3A_203, %swap3A_204] : memref<1x64xf32, #tpu.memory_space<vmem>>, vector<1x64xf32>
      tpu.vector_store %arg27[%swap3A_203, %swap3A_204], %add3A_202 {strides = array<i32>} : memref<1x64xf32, #tpu.memory_space<vmem>>, vector<1x64xf32>,
      %swap3A_206 = arith.constant 0 : index
      %swap3A_207 = arith.constant 0 : index
      %swap3A_208 = vector.load %arg26[%swap3A_206, %swap3A_207] : memref<1x64xf32, #tpu.memory_space<vmem>>, vector<1x64xf32>
      tpu.vector_store %arg26[%swap3A_206, %swap3A_207], %max3A_184 {strides = array<i32>} : memref<1x64xf32, #tpu.memory_space<vmem>>, vector<1x64xf32>,
    } else {
    }
    %eq3A_19 = arith.constant 1 : i32
    %eq3A_20 = arith.cmpi eq, %arg0, %eq3A_19 : i32
    %eq3A_21 = arith.constant 0 : i32
    %eq3A_22 = arith.cmpi eq, %arg1, %eq3A_21 : i32
    %and3A_23 = arith.andi %eq3A_20, %eq3A_22 : i1
    %convert_element_type3A_24 = arith.extui %and3A_23 : i1 to i32
    %cond3A_25 = arith.constant 0 : i32
    %cond3A_26 = arith.cmpi ne, %convert_element_type3A_24, %cond3A_25 : i32
    scf.if %cond3A_26 {
      %broadcast_in_dim3A_40 = arith.constant 0.000000e+00 : f32
      %broadcast_in_dim3A_41 = vector.broadcast %broadcast_in_dim3A_40 : f32 to vector<64x256xf32>
      %swap3A = arith.constant 0 : index
      %swap3A_42 = arith.constant 0 : index
      %swap3A_43 = vector.load %arg28[%swap3A, %swap3A_42] : memref<64x256xf32, #tpu.memory_space<vmem>>, vector<64x256xf32>
      tpu.vector_store %arg28[%swap3A, %swap3A_42], %broadcast_in_dim3A_41 {strides = array<i32>} : memref<64x256xf32, #tpu.memory_space<vmem>>, vector<64x256xf32>,
    } else {
    }
    %eq3A_27 = arith.constant 1 : i32
    %eq3A_28 = arith.cmpi eq, %arg0, %eq3A_27 : i32
    %convert_element_type3A_29 = arith.extui %eq3A_28 : i1 to i32
    %cond3A_30 = arith.constant 0 : i32
    %cond3A_31 = arith.cmpi ne, %convert_element_type3A_29, %cond3A_30 : i32
    scf.if %cond3A_31 {
      %get3A_40 = arith.index_cast %arg1 : i32 to index
      %get3A_41 = arith.constant 0 : index
      %get3A_42 = arith.constant 0 : index
      %get3A_43 = vector.load %arg25[%get3A_40, %get3A_41, %get3A_42] : memref<10x1000x1xf32, #tpu.memory_space<vmem>>, vector<1x1000x1xf32>
      %get3A_44 = vector.shape_cast %get3A_43 : vector<1x1000x1xf32> to vector<1000x1xf32>
      %get3A_45 = arith.constant 0 : index
      %get3A_46 = arith.constant 0 : index
      %get3A_47 = vector.load %arg26[%get3A_45, %get3A_46] : memref<1x64xf32, #tpu.memory_space<vmem>>, vector<1x64xf32>
      %mul3A = vector.broadcast %get3A_47 : vector<1x64xf32> to vector<1000x64xf32>
      %mul3A_48 = arith.mulf %convert_element_type3A_7, %mul3A : vector<1000x64xf32>
      %reduce_sum3A = arith.constant dense<0.000000e+00> : vector<1000xf32>
      %reduce_sum3A_49 = vector.multi_reduction <add>, %mul3A_48, %reduce_sum3A [1] : vector<1000x64xf32> to vector<1000xf32>
      %broadcast_in_dim3A_50 = vector.shape_cast %reduce_sum3A_49 : vector<1000xf32> to vector<1000x1xf32>
      %sub3A = arith.subf %get3A_44, %broadcast_in_dim3A_50 : vector<1000x1xf32>
      %exp3A = math.exp %sub3A : vector<1000x1xf32>
      %get3A_51 = arith.constant 0 : index
      %get3A_52 = arith.constant 0 : index
      %get3A_53 = vector.load %arg27[%get3A_51, %get3A_52] : memref<1x64xf32, #tpu.memory_space<vmem>>, vector<1x64xf32>
      %mul3A_54 = vector.broadcast %get3A_53 : vector<1x64xf32> to vector<1000x64xf32>
      %mul3A_55 = arith.mulf %convert_element_type3A_7, %mul3A_54 : vector<1000x64xf32>
      %reduce_sum3A_56 = arith.constant dense<0.000000e+00> : vector<1000xf32>
      %reduce_sum3A_57 = vector.multi_reduction <add>, %mul3A_55, %reduce_sum3A_56 [1] : vector<1000x64xf32> to vector<1000xf32>
      %broadcast_in_dim3A_58 = vector.shape_cast %reduce_sum3A_57 : vector<1000xf32> to vector<1000x1xf32>
      %add3A = arith.constant 1.000000e-16 : f32
      %add3A_59 = vector.broadcast %add3A : f32 to vector<1000x1xf32>
      %add3A_60 = arith.addf %broadcast_in_dim3A_58, %add3A_59 : vector<1000x1xf32>
      %div3A = arith.divf %exp3A, %add3A_60 : vector<1000x1xf32>
      %get3A_61 = arith.constant 0 : index
      %get3A_62 = arith.constant 0 : index
      %get3A_63 = vector.load %arg28[%get3A_61, %get3A_62] : memref<64x256xf32, #tpu.memory_space<vmem>>, vector<64x256xf32>
      %get3A_64 = arith.index_cast %arg1 : i32 to index
      %get3A_65 = arith.constant 0 : index
      %get3A_66 = arith.constant 0 : index
      %get3A_67 = vector.load %arg24[%get3A_64, %get3A_65, %get3A_66] : memref<10x1000x256xf32, #tpu.memory_space<vmem>>, vector<1x1000x256xf32>
      %get3A_68 = vector.shape_cast %get3A_67 : vector<1x1000x256xf32> to vector<1000x256xf32>
      %mul3A_69 = vector.broadcast %div3A : vector<1000x1xf32> to vector<1000x256xf32>
      %mul3A_70 = arith.mulf %mul3A_69, %get3A_68 : vector<1000x256xf32>
      %dot_general3A = arith.constant dense<0.000000e+00> : vector<64x256xf32>
      %dot_general3A_71 = tpu.matmul %convert_element_type3A_7, %mul3A_70, %dot_general3A {dimension_numbers = #tpu.dot_dimension_numbers<[0], [0], [1], [1], [0, 1, 1, 1], [], []>, transpose_lhs_hint = false} : vector<1000x64xf32>, vector<1000x256xf32>, vector<64x256xf32> -> vector<64x256xf32>
      %add3A_72 = arith.addf %get3A_63, %dot_general3A_71 : vector<64x256xf32>
      %swap3A = arith.constant 0 : index
      %swap3A_73 = arith.constant 0 : index
      %swap3A_74 = vector.load %arg28[%swap3A, %swap3A_73] : memref<64x256xf32, #tpu.memory_space<vmem>>, vector<64x256xf32>
      tpu.vector_store %arg28[%swap3A, %swap3A_73], %add3A_72 {strides = array<i32>} : memref<64x256xf32, #tpu.memory_space<vmem>>, vector<64x256xf32>,
    } else {
    }
    %eq3A_32 = arith.constant 1 : i32
    %eq3A_33 = arith.cmpi eq, %arg0, %eq3A_32 : i32
    %eq3A_34 = arith.constant 9 : i32
    %eq3A_35 = arith.cmpi eq, %arg1, %eq3A_34 : i32
    %and3A_36 = arith.andi %eq3A_33, %eq3A_35 : i1
    %convert_element_type3A_37 = arith.extui %and3A_36 : i1 to i32
    %cond3A_38 = arith.constant 0 : i32
    %cond3A_39 = arith.cmpi ne, %convert_element_type3A_37, %cond3A_38 : i32
    scf.if %cond3A_39 {
      %get3A_40 = arith.constant 0 : index
      %get3A_41 = arith.constant 0 : index
      %get3A_42 = vector.load %arg28[%get3A_40, %get3A_41] : memref<64x256xf32, #tpu.memory_space<vmem>>, vector<64x256xf32>
      %get3A_43 = arith.constant 0 : index
      %get3A_44 = arith.constant 0 : index
      %get3A_45 = vector.load %arg19[%get3A_43, %get3A_44] : memref<272x128xf32, #tpu.memory_space<vmem>>, vector<256x128xf32>
      %dot_general3A = arith.constant dense<0.000000e+00> : vector<64x128xf32>
      %dot_general3A_46 = tpu.matmul %get3A_42, %get3A_45, %dot_general3A {dimension_numbers = #tpu.dot_dimension_numbers<[1], [0], [0], [1], [0, 0, 1, 1], [], []>, transpose_lhs_hint = false} : vector<64x256xf32>, vector<256x128xf32>, vector<64x128xf32> -> vector<64x128xf32>
      %get3A_47 = arith.constant 0 : index
      %get3A_48 = arith.constant 0 : index
      %get3A_49 = vector.load %arg8[%get3A_47, %get3A_48] : memref<64x16xf32, #tpu.memory_space<vmem>>, vector<64x16xf32>
      %get3A_50 = arith.constant 256 : index
      %get3A_51 = arith.constant 0 : index
      %get3A_52 = vector.load %arg19[%get3A_50, %get3A_51] : memref<272x128xf32, #tpu.memory_space<vmem>>, vector<16x128xf32>
      %dot_general3A_53 = arith.constant dense<0.000000e+00> : vector<64x128xf32>
      %dot_general3A_54 = tpu.matmul %get3A_49, %get3A_52, %dot_general3A_53 {dimension_numbers = #tpu.dot_dimension_numbers<[1], [0], [0], [1], [0, 0, 1, 1], [], []>, transpose_lhs_hint = false} : vector<64x16xf32>, vector<16x128xf32>, vector<64x128xf32> -> vector<64x128xf32>
      %add3A = arith.addf %dot_general3A_46, %dot_general3A_54 : vector<64x128xf32>
      %get3A_55 = arith.constant 0 : index
      %get3A_56 = arith.constant 0 : index
      %get3A_57 = vector.load %arg20[%get3A_55, %get3A_56] : memref<1x128xf32, #tpu.memory_space<vmem>>, vector<1x128xf32>
      %add3A_58 = vector.broadcast %get3A_57 : vector<1x128xf32> to vector<64x128xf32>
      %add3A_59 = arith.addf %add3A, %add3A_58 : vector<64x128xf32>
      %max3A = arith.constant 0.000000e+00 : f32
      %max3A_60 = vector.broadcast %max3A : f32 to vector<64x128xf32>
      %max3A_61 = arith.maximumf %add3A_59, %max3A_60 : vector<64x128xf32>
      %get3A_62 = arith.constant 0 : index
      %get3A_63 = arith.constant 0 : index
      %get3A_64 = vector.load %arg21[%get3A_62, %get3A_63] : memref<128x2xf32, #tpu.memory_space<vmem>>, vector<128x2xf32>
      %dot_general3A_65 = arith.constant dense<0.000000e+00> : vector<64x2xf32>
      %dot_general3A_66 = tpu.matmul %max3A_61, %get3A_64, %dot_general3A_65 {dimension_numbers = #tpu.dot_dimension_numbers<[1], [0], [0], [1], [0, 0, 1, 1], [], []>, transpose_lhs_hint = false} : vector<64x128xf32>, vector<128x2xf32>, vector<64x2xf32> -> vector<64x2xf32>
      %get3A_67 = arith.constant 0 : index
      %get3A_68 = arith.constant 0 : index
      %get3A_69 = vector.load %arg22[%get3A_67, %get3A_68] : memref<1x2xf32, #tpu.memory_space<vmem>>, vector<1x2xf32>
      %add3A_70 = vector.broadcast %get3A_69 : vector<1x2xf32> to vector<64x2xf32>
      %add3A_71 = arith.addf %dot_general3A_66, %add3A_70 : vector<64x2xf32>
      %swap3A = arith.constant 0 : index
      %swap3A_72 = arith.constant 0 : index
      %swap3A_73 = vector.load %arg23[%swap3A, %swap3A_72] : memref<64x2xf32, #tpu.memory_space<vmem>>, vector<64x2xf32>
      tpu.vector_store %arg23[%swap3A, %swap3A_72], %add3A_71 {strides = array<i32>} : memref<64x2xf32, #tpu.memory_space<vmem>>, vector<64x2xf32>,
    } else {
    }
    return
  }
  func.func @transform_0(%arg0: i32, %arg1: i32) -> (i32, i32) {
    %sub3A = arith.constant 1 : i32
    %sub3A_0 = arith.subi %sub3A, %arg0 : i32
    %mul3A = arith.muli %arg1, %sub3A_0 : i32
    %c0_i32 = arith.constant 0 : i32
    %c0_i32_1 = arith.constant 0 : i32
    return %mul3A, %c0_i32 : i32, i32
  }
  func.func @transform_1(%arg0: i32, %arg1: i32) -> (i32, i32) {
    %sub3A = arith.constant 1 : i32
    %sub3A_0 = arith.subi %sub3A, %arg0 : i32
    %mul3A = arith.muli %arg1, %sub3A_0 : i32
    %c0_i32 = arith.constant 0 : i32
    %c0_i32_1 = arith.constant 0 : i32
    return %mul3A, %c0_i32 : i32, i32
  }
  func.func @transform_2(%arg0: i32, %arg1: i32) -> (i32, i32) {
    %sub3A = arith.constant 1 : i32
    %sub3A_0 = arith.subi %sub3A, %arg0 : i32
    %mul3A = arith.muli %arg1, %sub3A_0 : i32
    %c0_i32 = arith.constant 0 : i32
    %c0_i32_1 = arith.constant 0 : i32
    return %mul3A, %c0_i32 : i32, i32
  }
  func.func @transform_3(%arg0: i32, %arg1: i32) -> (i32, i32) {
    %sub3A = arith.constant 1 : i32
    %sub3A_0 = arith.subi %sub3A, %arg0 : i32
    %mul3A = arith.muli %arg1, %sub3A_0 : i32
    %c0_i32 = arith.constant 0 : i32
    %c0_i32_1 = arith.constant 0 : i32
    return %mul3A, %c0_i32 : i32, i32
  }
  func.func @transform_4(%arg0: i32, %arg1: i32) -> (i32, i32, i32) {
    %sub3A = arith.constant 1 : i32
    %sub3A_0 = arith.subi %sub3A, %arg0 : i32
    %mul3A = arith.muli %arg1, %sub3A_0 : i32
    %c0_i32 = arith.constant 0 : i32
    %c0_i32_1 = arith.constant 0 : i32
    %c0_i32_2 = arith.constant 0 : i32
    return %c0_i32, %mul3A, %c0_i32_1 : i32, i32, i32
  }
  func.func @transform_5(%arg0: i32, %arg1: i32) -> (i32, i32, i32) {
    %c0_i32 = arith.constant 0 : i32
    %c0_i32_0 = arith.constant 0 : i32
    %c0_i32_1 = arith.constant 0 : i32
    return %arg1, %c0_i32, %c0_i32_0 : i32, i32, i32
  }
  func.func @transform_6(%arg0: i32, %arg1: i32) -> (i32, i32) {
    %c0_i32 = arith.constant 0 : i32
    %c0_i32_0 = arith.constant 0 : i32
    %c0_i32_1 = arith.constant 0 : i32
    return %c0_i32, %c0_i32_0 : i32, i32
  }
  func.func @transform_7(%arg0: i32, %arg1: i32) -> (i32, i32) {
    %c0_i32 = arith.constant 0 : i32
    %c0_i32_0 = arith.constant 0 : i32
    %c0_i32_1 = arith.constant 0 : i32
    return %c0_i32, %c0_i32_0 : i32, i32
  }
  func.func @transform_8(%arg0: i32, %arg1: i32) -> (i32, i32) {
    %c0_i32 = arith.constant 0 : i32
    %c0_i32_0 = arith.constant 0 : i32
    %c0_i32_1 = arith.constant 0 : i32
    return %c0_i32, %c0_i32_0 : i32, i32
  }
  func.func @transform_9(%arg0: i32, %arg1: i32) -> (i32, i32) {
    %c0_i32 = arith.constant 0 : i32
    %c0_i32_0 = arith.constant 0 : i32
    %c0_i32_1 = arith.constant 0 : i32
    return %c0_i32, %c0_i32_0 : i32, i32
  }
  func.func @transform_10(%arg0: i32, %arg1: i32) -> (i32, i32) {
    %c0_i32 = arith.constant 0 : i32
    %c0_i32_0 = arith.constant 0 : i32
    %c0_i32_1 = arith.constant 0 : i32
    return %c0_i32, %c0_i32_0 : i32, i32
  }
  func.func @transform_11(%arg0: i32, %arg1: i32) -> (i32, i32) {
    %c0_i32 = arith.constant 0 : i32
    %c0_i32_0 = arith.constant 0 : i32
    %c0_i32_1 = arith.constant 0 : i32
    return %c0_i32, %c0_i32_0 : i32, i32
  }
  func.func @transform_12(%arg0: i32, %arg1: i32) -> (i32, i32) {
    %c0_i32 = arith.constant 0 : i32
    %c0_i32_0 = arith.constant 0 : i32
    %c0_i32_1 = arith.constant 0 : i32
    return %c0_i32, %c0_i32_0 : i32, i32
  }
  func.func @transform_13(%arg0: i32, %arg1: i32) -> (i32, i32) {
    %c0_i32 = arith.constant 0 : i32
    %c0_i32_0 = arith.constant 0 : i32
    %c0_i32_1 = arith.constant 0 : i32
    return %c0_i32, %c0_i32_0 : i32, i32
  }
  func.func @transform_14(%arg0: i32, %arg1: i32) -> (i32, i32) {
    %c0_i32 = arith.constant 0 : i32
    %c0_i32_0 = arith.constant 0 : i32
    %c0_i32_1 = arith.constant 0 : i32
    return %c0_i32, %c0_i32_0 : i32, i32
  }
  func.func @transform_15(%arg0: i32, %arg1: i32) -> (i32, i32) {
    %c0_i32 = arith.constant 0 : i32
    %c0_i32_0 = arith.constant 0 : i32
    %c0_i32_1 = arith.constant 0 : i32
    return %c0_i32, %c0_i32_0 : i32, i32
  }
  func.func @transform_16(%arg0: i32, %arg1: i32) -> (i32, i32) {
    %c0_i32 = arith.constant 0 : i32
    %c0_i32_0 = arith.constant 0 : i32
    %c0_i32_1 = arith.constant 0 : i32
    return %c0_i32, %c0_i32_0 : i32, i32
  }
  func.func @transform_17(%arg0: i32, %arg1: i32) -> (i32, i32) {
    %c0_i32 = arith.constant 0 : i32
    %c0_i32_0 = arith.constant 0 : i32
    %c0_i32_1 = arith.constant 0 : i32
    return %c0_i32, %c0_i32_0 : i32, i32
  }
  func.func @transform_18(%arg0: i32, %arg1: i32) -> (i32, i32) {
    %c0_i32 = arith.constant 0 : i32
    %c0_i32_0 = arith.constant 0 : i32
    %c0_i32_1 = arith.constant 0 : i32
    return %c0_i32, %c0_i32_0 : i32, i32
  }
  func.func @transform_19(%arg0: i32, %arg1: i32) -> (i32, i32) {
    %c0_i32 = arith.constant 0 : i32
    %c0_i32_0 = arith.constant 0 : i32
    %c0_i32_1 = arith.constant 0 : i32
    return %c0_i32, %c0_i32_0 : i32, i32
  }
  func.func @transform_20(%arg0: i32, %arg1: i32) -> (i32, i32) {
    %c0_i32 = arith.constant 0 : i32
    %c0_i32_0 = arith.constant 0 : i32
    %c0_i32_1 = arith.constant 0 : i32
    return %c0_i32, %c0_i32_0 : i32, i32
  }
  func.func @transform_21(%arg0: i32, %arg1: i32) -> (i32, i32) {
    %c0_i32 = arith.constant 0 : i32
    %c0_i32_0 = arith.constant 0 : i32
    %c0_i32_1 = arith.constant 0 : i32
    return %c0_i32, %c0_i32_0 : i32, i32
  }
}

</mosaic_0001>

<sc_bundles>
// kernel: kernel.6.cloned.1.call-start
scs
__scs_entry_jumppad:
0x0: {  	(pc) =	sbr.rel $0x88, $3  }
0x1: {  	(tag) =	ssettag $0x0;
	lr =	simm.s32 $0x1  }
0x2: {  	[smem:$0x3F89] =	sst lr;
	_ =	strace $0xD0000000  }
0x3: {  	_ = 	snop  }
0x4: {  	_ = 	snop  }
0x5: {  	_ = 	snop  }
0x6: {  	_ = 	snop  }
0x7: {  	_ = 	snop  }
__scs_overlays_trampoline_lowered:
0x8: {  	[smem:$0x3F98] =	sst s0  }
0x9: {  	[smem:$0x3F99] =	sst s1  }
0xa: {  	[smem:$0x3F9A] =	sst s2  }
0xb: {  	[smem:$0x3F9B] =	sst s3  }
0xc: {  	[smem:$0x3F9C] =	sst s4  }
0xd: {  	[smem:$0x3F9D] =	sst s5  }
0xe: {  	[smem:$0x3F9E] =	sst s6  }
0xf: {  	[smem:$0x3F9F] =	sst s7  }
0x10: {  	[smem:$0x3FA0] =	sst s8  }
0x11: {  	[smem:$0x3FA1] =	sst s9;
	s0 =	simm.s32 @!p0 $0x0  }
0x12: {  	s1 =	sld [smem:$0x3F87];
	s0 =	simm.s32 @p0 $0x1  }
0x13: {  	[smem:$0x3FA2] =	sst s0;
	s0 =	simm.s32 @!p1 $0x0  }
0x14: {  	s2 =	sld [smem:$0x3F86];
	s0 =	simm.s32 @p1 $0x1  }
0x15: {  	[smem:$0x3FA3] =	sst s0;
	s0 =	simm.s32 @!p2 $0x0  }
0x16: {  	s3 =	sld [smem:$0x3FDB];
	s0 =	simm.s32 @p2 $0x1  }
0x17: {  	s4 =	simm.s32 $0x1BF5;
	[smem:$0x3FA5] =	sst s0  }
0x18: {  	s0 =	sld [smem:$0x3F88];
	_ =	swait.ge [sflag:s4], $0x0  }
0x19: {  	s7 =	sld [smem:$0x3F89]  }
0x1a: {  	s8 =	sadd.s32 $0xFFFFE003, lr  }
0x1b: {  	s9 =	sadd.s32 $0xFFFFFEF7, lr;
	s5 =	simm.s32 $0xFFFFFFFF;
	p2 =	slt.u32 s8, $0xFFFFF086  }
0x1c: {  	p1 =	slt.u32 s9, $0xF7A;
	s5 =	simm.s32 @!p2 $0x0  }
0x1d: {  	s5 =	simm.s32 @p1 $0x1;
	p0 =	seq.s32 s7, s2  }
0x1e: {  	s7 =	smul.u32 @!p0 $0xF7A, s2;
	p2 =	seq.s32 @!p0 s5, $0x0  }
0x1f: {  	s9 =	smul.u32 $0xF7A, s1;
	s8 =	simm.s32 @!p0 $0x1BF5;
	p2 =	por !p2, p0  }
0x20: {  	[sflag:s8] =	ssyncset.s32 @!p0 $0xFFFFF086;
	s6 =	sadd.s32 @!p0 s3, s7;
	s7 =	simm.s32 @!p0 $0x108  }
0x21: {  	s3 =	sadd.s32 s3, s9;
	s6 =	sadd.s32 @!p0 $0x88, s6;
	s7 =	simm.s32 @p2 $0x1082  }
0x22: {  	[simem:s7], [sflag:s8] =	dma.local @!p0 [hbm:s6], $0xF7A  }
0x23: {  	s9 =	sor.u32 $0xD0000000, s2;
	s6 =	simm.s32 $0x108;
	_ =	swait.ge @!p0 [sflag:s8], $0x0  }
0x24: {  	s3 =	sadd.s32 $0x88, s3;
	s6 =	simm.s32 @!p1 $0x1082;
	[sflag:s4] =	ssyncset.s32 $0xFFFFF086  }
0x25: {  	[simem:s6], [sflag:s4] =	dma.local [hbm:s3], $0xF7A  }
0x26: {  	[smem:$0x3F89] =	sst s1;
	(tag) =	ssettag s2;
	_ =	strace s9  }
0x27: {  	s1 =	sld [smem:$0x3F99]  }
0x28: {  	s2 =	sld [smem:$0x3F9A]  }
0x29: {  	s4 =	sld [smem:$0x3F9C]  }
0x2a: {  	p0 =	seq.s32 s5, $0x0;
	s5 =	sld [smem:$0x3F9D]  }
0x2b: {  	s6 =	sld [smem:$0x3F9E]  }
0x2c: {  	s7 =	sld [smem:$0x3F9F]  }
0x2d: {  	s3 =	simm.s32 $0x108;
	s8 =	sld [smem:$0x3FA0]  }
0x2e: {  	s3 =	simm.s32 @!p0 $0x1082;
	s9 =	sld [smem:$0x3FA1]  }
0x2f: {  	lr =	sadd.s32 s0, s3;
	s0 =	sld [smem:$0x3F98]  }
0x30: {  	s3 =	sld [smem:$0x3F9B]  }
0x31: {  	[smem:$0x3FA4] =	sst s10  }
0x32: {  	s10 =	sld [smem:$0x3FA2];
	_ =	sdelay $0x3  }
0x33: {  	p0 =	seq.s32 s10, $0x1;
	s10 =	sld [smem:$0x3FA4];
	_ =	sdelay $0x3  }
0x34: {  	[smem:$0x3FA4] =	sst s10  }
0x35: {  	s10 =	sld [smem:$0x3FA3];
	_ =	sdelay $0x3  }
0x36: {  	p1 =	seq.s32 s10, $0x1;
	s10 =	sld [smem:$0x3FA4];
	_ =	sdelay $0x3  }
0x37: {  	[smem:$0x3FA4] =	sst s10  }
0x38: {  	s10 =	sld [smem:$0x3FA5]  }
0x39: {  	_ = 	snop;
	(pc) =	sbr.ind lr, $3  }
0x3a: {  	_ = 	snop  }
0x3b: {  	_ = 	snop  }
0x3c: {  	p2 =	seq.s32 s10, $0x1;
	s10 =	sld [smem:$0x3FA4]  }
0x3d: {  	_ =	shalt  }
0x3e: {  	_ =	shalt  }
0x3f: {  	_ =	shalt  }
0x40: {  	_ =	shalt  }
0x41: {  	_ =	shalt  }
0x42: {  	_ =	shalt  }
0x43: {  	_ =	shalt  }
0x44: {  	_ =	shalt  }
0x45: {  	_ =	shalt  }
0x46: {  	_ =	shalt  }
0x47: {  	_ =	shalt  }
0x48: {  	_ =	shalt  }
0x49: {  	_ =	shalt  }
0x4a: {  	_ =	shalt  }
0x4b: {  	_ =	shalt  }
0x4c: {  	_ =	shalt  }
0x4d: {  	_ =	shalt  }
0x4e: {  	_ =	shalt  }
0x4f: {  	_ =	shalt  }
0x50: {  	_ =	shalt  }
0x51: {  	_ =	shalt  }
0x52: {  	_ =	shalt  }
0x53: {  	_ =	shalt  }
0x54: {  	_ =	shalt  }
0x55: {  	_ =	shalt  }
0x56: {  	_ =	shalt  }
0x57: {  	_ =	shalt  }
0x58: {  	_ =	shalt  }
0x59: {  	_ =	shalt  }
0x5a: {  	_ =	shalt  }
0x5b: {  	_ =	shalt  }
0x5c: {  	_ =	shalt  }
0x5d: {  	_ =	shalt  }
0x5e: {  	_ =	shalt  }
0x5f: {  	_ =	shalt  }
0x60: {  	_ =	shalt  }
0x61: {  	_ =	shalt  }
0x62: {  	_ =	shalt  }
0x63: {  	_ =	shalt  }
0x64: {  	_ =	shalt  }
0x65: {  	_ =	shalt  }
0x66: {  	_ =	shalt  }
0x67: {  	_ =	shalt  }
0x68: {  	_ =	shalt  }
0x69: {  	_ =	shalt  }
0x6a: {  	_ =	shalt  }
0x6b: {  	_ =	shalt  }
0x6c: {  	_ =	shalt  }
0x6d: {  	_ =	shalt  }
0x6e: {  	_ =	shalt  }
0x6f: {  	_ =	shalt  }
0x70: {  	_ =	shalt  }
0x71: {  	_ =	shalt  }
0x72: {  	_ =	shalt  }
0x73: {  	_ =	shalt  }
0x74: {  	_ =	shalt  }
0x75: {  	_ =	shalt  }
0x76: {  	_ =	shalt  }
0x77: {  	_ =	shalt  }
0x78: {  	_ =	shalt  }
0x79: {  	_ =	shalt  }
0x7a: {  	_ =	shalt  }
0x7b: {  	_ =	shalt  }
0x7c: {  	_ =	shalt  }
0x7d: {  	_ =	shalt  }
0x7e: {  	_ =	shalt  }
0x7f: {  	_ =	shalt  }
0x80: {  	_ =	shalt  }
0x81: {  	_ =	shalt  }
0x82: {  	_ =	shalt  }
0x83: {  	_ =	shalt  }
0x84: {  	_ =	shalt  }
0x85: {  	_ =	shalt  }
0x86: {  	_ =	shalt  }
0x87: {  	_ =	shalt  }
.Lfunc_end0:
.L_simem_size_0:
called_computation_lowered:
.L_overlay_start_0:
0x88: {  	s2 =	sld [smem:$0x3FD9]  }
0x89: {  	s3 =	sld [smem:$0x3FFE];
	_ =	sdelay $0x1  }
0x8a: {  	s1 =	srdreg.scid  }
0x8b: {  	s0 =	sand.u32 $0x1, s1  }
0x8c: {  	s17 =	sshll.u32 s0, $0xA;
	s2 =	sadd.s32 s3, s2  }
0x8d: {  	s2 =	sadd.s32 s2, s17  }
0x8e: {  	[smem:$0x3FB0] =	sst s2  }
0x8f: {  	_ = 	snop  }
0x90: {  	s2 =	sld [smem:$0x3FC9];
	(tm) =	ssettm $0x1  }
0x91: {  	s18 =	sld [smem:$0x3FFB];
	_ =	sdelay $0x3  }
0x92: {  	_ =	strace s18  }
0x93: {  	s3 =	sld [smem:$0x3FFC];
	_ =	sdelay $0x3  }
0x94: {  	_ =	strace s3  }
0x95: {  	s3 =	sld [smem:$0x3FFD];
	_ =	sdelay $0x3  }
0x96: {  	_ =	strace s3  }
0x97: {  	_ =	strace $0x8FFFFFFF  }
0x98: {  	s19 =	sld [smem:$0x3FDB];
	_ =	sdelay $0x1  }
0x99: {  	s4 =	simm.s32 $_scs_section_size  }
0x9a: {  	s5 =	simm.s32 $_size__tile_overlayer_lowered;
	s6 =	simm.s32 $_tile_overlayer_lowered  }
0x9b: {  	s22 =	simm.s32 $0x1BFF;
	s21 =	sshll.u32 s6, $0x1;
	s3 =	sadd.s32 s4, s19  }
0x9c: {  	s7 =	simm.s32 $0x0;
	s20 =	sshll.u32 s5, $0x1;
	s5 =	sadd.s32 s21, s3  }
0x9d: {  	[timem:s7], [sflag:s22] =	dma.local [hbm:s5], s20  }
0x9e: {  	_ =	swait.ge [sflag:s22], s20  }
0x9f: {  	s4 =	ssub.s32 $0x0, s20;
	[sflag:s22] =	ssyncset.done $0x0  }
0xa0: {  	[sflag:s22] =	ssyncadd.s32 s4;
	_ =	sdelay $0x1  }
0xa1: {  	s23 =	simm.s32 $0x1B8B  }
0xa2: {  	_ =	swait.ge [sflag:s23], $0x1  }
0xa3: {  	[sflag:s23] =	ssyncset.done $0x0  }
0xa4: {  	s25 =	simm.s32 $0x1B8E;
	s24 =	sld [smem:$0x3FFE];
	[sflag:s23] =	ssyncadd.s32 $0xFFFFFFFF  }
0xa5: {  	s26 =	simm.s32 $execute0_lowered;
	[smem:$0x3FD2] =	sst s25  }
0xa6: {  	s5 =	sshll.u32 s26, $0x1;
	_ =	strace $0x80000046;
	[dreg:$0x1] =	wrdreg $0xFFFFFFFF  }
0xa7: {  	s28 =	simm.s32 $_size_execute0_lowered;
	s3 =	sadd.s32 s3, s5;
	[dreg:$0x0] =	wrdreg $0x0  }
0xa8: {  	s5 =	sshll.u32 s28, $0x1;
	[dreg:$0x2] =	wrdreg s3  }
0xa9: {  	[dreg:$0x3] =	wrdreg s5  }
0xaa: {  	[dreg:$0x4] =	wrdreg $0xC0  }
0xab: {  	_ =	task [dreg:s7], $0x5FFFF  }
0xac: {  	[dreg:$0x1] =	wrdreg $0xFFFFFFFF  }
0xad: {  	[dreg:$0x0] =	wrdreg $0x60  }
0xae: {  	[dreg:$0x2] =	wrdreg s2  }
0xaf: {  	[dreg:$0x3] =	wrdreg s24  }
0xb0: {  	[dreg:$0x4] =	wrdreg $0x13C400  }
0xb1: {  	[dreg:$0x5] =	wrdreg $0x9  }
0xb2: {  	_ =	task.clear_ibuf [dreg:s7], $0x6FFFF;
	_ =	strace $0x90000046  }
0xb3: {  	s29 =	simm.s32 $0x9;
	_ =	strace $0x80000048  }
0xb4: {  	_ =	swait.ge [sflag:s29], $0x1  }
0xb5: {  	[sflag:s29] =	ssyncadd.s32 $0xFFFFFFFF  }
0xb6: {  	_ =	strace $0x90000048  }
0xb7: {  	_ =	sfence  }
0xb8: {  	s30 =	sld [smem:$0x0];
	_ =	sdelay $0x2  }
0xb9: {  	s31 =	sshll.u32 s1, $0xD;
	s1 =	sshrl.u32 s1, $0x2  }
0xba: {  	s3 =	sand.u32 $0x4000, s31;
	s1 =	sadd.s32 s1, s30  }
0xbb: {  	s0 =	sor.u32 s3, s0;
	s1 =	sshll.u32 s1, $0x11  }
0xbc: {  	s0 =	sor.u32 s1, s0  }
0xbd: {  	s0 =	sadd.s32 $0x8F2B, s0  }
0xbe: {  	[sflag:s0] =	ssyncadd.remote.s32 $0x1  }
0xbf: {  	_ =	sfence.sel $0xFFFF  }
0xc0: {  	[dreg:$0x0] =	wrdreg $0xFFFFFFFF;
	(pc) =	sbr.abs _section_cstart, $3  }
0xc1: {  	[dreg:$0x1] =	wrdreg $0xFFFFFFFF  }
0xc2: {  	_ =	task.clear_ibuf [dreg:s7], $0x2FFFF;
	_ =	strace $0x9FFFFFFF  }
0xc3: {  	(tm) =	ssettm $0x7FFFFFFF  }
tec
execute0_lowered:
.L_overlay_start_1:
0x0: {  	(tag) =	ssettag $0x1  }
0x1: {  	s0 =	rddreg [dreg:$0x0]  }
0x2: {  	s1 =	rddreg [dreg:$0x1]  }
0x3: {  	s2 =	rddreg [dreg:$0x2];
	s14 =	stileid.u32  }
0x4: {  	s3 =	simm.s32 $0x0;
	s5 =	srdreg.scid;
	s16 =	simm.s32 $0x7D  }
0x5: {  	s17 =	simm.s32 $0xA000;
	s19 =	simm.s32 $0xBF40;
	s28 =	simm.s32 $0x1  }
0x6: {  	s29 =	simm.s32 $0x2;
	s30 =	simm.s32 $0x3;
	s31 =	simm.s32 $0x4  }
0x7: {  	s15 =	simm.s32 $0x7;
	s18 =	simm.s32 $0x8;
	s4 =	smul.u32 $0xA00, s14  }
0x8: {  	[smem:$0x7FF] =	sst s3;
	s5 =	sand.u32 $0x1, s5;
	s8 =	smul.u32 $0x27000, s14  }
0x9: {  	s21 =	smul.u32 $0x9C00, s14;
	s12 =	sadd.s32 $0x92400, s2;
	p0 =	seq.s32 s14, $0xF  }
0xa: {  	_ =	strace $0x80000047;
	s7 =	ssub.s32 $0x2, s5;
	s10 =	smul.u32 $0x9C400, s5  }
0xb: {  	s5 =	sshll.u32 s5, $0x3;
	s6 =	sadd.s32 s4, s1;
	s4 =	sadd.s32 $0x16C00, s1  }
0xc: {  	s1 =	sadd.s32 $0x18000, s1;
	s9 =	sshrl.u32 s7, $0x1;
	s20 =	sshrl.u32 s8, $0x2  }
0xd: {  	s11 =	ssub.s32 s7, s9;
	s13 =	sadd.s32 s20, s2;
	s22 =	sadd.s32 $0x2C00, s6  }
0xe: {  	s6 =	sadd.s32 $0xCC00, s6;
	s23 =	sadd.s32 s21, s10;
	s7 =	sadd.s32 s0, s5  }
0xf: {  	s25 =	sshrl.u32 s10, $0x3;
	s20 =	simm.s32 $0x9;
	[dreg:$0x4] =	wrdreg s22  }
0x10: {  	[dreg:$0x5] =	wrdreg s6;
	s24 =	sshrl.u32 s23, $0x3;
	s26 =	sadd.s32 s1, s25  }
0x11: {  	s10 =	smax.u32 s11, $0x1;
	s11 =	sshrl.u32 @p0 s12, $0x3;
	s13 =	sshrl.u32 @!p0 s13, $0x3  }
0x12: {  	s23 =	simm.s32 $0xFDC0;
	s22 =	simm.s32 $0xA;
	s0 =	sadd.s32 s1, s24  }
0x13: {  	s1 =	sadd.s32 s21, s2;
	s9 =	sadd.s32 $0x12480, s26;
	s21 =	simm.s32 $0xDE80  }
0x14: {  	s26 =	simm.s32 $0x11D00;
	s24 =	simm.s32 $0x0;
	[dreg:$0x6] =	wrdreg s0  }
0x15: {  	s0 =	sshll.u32 @!p0 s14, $0x6;
	s14 =	simm.s32 $0xB;
	s25 =	sshrl.u32 @!p0 s1, $0x3  }
0x16: {  	s1 =	simm.s32 $0x6;
	s12 =	sor.u32 @!p0 $0x1C0B, s0;
	s0 =	simm.s32 $0x5  }
.LBB2_1:
0x17: {  	s5 =	simm.s32 @p0 $0x1FCB  }
0x18: {  	[spmem:s11], [sflag:s5] =	dma.local @p0 [hbm:s4], $0x1400  }
0x19: {  	s5 =	simm.s32 @p0 $0xB  }
0x1a: {  	_ =	swait.ge @p0 [sflag:s5], $0x1400  }
0x1b: {  	[sflag:s5] =	ssyncset.done @p0 $0x0  }
0x1c: {  	[sflag:s5] =	ssyncadd.s32 @p0 $0xFFFFEC00;
	s5 =	simm.s32 @!p0 $0xB  }
0x1d: {  	[spmem:s13], [sflag:s12] =	dma.local @!p0 [hbm:s4], $0x1380  }
0x1e: {  	_ =	swait.ge @!p0 [sflag:s5], $0x1380  }
0x1f: {  	[sflag:s5] =	ssyncset.done @!p0 $0x0  }
0x20: {  	s6 =	rddreg [dreg:$0x4];
	[sflag:s5] =	ssyncadd.s32 @!p0 $0xFFFFEC80  }
0x21: {  	[tilespmem:s3], [sflag:$0xB] =	stream.linear.gather [hbm4b:s6+s3], $0x5000, $0x38;
	[tilespmem:$0x1D880] =	vst v63  }
0x22: {  	_ =	swait.ge [sflag:s14], $0x5000  }
0x23: {  	[sflag:s14] =	ssyncset.done $0x0  }
0x24: {  	s6 =	simm.s32 $0x5000;
	s8 =	rddreg [dreg:$0x5];
	[sflag:s14] =	ssyncadd.s32 $0xFFFFB000  }
0x25: {  	[tilespmem:s6], [sflag:$0xB] =	stream.linear.gather [hbm4b:s8+s3], $0x5000, $0x38;
	[tilespmem:$0x1D880] =	vst v63  }
0x26: {  	_ =	swait.ge [sflag:s14], $0x5000  }
0x27: {  	[sflag:s14] =	ssyncset.done $0x0  }
0x28: {  	[sflag:s14] =	ssyncadd.s32 $0xFFFFB000  }
0x29: {  	[bflag:$0x0] =	sbarrier.arrive $0xFFFF  }
0x2a: {  	[tilespmem:s17], [sflag:$0x1] =	stream.indirect.gather [hbm4b:s7+s16], $0x40, s3, s16, $0xb8;
	[tilespmem:$0x1D880] =	vst v63  }
0x2b: {  	s8 =	simm.s32 $0x80  }
0x2c: {  	[tilespmem:s19], [sflag:$0x2] =	stream.indirect.gather [hbm4b:s7+s16], $0x40, s8, s16, $0xb8;
	[tilespmem:$0x1D880] =	vst v63  }
0x2d: {  	s6 =	simm.s32 $0x100  }
0x2e: {  	[tilespmem:s21], [sflag:$0x3] =	stream.indirect.gather [hbm4b:s7+s16], $0x40, s6, s16, $0xb8;
	[tilespmem:$0x1D880] =	vst v63  }
0x2f: {  	s8 =	simm.s32 $0x180  }
0x30: {  	[tilespmem:s23], [sflag:$0x4] =	stream.indirect.gather [hbm4b:s7+s16], $0x40, s8, s16, $0xb8;
	[tilespmem:$0x1D880] =	vst v63  }
0x31: {  	s6 =	simm.s32 $0x200  }
0x32: {  	[tilespmem:s26], [sflag:$0x5] =	stream.indirect.gather [hbm4b:s7+s16], $0x40, s6, s16, $0xb8;
	[tilespmem:$0x1D880] =	vst v63  }
0x33: {  	_ =	swait.ge [sflag:s28], $0x1F40  }
0x34: {  	[sflag:s28] =	ssyncset.done $0x0  }
0x35: {  	s8 =	simm.s32 $0x5000;
	[sflag:s28] =	ssyncadd.s32 $0xFFFFE0C0  }
0x36: {  	[spmem:s2] =	stream.indirect.scatter.add.f32 [tilespmem:s17], [sflag:$0x6], $0x40, s8, s16, $0xb8;
	[tilespmem:$0x1D880] =	vst v63  }
0x37: {  	_ =	swait.ge [sflag:s29], $0x1F40  }
0x38: {  	[sflag:s29] =	ssyncset.done $0x0  }
0x39: {  	s6 =	simm.s32 $0x5080;
	[sflag:s29] =	ssyncadd.s32 $0xFFFFE0C0  }
0x3a: {  	[spmem:s2] =	stream.indirect.scatter.add.f32 [tilespmem:s19], [sflag:$0x7], $0x40, s6, s16, $0xb8;
	[tilespmem:$0x1D880] =	vst v63  }
0x3b: {  	_ =	swait.ge [sflag:s30], $0x1F40  }
0x3c: {  	[sflag:s30] =	ssyncset.done $0x0  }
0x3d: {  	s8 =	simm.s32 $0x5100;
	[sflag:s30] =	ssyncadd.s32 $0xFFFFE0C0  }
0x3e: {  	[spmem:s2] =	stream.indirect.scatter.add.f32 [tilespmem:s21], [sflag:$0x8], $0x40, s8, s16, $0xb8;
	[tilespmem:$0x1D880] =	vst v63  }
0x3f: {  	_ =	swait.ge [sflag:s31], $0x1F40  }
0x40: {  	[sflag:s31] =	ssyncset.done $0x0  }
0x41: {  	s6 =	simm.s32 $0x5180;
	[sflag:s31] =	ssyncadd.s32 $0xFFFFE0C0  }
0x42: {  	[spmem:s2] =	stream.indirect.scatter.add.f32 [tilespmem:s23], [sflag:$0x9], $0x40, s6, s16, $0xb8;
	[tilespmem:$0x1D880] =	vst v63  }
0x43: {  	_ =	swait.ge [sflag:s0], $0x1F40  }
0x44: {  	[sflag:s0] =	ssyncset.done $0x0  }
0x45: {  	s8 =	simm.s32 $0x5200;
	[sflag:s0] =	ssyncadd.s32 $0xFFFFE0C0  }
0x46: {  	[spmem:s2] =	stream.indirect.scatter.add.f32 [tilespmem:s26], [sflag:$0xA], $0x40, s8, s16, $0xb8;
	[tilespmem:$0x1D880] =	vst v63  }
0x47: {  	_ =	swait.ge [sflag:s1], $0x1F40  }
0x48: {  	[sflag:s1] =	ssyncset.done $0x0  }
0x49: {  	s6 =	simm.s32 $0x280;
	[sflag:s1] =	ssyncadd.s32 $0xFFFFE0C0  }
0x4a: {  	[tilespmem:s17], [sflag:$0x1] =	stream.indirect.gather [hbm4b:s7+s16], $0x40, s6, s16, $0xb8;
	[tilespmem:$0x1D880] =	vst v63  }
0x4b: {  	_ =	swait.ge [sflag:s15], $0x1F40  }
0x4c: {  	[sflag:s15] =	ssyncset.done $0x0  }
0x4d: {  	s8 =	simm.s32 $0x300;
	[sflag:s15] =	ssyncadd.s32 $0xFFFFE0C0  }
0x4e: {  	[tilespmem:s19], [sflag:$0x2] =	stream.indirect.gather [hbm4b:s7+s16], $0x40, s8, s16, $0xb8;
	[tilespmem:$0x1D880] =	vst v63  }
0x4f: {  	_ =	swait.ge [sflag:s18], $0x1F40  }
0x50: {  	[sflag:s18] =	ssyncset.done $0x0  }
0x51: {  	s6 =	simm.s32 $0x380;
	[sflag:s18] =	ssyncadd.s32 $0xFFFFE0C0  }
0x52: {  	[tilespmem:s21], [sflag:$0x3] =	stream.indirect.gather [hbm4b:s7+s16], $0x40, s6, s16, $0xb8;
	[tilespmem:$0x1D880] =	vst v63  }
0x53: {  	_ =	swait.ge [sflag:s20], $0x1F40  }
0x54: {  	[sflag:s20] =	ssyncset.done $0x0  }
0x55: {  	s8 =	simm.s32 $0x400;
	[sflag:s20] =	ssyncadd.s32 $0xFFFFE0C0  }
0x56: {  	[tilespmem:s23], [sflag:$0x4] =	stream.indirect.gather [hbm4b:s7+s16], $0x40, s8, s16, $0xb8;
	[tilespmem:$0x1D880] =	vst v63  }
0x57: {  	_ =	swait.ge [sflag:s22], $0x1F40  }
0x58: {  	[sflag:s22] =	ssyncset.done $0x0  }
0x59: {  	s5 =	simm.s32 $0xA00;
	s6 =	simm.s32 $0x480;
	[sflag:s22] =	ssyncadd.s32 $0xFFFFE0C0  }
.LBB2_2:
0x5a: {  	[tilespmem:s26], [sflag:$0x5] =	stream.indirect.gather [hbm4b:s7+s16], $0x40, s6, s16, $0xb8;
	[tilespmem:$0x1D880] =	vst v63  }
0x5b: {  	s6 =	smov.u32 s5  }
0x5c: {  	p1 =	sne.s32 s5, $0x12C00;
	s5 =	sadd.s32 $0xA00, s5;
	_ =	swait.ge [sflag:s28], $0x1F40  }
0x5d: {  	s6 =	sshra.s32 s6, $0x2;
	[sflag:s28] =	ssyncset.done $0x0  }
0x5e: {  	s8 =	sadd.s32 $0x5000, s6;
	[sflag:s28] =	ssyncadd.s32 $0xFFFFE0C0  }
0x5f: {  	[spmem:s2] =	stream.indirect.scatter.add.f32 [tilespmem:s17], [sflag:$0x6], $0x40, s8, s16, $0xb8;
	[tilespmem:$0x1D880] =	vst v63  }
0x60: {  	_ =	swait.ge [sflag:s29], $0x1F40  }
0x61: {  	[sflag:s29] =	ssyncset.done $0x0  }
0x62: {  	s8 =	sadd.s32 $0x5080, s6;
	[sflag:s29] =	ssyncadd.s32 $0xFFFFE0C0  }
0x63: {  	[spmem:s2] =	stream.indirect.scatter.add.f32 [tilespmem:s19], [sflag:$0x7], $0x40, s8, s16, $0xb8;
	[tilespmem:$0x1D880] =	vst v63  }
0x64: {  	_ =	swait.ge [sflag:s30], $0x1F40  }
0x65: {  	[sflag:s30] =	ssyncset.done $0x0  }
0x66: {  	s8 =	sadd.s32 $0x5100, s6;
	[sflag:s30] =	ssyncadd.s32 $0xFFFFE0C0  }
0x67: {  	[spmem:s2] =	stream.indirect.scatter.add.f32 [tilespmem:s21], [sflag:$0x8], $0x40, s8, s16, $0xb8;
	[tilespmem:$0x1D880] =	vst v63  }
0x68: {  	_ =	swait.ge [sflag:s31], $0x1F40  }
0x69: {  	[sflag:s31] =	ssyncset.done $0x0  }
0x6a: {  	s8 =	sadd.s32 $0x5180, s6;
	[sflag:s31] =	ssyncadd.s32 $0xFFFFE0C0  }
0x6b: {  	[spmem:s2] =	stream.indirect.scatter.add.f32 [tilespmem:s23], [sflag:$0x9], $0x40, s8, s16, $0xb8;
	[tilespmem:$0x1D880] =	vst v63  }
0x6c: {  	_ =	swait.ge [sflag:s0], $0x1F40  }
0x6d: {  	[sflag:s0] =	ssyncset.done $0x0  }
0x6e: {  	s8 =	sadd.s32 $0x5200, s6;
	[sflag:s0] =	ssyncadd.s32 $0xFFFFE0C0  }
0x6f: {  	[spmem:s2] =	stream.indirect.scatter.add.f32 [tilespmem:s26], [sflag:$0xA], $0x40, s8, s16, $0xb8;
	[tilespmem:$0x1D880] =	vst v63  }
0x70: {  	_ =	swait.ge [sflag:s1], $0x1F40  }
0x71: {  	[sflag:s1] =	ssyncset.done $0x0  }
0x72: {  	s8 =	sadd.s32 $0x280, s6;
	[sflag:s1] =	ssyncadd.s32 $0xFFFFE0C0  }
0x73: {  	[tilespmem:s17], [sflag:$0x1] =	stream.indirect.gather [hbm4b:s7+s16], $0x40, s8, s16, $0xb8;
	[tilespmem:$0x1D880] =	vst v63  }
0x74: {  	_ =	swait.ge [sflag:s15], $0x1F40  }
0x75: {  	[sflag:s15] =	ssyncset.done $0x0  }
0x76: {  	s8 =	sadd.s32 $0x300, s6;
	[sflag:s15] =	ssyncadd.s32 $0xFFFFE0C0  }
0x77: {  	[tilespmem:s19], [sflag:$0x2] =	stream.indirect.gather [hbm4b:s7+s16], $0x40, s8, s16, $0xb8;
	[tilespmem:$0x1D880] =	vst v63  }
0x78: {  	_ =	swait.ge [sflag:s18], $0x1F40  }
0x79: {  	[sflag:s18] =	ssyncset.done $0x0  }
0x7a: {  	s8 =	sadd.s32 $0x380, s6;
	[sflag:s18] =	ssyncadd.s32 $0xFFFFE0C0  }
0x7b: {  	[tilespmem:s21], [sflag:$0x3] =	stream.indirect.gather [hbm4b:s7+s16], $0x40, s8, s16, $0xb8;
	[tilespmem:$0x1D880] =	vst v63  }
0x7c: {  	_ =	swait.ge [sflag:s20], $0x1F40  }
0x7d: {  	[sflag:s20] =	ssyncset.done $0x0  }
.Ltmp0:
0x7e: {  	s8 =	sadd.s32 $0x400, s6;
	[sflag:s20] =	ssyncadd.s32 $0xFFFFE0C0;
	(pc) =	sbr.rel @p1 .LBB2_2-.Ltmp0, $4  }
0x7f: {  	[tilespmem:s23], [sflag:$0x4] =	stream.indirect.gather [hbm4b:s7+s16], $0x40, s8, s16, $0xb8;
	[tilespmem:$0x1D880] =	vst v63  }
0x80: {  	_ =	swait.ge [sflag:s22], $0x1F40  }
0x81: {  	[sflag:s22] =	ssyncset.done $0x0  }
0x82: {  	s6 =	sadd.s32 $0x480, s6;
	[sflag:s22] =	ssyncadd.s32 $0xFFFFE0C0  }
0x83: {  	[tilespmem:s26], [sflag:$0x5] =	stream.indirect.gather [hbm4b:s7+s16], $0x40, s6, s16, $0xb8;
	[tilespmem:$0x1D880] =	vst v63  }
0x84: {  	_ =	swait.ge [sflag:s28], $0x1F40  }
0x85: {  	[sflag:s28] =	ssyncset.done $0x0  }
0x86: {  	s5 =	simm.s32 $0x9D80;
	[sflag:s28] =	ssyncadd.s32 $0xFFFFE0C0  }
0x87: {  	[spmem:s2] =	stream.indirect.scatter.add.f32 [tilespmem:s17], [sflag:$0x6], $0x40, s5, s16, $0xb8;
	[tilespmem:$0x1D880] =	vst v63  }
0x88: {  	_ =	swait.ge [sflag:s29], $0x1F40  }
0x89: {  	[sflag:s29] =	ssyncset.done $0x0  }
0x8a: {  	s6 =	simm.s32 $0x9E00;
	[sflag:s29] =	ssyncadd.s32 $0xFFFFE0C0  }
0x8b: {  	[spmem:s2] =	stream.indirect.scatter.add.f32 [tilespmem:s19], [sflag:$0x7], $0x40, s6, s16, $0xb8;
	[tilespmem:$0x1D880] =	vst v63  }
0x8c: {  	_ =	swait.ge [sflag:s30], $0x1F40  }
0x8d: {  	[sflag:s30] =	ssyncset.done $0x0  }
0x8e: {  	s8 =	simm.s32 $0x9E80;
	[sflag:s30] =	ssyncadd.s32 $0xFFFFE0C0  }
0x8f: {  	[spmem:s2] =	stream.indirect.scatter.add.f32 [tilespmem:s21], [sflag:$0x8], $0x40, s8, s16, $0xb8;
	[tilespmem:$0x1D880] =	vst v63  }
0x90: {  	_ =	swait.ge [sflag:s31], $0x1F40  }
0x91: {  	[sflag:s31] =	ssyncset.done $0x0  }
0x92: {  	s6 =	simm.s32 $0x9F00;
	[sflag:s31] =	ssyncadd.s32 $0xFFFFE0C0  }
0x93: {  	[spmem:s2] =	stream.indirect.scatter.add.f32 [tilespmem:s23], [sflag:$0x9], $0x40, s6, s16, $0xb8;
	[tilespmem:$0x1D880] =	vst v63  }
0x94: {  	_ =	swait.ge [sflag:s0], $0x1F40  }
0x95: {  	[sflag:s0] =	ssyncset.done $0x0  }
0x96: {  	s8 =	simm.s32 $0x9F80;
	[sflag:s0] =	ssyncadd.s32 $0xFFFFE0C0  }
0x97: {  	[spmem:s2] =	stream.indirect.scatter.add.f32 [tilespmem:s26], [sflag:$0xA], $0x40, s8, s16, $0xb8;
	[tilespmem:$0x1D880] =	vst v63  }
0x98: {  	_ =	swait.ge [sflag:s1], $0x1F40  }
0x99: {  	[sflag:s1] =	ssyncset.done $0x0  }
0x9a: {  	[sflag:s1] =	ssyncadd.s32 $0xFFFFE0C0  }
0x9b: {  	_ =	swait.ge [sflag:s15], $0x1F40  }
0x9c: {  	[sflag:s15] =	ssyncset.done $0x0  }
0x9d: {  	[sflag:s15] =	ssyncadd.s32 $0xFFFFE0C0  }
0x9e: {  	_ =	swait.ge [sflag:s18], $0x1F40  }
0x9f: {  	[sflag:s18] =	ssyncset.done $0x0  }
0xa0: {  	[sflag:s18] =	ssyncadd.s32 $0xFFFFE0C0  }
0xa1: {  	_ =	swait.ge [sflag:s20], $0x1F40  }
0xa2: {  	[sflag:s20] =	ssyncset.done $0x0  }
0xa3: {  	[sflag:s20] =	ssyncadd.s32 $0xFFFFE0C0  }
0xa4: {  	_ =	swait.ge [sflag:s22], $0x1F40  }
0xa5: {  	[sflag:s22] =	ssyncset.done $0x0  }
0xa6: {  	[sflag:s22] =	ssyncadd.s32 $0xFFFFE0C0  }
0xa7: {  	s5 =	simm.s32 @p0 $0x1FCB;
	[bflag:$0x0] =	sbarrier.arrive $0xFFFF  }
0xa8: {  	[hbm:s9], [sflag:s5] =	dma.local @p0 [spmem:s11], $0x1400  }
0xa9: {  	s5 =	simm.s32 @p0 $0xB  }
0xaa: {  	_ =	swait.ge @p0 [sflag:s5], $0x1400  }
0xab: {  	s24 =	sadd.s32 $0x1, s24;
	[sflag:s5] =	ssyncset.done @p0 $0x0  }
0xac: {  	p1 =	sne.s32 s24, s10;
	[sflag:s5] =	ssyncadd.s32 @p0 $0xFFFFEC00;
	s5 =	rddreg [dreg:$0x6]  }
0xad: {  	[hbm:s5], [sflag:s12] =	dma.local @!p0 [spmem:s25], $0x1380  }
.Ltmp1:
0xae: {  	_ = 	snop;
	(pc) =	sbr.rel @p1 .LBB2_1-.Ltmp1, $4  }
0xaf: {  	s5 =	simm.s32 @!p0 $0xB  }
0xb0: {  	_ =	swait.ge @!p0 [sflag:s5], $0x1380  }
0xb1: {  	[sflag:s5] =	ssyncset.done @!p0 $0x0  }
0xb2: {  	[sflag:s5] =	ssyncadd.s32 @!p0 $0xFFFFEC80  }
0xb3: {  	_ =	sfence.sel $0x180000  }
0xb4: {  	[bflag:$0x0] =	sbarrier.arrive $0xFFFF  }
0xb5: {  	_ =	strace $0x90000047  }
0xb6: {  	s0 =	stileid.u32;
	[bflag:$0x2] =	sbarrier.arrive $0xFFFF  }
0xb7: {  	p0 =	sne.s32 s0, $0x0;
	s0 =	rddreg [dreg:$0x3]  }
0xb8: {  	s0 =	sadd.s32 @!p0 $0x100000, s0  }
0xb9: {  	[sflag:s0] =	ssyncadd.tile.s32 @!p0 $0x1;
	_ =	shalt  }
.Lfunc_end2:
_tile_overlayer_lowered:
.L_overlay_start_2:
0xba: {  	(tag) =	ssettag $0x2  }
0xbb: {  	s0 =	rddreg [dreg:$0x0];
	s2 =	stileid.u32  }
0xbc: {  	s1 =	rddreg [dreg:$0x1];
	p0 =	sne.s32 s2, $0x0  }
0xbd: {  	s3 =	rddreg [dreg:$0x2];
	[bflag:$0x3] =	sbarrier.arrive $0xFFFF;
	s2 =	simm.s32 @!p0 $0x1C0B  }
0xbe: {  	[timem:s3], [sflag:s2] =	dma.local @!p0 [hbm:s0], s1  }
0xbf: {  	s0 =	simm.s32 @!p0 $0xB  }
0xc0: {  	_ =	swait.ge @!p0 [sflag:s0], s1  }
0xc1: {  	s1 =	ssub.s32 @!p0 $0x0, s1;
	[sflag:s0] =	ssyncset.done @!p0 $0x0  }
0xc2: {  	[sflag:s0] =	ssyncadd.s32 @!p0 s1  }
0xc3: {  	[bflag:$0x3] =	sbarrier.arrive $0xFFFF  }
0xc4: {  	_ =	shalt  }

// kernel: kernel.9.cloned.1.call-start
scs
__scs_entry_jumppad:
0x0: {  	(pc) =	sbr.rel $0x88, $3  }
0x1: {  	(tag) =	ssettag $0x0;
	lr =	simm.s32 $0x1  }
0x2: {  	[smem:$0x3F89] =	sst lr;
	_ =	strace $0xD0000000  }
0x3: {  	_ = 	snop  }
0x4: {  	_ = 	snop  }
0x5: {  	_ = 	snop  }
0x6: {  	_ = 	snop  }
0x7: {  	_ = 	snop  }
__scs_overlays_trampoline_lowered:
0x8: {  	[smem:$0x3F98] =	sst s0  }
0x9: {  	[smem:$0x3F99] =	sst s1  }
0xa: {  	[smem:$0x3F9A] =	sst s2  }
0xb: {  	[smem:$0x3F9B] =	sst s3  }
0xc: {  	[smem:$0x3F9C] =	sst s4  }
0xd: {  	[smem:$0x3F9D] =	sst s5  }
0xe: {  	[smem:$0x3F9E] =	sst s6  }
0xf: {  	[smem:$0x3F9F] =	sst s7  }
0x10: {  	[smem:$0x3FA0] =	sst s8  }
0x11: {  	[smem:$0x3FA1] =	sst s9;
	s0 =	simm.s32 @!p0 $0x0  }
0x12: {  	s1 =	sld [smem:$0x3F87];
	s0 =	simm.s32 @p0 $0x1  }
0x13: {  	[smem:$0x3FA2] =	sst s0;
	s0 =	simm.s32 @!p1 $0x0  }
0x14: {  	s2 =	sld [smem:$0x3F86];
	s0 =	simm.s32 @p1 $0x1  }
0x15: {  	[smem:$0x3FA3] =	sst s0;
	s0 =	simm.s32 @!p2 $0x0  }
0x16: {  	s3 =	sld [smem:$0x3FDB];
	s0 =	simm.s32 @p2 $0x1  }
0x17: {  	s4 =	simm.s32 $0x1BF5;
	[smem:$0x3FA5] =	sst s0  }
0x18: {  	s0 =	sld [smem:$0x3F88];
	_ =	swait.ge [sflag:s4], $0x0  }
0x19: {  	s7 =	sld [smem:$0x3F89]  }
0x1a: {  	s8 =	sadd.s32 $0xFFFFE003, lr  }
0x1b: {  	s9 =	sadd.s32 $0xFFFFFEF7, lr;
	s5 =	simm.s32 $0xFFFFFFFF;
	p2 =	slt.u32 s8, $0xFFFFF086  }
0x1c: {  	p1 =	slt.u32 s9, $0xF7A;
	s5 =	simm.s32 @!p2 $0x0  }
0x1d: {  	s5 =	simm.s32 @p1 $0x1;
	p0 =	seq.s32 s7, s2  }
0x1e: {  	s7 =	smul.u32 @!p0 $0xF7A, s2;
	p2 =	seq.s32 @!p0 s5, $0x0  }
0x1f: {  	s9 =	smul.u32 $0xF7A, s1;
	s8 =	simm.s32 @!p0 $0x1BF5;
	p2 =	por !p2, p0  }
0x20: {  	[sflag:s8] =	ssyncset.s32 @!p0 $0xFFFFF086;
	s6 =	sadd.s32 @!p0 s3, s7;
	s7 =	simm.s32 @!p0 $0x108  }
0x21: {  	s3 =	sadd.s32 s3, s9;
	s6 =	sadd.s32 @!p0 $0x88, s6;
	s7 =	simm.s32 @p2 $0x1082  }
0x22: {  	[simem:s7], [sflag:s8] =	dma.local @!p0 [hbm:s6], $0xF7A  }
0x23: {  	s9 =	sor.u32 $0xD0000000, s2;
	s6 =	simm.s32 $0x108;
	_ =	swait.ge @!p0 [sflag:s8], $0x0  }
0x24: {  	s3 =	sadd.s32 $0x88, s3;
	s6 =	simm.s32 @!p1 $0x1082;
	[sflag:s4] =	ssyncset.s32 $0xFFFFF086  }
0x25: {  	[simem:s6], [sflag:s4] =	dma.local [hbm:s3], $0xF7A  }
0x26: {  	[smem:$0x3F89] =	sst s1;
	(tag) =	ssettag s2;
	_ =	strace s9  }
0x27: {  	s1 =	sld [smem:$0x3F99]  }
0x28: {  	s2 =	sld [smem:$0x3F9A]  }
0x29: {  	s4 =	sld [smem:$0x3F9C]  }
0x2a: {  	p0 =	seq.s32 s5, $0x0;
	s5 =	sld [smem:$0x3F9D]  }
0x2b: {  	s6 =	sld [smem:$0x3F9E]  }
0x2c: {  	s7 =	sld [smem:$0x3F9F]  }
0x2d: {  	s3 =	simm.s32 $0x108;
	s8 =	sld [smem:$0x3FA0]  }
0x2e: {  	s3 =	simm.s32 @!p0 $0x1082;
	s9 =	sld [smem:$0x3FA1]  }
0x2f: {  	lr =	sadd.s32 s0, s3;
	s0 =	sld [smem:$0x3F98]  }
0x30: {  	s3 =	sld [smem:$0x3F9B]  }
0x31: {  	[smem:$0x3FA4] =	sst s10  }
0x32: {  	s10 =	sld [smem:$0x3FA2];
	_ =	sdelay $0x3  }
0x33: {  	p0 =	seq.s32 s10, $0x1;
	s10 =	sld [smem:$0x3FA4];
	_ =	sdelay $0x3  }
0x34: {  	[smem:$0x3FA4] =	sst s10  }
0x35: {  	s10 =	sld [smem:$0x3FA3];
	_ =	sdelay $0x3  }
0x36: {  	p1 =	seq.s32 s10, $0x1;
	s10 =	sld [smem:$0x3FA4];
	_ =	sdelay $0x3  }
0x37: {  	[smem:$0x3FA4] =	sst s10  }
0x38: {  	s10 =	sld [smem:$0x3FA5]  }
0x39: {  	_ = 	snop;
	(pc) =	sbr.ind lr, $3  }
0x3a: {  	_ = 	snop  }
0x3b: {  	_ = 	snop  }
0x3c: {  	p2 =	seq.s32 s10, $0x1;
	s10 =	sld [smem:$0x3FA4]  }
0x3d: {  	_ =	shalt  }
0x3e: {  	_ =	shalt  }
0x3f: {  	_ =	shalt  }
0x40: {  	_ =	shalt  }
0x41: {  	_ =	shalt  }
0x42: {  	_ =	shalt  }
0x43: {  	_ =	shalt  }
0x44: {  	_ =	shalt  }
0x45: {  	_ =	shalt  }
0x46: {  	_ =	shalt  }
0x47: {  	_ =	shalt  }
0x48: {  	_ =	shalt  }
0x49: {  	_ =	shalt  }
0x4a: {  	_ =	shalt  }
0x4b: {  	_ =	shalt  }
0x4c: {  	_ =	shalt  }
0x4d: {  	_ =	shalt  }
0x4e: {  	_ =	shalt  }
0x4f: {  	_ =	shalt  }
0x50: {  	_ =	shalt  }
0x51: {  	_ =	shalt  }
0x52: {  	_ =	shalt  }
0x53: {  	_ =	shalt  }
0x54: {  	_ =	shalt  }
0x55: {  	_ =	shalt  }
0x56: {  	_ =	shalt  }
0x57: {  	_ =	shalt  }
0x58: {  	_ =	shalt  }
0x59: {  	_ =	shalt  }
0x5a: {  	_ =	shalt  }
0x5b: {  	_ =	shalt  }
0x5c: {  	_ =	shalt  }
0x5d: {  	_ =	shalt  }
0x5e: {  	_ =	shalt  }
0x5f: {  	_ =	shalt  }
0x60: {  	_ =	shalt  }
0x61: {  	_ =	shalt  }
0x62: {  	_ =	shalt  }
0x63: {  	_ =	shalt  }
0x64: {  	_ =	shalt  }
0x65: {  	_ =	shalt  }
0x66: {  	_ =	shalt  }
0x67: {  	_ =	shalt  }
0x68: {  	_ =	shalt  }
0x69: {  	_ =	shalt  }
0x6a: {  	_ =	shalt  }
0x6b: {  	_ =	shalt  }
0x6c: {  	_ =	shalt  }
0x6d: {  	_ =	shalt  }
0x6e: {  	_ =	shalt  }
0x6f: {  	_ =	shalt  }
0x70: {  	_ =	shalt  }
0x71: {  	_ =	shalt  }
0x72: {  	_ =	shalt  }
0x73: {  	_ =	shalt  }
0x74: {  	_ =	shalt  }
0x75: {  	_ =	shalt  }
0x76: {  	_ =	shalt  }
0x77: {  	_ =	shalt  }
0x78: {  	_ =	shalt  }
0x79: {  	_ =	shalt  }
0x7a: {  	_ =	shalt  }
0x7b: {  	_ =	shalt  }
0x7c: {  	_ =	shalt  }
0x7d: {  	_ =	shalt  }
0x7e: {  	_ =	shalt  }
0x7f: {  	_ =	shalt  }
0x80: {  	_ =	shalt  }
0x81: {  	_ =	shalt  }
0x82: {  	_ =	shalt  }
0x83: {  	_ =	shalt  }
0x84: {  	_ =	shalt  }
0x85: {  	_ =	shalt  }
0x86: {  	_ =	shalt  }
0x87: {  	_ =	shalt  }
.Lfunc_end0:
.L_simem_size_0:
called_computation.1_lowered:
.L_overlay_start_0:
0x88: {  	s2 =	sld [smem:$0x3FD9]  }
0x89: {  	s3 =	sld [smem:$0x3FFE];
	_ =	sdelay $0x1  }
0x8a: {  	s1 =	srdreg.scid  }
0x8b: {  	s0 =	sand.u32 $0x1, s1  }
0x8c: {  	s16 =	sshll.u32 s0, $0xA;
	s2 =	sadd.s32 s3, s2  }
0x8d: {  	s2 =	sadd.s32 s2, s16  }
0x8e: {  	[smem:$0x3FB0] =	sst s2  }
0x8f: {  	_ = 	snop  }
0x90: {  	(tm) =	ssettm $0x1  }
0x91: {  	s17 =	sld [smem:$0x3FFB];
	_ =	sdelay $0x3  }
0x92: {  	_ =	strace s17  }
0x93: {  	s2 =	sld [smem:$0x3FFC];
	_ =	sdelay $0x3  }
0x94: {  	_ =	strace s2  }
0x95: {  	s2 =	sld [smem:$0x3FFD];
	_ =	sdelay $0x3  }
0x96: {  	_ =	strace s2  }
0x97: {  	_ =	strace $0x8FFFFFFF  }
0x98: {  	s18 =	sld [smem:$0x3FDB];
	_ =	sdelay $0x1  }
0x99: {  	s19 =	simm.s32 $_scs_section_size  }
0x9a: {  	s4 =	simm.s32 $_size__tile_overlayer_lowered;
	s5 =	simm.s32 $_tile_overlayer_lowered  }
0x9b: {  	s22 =	simm.s32 $0x1BFF;
	s21 =	sshll.u32 s5, $0x1;
	s2 =	sadd.s32 s19, s18  }
0x9c: {  	s6 =	simm.s32 $0x0;
	s20 =	sshll.u32 s4, $0x1;
	s4 =	sadd.s32 s21, s2  }
0x9d: {  	[timem:s6], [sflag:s22] =	dma.local [hbm:s4], s20  }
0x9e: {  	_ =	swait.ge [sflag:s22], s20  }
0x9f: {  	s3 =	ssub.s32 $0x0, s20;
	[sflag:s22] =	ssyncset.done $0x0  }
0xa0: {  	[sflag:s22] =	ssyncadd.s32 s3;
	_ =	sdelay $0x1  }
0xa1: {  	s23 =	simm.s32 $0x1B8B  }
0xa2: {  	_ =	swait.ge [sflag:s23], $0x1  }
0xa3: {  	[sflag:s23] =	ssyncset.done $0x0  }
0xa4: {  	s25 =	simm.s32 $0x1B8E;
	s24 =	sld [smem:$0x3FFE];
	[sflag:s23] =	ssyncadd.s32 $0xFFFFFFFF  }
0xa5: {  	s26 =	simm.s32 $execute0_lowered;
	[smem:$0x3FD2] =	sst s25  }
0xa6: {  	s4 =	sshll.u32 s26, $0x1;
	_ =	strace $0x80000049;
	[dreg:$0x1] =	wrdreg $0xFFFFFFFF  }
0xa7: {  	s28 =	simm.s32 $_size_execute0_lowered;
	s2 =	sadd.s32 s2, s4;
	[dreg:$0x0] =	wrdreg $0x0  }
0xa8: {  	s4 =	sshll.u32 s28, $0x1;
	[dreg:$0x2] =	wrdreg s2  }
0xa9: {  	[dreg:$0x3] =	wrdreg s4  }
0xaa: {  	[dreg:$0x4] =	wrdreg $0xC0  }
0xab: {  	_ =	task [dreg:s6], $0x5FFFF  }
0xac: {  	[dreg:$0x1] =	wrdreg $0xFFFFFFFF  }
0xad: {  	[dreg:$0x0] =	wrdreg $0x60  }
0xae: {  	[dreg:$0x2] =	wrdreg s24  }
0xaf: {  	[dreg:$0x3] =	wrdreg $0x13C400  }
0xb0: {  	[dreg:$0x4] =	wrdreg $0x9  }
0xb1: {  	_ =	task.clear_ibuf [dreg:s6], $0x5FFFF;
	_ =	strace $0x90000049  }
0xb2: {  	s29 =	simm.s32 $0x9;
	_ =	strace $0x8000004B  }
0xb3: {  	_ =	swait.ge [sflag:s29], $0x1  }
0xb4: {  	[sflag:s29] =	ssyncadd.s32 $0xFFFFFFFF  }
0xb5: {  	_ =	strace $0x9000004B  }
0xb6: {  	_ =	sfence  }
0xb7: {  	s30 =	sld [smem:$0x0];
	_ =	sdelay $0x2  }
0xb8: {  	s31 =	sshll.u32 s1, $0xD;
	s1 =	sshrl.u32 s1, $0x2  }
0xb9: {  	s3 =	sand.u32 $0x4000, s31;
	s1 =	sadd.s32 s1, s30  }
0xba: {  	s0 =	sor.u32 s3, s0;
	s1 =	sshll.u32 s1, $0x11  }
0xbb: {  	s0 =	sor.u32 s1, s0  }
0xbc: {  	s0 =	sadd.s32 $0x8F2B, s0  }
0xbd: {  	[sflag:s0] =	ssyncadd.remote.s32 $0x1  }
0xbe: {  	_ =	sfence.sel $0xFFFF  }
0xbf: {  	[dreg:$0x0] =	wrdreg $0xFFFFFFFF;
	(pc) =	sbr.abs _section_cstart, $3  }
0xc0: {  	[dreg:$0x1] =	wrdreg $0xFFFFFFFF  }
0xc1: {  	_ =	task.clear_ibuf [dreg:s6], $0x2FFFF;
	_ =	strace $0x9FFFFFFF  }
0xc2: {  	(tm) =	ssettm $0x7FFFFFFF  }
0xc3: {  	_ =	shalt  }
tec
execute0_lowered:
.L_overlay_start_1:
0x0: {  	(tag) =	ssettag $0x1  }
0x1: {  	s0 =	rddreg [dreg:$0x0]  }
0x2: {  	s1 =	rddreg [dreg:$0x1];
	s2 =	simm.s32 $0x0;
	s15 =	stileid.u32  }
0x3: {  	s3 =	srdreg.scid;
	s20 =	simm.s32 $0xB;
	s22 =	simm.s32 $0x7D  }
0x4: {  	s23 =	simm.s32 $0xA000;
	s28 =	simm.s32 $0xDE80;
	s30 =	simm.s32 $0xFDC0  }
0x5: {  	s21 =	simm.s32 $0x2;
	[smem:$0x7FF] =	sst s2;
	s4 =	sadd.s32 $0x70600, s0  }
0x6: {  	s5 =	sadd.s32 $0x5CC00, s0;
	s6 =	sadd.s32 $0x49200, s0;
	s24 =	smul.u32 $0xA00, s15  }
0x7: {  	s7 =	sadd.s32 $0x18000, s0;
	s3 =	sand.u32 $0x1, s3;
	s9 =	smul.u32 $0x27000, s15  }
0x8: {  	s8 =	sadd.s32 $0x16C00, s0;
	s13 =	smul.u32 $0x9C00, s15;
	p0 =	seq.s32 s15, $0xF  }
0x9: {  	_ =	strace $0x8000004A;
	s10 =	ssub.s32 $0x2, s3;
	s11 =	smul.u32 $0x9C400, s3  }
0xa: {  	p1 =	sne.s32 s3, $0x0;
	s3 =	simm.s32 $0x1;
	s2 =	sadd.s32 s24, s0  }
0xb: {  	s12 =	sshrl.u32 s10, $0x1;
	s0 =	sadd.s32 $0x84000, s0;
	s9 =	sshrl.u32 s9, $0x2  }
0xc: {  	s26 =	sadd.s32 s13, s1;
	s24 =	simm.s32 $0x8;
	s10 =	ssub.s32 s10, s12  }
0xd: {  	s9 =	sadd.s32 s9, s1;
	s12 =	sadd.s32 $0x92400, s1;
	s14 =	sadd.s32 s13, s11  }
0xe: {  	s16 =	sadd.s32 $0x3F200, s2;
	s11 =	sshrl.u32 s11, $0x3;
	[dreg:$0x6] =	wrdreg s26  }
0xf: {  	s2 =	sadd.s32 $0xCC00, s2;
	s13 =	simm.s32 $0x7;
	[dreg:$0x3] =	wrdreg s16  }
0x10: {  	s14 =	sshrl.u32 s14, $0x3;
	[dreg:$0x4] =	wrdreg s2;
	s31 =	smax.u32 s10, $0x1  }
0x11: {  	s17 =	sshrl.u32 @p0 s12, $0x3;
	s19 =	sshrl.u32 @!p0 s9, $0x3;
	s9 =	simm.s32 $0x4  }
0x12: {  	s10 =	simm.s32 $0x5;
	s12 =	simm.s32 $0x6;
	s16 =	simm.s32 $0x0  }
0x13: {  	s25 =	sadd.s32 s0, s14;
	s0 =	sadd.s32 s0, s11;
	[dreg:$0xa] =	wrdreg s31  }
.Ltmp0:
0x14: {  	s29 =	sadd.s32 $0x12480, s0;
	[dreg:$0x5] =	wrdreg s25;
	(pc) =	sbr.rel .LBB2_1-.Ltmp0, $4  }
0x15: {  	s14 =	simm.s32 $0x9;
	s2 =	sadd.s32 $0x27100, s25;
	[dreg:$0x7] =	wrdreg s29  }
0x16: {  	s0 =	sadd.s32 $0x39580, s0;
	s25 =	simm.s32 $0xBF40;
	[dreg:$0x8] =	wrdreg s2  }
0x17: {  	[dreg:$0x9] =	wrdreg s0;
	s0 =	sshll.u32 @!p0 s15, $0x6;
	s2 =	simm.s32 $0x3  }
0x18: {  	s15 =	simm.s32 $0xA;
	s18 =	sor.u32 @!p0 $0x1C0B, s0;
	s0 =	simm.s32 $0x11D00  }
.LBB2_14:
0x19: {  	[tilespmem:s0], [sflag:$0x5] =	stream.indirect.gather [hbm4b:s7+s22], $0x40, s31, s22, $0xb8;
	[tilespmem:$0x1D880] =	vst v63  }
.LBB2_15:
0x1a: {  	_ =	swait.ge [sflag:s3], $0x1F40  }
0x1b: {  	[sflag:s3] =	ssyncset.done $0x0  }
0x1c: {  	s26 =	simm.s32 $0x9D80;
	[sflag:s3] =	ssyncadd.s32 $0xFFFFE0C0  }
0x1d: {  	[spmem:s1] =	stream.indirect.scatter.add.f32 [tilespmem:s23], [sflag:$0x6], $0x40, s26, s22, $0xb8;
	[tilespmem:$0x1D880] =	vst v63  }
0x1e: {  	_ =	swait.ge [sflag:s21], $0x1F40  }
0x1f: {  	[sflag:s21] =	ssyncset.done $0x0  }
0x20: {  	s31 =	simm.s32 $0x9E00;
	[sflag:s21] =	ssyncadd.s32 $0xFFFFE0C0  }
0x21: {  	[spmem:s1] =	stream.indirect.scatter.add.f32 [tilespmem:s25], [sflag:$0x7], $0x40, s31, s22, $0xb8;
	[tilespmem:$0x1D880] =	vst v63  }
0x22: {  	_ =	swait.ge [sflag:s2], $0x1F40  }
0x23: {  	[sflag:s2] =	ssyncset.done $0x0  }
0x24: {  	s29 =	simm.s32 $0x9E80;
	[sflag:s2] =	ssyncadd.s32 $0xFFFFE0C0  }
0x25: {  	[spmem:s1] =	stream.indirect.scatter.add.f32 [tilespmem:s28], [sflag:$0x8], $0x40, s29, s22, $0xb8;
	[tilespmem:$0x1D880] =	vst v63  }
0x26: {  	_ =	swait.ge [sflag:s9], $0x1F40  }
0x27: {  	[sflag:s9] =	ssyncset.done $0x0  }
0x28: {  	s31 =	simm.s32 $0x9F00;
	[sflag:s9] =	ssyncadd.s32 $0xFFFFE0C0  }
0x29: {  	[spmem:s1] =	stream.indirect.scatter.add.f32 [tilespmem:s30], [sflag:$0x9], $0x40, s31, s22, $0xb8;
	[tilespmem:$0x1D880] =	vst v63  }
0x2a: {  	_ =	swait.ge [sflag:s10], $0x1F40  }
0x2b: {  	[sflag:s10] =	ssyncset.done $0x0  }
0x2c: {  	s29 =	simm.s32 $0x9F80;
	[sflag:s10] =	ssyncadd.s32 $0xFFFFE0C0  }
0x2d: {  	[spmem:s1] =	stream.indirect.scatter.add.f32 [tilespmem:s0], [sflag:$0xA], $0x40, s29, s22, $0xb8;
	[tilespmem:$0x1D880] =	vst v63  }
0x2e: {  	_ =	swait.ge [sflag:s12], $0x1F40  }
0x2f: {  	[sflag:s12] =	ssyncset.done $0x0  }
0x30: {  	[sflag:s12] =	ssyncadd.s32 $0xFFFFE0C0  }
0x31: {  	_ =	swait.ge [sflag:s13], $0x1F40  }
0x32: {  	[sflag:s13] =	ssyncset.done $0x0  }
0x33: {  	[sflag:s13] =	ssyncadd.s32 $0xFFFFE0C0  }
0x34: {  	_ =	swait.ge [sflag:s24], $0x1F40  }
0x35: {  	[sflag:s24] =	ssyncset.done $0x0  }
0x36: {  	[sflag:s24] =	ssyncadd.s32 $0xFFFFE0C0  }
0x37: {  	_ =	swait.ge [sflag:s14], $0x1F40  }
0x38: {  	[sflag:s14] =	ssyncset.done $0x0  }
0x39: {  	[sflag:s14] =	ssyncadd.s32 $0xFFFFE0C0  }
0x3a: {  	_ =	swait.ge [sflag:s15], $0x1F40  }
0x3b: {  	[sflag:s15] =	ssyncset.done $0x0  }
0x3c: {  	[sflag:s15] =	ssyncadd.s32 $0xFFFFE0C0  }
0x3d: {  	[bflag:$0x0] =	sbarrier.arrive $0xFFFF  }
0x3e: {  	s26 =	simm.s32 @p0 $0x1FCB;
	s29 =	rddreg [dreg:$0x9]  }
0x3f: {  	[hbm:s29], [sflag:s26] =	dma.local @p0 [spmem:s17], $0x1400  }
0x40: {  	s26 =	simm.s32 @p0 $0xB  }
0x41: {  	_ =	swait.ge @p0 [sflag:s26], $0x1400  }
0x42: {  	[sflag:s26] =	ssyncset.done @p0 $0x0  }
0x43: {  	[sflag:s26] =	ssyncadd.s32 @p0 $0xFFFFEC00;
	s26 =	rddreg [dreg:$0x8]  }
0x44: {  	[hbm:s26], [sflag:s18] =	dma.local @!p0 [spmem:s11], $0x1380  }
0x45: {  	s11 =	simm.s32 @!p0 $0xB  }
0x46: {  	_ =	swait.ge @!p0 [sflag:s11], $0x1380  }
0x47: {  	s16 =	sadd.s32 $0x1, s16;
	s31 =	rddreg [dreg:$0xa]  }
0x48: {  	p2 =	sne.s32 s16, s31  }
.Ltmp1:
0x49: {  	_ = 	snop;
	(pc) =	sbr.rel @!p2 .LBB2_16-.Ltmp1, $3  }
0x4a: {  	_ =	sdelay $0x1  }
0x4b: {  	[sflag:s11] =	ssyncset.done @!p0 $0x0  }
0x4c: {  	[sflag:s11] =	ssyncadd.s32 @!p0 $0xFFFFEC80  }
.LBB2_1:
0x4d: {  	s11 =	simm.s32 @p0 $0x1FCB  }
0x4e: {  	[spmem:s17], [sflag:s11] =	dma.local @p0 [hbm:s8], $0x1400  }
0x4f: {  	s11 =	simm.s32 @p0 $0xB  }
0x50: {  	_ =	swait.ge @p0 [sflag:s11], $0x1400  }
0x51: {  	[sflag:s11] =	ssyncset.done @p0 $0x0  }
0x52: {  	[sflag:s11] =	ssyncadd.s32 @p0 $0xFFFFEC00;
	s11 =	simm.s32 @!p0 $0xB  }
0x53: {  	[spmem:s19], [sflag:s18] =	dma.local @!p0 [hbm:s8], $0x1380  }
0x54: {  	_ =	swait.ge @!p0 [sflag:s11], $0x1380  }
0x55: {  	[sflag:s11] =	ssyncset.done @!p0 $0x0  }
0x56: {  	s26 =	rddreg [dreg:$0x3];
	[sflag:s11] =	ssyncadd.s32 @!p0 $0xFFFFEC80;
	s11 =	simm.s32 $0x0  }
0x57: {  	[tilespmem:s11], [sflag:$0xB] =	stream.linear.gather [hbm4b:s26+s11], $0x5000, $0x38;
	[tilespmem:$0x1D880] =	vst v63  }
0x58: {  	_ =	swait.ge [sflag:s20], $0x5000  }
0x59: {  	[sflag:s20] =	ssyncset.done $0x0  }
0x5a: {  	s29 =	simm.s32 $0x5000;
	s31 =	rddreg [dreg:$0x4];
	[sflag:s20] =	ssyncadd.s32 $0xFFFFB000  }
0x5b: {  	[tilespmem:s29], [sflag:$0xB] =	stream.linear.gather [hbm4b:s31+s11], $0x5000, $0x38;
	[tilespmem:$0x1D880] =	vst v63  }
.Ltmp2:
0x5c: {  	_ =	swait.ge [sflag:s20], $0x5000;
	(pc) =	sbr.rel @p1 .LBB2_5-.Ltmp2, $4  }
0x5d: {  	[sflag:s20] =	ssyncset.done $0x0  }
0x5e: {  	[sflag:s20] =	ssyncadd.s32 $0xFFFFB000  }
0x5f: {  	[bflag:$0x0] =	sbarrier.arrive $0xFFFF  }
0x60: {  	s11 =	simm.s32 $0x0  }
0x61: {  	[tilespmem:s23], [sflag:$0x1] =	stream.indirect.gather [hbm4b:s4+s22], $0x40, s11, s22, $0xb8;
	[tilespmem:$0x1D880] =	vst v63  }
0x62: {  	s31 =	simm.s32 $0x80  }
0x63: {  	[tilespmem:s25], [sflag:$0x2] =	stream.indirect.gather [hbm4b:s4+s22], $0x40, s31, s22, $0xb8;
	[tilespmem:$0x1D880] =	vst v63  }
0x64: {  	s26 =	simm.s32 $0x100  }
0x65: {  	[tilespmem:s28], [sflag:$0x3] =	stream.indirect.gather [hbm4b:s4+s22], $0x40, s26, s22, $0xb8;
	[tilespmem:$0x1D880] =	vst v63  }
0x66: {  	s31 =	simm.s32 $0x180  }
0x67: {  	[tilespmem:s30], [sflag:$0x4] =	stream.indirect.gather [hbm4b:s4+s22], $0x40, s31, s22, $0xb8;
	[tilespmem:$0x1D880] =	vst v63  }
0x68: {  	s26 =	simm.s32 $0x200  }
0x69: {  	[tilespmem:s0], [sflag:$0x5] =	stream.indirect.gather [hbm4b:s4+s22], $0x40, s26, s22, $0xb8;
	[tilespmem:$0x1D880] =	vst v63  }
0x6a: {  	_ =	swait.ge [sflag:s3], $0x1F40  }
0x6b: {  	[sflag:s3] =	ssyncset.done $0x0  }
0x6c: {  	s31 =	simm.s32 $0x5000;
	[sflag:s3] =	ssyncadd.s32 $0xFFFFE0C0  }
0x6d: {  	[spmem:s1] =	stream.indirect.scatter.add.f32 [tilespmem:s23], [sflag:$0x6], $0x40, s31, s22, $0xb8;
	[tilespmem:$0x1D880] =	vst v63  }
0x6e: {  	_ =	swait.ge [sflag:s21], $0x1F40  }
0x6f: {  	[sflag:s21] =	ssyncset.done $0x0  }
0x70: {  	s26 =	simm.s32 $0x5080;
	[sflag:s21] =	ssyncadd.s32 $0xFFFFE0C0  }
0x71: {  	[spmem:s1] =	stream.indirect.scatter.add.f32 [tilespmem:s25], [sflag:$0x7], $0x40, s26, s22, $0xb8;
	[tilespmem:$0x1D880] =	vst v63  }
0x72: {  	_ =	swait.ge [sflag:s2], $0x1F40  }
0x73: {  	[sflag:s2] =	ssyncset.done $0x0  }
0x74: {  	s31 =	simm.s32 $0x5100;
	[sflag:s2] =	ssyncadd.s32 $0xFFFFE0C0  }
0x75: {  	[spmem:s1] =	stream.indirect.scatter.add.f32 [tilespmem:s28], [sflag:$0x8], $0x40, s31, s22, $0xb8;
	[tilespmem:$0x1D880] =	vst v63  }
0x76: {  	_ =	swait.ge [sflag:s9], $0x1F40  }
0x77: {  	[sflag:s9] =	ssyncset.done $0x0  }
0x78: {  	s26 =	simm.s32 $0x5180;
	[sflag:s9] =	ssyncadd.s32 $0xFFFFE0C0  }
0x79: {  	[spmem:s1] =	stream.indirect.scatter.add.f32 [tilespmem:s30], [sflag:$0x9], $0x40, s26, s22, $0xb8;
	[tilespmem:$0x1D880] =	vst v63  }
0x7a: {  	_ =	swait.ge [sflag:s10], $0x1F40  }
0x7b: {  	[sflag:s10] =	ssyncset.done $0x0  }
0x7c: {  	s31 =	simm.s32 $0x5200;
	[sflag:s10] =	ssyncadd.s32 $0xFFFFE0C0  }
0x7d: {  	[spmem:s1] =	stream.indirect.scatter.add.f32 [tilespmem:s0], [sflag:$0xA], $0x40, s31, s22, $0xb8;
	[tilespmem:$0x1D880] =	vst v63  }
0x7e: {  	_ =	swait.ge [sflag:s12], $0x1F40  }
0x7f: {  	[sflag:s12] =	ssyncset.done $0x0  }
0x80: {  	s26 =	simm.s32 $0x280;
	[sflag:s12] =	ssyncadd.s32 $0xFFFFE0C0  }
0x81: {  	[tilespmem:s23], [sflag:$0x1] =	stream.indirect.gather [hbm4b:s4+s22], $0x40, s26, s22, $0xb8;
	[tilespmem:$0x1D880] =	vst v63  }
0x82: {  	_ =	swait.ge [sflag:s13], $0x1F40  }
0x83: {  	[sflag:s13] =	ssyncset.done $0x0  }
0x84: {  	s31 =	simm.s32 $0x300;
	[sflag:s13] =	ssyncadd.s32 $0xFFFFE0C0  }
0x85: {  	[tilespmem:s25], [sflag:$0x2] =	stream.indirect.gather [hbm4b:s4+s22], $0x40, s31, s22, $0xb8;
	[tilespmem:$0x1D880] =	vst v63  }
0x86: {  	_ =	swait.ge [sflag:s24], $0x1F40  }
0x87: {  	[sflag:s24] =	ssyncset.done $0x0  }
0x88: {  	s26 =	simm.s32 $0x380;
	[sflag:s24] =	ssyncadd.s32 $0xFFFFE0C0  }
0x89: {  	[tilespmem:s28], [sflag:$0x3] =	stream.indirect.gather [hbm4b:s4+s22], $0x40, s26, s22, $0xb8;
	[tilespmem:$0x1D880] =	vst v63  }
0x8a: {  	_ =	swait.ge [sflag:s14], $0x1F40  }
0x8b: {  	[sflag:s14] =	ssyncset.done $0x0  }
0x8c: {  	s31 =	simm.s32 $0x400;
	[sflag:s14] =	ssyncadd.s32 $0xFFFFE0C0  }
0x8d: {  	[tilespmem:s30], [sflag:$0x4] =	stream.indirect.gather [hbm4b:s4+s22], $0x40, s31, s22, $0xb8;
	[tilespmem:$0x1D880] =	vst v63  }
0x8e: {  	_ =	swait.ge [sflag:s15], $0x1F40  }
0x8f: {  	[sflag:s15] =	ssyncset.done $0x0  }
0x90: {  	s11 =	simm.s32 $0xA00;
	s29 =	simm.s32 $0x480;
	[sflag:s15] =	ssyncadd.s32 $0xFFFFE0C0  }
.LBB2_3:
0x91: {  	[tilespmem:s0], [sflag:$0x5] =	stream.indirect.gather [hbm4b:s4+s22], $0x40, s29, s22, $0xb8;
	[tilespmem:$0x1D880] =	vst v63  }
0x92: {  	s29 =	smov.u32 s11  }
0x93: {  	p2 =	seq.s32 s11, $0x12C00;
	s11 =	sadd.s32 $0xA00, s11;
	_ =	swait.ge [sflag:s3], $0x1F40  }
0x94: {  	s29 =	sshra.s32 s29, $0x2;
	[sflag:s3] =	ssyncset.done $0x0  }
0x95: {  	s31 =	sadd.s32 $0x5000, s29;
	[sflag:s3] =	ssyncadd.s32 $0xFFFFE0C0  }
0x96: {  	[spmem:s1] =	stream.indirect.scatter.add.f32 [tilespmem:s23], [sflag:$0x6], $0x40, s31, s22, $0xb8;
	[tilespmem:$0x1D880] =	vst v63  }
0x97: {  	_ =	swait.ge [sflag:s21], $0x1F40  }
0x98: {  	[sflag:s21] =	ssyncset.done $0x0  }
0x99: {  	s31 =	sadd.s32 $0x5080, s29;
	[sflag:s21] =	ssyncadd.s32 $0xFFFFE0C0  }
0x9a: {  	[spmem:s1] =	stream.indirect.scatter.add.f32 [tilespmem:s25], [sflag:$0x7], $0x40, s31, s22, $0xb8;
	[tilespmem:$0x1D880] =	vst v63  }
0x9b: {  	_ =	swait.ge [sflag:s2], $0x1F40  }
0x9c: {  	[sflag:s2] =	ssyncset.done $0x0  }
0x9d: {  	s31 =	sadd.s32 $0x5100, s29;
	[sflag:s2] =	ssyncadd.s32 $0xFFFFE0C0  }
0x9e: {  	[spmem:s1] =	stream.indirect.scatter.add.f32 [tilespmem:s28], [sflag:$0x8], $0x40, s31, s22, $0xb8;
	[tilespmem:$0x1D880] =	vst v63  }
0x9f: {  	_ =	swait.ge [sflag:s9], $0x1F40  }
0xa0: {  	[sflag:s9] =	ssyncset.done $0x0  }
0xa1: {  	s31 =	sadd.s32 $0x5180, s29;
	[sflag:s9] =	ssyncadd.s32 $0xFFFFE0C0  }
0xa2: {  	[spmem:s1] =	stream.indirect.scatter.add.f32 [tilespmem:s30], [sflag:$0x9], $0x40, s31, s22, $0xb8;
	[tilespmem:$0x1D880] =	vst v63  }
0xa3: {  	_ =	swait.ge [sflag:s10], $0x1F40  }
0xa4: {  	[sflag:s10] =	ssyncset.done $0x0  }
0xa5: {  	s31 =	sadd.s32 $0x5200, s29;
	[sflag:s10] =	ssyncadd.s32 $0xFFFFE0C0  }
0xa6: {  	[spmem:s1] =	stream.indirect.scatter.add.f32 [tilespmem:s0], [sflag:$0xA], $0x40, s31, s22, $0xb8;
	[tilespmem:$0x1D880] =	vst v63  }
0xa7: {  	_ =	swait.ge [sflag:s12], $0x1F40  }
0xa8: {  	[sflag:s12] =	ssyncset.done $0x0  }
0xa9: {  	s31 =	sadd.s32 $0x280, s29;
	[sflag:s12] =	ssyncadd.s32 $0xFFFFE0C0  }
0xaa: {  	[tilespmem:s23], [sflag:$0x1] =	stream.indirect.gather [hbm4b:s4+s22], $0x40, s31, s22, $0xb8;
	[tilespmem:$0x1D880] =	vst v63  }
0xab: {  	_ =	swait.ge [sflag:s13], $0x1F40  }
0xac: {  	[sflag:s13] =	ssyncset.done $0x0  }
0xad: {  	s31 =	sadd.s32 $0x300, s29;
	[sflag:s13] =	ssyncadd.s32 $0xFFFFE0C0  }
0xae: {  	[tilespmem:s25], [sflag:$0x2] =	stream.indirect.gather [hbm4b:s4+s22], $0x40, s31, s22, $0xb8;
	[tilespmem:$0x1D880] =	vst v63  }
0xaf: {  	_ =	swait.ge [sflag:s24], $0x1F40  }
0xb0: {  	[sflag:s24] =	ssyncset.done $0x0  }
0xb1: {  	s31 =	sadd.s32 $0x380, s29;
	[sflag:s24] =	ssyncadd.s32 $0xFFFFE0C0  }
0xb2: {  	[tilespmem:s28], [sflag:$0x3] =	stream.indirect.gather [hbm4b:s4+s22], $0x40, s31, s22, $0xb8;
	[tilespmem:$0x1D880] =	vst v63  }
0xb3: {  	_ =	swait.ge [sflag:s14], $0x1F40  }
0xb4: {  	[sflag:s14] =	ssyncset.done $0x0  }
.Ltmp3:
0xb5: {  	s31 =	sadd.s32 $0x400, s29;
	[sflag:s14] =	ssyncadd.s32 $0xFFFFE0C0;
	(pc) =	sbr.rel @!p2 .LBB2_3-.Ltmp3, $4  }
0xb6: {  	[tilespmem:s30], [sflag:$0x4] =	stream.indirect.gather [hbm4b:s4+s22], $0x40, s31, s22, $0xb8;
	[tilespmem:$0x1D880] =	vst v63  }
0xb7: {  	_ =	swait.ge [sflag:s15], $0x1F40  }
0xb8: {  	[sflag:s15] =	ssyncset.done $0x0  }
0xb9: {  	s29 =	sadd.s32 $0x480, s29;
	[sflag:s15] =	ssyncadd.s32 $0xFFFFE0C0  }
.Ltmp4:
0xba: {  	(pc) =	sbr.rel .LBB2_8-.Ltmp4, $2  }
0xbb: {  	_ =	sdelay $0x2  }
0xbc: {  	[tilespmem:s0], [sflag:$0x5] =	stream.indirect.gather [hbm4b:s4+s22], $0x40, s29, s22, $0xb8;
	[tilespmem:$0x1D880] =	vst v63  }
.LBB2_5:
0xbd: {  	[tilespmem:s23], [sflag:$0x1] =	stream.indirect.gather [hbm4b:s5+s22], $0x40, s11, s22, $0xb8;
	[tilespmem:$0x1D880] =	vst v63  }
0xbe: {  	s31 =	simm.s32 $0x80  }
0xbf: {  	[tilespmem:s25], [sflag:$0x2] =	stream.indirect.gather [hbm4b:s5+s22], $0x40, s31, s22, $0xb8;
	[tilespmem:$0x1D880] =	vst v63  }
0xc0: {  	s26 =	simm.s32 $0x100  }
0xc1: {  	[tilespmem:s28], [sflag:$0x3] =	stream.indirect.gather [hbm4b:s5+s22], $0x40, s26, s22, $0xb8;
	[tilespmem:$0x1D880] =	vst v63  }
0xc2: {  	s31 =	simm.s32 $0x180  }
0xc3: {  	[tilespmem:s30], [sflag:$0x4] =	stream.indirect.gather [hbm4b:s5+s22], $0x40, s31, s22, $0xb8;
	[tilespmem:$0x1D880] =	vst v63  }
0xc4: {  	s26 =	simm.s32 $0x200  }
0xc5: {  	[tilespmem:s0], [sflag:$0x5] =	stream.indirect.gather [hbm4b:s5+s22], $0x40, s26, s22, $0xb8;
	[tilespmem:$0x1D880] =	vst v63  }
0xc6: {  	_ =	swait.ge [sflag:s3], $0x1F40  }
0xc7: {  	[sflag:s3] =	ssyncset.done $0x0  }
0xc8: {  	s31 =	simm.s32 $0x5000;
	[sflag:s3] =	ssyncadd.s32 $0xFFFFE0C0  }
0xc9: {  	[spmem:s1] =	stream.indirect.scatter.add.f32 [tilespmem:s23], [sflag:$0x6], $0x40, s31, s22, $0xb8;
	[tilespmem:$0x1D880] =	vst v63  }
0xca: {  	_ =	swait.ge [sflag:s21], $0x1F40  }
0xcb: {  	[sflag:s21] =	ssyncset.done $0x0  }
0xcc: {  	s26 =	simm.s32 $0x5080;
	[sflag:s21] =	ssyncadd.s32 $0xFFFFE0C0  }
0xcd: {  	[spmem:s1] =	stream.indirect.scatter.add.f32 [tilespmem:s25], [sflag:$0x7], $0x40, s26, s22, $0xb8;
	[tilespmem:$0x1D880] =	vst v63  }
0xce: {  	_ =	swait.ge [sflag:s2], $0x1F40  }
0xcf: {  	[sflag:s2] =	ssyncset.done $0x0  }
0xd0: {  	s31 =	simm.s32 $0x5100;
	[sflag:s2] =	ssyncadd.s32 $0xFFFFE0C0  }
0xd1: {  	[spmem:s1] =	stream.indirect.scatter.add.f32 [tilespmem:s28], [sflag:$0x8], $0x40, s31, s22, $0xb8;
	[tilespmem:$0x1D880] =	vst v63  }
0xd2: {  	_ =	swait.ge [sflag:s9], $0x1F40  }
0xd3: {  	[sflag:s9] =	ssyncset.done $0x0  }
0xd4: {  	s26 =	simm.s32 $0x5180;
	[sflag:s9] =	ssyncadd.s32 $0xFFFFE0C0  }
0xd5: {  	[spmem:s1] =	stream.indirect.scatter.add.f32 [tilespmem:s30], [sflag:$0x9], $0x40, s26, s22, $0xb8;
	[tilespmem:$0x1D880] =	vst v63  }
0xd6: {  	_ =	swait.ge [sflag:s10], $0x1F40  }
0xd7: {  	[sflag:s10] =	ssyncset.done $0x0  }
0xd8: {  	s31 =	simm.s32 $0x5200;
	[sflag:s10] =	ssyncadd.s32 $0xFFFFE0C0  }
0xd9: {  	[spmem:s1] =	stream.indirect.scatter.add.f32 [tilespmem:s0], [sflag:$0xA], $0x40, s31, s22, $0xb8;
	[tilespmem:$0x1D880] =	vst v63  }
0xda: {  	_ =	swait.ge [sflag:s12], $0x1F40  }
0xdb: {  	[sflag:s12] =	ssyncset.done $0x0  }
0xdc: {  	s26 =	simm.s32 $0x280;
	[sflag:s12] =	ssyncadd.s32 $0xFFFFE0C0  }
0xdd: {  	[tilespmem:s23], [sflag:$0x1] =	stream.indirect.gather [hbm4b:s5+s22], $0x40, s26, s22, $0xb8;
	[tilespmem:$0x1D880] =	vst v63  }
0xde: {  	_ =	swait.ge [sflag:s13], $0x1F40  }
0xdf: {  	[sflag:s13] =	ssyncset.done $0x0  }
0xe0: {  	s31 =	simm.s32 $0x300;
	[sflag:s13] =	ssyncadd.s32 $0xFFFFE0C0  }
0xe1: {  	[tilespmem:s25], [sflag:$0x2] =	stream.indirect.gather [hbm4b:s5+s22], $0x40, s31, s22, $0xb8;
	[tilespmem:$0x1D880] =	vst v63  }
0xe2: {  	_ =	swait.ge [sflag:s24], $0x1F40  }
0xe3: {  	[sflag:s24] =	ssyncset.done $0x0  }
0xe4: {  	s26 =	simm.s32 $0x380;
	[sflag:s24] =	ssyncadd.s32 $0xFFFFE0C0  }
0xe5: {  	[tilespmem:s28], [sflag:$0x3] =	stream.indirect.gather [hbm4b:s5+s22], $0x40, s26, s22, $0xb8;
	[tilespmem:$0x1D880] =	vst v63  }
0xe6: {  	_ =	swait.ge [sflag:s14], $0x1F40  }
0xe7: {  	[sflag:s14] =	ssyncset.done $0x0  }
0xe8: {  	s31 =	simm.s32 $0x400;
	[sflag:s14] =	ssyncadd.s32 $0xFFFFE0C0  }
0xe9: {  	[tilespmem:s30], [sflag:$0x4] =	stream.indirect.gather [hbm4b:s5+s22], $0x40, s31, s22, $0xb8;
	[tilespmem:$0x1D880] =	vst v63  }
0xea: {  	_ =	swait.ge [sflag:s15], $0x1F40  }
0xeb: {  	[sflag:s15] =	ssyncset.done $0x0  }
0xec: {  	s11 =	simm.s32 $0xA00;
	s29 =	simm.s32 $0x480;
	[sflag:s15] =	ssyncadd.s32 $0xFFFFE0C0  }
.LBB2_6:
0xed: {  	[tilespmem:s0], [sflag:$0x5] =	stream.indirect.gather [hbm4b:s5+s22], $0x40, s29, s22, $0xb8;
	[tilespmem:$0x1D880] =	vst v63  }
0xee: {  	s29 =	smov.u32 s11  }
0xef: {  	p2 =	sne.s32 s11, $0x12C00;
	s11 =	sadd.s32 $0xA00, s11;
	_ =	swait.ge [sflag:s3], $0x1F40  }
0xf0: {  	s29 =	sshra.s32 s29, $0x2;
	[sflag:s3] =	ssyncset.done $0x0  }
0xf1: {  	s31 =	sadd.s32 $0x5000, s29;
	[sflag:s3] =	ssyncadd.s32 $0xFFFFE0C0  }
0xf2: {  	[spmem:s1] =	stream.indirect.scatter.add.f32 [tilespmem:s23], [sflag:$0x6], $0x40, s31, s22, $0xb8;
	[tilespmem:$0x1D880] =	vst v63  }
0xf3: {  	_ =	swait.ge [sflag:s21], $0x1F40  }
0xf4: {  	[sflag:s21] =	ssyncset.done $0x0  }
0xf5: {  	s31 =	sadd.s32 $0x5080, s29;
	[sflag:s21] =	ssyncadd.s32 $0xFFFFE0C0  }
0xf6: {  	[spmem:s1] =	stream.indirect.scatter.add.f32 [tilespmem:s25], [sflag:$0x7], $0x40, s31, s22, $0xb8;
	[tilespmem:$0x1D880] =	vst v63  }
0xf7: {  	_ =	swait.ge [sflag:s2], $0x1F40  }
0xf8: {  	[sflag:s2] =	ssyncset.done $0x0  }
0xf9: {  	s31 =	sadd.s32 $0x5100, s29;
	[sflag:s2] =	ssyncadd.s32 $0xFFFFE0C0  }
0xfa: {  	[spmem:s1] =	stream.indirect.scatter.add.f32 [tilespmem:s28], [sflag:$0x8], $0x40, s31, s22, $0xb8;
	[tilespmem:$0x1D880] =	vst v63  }
0xfb: {  	_ =	swait.ge [sflag:s9], $0x1F40  }
0xfc: {  	[sflag:s9] =	ssyncset.done $0x0  }
0xfd: {  	s31 =	sadd.s32 $0x5180, s29;
	[sflag:s9] =	ssyncadd.s32 $0xFFFFE0C0  }
0xfe: {  	[spmem:s1] =	stream.indirect.scatter.add.f32 [tilespmem:s30], [sflag:$0x9], $0x40, s31, s22, $0xb8;
	[tilespmem:$0x1D880] =	vst v63  }
0xff: {  	_ =	swait.ge [sflag:s10], $0x1F40  }
0x100: {  	[sflag:s10] =	ssyncset.done $0x0  }
0x101: {  	s31 =	sadd.s32 $0x5200, s29;
	[sflag:s10] =	ssyncadd.s32 $0xFFFFE0C0  }
0x102: {  	[spmem:s1] =	stream.indirect.scatter.add.f32 [tilespmem:s0], [sflag:$0xA], $0x40, s31, s22, $0xb8;
	[tilespmem:$0x1D880] =	vst v63  }
0x103: {  	_ =	swait.ge [sflag:s12], $0x1F40  }
0x104: {  	[sflag:s12] =	ssyncset.done $0x0  }
0x105: {  	s31 =	sadd.s32 $0x280, s29;
	[sflag:s12] =	ssyncadd.s32 $0xFFFFE0C0  }
0x106: {  	[tilespmem:s23], [sflag:$0x1] =	stream.indirect.gather [hbm4b:s5+s22], $0x40, s31, s22, $0xb8;
	[tilespmem:$0x1D880] =	vst v63  }
0x107: {  	_ =	swait.ge [sflag:s13], $0x1F40  }
0x108: {  	[sflag:s13] =	ssyncset.done $0x0  }
0x109: {  	s31 =	sadd.s32 $0x300, s29;
	[sflag:s13] =	ssyncadd.s32 $0xFFFFE0C0  }
0x10a: {  	[tilespmem:s25], [sflag:$0x2] =	stream.indirect.gather [hbm4b:s5+s22], $0x40, s31, s22, $0xb8;
	[tilespmem:$0x1D880] =	vst v63  }
0x10b: {  	_ =	swait.ge [sflag:s24], $0x1F40  }
0x10c: {  	[sflag:s24] =	ssyncset.done $0x0  }
0x10d: {  	s31 =	sadd.s32 $0x380, s29;
	[sflag:s24] =	ssyncadd.s32 $0xFFFFE0C0  }
0x10e: {  	[tilespmem:s28], [sflag:$0x3] =	stream.indirect.gather [hbm4b:s5+s22], $0x40, s31, s22, $0xb8;
	[tilespmem:$0x1D880] =	vst v63  }
0x10f: {  	_ =	swait.ge [sflag:s14], $0x1F40  }
0x110: {  	[sflag:s14] =	ssyncset.done $0x0  }
.Ltmp5:
0x111: {  	s31 =	sadd.s32 $0x400, s29;
	[sflag:s14] =	ssyncadd.s32 $0xFFFFE0C0;
	(pc) =	sbr.rel @p2 .LBB2_6-.Ltmp5, $4  }
0x112: {  	[tilespmem:s30], [sflag:$0x4] =	stream.indirect.gather [hbm4b:s5+s22], $0x40, s31, s22, $0xb8;
	[tilespmem:$0x1D880] =	vst v63  }
0x113: {  	_ =	swait.ge [sflag:s15], $0x1F40  }
0x114: {  	[sflag:s15] =	ssyncset.done $0x0  }
0x115: {  	s29 =	sadd.s32 $0x480, s29;
	[sflag:s15] =	ssyncadd.s32 $0xFFFFE0C0  }
0x116: {  	[tilespmem:s0], [sflag:$0x5] =	stream.indirect.gather [hbm4b:s5+s22], $0x40, s29, s22, $0xb8;
	[tilespmem:$0x1D880] =	vst v63  }
.LBB2_8:
0x117: {  	_ =	swait.ge [sflag:s3], $0x1F40  }
0x118: {  	[sflag:s3] =	ssyncset.done $0x0  }
0x119: {  	s11 =	simm.s32 $0x9D80;
	[sflag:s3] =	ssyncadd.s32 $0xFFFFE0C0  }
0x11a: {  	[spmem:s1] =	stream.indirect.scatter.add.f32 [tilespmem:s23], [sflag:$0x6], $0x40, s11, s22, $0xb8;
	[tilespmem:$0x1D880] =	vst v63  }
0x11b: {  	_ =	swait.ge [sflag:s21], $0x1F40  }
0x11c: {  	[sflag:s21] =	ssyncset.done $0x0  }
0x11d: {  	s31 =	simm.s32 $0x9E00;
	[sflag:s21] =	ssyncadd.s32 $0xFFFFE0C0  }
0x11e: {  	[spmem:s1] =	stream.indirect.scatter.add.f32 [tilespmem:s25], [sflag:$0x7], $0x40, s31, s22, $0xb8;
	[tilespmem:$0x1D880] =	vst v63  }
0x11f: {  	_ =	swait.ge [sflag:s2], $0x1F40  }
0x120: {  	[sflag:s2] =	ssyncset.done $0x0  }
0x121: {  	s26 =	simm.s32 $0x9E80;
	[sflag:s2] =	ssyncadd.s32 $0xFFFFE0C0  }
0x122: {  	[spmem:s1] =	stream.indirect.scatter.add.f32 [tilespmem:s28], [sflag:$0x8], $0x40, s26, s22, $0xb8;
	[tilespmem:$0x1D880] =	vst v63  }
0x123: {  	_ =	swait.ge [sflag:s9], $0x1F40  }
0x124: {  	[sflag:s9] =	ssyncset.done $0x0  }
0x125: {  	s29 =	simm.s32 $0x9F00;
	[sflag:s9] =	ssyncadd.s32 $0xFFFFE0C0  }
0x126: {  	[spmem:s1] =	stream.indirect.scatter.add.f32 [tilespmem:s30], [sflag:$0x9], $0x40, s29, s22, $0xb8;
	[tilespmem:$0x1D880] =	vst v63  }
0x127: {  	_ =	swait.ge [sflag:s10], $0x1F40  }
0x128: {  	[sflag:s10] =	ssyncset.done $0x0  }
0x129: {  	s31 =	simm.s32 $0x9F80;
	[sflag:s10] =	ssyncadd.s32 $0xFFFFE0C0  }
0x12a: {  	[spmem:s1] =	stream.indirect.scatter.add.f32 [tilespmem:s0], [sflag:$0xA], $0x40, s31, s22, $0xb8;
	[tilespmem:$0x1D880] =	vst v63  }
0x12b: {  	_ =	swait.ge [sflag:s12], $0x1F40  }
0x12c: {  	[sflag:s12] =	ssyncset.done $0x0  }
0x12d: {  	[sflag:s12] =	ssyncadd.s32 $0xFFFFE0C0  }
0x12e: {  	_ =	swait.ge [sflag:s13], $0x1F40  }
0x12f: {  	[sflag:s13] =	ssyncset.done $0x0  }
0x130: {  	[sflag:s13] =	ssyncadd.s32 $0xFFFFE0C0  }
0x131: {  	_ =	swait.ge [sflag:s24], $0x1F40  }
0x132: {  	[sflag:s24] =	ssyncset.done $0x0  }
0x133: {  	[sflag:s24] =	ssyncadd.s32 $0xFFFFE0C0  }
0x134: {  	_ =	swait.ge [sflag:s14], $0x1F40  }
0x135: {  	[sflag:s14] =	ssyncset.done $0x0  }
0x136: {  	[sflag:s14] =	ssyncadd.s32 $0xFFFFE0C0  }
0x137: {  	_ =	swait.ge [sflag:s15], $0x1F40  }
0x138: {  	[sflag:s15] =	ssyncset.done $0x0  }
0x139: {  	[sflag:s15] =	ssyncadd.s32 $0xFFFFE0C0  }
0x13a: {  	[bflag:$0x0] =	sbarrier.arrive $0xFFFF  }
0x13b: {  	s11 =	simm.s32 @p0 $0x1FCB;
	s29 =	simm.s32 @p0 $0xB;
	s26 =	rddreg [dreg:$0x7]  }
0x13c: {  	[hbm:s26], [sflag:s11] =	dma.local @p0 [spmem:s17], $0x1400  }
0x13d: {  	_ =	swait.ge @p0 [sflag:s29], $0x1400  }
0x13e: {  	[sflag:s29] =	ssyncset.done @p0 $0x0  }
0x13f: {  	[sflag:s29] =	ssyncadd.s32 @p0 $0xFFFFEC00  }
0x140: {  	[spmem:s17], [sflag:s11] =	dma.local @p0 [hbm:s8], $0x1400  }
0x141: {  	_ =	swait.ge @p0 [sflag:s29], $0x1400  }
0x142: {  	s11 =	rddreg [dreg:$0x6]  }
0x143: {  	[sflag:s29] =	ssyncset.done @p0 $0x0;
	s26 =	rddreg [dreg:$0x5]  }
0x144: {  	[sflag:s29] =	ssyncadd.s32 @p0 $0xFFFFEC00;
	s11 =	sshrl.u32 @!p0 s11, $0x3;
	s29 =	simm.s32 @!p0 $0xB  }
0x145: {  	[hbm:s26], [sflag:s18] =	dma.local @!p0 [spmem:s11], $0x1380  }
0x146: {  	_ =	swait.ge @!p0 [sflag:s29], $0x1380  }
0x147: {  	[sflag:s29] =	ssyncset.done @!p0 $0x0  }
0x148: {  	[sflag:s29] =	ssyncadd.s32 @!p0 $0xFFFFEC80  }
0x149: {  	[spmem:s19], [sflag:s18] =	dma.local @!p0 [hbm:s8], $0x1380  }
.Ltmp6:
0x14a: {  	_ =	swait.ge @!p0 [sflag:s29], $0x1380;
	(pc) =	sbr.rel @p1 .LBB2_12-.Ltmp6, $3  }
0x14b: {  	[sflag:s29] =	ssyncset.done @!p0 $0x0  }
0x14c: {  	[sflag:s29] =	ssyncadd.s32 @!p0 $0xFFFFEC80  }
0x14d: {  	[bflag:$0x0] =	sbarrier.arrive $0xFFFF;
	_ =	sdelay $0x1  }
0x14e: {  	s29 =	simm.s32 $0x0  }
0x14f: {  	[tilespmem:s23], [sflag:$0x1] =	stream.indirect.gather [hbm4b:s6+s22], $0x40, s29, s22, $0xb8;
	[tilespmem:$0x1D880] =	vst v63  }
0x150: {  	s26 =	simm.s32 $0x80  }
0x151: {  	[tilespmem:s25], [sflag:$0x2] =	stream.indirect.gather [hbm4b:s6+s22], $0x40, s26, s22, $0xb8;
	[tilespmem:$0x1D880] =	vst v63  }
0x152: {  	s26 =	simm.s32 $0x100  }
0x153: {  	[tilespmem:s28], [sflag:$0x3] =	stream.indirect.gather [hbm4b:s6+s22], $0x40, s26, s22, $0xb8;
	[tilespmem:$0x1D880] =	vst v63  }
0x154: {  	s26 =	simm.s32 $0x180  }
0x155: {  	[tilespmem:s30], [sflag:$0x4] =	stream.indirect.gather [hbm4b:s6+s22], $0x40, s26, s22, $0xb8;
	[tilespmem:$0x1D880] =	vst v63  }
0x156: {  	s26 =	simm.s32 $0x200  }
0x157: {  	[tilespmem:s0], [sflag:$0x5] =	stream.indirect.gather [hbm4b:s6+s22], $0x40, s26, s22, $0xb8;
	[tilespmem:$0x1D880] =	vst v63  }
0x158: {  	_ =	swait.ge [sflag:s3], $0x1F40  }
0x159: {  	[sflag:s3] =	ssyncset.done $0x0  }
0x15a: {  	s29 =	simm.s32 $0x5000;
	[sflag:s3] =	ssyncadd.s32 $0xFFFFE0C0  }
0x15b: {  	[spmem:s1] =	stream.indirect.scatter.add.f32 [tilespmem:s23], [sflag:$0x6], $0x40, s29, s22, $0xb8;
	[tilespmem:$0x1D880] =	vst v63  }
0x15c: {  	_ =	swait.ge [sflag:s21], $0x1F40  }
0x15d: {  	[sflag:s21] =	ssyncset.done $0x0  }
0x15e: {  	s29 =	simm.s32 $0x5080;
	[sflag:s21] =	ssyncadd.s32 $0xFFFFE0C0  }
0x15f: {  	[spmem:s1] =	stream.indirect.scatter.add.f32 [tilespmem:s25], [sflag:$0x7], $0x40, s29, s22, $0xb8;
	[tilespmem:$0x1D880] =	vst v63  }
0x160: {  	_ =	swait.ge [sflag:s2], $0x1F40  }
0x161: {  	[sflag:s2] =	ssyncset.done $0x0  }
0x162: {  	s29 =	simm.s32 $0x5100;
	[sflag:s2] =	ssyncadd.s32 $0xFFFFE0C0  }
0x163: {  	[spmem:s1] =	stream.indirect.scatter.add.f32 [tilespmem:s28], [sflag:$0x8], $0x40, s29, s22, $0xb8;
	[tilespmem:$0x1D880] =	vst v63  }
0x164: {  	_ =	swait.ge [sflag:s9], $0x1F40  }
0x165: {  	[sflag:s9] =	ssyncset.done $0x0  }
0x166: {  	s29 =	simm.s32 $0x5180;
	[sflag:s9] =	ssyncadd.s32 $0xFFFFE0C0  }
0x167: {  	[spmem:s1] =	stream.indirect.scatter.add.f32 [tilespmem:s30], [sflag:$0x9], $0x40, s29, s22, $0xb8;
	[tilespmem:$0x1D880] =	vst v63  }
0x168: {  	_ =	swait.ge [sflag:s10], $0x1F40  }
0x169: {  	[sflag:s10] =	ssyncset.done $0x0  }
0x16a: {  	s29 =	simm.s32 $0x5200;
	[sflag:s10] =	ssyncadd.s32 $0xFFFFE0C0  }
0x16b: {  	[spmem:s1] =	stream.indirect.scatter.add.f32 [tilespmem:s0], [sflag:$0xA], $0x40, s29, s22, $0xb8;
	[tilespmem:$0x1D880] =	vst v63  }
0x16c: {  	_ =	swait.ge [sflag:s12], $0x1F40  }
0x16d: {  	[sflag:s12] =	ssyncset.done $0x0  }
0x16e: {  	s29 =	simm.s32 $0x280;
	[sflag:s12] =	ssyncadd.s32 $0xFFFFE0C0  }
0x16f: {  	[tilespmem:s23], [sflag:$0x1] =	stream.indirect.gather [hbm4b:s6+s22], $0x40, s29, s22, $0xb8;
	[tilespmem:$0x1D880] =	vst v63  }
0x170: {  	_ =	swait.ge [sflag:s13], $0x1F40  }
0x171: {  	[sflag:s13] =	ssyncset.done $0x0  }
0x172: {  	s29 =	simm.s32 $0x300;
	[sflag:s13] =	ssyncadd.s32 $0xFFFFE0C0  }
0x173: {  	[tilespmem:s25], [sflag:$0x2] =	stream.indirect.gather [hbm4b:s6+s22], $0x40, s29, s22, $0xb8;
	[tilespmem:$0x1D880] =	vst v63  }
0x174: {  	_ =	swait.ge [sflag:s24], $0x1F40  }
0x175: {  	[sflag:s24] =	ssyncset.done $0x0  }
0x176: {  	s29 =	simm.s32 $0x380;
	[sflag:s24] =	ssyncadd.s32 $0xFFFFE0C0  }
0x177: {  	[tilespmem:s28], [sflag:$0x3] =	stream.indirect.gather [hbm4b:s6+s22], $0x40, s29, s22, $0xb8;
	[tilespmem:$0x1D880] =	vst v63  }
0x178: {  	_ =	swait.ge [sflag:s14], $0x1F40  }
0x179: {  	[sflag:s14] =	ssyncset.done $0x0  }
0x17a: {  	s29 =	simm.s32 $0x400;
	[sflag:s14] =	ssyncadd.s32 $0xFFFFE0C0  }
0x17b: {  	[tilespmem:s30], [sflag:$0x4] =	stream.indirect.gather [hbm4b:s6+s22], $0x40, s29, s22, $0xb8;
	[tilespmem:$0x1D880] =	vst v63  }
0x17c: {  	_ =	swait.ge [sflag:s15], $0x1F40  }
0x17d: {  	[sflag:s15] =	ssyncset.done $0x0  }
0x17e: {  	s31 =	simm.s32 $0x480;
	s29 =	simm.s32 $0xA00;
	[sflag:s15] =	ssyncadd.s32 $0xFFFFE0C0  }
.LBB2_10:
0x17f: {  	[tilespmem:s0], [sflag:$0x5] =	stream.indirect.gather [hbm4b:s6+s22], $0x40, s31, s22, $0xb8;
	[tilespmem:$0x1D880] =	vst v63  }
0x180: {  	s31 =	smov.u32 s29  }
0x181: {  	p2 =	seq.s32 s29, $0x12C00;
	s29 =	sadd.s32 $0xA00, s29;
	_ =	swait.ge [sflag:s3], $0x1F40  }
0x182: {  	s31 =	sshra.s32 s31, $0x2;
	[sflag:s3] =	ssyncset.done $0x0  }
0x183: {  	s26 =	sadd.s32 $0x5000, s31;
	[sflag:s3] =	ssyncadd.s32 $0xFFFFE0C0  }
0x184: {  	[spmem:s1] =	stream.indirect.scatter.add.f32 [tilespmem:s23], [sflag:$0x6], $0x40, s26, s22, $0xb8;
	[tilespmem:$0x1D880] =	vst v63  }
0x185: {  	_ =	swait.ge [sflag:s21], $0x1F40  }
0x186: {  	[sflag:s21] =	ssyncset.done $0x0  }
0x187: {  	s26 =	sadd.s32 $0x5080, s31;
	[sflag:s21] =	ssyncadd.s32 $0xFFFFE0C0  }
0x188: {  	[spmem:s1] =	stream.indirect.scatter.add.f32 [tilespmem:s25], [sflag:$0x7], $0x40, s26, s22, $0xb8;
	[tilespmem:$0x1D880] =	vst v63  }
0x189: {  	_ =	swait.ge [sflag:s2], $0x1F40  }
0x18a: {  	[sflag:s2] =	ssyncset.done $0x0  }
0x18b: {  	s26 =	sadd.s32 $0x5100, s31;
	[sflag:s2] =	ssyncadd.s32 $0xFFFFE0C0  }
0x18c: {  	[spmem:s1] =	stream.indirect.scatter.add.f32 [tilespmem:s28], [sflag:$0x8], $0x40, s26, s22, $0xb8;
	[tilespmem:$0x1D880] =	vst v63  }
0x18d: {  	_ =	swait.ge [sflag:s9], $0x1F40  }
0x18e: {  	[sflag:s9] =	ssyncset.done $0x0  }
0x18f: {  	s26 =	sadd.s32 $0x5180, s31;
	[sflag:s9] =	ssyncadd.s32 $0xFFFFE0C0  }
0x190: {  	[spmem:s1] =	stream.indirect.scatter.add.f32 [tilespmem:s30], [sflag:$0x9], $0x40, s26, s22, $0xb8;
	[tilespmem:$0x1D880] =	vst v63  }
0x191: {  	_ =	swait.ge [sflag:s10], $0x1F40  }
0x192: {  	[sflag:s10] =	ssyncset.done $0x0  }
0x193: {  	s26 =	sadd.s32 $0x5200, s31;
	[sflag:s10] =	ssyncadd.s32 $0xFFFFE0C0  }
0x194: {  	[spmem:s1] =	stream.indirect.scatter.add.f32 [tilespmem:s0], [sflag:$0xA], $0x40, s26, s22, $0xb8;
	[tilespmem:$0x1D880] =	vst v63  }
0x195: {  	_ =	swait.ge [sflag:s12], $0x1F40  }
0x196: {  	[sflag:s12] =	ssyncset.done $0x0  }
0x197: {  	s26 =	sadd.s32 $0x280, s31;
	[sflag:s12] =	ssyncadd.s32 $0xFFFFE0C0  }
0x198: {  	[tilespmem:s23], [sflag:$0x1] =	stream.indirect.gather [hbm4b:s6+s22], $0x40, s26, s22, $0xb8;
	[tilespmem:$0x1D880] =	vst v63  }
0x199: {  	_ =	swait.ge [sflag:s13], $0x1F40  }
0x19a: {  	[sflag:s13] =	ssyncset.done $0x0  }
0x19b: {  	s26 =	sadd.s32 $0x300, s31;
	[sflag:s13] =	ssyncadd.s32 $0xFFFFE0C0  }
0x19c: {  	[tilespmem:s25], [sflag:$0x2] =	stream.indirect.gather [hbm4b:s6+s22], $0x40, s26, s22, $0xb8;
	[tilespmem:$0x1D880] =	vst v63  }
0x19d: {  	_ =	swait.ge [sflag:s24], $0x1F40  }
0x19e: {  	[sflag:s24] =	ssyncset.done $0x0  }
0x19f: {  	s26 =	sadd.s32 $0x380, s31;
	[sflag:s24] =	ssyncadd.s32 $0xFFFFE0C0  }
0x1a0: {  	[tilespmem:s28], [sflag:$0x3] =	stream.indirect.gather [hbm4b:s6+s22], $0x40, s26, s22, $0xb8;
	[tilespmem:$0x1D880] =	vst v63  }
0x1a1: {  	_ =	swait.ge [sflag:s14], $0x1F40  }
0x1a2: {  	[sflag:s14] =	ssyncset.done $0x0  }
.Ltmp7:
0x1a3: {  	s26 =	sadd.s32 $0x400, s31;
	[sflag:s14] =	ssyncadd.s32 $0xFFFFE0C0;
	(pc) =	sbr.rel @!p2 .LBB2_10-.Ltmp7, $4  }
0x1a4: {  	[tilespmem:s30], [sflag:$0x4] =	stream.indirect.gather [hbm4b:s6+s22], $0x40, s26, s22, $0xb8;
	[tilespmem:$0x1D880] =	vst v63  }
0x1a5: {  	_ =	swait.ge [sflag:s15], $0x1F40  }
0x1a6: {  	[sflag:s15] =	ssyncset.done $0x0  }
0x1a7: {  	s31 =	sadd.s32 $0x480, s31;
	[sflag:s15] =	ssyncadd.s32 $0xFFFFE0C0  }
.Ltmp8:
0x1a8: {  	(pc) =	sbr.rel .LBB2_15-.Ltmp8, $2  }
0x1a9: {  	_ =	sdelay $0x2  }
0x1aa: {  	[tilespmem:s0], [sflag:$0x5] =	stream.indirect.gather [hbm4b:s6+s22], $0x40, s31, s22, $0xb8;
	[tilespmem:$0x1D880] =	vst v63  }
.LBB2_12:
0x1ab: {  	s26 =	simm.s32 $0x0  }
0x1ac: {  	[tilespmem:s23], [sflag:$0x1] =	stream.indirect.gather [hbm4b:s7+s22], $0x40, s26, s22, $0xb8;
	[tilespmem:$0x1D880] =	vst v63  }
0x1ad: {  	s26 =	simm.s32 $0x80  }
0x1ae: {  	[tilespmem:s25], [sflag:$0x2] =	stream.indirect.gather [hbm4b:s7+s22], $0x40, s26, s22, $0xb8;
	[tilespmem:$0x1D880] =	vst v63  }
0x1af: {  	s26 =	simm.s32 $0x100  }
0x1b0: {  	[tilespmem:s28], [sflag:$0x3] =	stream.indirect.gather [hbm4b:s7+s22], $0x40, s26, s22, $0xb8;
	[tilespmem:$0x1D880] =	vst v63  }
0x1b1: {  	s26 =	simm.s32 $0x180  }
0x1b2: {  	[tilespmem:s30], [sflag:$0x4] =	stream.indirect.gather [hbm4b:s7+s22], $0x40, s26, s22, $0xb8;
	[tilespmem:$0x1D880] =	vst v63  }
0x1b3: {  	s26 =	simm.s32 $0x200  }
0x1b4: {  	[tilespmem:s0], [sflag:$0x5] =	stream.indirect.gather [hbm4b:s7+s22], $0x40, s26, s22, $0xb8;
	[tilespmem:$0x1D880] =	vst v63  }
0x1b5: {  	_ =	swait.ge [sflag:s3], $0x1F40  }
0x1b6: {  	[sflag:s3] =	ssyncset.done $0x0  }
0x1b7: {  	s26 =	simm.s32 $0x5000;
	[sflag:s3] =	ssyncadd.s32 $0xFFFFE0C0  }
0x1b8: {  	[spmem:s1] =	stream.indirect.scatter.add.f32 [tilespmem:s23], [sflag:$0x6], $0x40, s26, s22, $0xb8;
	[tilespmem:$0x1D880] =	vst v63  }
0x1b9: {  	_ =	swait.ge [sflag:s21], $0x1F40  }
0x1ba: {  	[sflag:s21] =	ssyncset.done $0x0  }
0x1bb: {  	s26 =	simm.s32 $0x5080;
	[sflag:s21] =	ssyncadd.s32 $0xFFFFE0C0  }
0x1bc: {  	[spmem:s1] =	stream.indirect.scatter.add.f32 [tilespmem:s25], [sflag:$0x7], $0x40, s26, s22, $0xb8;
	[tilespmem:$0x1D880] =	vst v63  }
0x1bd: {  	_ =	swait.ge [sflag:s2], $0x1F40  }
0x1be: {  	[sflag:s2] =	ssyncset.done $0x0  }
0x1bf: {  	s26 =	simm.s32 $0x5100;
	[sflag:s2] =	ssyncadd.s32 $0xFFFFE0C0  }
0x1c0: {  	[spmem:s1] =	stream.indirect.scatter.add.f32 [tilespmem:s28], [sflag:$0x8], $0x40, s26, s22, $0xb8;
	[tilespmem:$0x1D880] =	vst v63  }
0x1c1: {  	_ =	swait.ge [sflag:s9], $0x1F40  }
0x1c2: {  	[sflag:s9] =	ssyncset.done $0x0  }
0x1c3: {  	s26 =	simm.s32 $0x5180;
	[sflag:s9] =	ssyncadd.s32 $0xFFFFE0C0  }
0x1c4: {  	[spmem:s1] =	stream.indirect.scatter.add.f32 [tilespmem:s30], [sflag:$0x9], $0x40, s26, s22, $0xb8;
	[tilespmem:$0x1D880] =	vst v63  }
0x1c5: {  	_ =	swait.ge [sflag:s10], $0x1F40  }
0x1c6: {  	[sflag:s10] =	ssyncset.done $0x0  }
0x1c7: {  	s26 =	simm.s32 $0x5200;
	[sflag:s10] =	ssyncadd.s32 $0xFFFFE0C0  }
0x1c8: {  	[spmem:s1] =	stream.indirect.scatter.add.f32 [tilespmem:s0], [sflag:$0xA], $0x40, s26, s22, $0xb8;
	[tilespmem:$0x1D880] =	vst v63  }
0x1c9: {  	_ =	swait.ge [sflag:s12], $0x1F40  }
0x1ca: {  	[sflag:s12] =	ssyncset.done $0x0  }
0x1cb: {  	s26 =	simm.s32 $0x280;
	[sflag:s12] =	ssyncadd.s32 $0xFFFFE0C0  }
0x1cc: {  	[tilespmem:s23], [sflag:$0x1] =	stream.indirect.gather [hbm4b:s7+s22], $0x40, s26, s22, $0xb8;
	[tilespmem:$0x1D880] =	vst v63  }
0x1cd: {  	_ =	swait.ge [sflag:s13], $0x1F40  }
0x1ce: {  	[sflag:s13] =	ssyncset.done $0x0  }
0x1cf: {  	s26 =	simm.s32 $0x300;
	[sflag:s13] =	ssyncadd.s32 $0xFFFFE0C0  }
0x1d0: {  	[tilespmem:s25], [sflag:$0x2] =	stream.indirect.gather [hbm4b:s7+s22], $0x40, s26, s22, $0xb8;
	[tilespmem:$0x1D880] =	vst v63  }
0x1d1: {  	_ =	swait.ge [sflag:s24], $0x1F40  }
0x1d2: {  	[sflag:s24] =	ssyncset.done $0x0  }
0x1d3: {  	s26 =	simm.s32 $0x380;
	[sflag:s24] =	ssyncadd.s32 $0xFFFFE0C0  }
0x1d4: {  	[tilespmem:s28], [sflag:$0x3] =	stream.indirect.gather [hbm4b:s7+s22], $0x40, s26, s22, $0xb8;
	[tilespmem:$0x1D880] =	vst v63  }
0x1d5: {  	_ =	swait.ge [sflag:s14], $0x1F40  }
0x1d6: {  	[sflag:s14] =	ssyncset.done $0x0  }
0x1d7: {  	s26 =	simm.s32 $0x400;
	[sflag:s14] =	ssyncadd.s32 $0xFFFFE0C0  }
0x1d8: {  	[tilespmem:s30], [sflag:$0x4] =	stream.indirect.gather [hbm4b:s7+s22], $0x40, s26, s22, $0xb8;
	[tilespmem:$0x1D880] =	vst v63  }
0x1d9: {  	_ =	swait.ge [sflag:s15], $0x1F40  }
0x1da: {  	[sflag:s15] =	ssyncset.done $0x0  }
0x1db: {  	s29 =	simm.s32 $0xA00;
	s31 =	simm.s32 $0x480;
	[sflag:s15] =	ssyncadd.s32 $0xFFFFE0C0  }
.LBB2_13:
0x1dc: {  	[tilespmem:s0], [sflag:$0x5] =	stream.indirect.gather [hbm4b:s7+s22], $0x40, s31, s22, $0xb8;
	[tilespmem:$0x1D880] =	vst v63  }
0x1dd: {  	s26 =	smov.u32 s29  }
0x1de: {  	p2 =	sne.s32 s29, $0x12C00;
	s29 =	sadd.s32 $0xA00, s29;
	_ =	swait.ge [sflag:s3], $0x1F40  }
0x1df: {  	s31 =	sshra.s32 s26, $0x2;
	[sflag:s3] =	ssyncset.done $0x0  }
0x1e0: {  	s26 =	sadd.s32 $0x5000, s31;
	[sflag:s3] =	ssyncadd.s32 $0xFFFFE0C0  }
0x1e1: {  	[spmem:s1] =	stream.indirect.scatter.add.f32 [tilespmem:s23], [sflag:$0x6], $0x40, s26, s22, $0xb8;
	[tilespmem:$0x1D880] =	vst v63  }
0x1e2: {  	_ =	swait.ge [sflag:s21], $0x1F40  }
0x1e3: {  	[sflag:s21] =	ssyncset.done $0x0  }
0x1e4: {  	s26 =	sadd.s32 $0x5080, s31;
	[sflag:s21] =	ssyncadd.s32 $0xFFFFE0C0  }
0x1e5: {  	[spmem:s1] =	stream.indirect.scatter.add.f32 [tilespmem:s25], [sflag:$0x7], $0x40, s26, s22, $0xb8;
	[tilespmem:$0x1D880] =	vst v63  }
0x1e6: {  	_ =	swait.ge [sflag:s2], $0x1F40  }
0x1e7: {  	[sflag:s2] =	ssyncset.done $0x0  }
0x1e8: {  	s26 =	sadd.s32 $0x5100, s31;
	[sflag:s2] =	ssyncadd.s32 $0xFFFFE0C0  }
0x1e9: {  	[spmem:s1] =	stream.indirect.scatter.add.f32 [tilespmem:s28], [sflag:$0x8], $0x40, s26, s22, $0xb8;
	[tilespmem:$0x1D880] =	vst v63  }
0x1ea: {  	_ =	swait.ge [sflag:s9], $0x1F40  }
0x1eb: {  	[sflag:s9] =	ssyncset.done $0x0  }
0x1ec: {  	s26 =	sadd.s32 $0x5180, s31;
	[sflag:s9] =	ssyncadd.s32 $0xFFFFE0C0  }
0x1ed: {  	[spmem:s1] =	stream.indirect.scatter.add.f32 [tilespmem:s30], [sflag:$0x9], $0x40, s26, s22, $0xb8;
	[tilespmem:$0x1D880] =	vst v63  }
0x1ee: {  	_ =	swait.ge [sflag:s10], $0x1F40  }
0x1ef: {  	[sflag:s10] =	ssyncset.done $0x0  }
0x1f0: {  	s26 =	sadd.s32 $0x5200, s31;
	[sflag:s10] =	ssyncadd.s32 $0xFFFFE0C0  }
0x1f1: {  	[spmem:s1] =	stream.indirect.scatter.add.f32 [tilespmem:s0], [sflag:$0xA], $0x40, s26, s22, $0xb8;
	[tilespmem:$0x1D880] =	vst v63  }
0x1f2: {  	_ =	swait.ge [sflag:s12], $0x1F40  }
0x1f3: {  	[sflag:s12] =	ssyncset.done $0x0  }
0x1f4: {  	s26 =	sadd.s32 $0x280, s31;
	[sflag:s12] =	ssyncadd.s32 $0xFFFFE0C0  }
0x1f5: {  	[tilespmem:s23], [sflag:$0x1] =	stream.indirect.gather [hbm4b:s7+s22], $0x40, s26, s22, $0xb8;
	[tilespmem:$0x1D880] =	vst v63  }
0x1f6: {  	_ =	swait.ge [sflag:s13], $0x1F40  }
0x1f7: {  	[sflag:s13] =	ssyncset.done $0x0  }
0x1f8: {  	s26 =	sadd.s32 $0x300, s31;
	[sflag:s13] =	ssyncadd.s32 $0xFFFFE0C0  }
0x1f9: {  	[tilespmem:s25], [sflag:$0x2] =	stream.indirect.gather [hbm4b:s7+s22], $0x40, s26, s22, $0xb8;
	[tilespmem:$0x1D880] =	vst v63  }
0x1fa: {  	_ =	swait.ge [sflag:s24], $0x1F40  }
0x1fb: {  	[sflag:s24] =	ssyncset.done $0x0  }
0x1fc: {  	s26 =	sadd.s32 $0x380, s31;
	[sflag:s24] =	ssyncadd.s32 $0xFFFFE0C0  }
0x1fd: {  	[tilespmem:s28], [sflag:$0x3] =	stream.indirect.gather [hbm4b:s7+s22], $0x40, s26, s22, $0xb8;
	[tilespmem:$0x1D880] =	vst v63  }
0x1fe: {  	_ =	swait.ge [sflag:s14], $0x1F40  }
0x1ff: {  	[sflag:s14] =	ssyncset.done $0x0  }
.Ltmp9:
0x200: {  	s26 =	sadd.s32 $0x400, s31;
	[sflag:s14] =	ssyncadd.s32 $0xFFFFE0C0;
	(pc) =	sbr.rel @p2 .LBB2_13-.Ltmp9, $4  }
0x201: {  	[tilespmem:s30], [sflag:$0x4] =	stream.indirect.gather [hbm4b:s7+s22], $0x40, s26, s22, $0xb8;
	[tilespmem:$0x1D880] =	vst v63  }
0x202: {  	_ =	swait.ge [sflag:s15], $0x1F40  }
0x203: {  	[sflag:s15] =	ssyncset.done $0x0  }
0x204: {  	s31 =	sadd.s32 $0x480, s31;
	[sflag:s15] =	ssyncadd.s32 $0xFFFFE0C0  }
.Ltmp10:
0x205: {  	_ = 	snop;
	(pc) =	sbr.rel .LBB2_14-.Ltmp10, $1  }
0x206: {  	_ =	sdelay $0x3  }
.LBB2_16:
0x207: {  	_ =	sfence.sel $0x180000  }
0x208: {  	[bflag:$0x0] =	sbarrier.arrive $0xFFFF  }
0x209: {  	_ =	strace $0x9000004A  }
0x20a: {  	s0 =	stileid.u32;
	[bflag:$0x2] =	sbarrier.arrive $0xFFFF  }
0x20b: {  	p0 =	sne.s32 s0, $0x0;
	s0 =	rddreg [dreg:$0x2]  }
0x20c: {  	s0 =	sadd.s32 @!p0 $0x100000, s0  }
0x20d: {  	[sflag:s0] =	ssyncadd.tile.s32 @!p0 $0x1;
	_ =	shalt  }
.Lfunc_end2:
_tile_overlayer_lowered:
.L_overlay_start_2:
0x20e: {  	(tag) =	ssettag $0x2  }
0x20f: {  	s0 =	rddreg [dreg:$0x0];
	s2 =	stileid.u32  }
0x210: {  	s1 =	rddreg [dreg:$0x1];
	p0 =	sne.s32 s2, $0x0  }
0x211: {  	s3 =	rddreg [dreg:$0x2];
	[bflag:$0x3] =	sbarrier.arrive $0xFFFF;
	s2 =	simm.s32 @!p0 $0x1C0B  }
0x212: {  	[timem:s3], [sflag:s2] =	dma.local @!p0 [hbm:s0], s1  }
0x213: {  	s0 =	simm.s32 @!p0 $0xB  }
0x214: {  	_ =	swait.ge @!p0 [sflag:s0], s1  }
0x215: {  	s1 =	ssub.s32 @!p0 $0x0, s1;
	[sflag:s0] =	ssyncset.done @!p0 $0x0  }
0x216: {  	[sflag:s0] =	ssyncadd.s32 @!p0 s1  }
0x217: {  	[bflag:$0x3] =	sbarrier.arrive $0xFFFF  }
0x218: {  	_ =	shalt  }

</sc_bundles>
